<compile_context>
chip_gen: v7x
topology: tpu7x:2x2x1
jax: 0.10.2.dev20260603
libtpu: 0.0.44.dev20260713+nightly
codegen_flags: <defaults>
</compile_context>

<pallas_src>
import functools

import jax
import jax.numpy as jnp
from jax import lax
from jax.experimental import pallas as pl
from jax.experimental.pallas import tpu as pltpu
from jax.experimental.pallas import tpu_sc as plsc

_TOPK = 0.1
_KH, _KW = 5, 5
_INT_MAX = 2147483647
_SIGN = -2147483648
_NC, _NS = 2, 16
_NW = _NC * _NS
_CH = 64


def _sortable_key(f):
    b = jax.lax.bitcast_convert_type(f, jnp.int32)
    return jnp.where(b < 0, b ^ 0x7FFFFFFF, b)


def _mean_body(x_ref, t_ref):
    t_ref[0] = _sortable_key(jnp.mean(x_ref[0], axis=0))


def _sc_select_body(t_hbm, kth_hbm, rowbuf, rowbufb, hfine, colv,
                    outv, sema, semb, *, n, h, w, hout, wout, kkeep, nrounds):
    nprob = n * _KH * _KW
    wid = lax.axis_index("s") * _NC + lax.axis_index("c")
    lane = lax.broadcasted_iota(jnp.int32, (16,), 0)
    zeros16 = jnp.zeros((16,), jnp.int32)
    nvec = w // 16
    unroll = 8 if nvec % 8 == 0 else (4 if nvec % 4 == 0 else 1)

    def walk(hist_ref, base, ngroups, krank):
        def step(t, carry):
            tot, bstar, kin = carry
            binv = base + (ngroups - 1 - t) * 16 + lane
            acc = zeros16
            for l2 in range(16):
                acc = acc + plsc.load_gather(hist_ref, [binv * 16 + l2])
            desc = lax.rev(jnp.cumsum(lax.rev(acc, (0,))), (0,))
            above_incl = tot + desc
            above_excl = above_incl - acc
            found = jnp.logical_and(above_incl >= krank, above_excl < krank)
            bstar = bstar + jnp.sum(jnp.where(found, binv + 1, 0))
            kin = kin + jnp.sum(jnp.where(found, krank - above_excl, 0))
            return tot + jnp.sum(acc), bstar, kin
        _, bstar, kin = lax.fori_loop(
            0, ngroups, step, (jnp.int32(0), jnp.int32(-1), jnp.int32(0)))
        return bstar, kin

    def scan_pass(b, wi, wj, rank, shift, pfx_shift, pfx):
        def clr_f(i, c):
            for k in range(8):
                plsc.store_scatter(hfine, [i * 128 + k * 16 + lane], zeros16)
            return c
        lax.fori_loop(0, 512, clr_f, 0)

        def vec_work(buf, rbase, cb):
            bits = plsc.load_gather(buf, [rbase + cb + lane])
            cm = plsc.load_gather(colv, [cb + lane])
            ukey = bits ^ _SIGN
            if shift == 20:
                sl = lax.shift_right_logical(ukey, 20)
            elif shift == 8:
                sl = jnp.bitwise_and(lax.shift_right_logical(ukey, 8), 0xFFF)
            else:
                sl = jnp.left_shift(jnp.bitwise_and(ukey, 0xFF), 4)
            if pfx is None:
                val = cm
            else:
                val = jnp.where(
                    lax.shift_right_logical(ukey, pfx_shift) == pfx, cm, 0)
            plsc.addupdate_scatter(hfine, [jnp.left_shift(sl, 4) + lane],
                                   val)

        def chunk_src(ck):
            return t_hbm.at[pl.ds((b * h + ck * _CH) * w, _CH * w)]

        def process(buf, ck):
            def row_body(r, c2):
                grow = ck * _CH + r

                @pl.when(jnp.logical_and(grow >= wi, grow < wi + hout))
                def _():
                    rbase = r * w

                    def vec_body(v, c3):
                        for k in range(unroll):
                            vec_work(buf, rbase, (v * unroll + k) * 16)
                        return c3
                    lax.fori_loop(0, nvec // unroll, vec_body, 0)
                return c2
            lax.fori_loop(0, _CH, row_body, 0)

        nck = h // _CH
        pltpu.async_copy(chunk_src(0), rowbuf, sema)

        def group_body(g, c):
            pltpu.async_copy(chunk_src(2 * g + 1), rowbufb, semb)
            pltpu.make_async_copy(chunk_src(2 * g), rowbuf, sema).wait()
            process(rowbuf, 2 * g)

            @pl.when(g + 1 < nck // 2)
            def _():
                pltpu.async_copy(chunk_src(2 * g + 2), rowbuf, sema)
            pltpu.make_async_copy(chunk_src(2 * g + 1), rowbufb, semb).wait()
            process(rowbufb, 2 * g + 1)
            return c
        lax.fori_loop(0, nck // 2, group_body, 0)

        return walk(hfine, jnp.int32(0), 256, rank)

    def round_body(rnd, carry):
        p = rnd * _NW + wid

        @pl.when(p < nprob)
        def _():
            b = p // (_KH * _KW)
            wwin = p % (_KH * _KW)
            wi = wwin // _KW
            wj = wwin % _KW

            def colv_init(v, c):
                col = v * 16 + lane
                cm = jnp.logical_and(col >= wj, col < wj + wout)
                plsc.store_scatter(colv, [col], cm.astype(jnp.int32))
                return c
            lax.fori_loop(0, nvec, colv_init, 0)

            f1, k2 = scan_pass(b, wi, wj, jnp.int32(kkeep), 20, 0, None)
            f2, k3 = scan_pass(b, wi, wj, k2, 8, 20, f1)
            pfx2 = jnp.bitwise_or(jnp.left_shift(f1, 12), f2)
            f3, _ = scan_pass(b, wi, wj, k3, 0, 8, pfx2)
            ukey = jnp.bitwise_or(jnp.left_shift(pfx2, 8),
                                  lax.shift_right_logical(f3, 4))
            skey = ukey ^ _SIGN
            outv[...] = jnp.full((16,), skey, jnp.int32)
            pltpu.sync_copy(outv, kth_hbm.at[pl.ds(p * 16, 16)])
        return carry

    lax.fori_loop(0, nrounds, round_body, 0)


def _apply_body(x_ref, t_ref, k_ref, tau_ref, o_ref, *, hout, wout, ht):
    i0 = pl.program_id(1)
    key = t_ref[0]
    H, W = key.shape

    p = i0 * ht + jax.lax.broadcasted_iota(jnp.int32, (H, 1), 0)
    q = jax.lax.broadcasted_iota(jnp.int32, (1, W), 1)
    big = jnp.int32(_INT_MAX)
    thr = None
    for j in range(_KW):
        cm = jnp.logical_and(q >= j, q < j + wout)
        rmin = None
        for i in range(_KH):
            rm = jnp.logical_and(p >= i, p < i + hout)
            v = jnp.where(rm, k_ref[0, 0, i * _KW + j], big)
            rmin = v if rmin is None else jnp.minimum(rmin, v)
        v = jnp.where(cm, rmin, big)
        thr = v if thr is None else jnp.minimum(thr, v)

    mask = (key >= thr).astype(jnp.float32)
    tau = tau_ref[0, 0]
    wmap = mask * tau + (1.0 - tau)
    o_ref[0] = x_ref[0] * wmap[None]


@jax.jit
def kernel(x, tau):
    n, c, h, w = x.shape
    hout, wout = h - _KH + 1, w - _KW + 1
    kkeep = max(int(_TOPK * (hout * wout)), 1)
    nprob = n * _KH * _KW
    nrounds = (nprob + _NW - 1) // _NW

    ht = 32 if h % 32 == 0 else h
    nh = h // ht

    tkey = pl.pallas_call(
        _mean_body,
        grid=(n, nh),
        in_specs=[pl.BlockSpec((1, c, ht, w), lambda b, i: (b, 0, i, 0))],
        out_specs=pl.BlockSpec((1, ht, w), lambda b, i: (b, i, 0)),
        out_shape=jax.ShapeDtypeStruct((n, h, w), jnp.int32),
    )(x)

    sc_body = functools.partial(
        _sc_select_body, n=n, h=h, w=w, hout=hout, wout=wout,
        kkeep=kkeep, nrounds=nrounds)
    kth_flat = pl.kernel(
        sc_body,
        out_type=jax.ShapeDtypeStruct((nprob * 16,), jnp.int32),
        mesh=plsc.VectorSubcoreMesh(core_axis_name="c", subcore_axis_name="s"),
        compiler_params=pltpu.CompilerParams(needs_layout_passes=False),
        scratch_types=[
            pltpu.VMEM((_CH * w,), jnp.int32),
            pltpu.VMEM((_CH * w,), jnp.int32),
            pltpu.VMEM((65536,), jnp.int32),
            pltpu.VMEM((w,), jnp.int32),
            pltpu.VMEM((16,), jnp.int32),
            pltpu.SemaphoreType.DMA,
            pltpu.SemaphoreType.DMA,
        ],
    )(tkey.reshape(n * h * w))
    kth = kth_flat.reshape(nprob, 16)[:, 0].reshape(n, _KH * _KW)
    kth = jnp.broadcast_to(
        jnp.pad(kth, ((0, 0), (0, 128 - _KH * _KW)))[:, None, :], (n, 8, 128))

    tau_arr = jnp.full((8, 128), tau, dtype=jnp.float32)
    out = pl.pallas_call(
        functools.partial(_apply_body, hout=hout, wout=wout, ht=ht),
        grid=(n, nh),
        in_specs=[
            pl.BlockSpec((1, c, ht, w), lambda b, i: (b, 0, i, 0)),
            pl.BlockSpec((1, ht, w), lambda b, i: (b, i, 0)),
            pl.BlockSpec((1, 8, 128), lambda b, i: (b, 0, 0)),
            pl.BlockSpec((8, 128), lambda b, i: (0, 0)),
        ],
        out_specs=pl.BlockSpec((1, c, ht, w), lambda b, i: (b, 0, i, 0)),
        out_shape=jax.ShapeDtypeStruct((n, c, h, w), jnp.float32),
    )(x, tkey, kth, tau_arr)
    return out

# --- scband reference (transcript-rebuilt; emitter-appended) ---
"""Pipeline reference for scband-sparsify-hypercol-74775380623609 (READ-ONLY COPY).

The authoritative reference and input builder live on the scoring server;
editing this copy changes nothing except your own understanding.
"""

import jax, jax.numpy as jnp
import numpy as np

TOPK = 0.1
KH, KW = 5, 5


def _unfold(t, kh, kw):
    # t: (n, 1, h, w) -> (n, kh*kw, L), matching torch.nn.functional.unfold for C=1
    n, c, h, w = t.shape
    Hout, Wout = h - kh + 1, w - kw + 1
    patches = []
    for i in range(kh):
        for j in range(kw):
            patches.append(t[:, :, i:i + Hout, j:j + Wout].reshape(n, c, Hout * Wout))
    return jnp.concatenate(patches, axis=1)


def _fold(m, h, w, kh, kw):
    # m: (n, kh*kw, L) -> (n, 1, h, w) via overlap-add (torch.nn.functional.fold)
    n = m.shape[0]
    Hout, Wout = h - kh + 1, w - kw + 1
    m = m.reshape(n, kh, kw, Hout, Wout)
    out = jnp.zeros((n, 1, h, w), dtype=m.dtype)
    for i in range(kh):
        for j in range(kw):
            out = out.at[:, :, i:i + Hout, j:j + Wout].add(m[:, i, j][:, None, :, :])
    return out


def setup_inputs(seed: int = 0) -> dict:
    key = jax.random.key(seed)
    x = jax.random.normal(key, (4, 96, 384, 384), dtype=jnp.float32)
    tau = 1
    return {"x": x, "tau": tau}


def reference(x, tau):
    n, c, h, w = x.shape
    x_reshape = x.reshape(n, c, h * w)
    # mode == 'hyper_col_center_mean': transform = channel mean (under no_grad in torch)
    transformed_x = jnp.mean(x, axis=1, keepdims=True)
    unfolded_x = _unfold(transformed_x, KH, KW)
    L = unfolded_x.shape[2]
    keep_top_num = max(int(TOPK * L), 1)
    _, index = jax.lax.top_k(unfolded_x, keep_top_num)
    bidx = jnp.arange(n)[:, None, None]
    cidx = jnp.arange(unfolded_x.shape[1])[None, :, None]
    mask = jnp.zeros_like(unfolded_x).at[bidx, cidx, index].set(1.0)
    mask = _fold(mask, h, w, KH, KW)
    mask = jnp.clip(mask, 0.0, 1.0)
    mask = jax.lax.stop_gradient(mask.reshape(n, 1, h * w))
    sparse_x = mask * x_reshape
    sparse = sparse_x.reshape(n, c, h, w)
    tau_f = jnp.asarray(tau, dtype=x.dtype)
    return jnp.where(tau_f == 1.0, sparse, sparse * tau_f + x * (1.0 - tau_f))

if __name__ == "__main__":
    import jax
    _d = setup_inputs()
    print(jax.jit(kernel)(*tuple(_d.values())))

</pallas_src>

<mosaic_0001>
#map = affine_map<(d0, d1) -> (0)>
module attributes {stable_mosaic.version = 14 : i64} {
  func.func @_sc_select_body(%arg0: i32, %arg1: i32, %arg2: memref<589824xi32, #tpu.memory_space<hbm>>, %arg3: memref<1600xi32, #tpu.memory_space<hbm>>, %arg4: memref<24576xi32, #tpu.memory_space<vmem>>, %arg5: memref<24576xi32, #tpu.memory_space<vmem>>, %arg6: memref<65536xi32, #tpu.memory_space<vmem>>, %arg7: memref<384xi32, #tpu.memory_space<vmem>>, %arg8: memref<16xi32, #tpu.memory_space<vmem>>, %arg9: memref<!tpu.dma_semaphore, #tpu.memory_space<semaphore_mem>>, %arg10: memref<!tpu.dma_semaphore, #tpu.memory_space<semaphore_mem>>) attributes {dimension_semantics = [#tpu.dimension_semantics<core_parallel>, #tpu.dimension_semantics<subcore_parallel>], iteration_bounds = array<i64: 2, 16>, scalar_prefetch = 0 : i64, scratch_operands = 7 : i64, tpu.core_type = #tpu.core_type<sc_vector_subcore>, window_params = [{transform_indices = #map}, {transform_indices = #map}]} {
    %mul3A = arith.constant 2 : i32
    %mul3A_0 = arith.muli %arg1, %mul3A : i32
    %add3A = arith.addi %mul3A_0, %arg0 : i32
    %iota3A = tpu.iota {dimensions = array<i32: 0>} : vector<16xi32>
    %broadcast_in_dim3A = arith.constant 0 : i32
    %broadcast_in_dim3A_1 = vector.broadcast %broadcast_in_dim3A : i32 to vector<16xi32>
    %scan3A = arith.constant 0 : i32
    %scan3A_2 = arith.constant 0 : i32
    %scan3A_3 = arith.constant 4 : i32
    %scan3A_4 = arith.addi %scan3A_2, %scan3A_3 : i32
    %scan3A_5 = arith.constant 1 : i32
    scf.for %scan3A_7 = %scan3A_2 to %scan3A_4 step %scan3A_5  : i32 {
      %mul3A_8 = arith.constant 32 : i32
      %mul3A_9 = arith.muli %scan3A_7, %mul3A_8 : i32
      %add3A_10 = arith.addi %mul3A_9, %add3A : i32
      %lt3A = arith.constant 100 : i32
      %lt3A_11 = arith.cmpi slt, %add3A_10, %lt3A : i32
      %convert_element_type3A = arith.extui %lt3A_11 : i1 to i32
      %cond3A = arith.constant 0 : i32
      %cond3A_12 = arith.cmpi ne, %convert_element_type3A, %cond3A : i32
      scf.if %cond3A_12 {
        %jit3A = arith.constant 25 : i32
        %div3A = arith.divsi %add3A_10, %jit3A : i32
        %sign3A = arith.constant 0 : i32
        %sign3A_13 = arith.cmpi sgt, %add3A_10, %sign3A : i32
        %sign3A_14 = arith.extui %sign3A_13 : i1 to i32
        %sign3A_15 = arith.constant 0 : i32
        %sign3A_16 = arith.cmpi slt, %add3A_10, %sign3A_15 : i32
        %sign3A_17 = arith.extui %sign3A_16 : i1 to i32
        %sign3A_18 = arith.subi %sign3A_14, %sign3A_17 : i32
        %sign3A_19 = arith.constant 0 : i32
        %sign3A_20 = arith.cmpi sgt, %jit3A, %sign3A_19 : i32
        %sign3A_21 = arith.extui %sign3A_20 : i1 to i32
        %sign3A_22 = arith.constant 0 : i32
        %sign3A_23 = arith.cmpi slt, %jit3A, %sign3A_22 : i32
        %sign3A_24 = arith.extui %sign3A_23 : i1 to i32
        %sign3A_25 = arith.subi %sign3A_21, %sign3A_24 : i32
        %ne3A = arith.cmpi ne, %sign3A_18, %sign3A_25 : i32
        %rem3A = arith.remsi %add3A_10, %jit3A : i32
        %ne3A_26 = arith.constant 0 : i32
        %ne3A_27 = arith.cmpi ne, %rem3A, %ne3A_26 : i32
        %and3A = arith.andi %ne3A, %ne3A_27 : i1
        %sub3A = arith.constant 1 : i32
        %sub3A_28 = arith.subi %div3A, %sub3A : i32
        %select_n3A = arith.select %and3A, %sub3A_28, %div3A : i32
        %jit3A_29 = arith.constant 25 : i32
        %eq3A = arith.constant 0 : i32
        %eq3A_30 = arith.cmpi eq, %jit3A_29, %eq3A : i32
        %jit3A_31 = arith.constant 1 : i32
        %select_n3A_32 = arith.select %eq3A_30, %jit3A_31, %jit3A_29 : i32
        %rem3A_33 = arith.remsi %add3A_10, %select_n3A_32 : i32
        %ne3A_34 = arith.constant 0 : i32
        %ne3A_35 = arith.cmpi ne, %rem3A_33, %ne3A_34 : i32
        %lt3A_36 = arith.constant 0 : i32
        %lt3A_37 = arith.cmpi slt, %rem3A_33, %lt3A_36 : i32
        %lt3A_38 = arith.constant 0 : i32
        %lt3A_39 = arith.cmpi slt, %select_n3A_32, %lt3A_38 : i32
        %ne3A_40 = arith.xori %lt3A_37, %lt3A_39 : i1
        %and3A_41 = arith.andi %ne3A_40, %ne3A_35 : i1
        %add3A_42 = arith.addi %rem3A_33, %select_n3A_32 : i32
        %select_n3A_43 = arith.select %and3A_41, %add3A_42, %rem3A_33 : i32
        %jit3A_44 = arith.constant 5 : i32
        %div3A_45 = arith.divsi %select_n3A_43, %jit3A_44 : i32
        %sign3A_46 = arith.constant 0 : i32
        %sign3A_47 = arith.cmpi sgt, %select_n3A_43, %sign3A_46 : i32
        %sign3A_48 = arith.extui %sign3A_47 : i1 to i32
        %sign3A_49 = arith.constant 0 : i32
        %sign3A_50 = arith.cmpi slt, %select_n3A_43, %sign3A_49 : i32
        %sign3A_51 = arith.extui %sign3A_50 : i1 to i32
        %sign3A_52 = arith.subi %sign3A_48, %sign3A_51 : i32
        %sign3A_53 = arith.constant 0 : i32
        %sign3A_54 = arith.cmpi sgt, %jit3A_44, %sign3A_53 : i32
        %sign3A_55 = arith.extui %sign3A_54 : i1 to i32
        %sign3A_56 = arith.constant 0 : i32
        %sign3A_57 = arith.cmpi slt, %jit3A_44, %sign3A_56 : i32
        %sign3A_58 = arith.extui %sign3A_57 : i1 to i32
        %sign3A_59 = arith.subi %sign3A_55, %sign3A_58 : i32
        %ne3A_60 = arith.cmpi ne, %sign3A_52, %sign3A_59 : i32
        %rem3A_61 = arith.remsi %select_n3A_43, %jit3A_44 : i32
        %ne3A_62 = arith.constant 0 : i32
        %ne3A_63 = arith.cmpi ne, %rem3A_61, %ne3A_62 : i32
        %and3A_64 = arith.andi %ne3A_60, %ne3A_63 : i1
        %sub3A_65 = arith.constant 1 : i32
        %sub3A_66 = arith.subi %div3A_45, %sub3A_65 : i32
        %select_n3A_67 = arith.select %and3A_64, %sub3A_66, %div3A_45 : i32
        %jit3A_68 = arith.constant 5 : i32
        %eq3A_69 = arith.constant 0 : i32
        %eq3A_70 = arith.cmpi eq, %jit3A_68, %eq3A_69 : i32
        %jit3A_71 = arith.constant 1 : i32
        %select_n3A_72 = arith.select %eq3A_70, %jit3A_71, %jit3A_68 : i32
        %rem3A_73 = arith.remsi %select_n3A_43, %select_n3A_72 : i32
        %ne3A_74 = arith.constant 0 : i32
        %ne3A_75 = arith.cmpi ne, %rem3A_73, %ne3A_74 : i32
        %lt3A_76 = arith.constant 0 : i32
        %lt3A_77 = arith.cmpi slt, %rem3A_73, %lt3A_76 : i32
        %lt3A_78 = arith.constant 0 : i32
        %lt3A_79 = arith.cmpi slt, %select_n3A_72, %lt3A_78 : i32
        %ne3A_80 = arith.xori %lt3A_77, %lt3A_79 : i1
        %and3A_81 = arith.andi %ne3A_80, %ne3A_75 : i1
        %add3A_82 = arith.addi %rem3A_73, %select_n3A_72 : i32
        %select_n3A_83 = arith.select %and3A_81, %add3A_82, %rem3A_73 : i32
        %scan3A_84 = arith.constant 0 : i32
        %scan3A_85 = arith.constant 0 : i32
        %scan3A_86 = arith.constant 24 : i32
        %scan3A_87 = arith.addi %scan3A_85, %scan3A_86 : i32
        %scan3A_88 = arith.constant 1 : i32
        scf.for %scan3A_190 = %scan3A_85 to %scan3A_87 step %scan3A_88  : i32 {
          %mul3A_191 = arith.constant 16 : i32
          %mul3A_192 = arith.muli %scan3A_190, %mul3A_191 : i32
          %add3A_193 = vector.broadcast %mul3A_192 : i32 to vector<16xi32>
          %add3A_194 = arith.addi %add3A_193, %iota3A : vector<16xi32>
          %ge3A = vector.broadcast %select_n3A_83 : i32 to vector<16xi32>
          %ge3A_195 = arith.cmpi sge, %add3A_194, %ge3A : vector<16xi32>
          %add3A_196 = arith.constant 380 : i32
          %add3A_197 = arith.addi %select_n3A_83, %add3A_196 : i32
          %lt3A_198 = vector.broadcast %add3A_197 : i32 to vector<16xi32>
          %lt3A_199 = arith.cmpi slt, %add3A_194, %lt3A_198 : vector<16xi32>
          %and3A_200 = arith.andi %ge3A_195, %lt3A_199 : vector<16xi1>
          %convert_element_type3A_201 = arith.extui %and3A_200 : vector<16xi1> to vector<16xi32>
          tpu.vector_store_idx %arg7[%add3A_194], %convert_element_type3A_201 : memref<384xi32, #tpu.memory_space<vmem>>[vector<16xi32>], vector<16xi32>,
        }
        %scan3A_89 = arith.constant 24 : i32
        %scan3A_90 = arith.constant 0 : i32
        %scan3A_91 = arith.constant 0 : i32
        %scan3A_92 = arith.constant 512 : i32
        %scan3A_93 = arith.addi %scan3A_91, %scan3A_92 : i32
        %scan3A_94 = arith.constant 1 : i32
        scf.for %scan3A_190 = %scan3A_91 to %scan3A_93 step %scan3A_94  : i32 {
          %mul3A_191 = arith.constant 128 : i32
          %mul3A_192 = arith.muli %scan3A_190, %mul3A_191 : i32
          %add3A_193 = arith.constant 0 : i32
          %add3A_194 = arith.addi %mul3A_192, %add3A_193 : i32
          %add3A_195 = vector.broadcast %add3A_194 : i32 to vector<16xi32>
          %add3A_196 = arith.addi %add3A_195, %iota3A : vector<16xi32>
          tpu.vector_store_idx %arg6[%add3A_196], %broadcast_in_dim3A_1 : memref<65536xi32, #tpu.memory_space<vmem>>[vector<16xi32>], vector<16xi32>,
          %mul3A_197 = arith.constant 128 : i32
          %mul3A_198 = arith.muli %scan3A_190, %mul3A_197 : i32
          %add3A_199 = arith.constant 16 : i32
          %add3A_200 = arith.addi %mul3A_198, %add3A_199 : i32
          %add3A_201 = vector.broadcast %add3A_200 : i32 to vector<16xi32>
          %add3A_202 = arith.addi %add3A_201, %iota3A : vector<16xi32>
          tpu.vector_store_idx %arg6[%add3A_202], %broadcast_in_dim3A_1 : memref<65536xi32, #tpu.memory_space<vmem>>[vector<16xi32>], vector<16xi32>,
          %mul3A_203 = arith.constant 128 : i32
          %mul3A_204 = arith.muli %scan3A_190, %mul3A_203 : i32
          %add3A_205 = arith.constant 32 : i32
          %add3A_206 = arith.addi %mul3A_204, %add3A_205 : i32
          %add3A_207 = vector.broadcast %add3A_206 : i32 to vector<16xi32>
          %add3A_208 = arith.addi %add3A_207, %iota3A : vector<16xi32>
          tpu.vector_store_idx %arg6[%add3A_208], %broadcast_in_dim3A_1 : memref<65536xi32, #tpu.memory_space<vmem>>[vector<16xi32>], vector<16xi32>,
          %mul3A_209 = arith.constant 128 : i32
          %mul3A_210 = arith.muli %scan3A_190, %mul3A_209 : i32
          %add3A_211 = arith.constant 48 : i32
          %add3A_212 = arith.addi %mul3A_210, %add3A_211 : i32
          %add3A_213 = vector.broadcast %add3A_212 : i32 to vector<16xi32>
          %add3A_214 = arith.addi %add3A_213, %iota3A : vector<16xi32>
          tpu.vector_store_idx %arg6[%add3A_214], %broadcast_in_dim3A_1 : memref<65536xi32, #tpu.memory_space<vmem>>[vector<16xi32>], vector<16xi32>,
          %mul3A_215 = arith.constant 128 : i32
          %mul3A_216 = arith.muli %scan3A_190, %mul3A_215 : i32
          %add3A_217 = arith.constant 64 : i32
          %add3A_218 = arith.addi %mul3A_216, %add3A_217 : i32
          %add3A_219 = vector.broadcast %add3A_218 : i32 to vector<16xi32>
          %add3A_220 = arith.addi %add3A_219, %iota3A : vector<16xi32>
          tpu.vector_store_idx %arg6[%add3A_220], %broadcast_in_dim3A_1 : memref<65536xi32, #tpu.memory_space<vmem>>[vector<16xi32>], vector<16xi32>,
          %mul3A_221 = arith.constant 128 : i32
          %mul3A_222 = arith.muli %scan3A_190, %mul3A_221 : i32
          %add3A_223 = arith.constant 80 : i32
          %add3A_224 = arith.addi %mul3A_222, %add3A_223 : i32
          %add3A_225 = vector.broadcast %add3A_224 : i32 to vector<16xi32>
          %add3A_226 = arith.addi %add3A_225, %iota3A : vector<16xi32>
          tpu.vector_store_idx %arg6[%add3A_226], %broadcast_in_dim3A_1 : memref<65536xi32, #tpu.memory_space<vmem>>[vector<16xi32>], vector<16xi32>,
          %mul3A_227 = arith.constant 128 : i32
          %mul3A_228 = arith.muli %scan3A_190, %mul3A_227 : i32
          %add3A_229 = arith.constant 96 : i32
          %add3A_230 = arith.addi %mul3A_228, %add3A_229 : i32
          %add3A_231 = vector.broadcast %add3A_230 : i32 to vector<16xi32>
          %add3A_232 = arith.addi %add3A_231, %iota3A : vector<16xi32>
          tpu.vector_store_idx %arg6[%add3A_232], %broadcast_in_dim3A_1 : memref<65536xi32, #tpu.memory_space<vmem>>[vector<16xi32>], vector<16xi32>,
          %mul3A_233 = arith.constant 128 : i32
          %mul3A_234 = arith.muli %scan3A_190, %mul3A_233 : i32
          %add3A_235 = arith.constant 112 : i32
          %add3A_236 = arith.addi %mul3A_234, %add3A_235 : i32
          %add3A_237 = vector.broadcast %add3A_236 : i32 to vector<16xi32>
          %add3A_238 = arith.addi %add3A_237, %iota3A : vector<16xi32>
          tpu.vector_store_idx %arg6[%add3A_238], %broadcast_in_dim3A_1 : memref<65536xi32, #tpu.memory_space<vmem>>[vector<16xi32>], vector<16xi32>,
        }
        %scan3A_95 = arith.constant 512 : i32
        %mul3A_96 = arith.constant 384 : i32
        %mul3A_97 = arith.muli %select_n3A, %mul3A_96 : i32
        %add3A_98 = arith.constant 0 : i32
        %add3A_99 = arith.addi %mul3A_97, %add3A_98 : i32
        %mul3A_100 = arith.constant 384 : i32
        %mul3A_101 = arith.muli %add3A_99, %mul3A_100 : i32
        %dma_start3A = tpu.memref_slice %arg2[%mul3A_101] : memref<589824xi32, #tpu.memory_space<hbm>> -> memref<24576xi32, #tpu.memory_space<hbm>>
        %dma_start3A_102 = tpu.memref_slice %arg2[%mul3A_101] : memref<589824xi32, #tpu.memory_space<hbm>> -> memref<24576xi32, #tpu.memory_space<hbm>>
        tpu.enqueue_dma source(%dma_start3A_102 : memref<24576xi32, #tpu.memory_space<hbm>>) target(%arg4 : memref<24576xi32, #tpu.memory_space<vmem>>) target_semaphore(%arg9 : memref<!tpu.dma_semaphore, #tpu.memory_space<semaphore_mem>>)
        %scan3A_103 = arith.constant 0 : i32
        %scan3A_104 = arith.constant 0 : i32
        %scan3A_105 = arith.constant 3 : i32
        %scan3A_106 = arith.addi %scan3A_104, %scan3A_105 : i32
        %scan3A_107 = arith.constant 1 : i32
        scf.for %scan3A_190 = %scan3A_104 to %scan3A_106 step %scan3A_107  : i32 {
          %mul3A_191 = arith.constant 2 : i32
          %mul3A_192 = arith.muli %mul3A_191, %scan3A_190 : i32
          %add3A_193 = arith.constant 1 : i32
          %add3A_194 = arith.addi %mul3A_192, %add3A_193 : i32
          %mul3A_195 = arith.constant 384 : i32
          %mul3A_196 = arith.muli %select_n3A, %mul3A_195 : i32
          %mul3A_197 = arith.constant 64 : i32
          %mul3A_198 = arith.muli %add3A_194, %mul3A_197 : i32
          %add3A_199 = arith.addi %mul3A_196, %mul3A_198 : i32
          %mul3A_200 = arith.constant 384 : i32
          %mul3A_201 = arith.muli %add3A_199, %mul3A_200 : i32
          %dma_start3A_202 = tpu.memref_slice %arg2[%mul3A_201] : memref<589824xi32, #tpu.memory_space<hbm>> -> memref<24576xi32, #tpu.memory_space<hbm>>
          %dma_start3A_203 = tpu.memref_slice %arg2[%mul3A_201] : memref<589824xi32, #tpu.memory_space<hbm>> -> memref<24576xi32, #tpu.memory_space<hbm>>
          tpu.enqueue_dma source(%dma_start3A_203 : memref<24576xi32, #tpu.memory_space<hbm>>) target(%arg5 : memref<24576xi32, #tpu.memory_space<vmem>>) target_semaphore(%arg10 : memref<!tpu.dma_semaphore, #tpu.memory_space<semaphore_mem>>)
          %mul3A_204 = arith.constant 2 : i32
          %mul3A_205 = arith.muli %mul3A_204, %scan3A_190 : i32
          %mul3A_206 = arith.constant 384 : i32
          %mul3A_207 = arith.muli %select_n3A, %mul3A_206 : i32
          %mul3A_208 = arith.constant 64 : i32
          %mul3A_209 = arith.muli %mul3A_205, %mul3A_208 : i32
          %add3A_210 = arith.addi %mul3A_207, %mul3A_209 : i32
          %mul3A_211 = arith.constant 384 : i32
          %mul3A_212 = arith.muli %add3A_210, %mul3A_211 : i32
          %dma_wait3A = tpu.memref_slice %arg2[%mul3A_212] : memref<589824xi32, #tpu.memory_space<hbm>> -> memref<24576xi32, #tpu.memory_space<hbm>>
          %dma_wait3A_213 = tpu.memref_slice %arg2[%mul3A_212] : memref<589824xi32, #tpu.memory_space<hbm>> -> memref<24576xi32, #tpu.memory_space<hbm>>
          tpu.wait_dma2 semaphore(%arg9 : memref<!tpu.dma_semaphore, #tpu.memory_space<semaphore_mem>>) src(%dma_wait3A_213 : memref<24576xi32, #tpu.memory_space<hbm>>) dst(%arg4 : memref<24576xi32, #tpu.memory_space<vmem>>)
          %mul3A_214 = arith.constant 2 : i32
          %mul3A_215 = arith.muli %mul3A_214, %scan3A_190 : i32
          %scan3A_216 = arith.constant 0 : i32
          %scan3A_217 = arith.constant 0 : i32
          %scan3A_218 = arith.constant 64 : i32
          %scan3A_219 = arith.addi %scan3A_217, %scan3A_218 : i32
          %scan3A_220 = arith.constant 1 : i32
          scf.for %scan3A_252 = %scan3A_217 to %scan3A_219 step %scan3A_220  : i32 {
            %mul3A_253 = arith.constant 64 : i32
            %mul3A_254 = arith.muli %mul3A_215, %mul3A_253 : i32
            %add3A_255 = arith.addi %mul3A_254, %scan3A_252 : i32
            %ge3A = arith.cmpi sge, %add3A_255, %select_n3A_67 : i32
            %add3A_256 = arith.constant 380 : i32
            %add3A_257 = arith.addi %select_n3A_67, %add3A_256 : i32
            %lt3A_258 = arith.cmpi slt, %add3A_255, %add3A_257 : i32
            %and3A_259 = arith.andi %ge3A, %lt3A_258 : i1
            %convert_element_type3A_260 = arith.extui %and3A_259 : i1 to i32
            %cond3A_261 = arith.constant 0 : i32
            %cond3A_262 = arith.cmpi ne, %convert_element_type3A_260, %cond3A_261 : i32
            scf.if %cond3A_262 {
              %mul3A_263 = arith.constant 384 : i32
              %mul3A_264 = arith.muli %scan3A_252, %mul3A_263 : i32
              %scan3A_265 = arith.constant 0 : i32
              %scan3A_266 = arith.constant 0 : i32
              %scan3A_267 = arith.constant 3 : i32
              %scan3A_268 = arith.addi %scan3A_266, %scan3A_267 : i32
              %scan3A_269 = arith.constant 1 : i32
              scf.for %scan3A_271 = %scan3A_266 to %scan3A_268 step %scan3A_269  : i32 {
                %mul3A_272 = arith.constant 8 : i32
                %mul3A_273 = arith.muli %scan3A_271, %mul3A_272 : i32
                %add3A_274 = arith.constant 0 : i32
                %add3A_275 = arith.addi %mul3A_273, %add3A_274 : i32
                %mul3A_276 = arith.constant 16 : i32
                %mul3A_277 = arith.muli %add3A_275, %mul3A_276 : i32
                %add3A_278 = arith.addi %mul3A_264, %mul3A_277 : i32
                %add3A_279 = vector.broadcast %add3A_278 : i32 to vector<16xi32>
                %add3A_280 = arith.addi %add3A_279, %iota3A : vector<16xi32>
                %gather3A = tpu.vector_load_idx %arg4[%add3A_280] : memref<24576xi32, #tpu.memory_space<vmem>>[vector<16xi32>], vector<16xi32>,
                %add3A_281 = vector.broadcast %mul3A_277 : i32 to vector<16xi32>
                %add3A_282 = arith.addi %add3A_281, %iota3A : vector<16xi32>
                %gather3A_283 = tpu.vector_load_idx %arg7[%add3A_282] : memref<384xi32, #tpu.memory_space<vmem>>[vector<16xi32>], vector<16xi32>,
                %xor3A_284 = arith.constant -2147483648 : i32
                %xor3A_285 = vector.broadcast %xor3A_284 : i32 to vector<16xi32>
                %xor3A_286 = arith.xori %gather3A, %xor3A_285 : vector<16xi32>
                %shift_right_logical3A_287 = arith.constant 20 : i32
                %shift_right_logical3A_288 = vector.broadcast %shift_right_logical3A_287 : i32 to vector<16xi32>
                %shift_right_logical3A_289 = arith.shrui %xor3A_286, %shift_right_logical3A_288 : vector<16xi32>
                %shift_left3A_290 = arith.constant 4 : i32
                %shift_left3A_291 = vector.broadcast %shift_left3A_290 : i32 to vector<16xi32>
                %shift_left3A_292 = arith.shli %shift_right_logical3A_289, %shift_left3A_291 : vector<16xi32>
                %add3A_293 = arith.addi %shift_left3A_292, %iota3A : vector<16xi32>
                tpu.vector_store_idx %arg6[%add3A_293], %gather3A_283 {add = true} : memref<65536xi32, #tpu.memory_space<vmem>>[vector<16xi32>], vector<16xi32>,
                %mul3A_294 = arith.constant 8 : i32
                %mul3A_295 = arith.muli %scan3A_271, %mul3A_294 : i32
                %add3A_296 = arith.constant 1 : i32
                %add3A_297 = arith.addi %mul3A_295, %add3A_296 : i32
                %mul3A_298 = arith.constant 16 : i32
                %mul3A_299 = arith.muli %add3A_297, %mul3A_298 : i32
                %add3A_300 = arith.addi %mul3A_264, %mul3A_299 : i32
                %add3A_301 = vector.broadcast %add3A_300 : i32 to vector<16xi32>
                %add3A_302 = arith.addi %add3A_301, %iota3A : vector<16xi32>
                %gather3A_303 = tpu.vector_load_idx %arg4[%add3A_302] : memref<24576xi32, #tpu.memory_space<vmem>>[vector<16xi32>], vector<16xi32>,
                %add3A_304 = vector.broadcast %mul3A_299 : i32 to vector<16xi32>
                %add3A_305 = arith.addi %add3A_304, %iota3A : vector<16xi32>
                %gather3A_306 = tpu.vector_load_idx %arg7[%add3A_305] : memref<384xi32, #tpu.memory_space<vmem>>[vector<16xi32>], vector<16xi32>,
                %xor3A_307 = arith.constant -2147483648 : i32
                %xor3A_308 = vector.broadcast %xor3A_307 : i32 to vector<16xi32>
                %xor3A_309 = arith.xori %gather3A_303, %xor3A_308 : vector<16xi32>
                %shift_right_logical3A_310 = arith.constant 20 : i32
                %shift_right_logical3A_311 = vector.broadcast %shift_right_logical3A_310 : i32 to vector<16xi32>
                %shift_right_logical3A_312 = arith.shrui %xor3A_309, %shift_right_logical3A_311 : vector<16xi32>
                %shift_left3A_313 = arith.constant 4 : i32
                %shift_left3A_314 = vector.broadcast %shift_left3A_313 : i32 to vector<16xi32>
                %shift_left3A_315 = arith.shli %shift_right_logical3A_312, %shift_left3A_314 : vector<16xi32>
                %add3A_316 = arith.addi %shift_left3A_315, %iota3A : vector<16xi32>
                tpu.vector_store_idx %arg6[%add3A_316], %gather3A_306 {add = true} : memref<65536xi32, #tpu.memory_space<vmem>>[vector<16xi32>], vector<16xi32>,
                %mul3A_317 = arith.constant 8 : i32
                %mul3A_318 = arith.muli %scan3A_271, %mul3A_317 : i32
                %add3A_319 = arith.constant 2 : i32
                %add3A_320 = arith.addi %mul3A_318, %add3A_319 : i32
                %mul3A_321 = arith.constant 16 : i32
                %mul3A_322 = arith.muli %add3A_320, %mul3A_321 : i32
                %add3A_323 = arith.addi %mul3A_264, %mul3A_322 : i32
                %add3A_324 = vector.broadcast %add3A_323 : i32 to vector<16xi32>
                %add3A_325 = arith.addi %add3A_324, %iota3A : vector<16xi32>
                %gather3A_326 = tpu.vector_load_idx %arg4[%add3A_325] : memref<24576xi32, #tpu.memory_space<vmem>>[vector<16xi32>], vector<16xi32>,
                %add3A_327 = vector.broadcast %mul3A_322 : i32 to vector<16xi32>
                %add3A_328 = arith.addi %add3A_327, %iota3A : vector<16xi32>
                %gather3A_329 = tpu.vector_load_idx %arg7[%add3A_328] : memref<384xi32, #tpu.memory_space<vmem>>[vector<16xi32>], vector<16xi32>,
                %xor3A_330 = arith.constant -2147483648 : i32
                %xor3A_331 = vector.broadcast %xor3A_330 : i32 to vector<16xi32>
                %xor3A_332 = arith.xori %gather3A_326, %xor3A_331 : vector<16xi32>
                %shift_right_logical3A_333 = arith.constant 20 : i32
                %shift_right_logical3A_334 = vector.broadcast %shift_right_logical3A_333 : i32 to vector<16xi32>
                %shift_right_logical3A_335 = arith.shrui %xor3A_332, %shift_right_logical3A_334 : vector<16xi32>
                %shift_left3A_336 = arith.constant 4 : i32
                %shift_left3A_337 = vector.broadcast %shift_left3A_336 : i32 to vector<16xi32>
                %shift_left3A_338 = arith.shli %shift_right_logical3A_335, %shift_left3A_337 : vector<16xi32>
                %add3A_339 = arith.addi %shift_left3A_338, %iota3A : vector<16xi32>
                tpu.vector_store_idx %arg6[%add3A_339], %gather3A_329 {add = true} : memref<65536xi32, #tpu.memory_space<vmem>>[vector<16xi32>], vector<16xi32>,
                %mul3A_340 = arith.constant 8 : i32
                %mul3A_341 = arith.muli %scan3A_271, %mul3A_340 : i32
                %add3A_342 = arith.constant 3 : i32
                %add3A_343 = arith.addi %mul3A_341, %add3A_342 : i32
                %mul3A_344 = arith.constant 16 : i32
                %mul3A_345 = arith.muli %add3A_343, %mul3A_344 : i32
                %add3A_346 = arith.addi %mul3A_264, %mul3A_345 : i32
                %add3A_347 = vector.broadcast %add3A_346 : i32 to vector<16xi32>
                %add3A_348 = arith.addi %add3A_347, %iota3A : vector<16xi32>
                %gather3A_349 = tpu.vector_load_idx %arg4[%add3A_348] : memref<24576xi32, #tpu.memory_space<vmem>>[vector<16xi32>], vector<16xi32>,
                %add3A_350 = vector.broadcast %mul3A_345 : i32 to vector<16xi32>
                %add3A_351 = arith.addi %add3A_350, %iota3A : vector<16xi32>
                %gather3A_352 = tpu.vector_load_idx %arg7[%add3A_351] : memref<384xi32, #tpu.memory_space<vmem>>[vector<16xi32>], vector<16xi32>,
                %xor3A_353 = arith.constant -2147483648 : i32
                %xor3A_354 = vector.broadcast %xor3A_353 : i32 to vector<16xi32>
                %xor3A_355 = arith.xori %gather3A_349, %xor3A_354 : vector<16xi32>
                %shift_right_logical3A_356 = arith.constant 20 : i32
                %shift_right_logical3A_357 = vector.broadcast %shift_right_logical3A_356 : i32 to vector<16xi32>
                %shift_right_logical3A_358 = arith.shrui %xor3A_355, %shift_right_logical3A_357 : vector<16xi32>
                %shift_left3A_359 = arith.constant 4 : i32
                %shift_left3A_360 = vector.broadcast %shift_left3A_359 : i32 to vector<16xi32>
                %shift_left3A_361 = arith.shli %shift_right_logical3A_358, %shift_left3A_360 : vector<16xi32>
                %add3A_362 = arith.addi %shift_left3A_361, %iota3A : vector<16xi32>
                tpu.vector_store_idx %arg6[%add3A_362], %gather3A_352 {add = true} : memref<65536xi32, #tpu.memory_space<vmem>>[vector<16xi32>], vector<16xi32>,
                %mul3A_363 = arith.constant 8 : i32
                %mul3A_364 = arith.muli %scan3A_271, %mul3A_363 : i32
                %add3A_365 = arith.constant 4 : i32
                %add3A_366 = arith.addi %mul3A_364, %add3A_365 : i32
                %mul3A_367 = arith.constant 16 : i32
                %mul3A_368 = arith.muli %add3A_366, %mul3A_367 : i32
                %add3A_369 = arith.addi %mul3A_264, %mul3A_368 : i32
                %add3A_370 = vector.broadcast %add3A_369 : i32 to vector<16xi32>
                %add3A_371 = arith.addi %add3A_370, %iota3A : vector<16xi32>
                %gather3A_372 = tpu.vector_load_idx %arg4[%add3A_371] : memref<24576xi32, #tpu.memory_space<vmem>>[vector<16xi32>], vector<16xi32>,
                %add3A_373 = vector.broadcast %mul3A_368 : i32 to vector<16xi32>
                %add3A_374 = arith.addi %add3A_373, %iota3A : vector<16xi32>
                %gather3A_375 = tpu.vector_load_idx %arg7[%add3A_374] : memref<384xi32, #tpu.memory_space<vmem>>[vector<16xi32>], vector<16xi32>,
                %xor3A_376 = arith.constant -2147483648 : i32
                %xor3A_377 = vector.broadcast %xor3A_376 : i32 to vector<16xi32>
                %xor3A_378 = arith.xori %gather3A_372, %xor3A_377 : vector<16xi32>
                %shift_right_logical3A_379 = arith.constant 20 : i32
                %shift_right_logical3A_380 = vector.broadcast %shift_right_logical3A_379 : i32 to vector<16xi32>
                %shift_right_logical3A_381 = arith.shrui %xor3A_378, %shift_right_logical3A_380 : vector<16xi32>
                %shift_left3A_382 = arith.constant 4 : i32
                %shift_left3A_383 = vector.broadcast %shift_left3A_382 : i32 to vector<16xi32>
                %shift_left3A_384 = arith.shli %shift_right_logical3A_381, %shift_left3A_383 : vector<16xi32>
                %add3A_385 = arith.addi %shift_left3A_384, %iota3A : vector<16xi32>
                tpu.vector_store_idx %arg6[%add3A_385], %gather3A_375 {add = true} : memref<65536xi32, #tpu.memory_space<vmem>>[vector<16xi32>], vector<16xi32>,
                %mul3A_386 = arith.constant 8 : i32
                %mul3A_387 = arith.muli %scan3A_271, %mul3A_386 : i32
                %add3A_388 = arith.constant 5 : i32
                %add3A_389 = arith.addi %mul3A_387, %add3A_388 : i32
                %mul3A_390 = arith.constant 16 : i32
                %mul3A_391 = arith.muli %add3A_389, %mul3A_390 : i32
                %add3A_392 = arith.addi %mul3A_264, %mul3A_391 : i32
                %add3A_393 = vector.broadcast %add3A_392 : i32 to vector<16xi32>
                %add3A_394 = arith.addi %add3A_393, %iota3A : vector<16xi32>
                %gather3A_395 = tpu.vector_load_idx %arg4[%add3A_394] : memref<24576xi32, #tpu.memory_space<vmem>>[vector<16xi32>], vector<16xi32>,
                %add3A_396 = vector.broadcast %mul3A_391 : i32 to vector<16xi32>
                %add3A_397 = arith.addi %add3A_396, %iota3A : vector<16xi32>
                %gather3A_398 = tpu.vector_load_idx %arg7[%add3A_397] : memref<384xi32, #tpu.memory_space<vmem>>[vector<16xi32>], vector<16xi32>,
                %xor3A_399 = arith.constant -2147483648 : i32
                %xor3A_400 = vector.broadcast %xor3A_399 : i32 to vector<16xi32>
                %xor3A_401 = arith.xori %gather3A_395, %xor3A_400 : vector<16xi32>
                %shift_right_logical3A_402 = arith.constant 20 : i32
                %shift_right_logical3A_403 = vector.broadcast %shift_right_logical3A_402 : i32 to vector<16xi32>
                %shift_right_logical3A_404 = arith.shrui %xor3A_401, %shift_right_logical3A_403 : vector<16xi32>
                %shift_left3A_405 = arith.constant 4 : i32
                %shift_left3A_406 = vector.broadcast %shift_left3A_405 : i32 to vector<16xi32>
                %shift_left3A_407 = arith.shli %shift_right_logical3A_404, %shift_left3A_406 : vector<16xi32>
                %add3A_408 = arith.addi %shift_left3A_407, %iota3A : vector<16xi32>
                tpu.vector_store_idx %arg6[%add3A_408], %gather3A_398 {add = true} : memref<65536xi32, #tpu.memory_space<vmem>>[vector<16xi32>], vector<16xi32>,
                %mul3A_409 = arith.constant 8 : i32
                %mul3A_410 = arith.muli %scan3A_271, %mul3A_409 : i32
                %add3A_411 = arith.constant 6 : i32
                %add3A_412 = arith.addi %mul3A_410, %add3A_411 : i32
                %mul3A_413 = arith.constant 16 : i32
                %mul3A_414 = arith.muli %add3A_412, %mul3A_413 : i32
                %add3A_415 = arith.addi %mul3A_264, %mul3A_414 : i32
                %add3A_416 = vector.broadcast %add3A_415 : i32 to vector<16xi32>
                %add3A_417 = arith.addi %add3A_416, %iota3A : vector<16xi32>
                %gather3A_418 = tpu.vector_load_idx %arg4[%add3A_417] : memref<24576xi32, #tpu.memory_space<vmem>>[vector<16xi32>], vector<16xi32>,
                %add3A_419 = vector.broadcast %mul3A_414 : i32 to vector<16xi32>
                %add3A_420 = arith.addi %add3A_419, %iota3A : vector<16xi32>
                %gather3A_421 = tpu.vector_load_idx %arg7[%add3A_420] : memref<384xi32, #tpu.memory_space<vmem>>[vector<16xi32>], vector<16xi32>,
                %xor3A_422 = arith.constant -2147483648 : i32
                %xor3A_423 = vector.broadcast %xor3A_422 : i32 to vector<16xi32>
                %xor3A_424 = arith.xori %gather3A_418, %xor3A_423 : vector<16xi32>
                %shift_right_logical3A_425 = arith.constant 20 : i32
                %shift_right_logical3A_426 = vector.broadcast %shift_right_logical3A_425 : i32 to vector<16xi32>
                %shift_right_logical3A_427 = arith.shrui %xor3A_424, %shift_right_logical3A_426 : vector<16xi32>
                %shift_left3A_428 = arith.constant 4 : i32
                %shift_left3A_429 = vector.broadcast %shift_left3A_428 : i32 to vector<16xi32>
                %shift_left3A_430 = arith.shli %shift_right_logical3A_427, %shift_left3A_429 : vector<16xi32>
                %add3A_431 = arith.addi %shift_left3A_430, %iota3A : vector<16xi32>
                tpu.vector_store_idx %arg6[%add3A_431], %gather3A_421 {add = true} : memref<65536xi32, #tpu.memory_space<vmem>>[vector<16xi32>], vector<16xi32>,
                %mul3A_432 = arith.constant 8 : i32
                %mul3A_433 = arith.muli %scan3A_271, %mul3A_432 : i32
                %add3A_434 = arith.constant 7 : i32
                %add3A_435 = arith.addi %mul3A_433, %add3A_434 : i32
                %mul3A_436 = arith.constant 16 : i32
                %mul3A_437 = arith.muli %add3A_435, %mul3A_436 : i32
                %add3A_438 = arith.addi %mul3A_264, %mul3A_437 : i32
                %add3A_439 = vector.broadcast %add3A_438 : i32 to vector<16xi32>
                %add3A_440 = arith.addi %add3A_439, %iota3A : vector<16xi32>
                %gather3A_441 = tpu.vector_load_idx %arg4[%add3A_440] : memref<24576xi32, #tpu.memory_space<vmem>>[vector<16xi32>], vector<16xi32>,
                %add3A_442 = vector.broadcast %mul3A_437 : i32 to vector<16xi32>
                %add3A_443 = arith.addi %add3A_442, %iota3A : vector<16xi32>
                %gather3A_444 = tpu.vector_load_idx %arg7[%add3A_443] : memref<384xi32, #tpu.memory_space<vmem>>[vector<16xi32>], vector<16xi32>,
                %xor3A_445 = arith.constant -2147483648 : i32
                %xor3A_446 = vector.broadcast %xor3A_445 : i32 to vector<16xi32>
                %xor3A_447 = arith.xori %gather3A_441, %xor3A_446 : vector<16xi32>
                %shift_right_logical3A_448 = arith.constant 20 : i32
                %shift_right_logical3A_449 = vector.broadcast %shift_right_logical3A_448 : i32 to vector<16xi32>
                %shift_right_logical3A_450 = arith.shrui %xor3A_447, %shift_right_logical3A_449 : vector<16xi32>
                %shift_left3A_451 = arith.constant 4 : i32
                %shift_left3A_452 = vector.broadcast %shift_left3A_451 : i32 to vector<16xi32>
                %shift_left3A_453 = arith.shli %shift_right_logical3A_450, %shift_left3A_452 : vector<16xi32>
                %add3A_454 = arith.addi %shift_left3A_453, %iota3A : vector<16xi32>
                tpu.vector_store_idx %arg6[%add3A_454], %gather3A_444 {add = true} : memref<65536xi32, #tpu.memory_space<vmem>>[vector<16xi32>], vector<16xi32>,
              }
              %scan3A_270 = arith.constant 3 : i32
            } else {
            }
          }
          %scan3A_221 = arith.constant 64 : i32
          %add3A_222 = arith.constant 1 : i32
          %add3A_223 = arith.addi %scan3A_190, %add3A_222 : i32
          %lt3A_224 = arith.constant 3 : i32
          %lt3A_225 = arith.cmpi slt, %add3A_223, %lt3A_224 : i32
          %convert_element_type3A_226 = arith.extui %lt3A_225 : i1 to i32
          %cond3A_227 = arith.constant 0 : i32
          %cond3A_228 = arith.cmpi ne, %convert_element_type3A_226, %cond3A_227 : i32
          scf.if %cond3A_228 {
            %mul3A_252 = arith.constant 2 : i32
            %mul3A_253 = arith.muli %mul3A_252, %scan3A_190 : i32
            %add3A_254 = arith.constant 2 : i32
            %add3A_255 = arith.addi %mul3A_253, %add3A_254 : i32
            %mul3A_256 = arith.constant 384 : i32
            %mul3A_257 = arith.muli %select_n3A, %mul3A_256 : i32
            %mul3A_258 = arith.constant 64 : i32
            %mul3A_259 = arith.muli %add3A_255, %mul3A_258 : i32
            %add3A_260 = arith.addi %mul3A_257, %mul3A_259 : i32
            %mul3A_261 = arith.constant 384 : i32
            %mul3A_262 = arith.muli %add3A_260, %mul3A_261 : i32
            %dma_start3A_263 = tpu.memref_slice %arg2[%mul3A_262] : memref<589824xi32, #tpu.memory_space<hbm>> -> memref<24576xi32, #tpu.memory_space<hbm>>
            %dma_start3A_264 = tpu.memref_slice %arg2[%mul3A_262] : memref<589824xi32, #tpu.memory_space<hbm>> -> memref<24576xi32, #tpu.memory_space<hbm>>
            tpu.enqueue_dma source(%dma_start3A_264 : memref<24576xi32, #tpu.memory_space<hbm>>) target(%arg4 : memref<24576xi32, #tpu.memory_space<vmem>>) target_semaphore(%arg9 : memref<!tpu.dma_semaphore, #tpu.memory_space<semaphore_mem>>)
          } else {
          }
          %mul3A_229 = arith.constant 2 : i32
          %mul3A_230 = arith.muli %mul3A_229, %scan3A_190 : i32
          %add3A_231 = arith.constant 1 : i32
          %add3A_232 = arith.addi %mul3A_230, %add3A_231 : i32
          %mul3A_233 = arith.constant 384 : i32
          %mul3A_234 = arith.muli %select_n3A, %mul3A_233 : i32
          %mul3A_235 = arith.constant 64 : i32
          %mul3A_236 = arith.muli %add3A_232, %mul3A_235 : i32
          %add3A_237 = arith.addi %mul3A_234, %mul3A_236 : i32
          %mul3A_238 = arith.constant 384 : i32
          %mul3A_239 = arith.muli %add3A_237, %mul3A_238 : i32
          %dma_wait3A_240 = tpu.memref_slice %arg2[%mul3A_239] : memref<589824xi32, #tpu.memory_space<hbm>> -> memref<24576xi32, #tpu.memory_space<hbm>>
          %dma_wait3A_241 = tpu.memref_slice %arg2[%mul3A_239] : memref<589824xi32, #tpu.memory_space<hbm>> -> memref<24576xi32, #tpu.memory_space<hbm>>
          tpu.wait_dma2 semaphore(%arg10 : memref<!tpu.dma_semaphore, #tpu.memory_space<semaphore_mem>>) src(%dma_wait3A_241 : memref<24576xi32, #tpu.memory_space<hbm>>) dst(%arg5 : memref<24576xi32, #tpu.memory_space<vmem>>)
          %mul3A_242 = arith.constant 2 : i32
          %mul3A_243 = arith.muli %mul3A_242, %scan3A_190 : i32
          %add3A_244 = arith.constant 1 : i32
          %add3A_245 = arith.addi %mul3A_243, %add3A_244 : i32
          %scan3A_246 = arith.constant 0 : i32
          %scan3A_247 = arith.constant 0 : i32
          %scan3A_248 = arith.constant 64 : i32
          %scan3A_249 = arith.addi %scan3A_247, %scan3A_248 : i32
          %scan3A_250 = arith.constant 1 : i32
          scf.for %scan3A_252 = %scan3A_247 to %scan3A_249 step %scan3A_250  : i32 {
            %mul3A_253 = arith.constant 64 : i32
            %mul3A_254 = arith.muli %add3A_245, %mul3A_253 : i32
            %add3A_255 = arith.addi %mul3A_254, %scan3A_252 : i32
            %ge3A = arith.cmpi sge, %add3A_255, %select_n3A_67 : i32
            %add3A_256 = arith.constant 380 : i32
            %add3A_257 = arith.addi %select_n3A_67, %add3A_256 : i32
            %lt3A_258 = arith.cmpi slt, %add3A_255, %add3A_257 : i32
            %and3A_259 = arith.andi %ge3A, %lt3A_258 : i1
            %convert_element_type3A_260 = arith.extui %and3A_259 : i1 to i32
            %cond3A_261 = arith.constant 0 : i32
            %cond3A_262 = arith.cmpi ne, %convert_element_type3A_260, %cond3A_261 : i32
            scf.if %cond3A_262 {
              %mul3A_263 = arith.constant 384 : i32
              %mul3A_264 = arith.muli %scan3A_252, %mul3A_263 : i32
              %scan3A_265 = arith.constant 0 : i32
              %scan3A_266 = arith.constant 0 : i32
              %scan3A_267 = arith.constant 3 : i32
              %scan3A_268 = arith.addi %scan3A_266, %scan3A_267 : i32
              %scan3A_269 = arith.constant 1 : i32
              scf.for %scan3A_271 = %scan3A_266 to %scan3A_268 step %scan3A_269  : i32 {
                %mul3A_272 = arith.constant 8 : i32
                %mul3A_273 = arith.muli %scan3A_271, %mul3A_272 : i32
                %add3A_274 = arith.constant 0 : i32
                %add3A_275 = arith.addi %mul3A_273, %add3A_274 : i32
                %mul3A_276 = arith.constant 16 : i32
                %mul3A_277 = arith.muli %add3A_275, %mul3A_276 : i32
                %add3A_278 = arith.addi %mul3A_264, %mul3A_277 : i32
                %add3A_279 = vector.broadcast %add3A_278 : i32 to vector<16xi32>
                %add3A_280 = arith.addi %add3A_279, %iota3A : vector<16xi32>
                %gather3A = tpu.vector_load_idx %arg5[%add3A_280] : memref<24576xi32, #tpu.memory_space<vmem>>[vector<16xi32>], vector<16xi32>,
                %add3A_281 = vector.broadcast %mul3A_277 : i32 to vector<16xi32>
                %add3A_282 = arith.addi %add3A_281, %iota3A : vector<16xi32>
                %gather3A_283 = tpu.vector_load_idx %arg7[%add3A_282] : memref<384xi32, #tpu.memory_space<vmem>>[vector<16xi32>], vector<16xi32>,
                %xor3A_284 = arith.constant -2147483648 : i32
                %xor3A_285 = vector.broadcast %xor3A_284 : i32 to vector<16xi32>
                %xor3A_286 = arith.xori %gather3A, %xor3A_285 : vector<16xi32>
                %shift_right_logical3A_287 = arith.constant 20 : i32
                %shift_right_logical3A_288 = vector.broadcast %shift_right_logical3A_287 : i32 to vector<16xi32>
                %shift_right_logical3A_289 = arith.shrui %xor3A_286, %shift_right_logical3A_288 : vector<16xi32>
                %shift_left3A_290 = arith.constant 4 : i32
                %shift_left3A_291 = vector.broadcast %shift_left3A_290 : i32 to vector<16xi32>
                %shift_left3A_292 = arith.shli %shift_right_logical3A_289, %shift_left3A_291 : vector<16xi32>
                %add3A_293 = arith.addi %shift_left3A_292, %iota3A : vector<16xi32>
                tpu.vector_store_idx %arg6[%add3A_293], %gather3A_283 {add = true} : memref<65536xi32, #tpu.memory_space<vmem>>[vector<16xi32>], vector<16xi32>,
                %mul3A_294 = arith.constant 8 : i32
                %mul3A_295 = arith.muli %scan3A_271, %mul3A_294 : i32
                %add3A_296 = arith.constant 1 : i32
                %add3A_297 = arith.addi %mul3A_295, %add3A_296 : i32
                %mul3A_298 = arith.constant 16 : i32
                %mul3A_299 = arith.muli %add3A_297, %mul3A_298 : i32
                %add3A_300 = arith.addi %mul3A_264, %mul3A_299 : i32
                %add3A_301 = vector.broadcast %add3A_300 : i32 to vector<16xi32>
                %add3A_302 = arith.addi %add3A_301, %iota3A : vector<16xi32>
                %gather3A_303 = tpu.vector_load_idx %arg5[%add3A_302] : memref<24576xi32, #tpu.memory_space<vmem>>[vector<16xi32>], vector<16xi32>,
                %add3A_304 = vector.broadcast %mul3A_299 : i32 to vector<16xi32>
                %add3A_305 = arith.addi %add3A_304, %iota3A : vector<16xi32>
                %gather3A_306 = tpu.vector_load_idx %arg7[%add3A_305] : memref<384xi32, #tpu.memory_space<vmem>>[vector<16xi32>], vector<16xi32>,
                %xor3A_307 = arith.constant -2147483648 : i32
                %xor3A_308 = vector.broadcast %xor3A_307 : i32 to vector<16xi32>
                %xor3A_309 = arith.xori %gather3A_303, %xor3A_308 : vector<16xi32>
                %shift_right_logical3A_310 = arith.constant 20 : i32
                %shift_right_logical3A_311 = vector.broadcast %shift_right_logical3A_310 : i32 to vector<16xi32>
                %shift_right_logical3A_312 = arith.shrui %xor3A_309, %shift_right_logical3A_311 : vector<16xi32>
                %shift_left3A_313 = arith.constant 4 : i32
                %shift_left3A_314 = vector.broadcast %shift_left3A_313 : i32 to vector<16xi32>
                %shift_left3A_315 = arith.shli %shift_right_logical3A_312, %shift_left3A_314 : vector<16xi32>
                %add3A_316 = arith.addi %shift_left3A_315, %iota3A : vector<16xi32>
                tpu.vector_store_idx %arg6[%add3A_316], %gather3A_306 {add = true} : memref<65536xi32, #tpu.memory_space<vmem>>[vector<16xi32>], vector<16xi32>,
                %mul3A_317 = arith.constant 8 : i32
                %mul3A_318 = arith.muli %scan3A_271, %mul3A_317 : i32
                %add3A_319 = arith.constant 2 : i32
                %add3A_320 = arith.addi %mul3A_318, %add3A_319 : i32
                %mul3A_321 = arith.constant 16 : i32
                %mul3A_322 = arith.muli %add3A_320, %mul3A_321 : i32
                %add3A_323 = arith.addi %mul3A_264, %mul3A_322 : i32
                %add3A_324 = vector.broadcast %add3A_323 : i32 to vector<16xi32>
                %add3A_325 = arith.addi %add3A_324, %iota3A : vector<16xi32>
                %gather3A_326 = tpu.vector_load_idx %arg5[%add3A_325] : memref<24576xi32, #tpu.memory_space<vmem>>[vector<16xi32>], vector<16xi32>,
                %add3A_327 = vector.broadcast %mul3A_322 : i32 to vector<16xi32>
                %add3A_328 = arith.addi %add3A_327, %iota3A : vector<16xi32>
                %gather3A_329 = tpu.vector_load_idx %arg7[%add3A_328] : memref<384xi32, #tpu.memory_space<vmem>>[vector<16xi32>], vector<16xi32>,
                %xor3A_330 = arith.constant -2147483648 : i32
                %xor3A_331 = vector.broadcast %xor3A_330 : i32 to vector<16xi32>
                %xor3A_332 = arith.xori %gather3A_326, %xor3A_331 : vector<16xi32>
                %shift_right_logical3A_333 = arith.constant 20 : i32
                %shift_right_logical3A_334 = vector.broadcast %shift_right_logical3A_333 : i32 to vector<16xi32>
                %shift_right_logical3A_335 = arith.shrui %xor3A_332, %shift_right_logical3A_334 : vector<16xi32>
                %shift_left3A_336 = arith.constant 4 : i32
                %shift_left3A_337 = vector.broadcast %shift_left3A_336 : i32 to vector<16xi32>
                %shift_left3A_338 = arith.shli %shift_right_logical3A_335, %shift_left3A_337 : vector<16xi32>
                %add3A_339 = arith.addi %shift_left3A_338, %iota3A : vector<16xi32>
                tpu.vector_store_idx %arg6[%add3A_339], %gather3A_329 {add = true} : memref<65536xi32, #tpu.memory_space<vmem>>[vector<16xi32>], vector<16xi32>,
                %mul3A_340 = arith.constant 8 : i32
                %mul3A_341 = arith.muli %scan3A_271, %mul3A_340 : i32
                %add3A_342 = arith.constant 3 : i32
                %add3A_343 = arith.addi %mul3A_341, %add3A_342 : i32
                %mul3A_344 = arith.constant 16 : i32
                %mul3A_345 = arith.muli %add3A_343, %mul3A_344 : i32
                %add3A_346 = arith.addi %mul3A_264, %mul3A_345 : i32
                %add3A_347 = vector.broadcast %add3A_346 : i32 to vector<16xi32>
                %add3A_348 = arith.addi %add3A_347, %iota3A : vector<16xi32>
                %gather3A_349 = tpu.vector_load_idx %arg5[%add3A_348] : memref<24576xi32, #tpu.memory_space<vmem>>[vector<16xi32>], vector<16xi32>,
                %add3A_350 = vector.broadcast %mul3A_345 : i32 to vector<16xi32>
                %add3A_351 = arith.addi %add3A_350, %iota3A : vector<16xi32>
                %gather3A_352 = tpu.vector_load_idx %arg7[%add3A_351] : memref<384xi32, #tpu.memory_space<vmem>>[vector<16xi32>], vector<16xi32>,
                %xor3A_353 = arith.constant -2147483648 : i32
                %xor3A_354 = vector.broadcast %xor3A_353 : i32 to vector<16xi32>
                %xor3A_355 = arith.xori %gather3A_349, %xor3A_354 : vector<16xi32>
                %shift_right_logical3A_356 = arith.constant 20 : i32
                %shift_right_logical3A_357 = vector.broadcast %shift_right_logical3A_356 : i32 to vector<16xi32>
                %shift_right_logical3A_358 = arith.shrui %xor3A_355, %shift_right_logical3A_357 : vector<16xi32>
                %shift_left3A_359 = arith.constant 4 : i32
                %shift_left3A_360 = vector.broadcast %shift_left3A_359 : i32 to vector<16xi32>
                %shift_left3A_361 = arith.shli %shift_right_logical3A_358, %shift_left3A_360 : vector<16xi32>
                %add3A_362 = arith.addi %shift_left3A_361, %iota3A : vector<16xi32>
                tpu.vector_store_idx %arg6[%add3A_362], %gather3A_352 {add = true} : memref<65536xi32, #tpu.memory_space<vmem>>[vector<16xi32>], vector<16xi32>,
                %mul3A_363 = arith.constant 8 : i32
                %mul3A_364 = arith.muli %scan3A_271, %mul3A_363 : i32
                %add3A_365 = arith.constant 4 : i32
                %add3A_366 = arith.addi %mul3A_364, %add3A_365 : i32
                %mul3A_367 = arith.constant 16 : i32
                %mul3A_368 = arith.muli %add3A_366, %mul3A_367 : i32
                %add3A_369 = arith.addi %mul3A_264, %mul3A_368 : i32
                %add3A_370 = vector.broadcast %add3A_369 : i32 to vector<16xi32>
                %add3A_371 = arith.addi %add3A_370, %iota3A : vector<16xi32>
                %gather3A_372 = tpu.vector_load_idx %arg5[%add3A_371] : memref<24576xi32, #tpu.memory_space<vmem>>[vector<16xi32>], vector<16xi32>,
                %add3A_373 = vector.broadcast %mul3A_368 : i32 to vector<16xi32>
                %add3A_374 = arith.addi %add3A_373, %iota3A : vector<16xi32>
                %gather3A_375 = tpu.vector_load_idx %arg7[%add3A_374] : memref<384xi32, #tpu.memory_space<vmem>>[vector<16xi32>], vector<16xi32>,
                %xor3A_376 = arith.constant -2147483648 : i32
                %xor3A_377 = vector.broadcast %xor3A_376 : i32 to vector<16xi32>
                %xor3A_378 = arith.xori %gather3A_372, %xor3A_377 : vector<16xi32>
                %shift_right_logical3A_379 = arith.constant 20 : i32
                %shift_right_logical3A_380 = vector.broadcast %shift_right_logical3A_379 : i32 to vector<16xi32>
                %shift_right_logical3A_381 = arith.shrui %xor3A_378, %shift_right_logical3A_380 : vector<16xi32>
                %shift_left3A_382 = arith.constant 4 : i32
                %shift_left3A_383 = vector.broadcast %shift_left3A_382 : i32 to vector<16xi32>
                %shift_left3A_384 = arith.shli %shift_right_logical3A_381, %shift_left3A_383 : vector<16xi32>
                %add3A_385 = arith.addi %shift_left3A_384, %iota3A : vector<16xi32>
                tpu.vector_store_idx %arg6[%add3A_385], %gather3A_375 {add = true} : memref<65536xi32, #tpu.memory_space<vmem>>[vector<16xi32>], vector<16xi32>,
                %mul3A_386 = arith.constant 8 : i32
                %mul3A_387 = arith.muli %scan3A_271, %mul3A_386 : i32
                %add3A_388 = arith.constant 5 : i32
                %add3A_389 = arith.addi %mul3A_387, %add3A_388 : i32
                %mul3A_390 = arith.constant 16 : i32
                %mul3A_391 = arith.muli %add3A_389, %mul3A_390 : i32
                %add3A_392 = arith.addi %mul3A_264, %mul3A_391 : i32
                %add3A_393 = vector.broadcast %add3A_392 : i32 to vector<16xi32>
                %add3A_394 = arith.addi %add3A_393, %iota3A : vector<16xi32>
                %gather3A_395 = tpu.vector_load_idx %arg5[%add3A_394] : memref<24576xi32, #tpu.memory_space<vmem>>[vector<16xi32>], vector<16xi32>,
                %add3A_396 = vector.broadcast %mul3A_391 : i32 to vector<16xi32>
                %add3A_397 = arith.addi %add3A_396, %iota3A : vector<16xi32>
                %gather3A_398 = tpu.vector_load_idx %arg7[%add3A_397] : memref<384xi32, #tpu.memory_space<vmem>>[vector<16xi32>], vector<16xi32>,
                %xor3A_399 = arith.constant -2147483648 : i32
                %xor3A_400 = vector.broadcast %xor3A_399 : i32 to vector<16xi32>
                %xor3A_401 = arith.xori %gather3A_395, %xor3A_400 : vector<16xi32>
                %shift_right_logical3A_402 = arith.constant 20 : i32
                %shift_right_logical3A_403 = vector.broadcast %shift_right_logical3A_402 : i32 to vector<16xi32>
                %shift_right_logical3A_404 = arith.shrui %xor3A_401, %shift_right_logical3A_403 : vector<16xi32>
                %shift_left3A_405 = arith.constant 4 : i32
                %shift_left3A_406 = vector.broadcast %shift_left3A_405 : i32 to vector<16xi32>
                %shift_left3A_407 = arith.shli %shift_right_logical3A_404, %shift_left3A_406 : vector<16xi32>
                %add3A_408 = arith.addi %shift_left3A_407, %iota3A : vector<16xi32>
                tpu.vector_store_idx %arg6[%add3A_408], %gather3A_398 {add = true} : memref<65536xi32, #tpu.memory_space<vmem>>[vector<16xi32>], vector<16xi32>,
                %mul3A_409 = arith.constant 8 : i32
                %mul3A_410 = arith.muli %scan3A_271, %mul3A_409 : i32
                %add3A_411 = arith.constant 6 : i32
                %add3A_412 = arith.addi %mul3A_410, %add3A_411 : i32
                %mul3A_413 = arith.constant 16 : i32
                %mul3A_414 = arith.muli %add3A_412, %mul3A_413 : i32
                %add3A_415 = arith.addi %mul3A_264, %mul3A_414 : i32
                %add3A_416 = vector.broadcast %add3A_415 : i32 to vector<16xi32>
                %add3A_417 = arith.addi %add3A_416, %iota3A : vector<16xi32>
                %gather3A_418 = tpu.vector_load_idx %arg5[%add3A_417] : memref<24576xi32, #tpu.memory_space<vmem>>[vector<16xi32>], vector<16xi32>,
                %add3A_419 = vector.broadcast %mul3A_414 : i32 to vector<16xi32>
                %add3A_420 = arith.addi %add3A_419, %iota3A : vector<16xi32>
                %gather3A_421 = tpu.vector_load_idx %arg7[%add3A_420] : memref<384xi32, #tpu.memory_space<vmem>>[vector<16xi32>], vector<16xi32>,
                %xor3A_422 = arith.constant -2147483648 : i32
                %xor3A_423 = vector.broadcast %xor3A_422 : i32 to vector<16xi32>
                %xor3A_424 = arith.xori %gather3A_418, %xor3A_423 : vector<16xi32>
                %shift_right_logical3A_425 = arith.constant 20 : i32
                %shift_right_logical3A_426 = vector.broadcast %shift_right_logical3A_425 : i32 to vector<16xi32>
                %shift_right_logical3A_427 = arith.shrui %xor3A_424, %shift_right_logical3A_426 : vector<16xi32>
                %shift_left3A_428 = arith.constant 4 : i32
                %shift_left3A_429 = vector.broadcast %shift_left3A_428 : i32 to vector<16xi32>
                %shift_left3A_430 = arith.shli %shift_right_logical3A_427, %shift_left3A_429 : vector<16xi32>
                %add3A_431 = arith.addi %shift_left3A_430, %iota3A : vector<16xi32>
                tpu.vector_store_idx %arg6[%add3A_431], %gather3A_421 {add = true} : memref<65536xi32, #tpu.memory_space<vmem>>[vector<16xi32>], vector<16xi32>,
                %mul3A_432 = arith.constant 8 : i32
                %mul3A_433 = arith.muli %scan3A_271, %mul3A_432 : i32
                %add3A_434 = arith.constant 7 : i32
                %add3A_435 = arith.addi %mul3A_433, %add3A_434 : i32
                %mul3A_436 = arith.constant 16 : i32
                %mul3A_437 = arith.muli %add3A_435, %mul3A_436 : i32
                %add3A_438 = arith.addi %mul3A_264, %mul3A_437 : i32
                %add3A_439 = vector.broadcast %add3A_438 : i32 to vector<16xi32>
                %add3A_440 = arith.addi %add3A_439, %iota3A : vector<16xi32>
                %gather3A_441 = tpu.vector_load_idx %arg5[%add3A_440] : memref<24576xi32, #tpu.memory_space<vmem>>[vector<16xi32>], vector<16xi32>,
                %add3A_442 = vector.broadcast %mul3A_437 : i32 to vector<16xi32>
                %add3A_443 = arith.addi %add3A_442, %iota3A : vector<16xi32>
                %gather3A_444 = tpu.vector_load_idx %arg7[%add3A_443] : memref<384xi32, #tpu.memory_space<vmem>>[vector<16xi32>], vector<16xi32>,
                %xor3A_445 = arith.constant -2147483648 : i32
                %xor3A_446 = vector.broadcast %xor3A_445 : i32 to vector<16xi32>
                %xor3A_447 = arith.xori %gather3A_441, %xor3A_446 : vector<16xi32>
                %shift_right_logical3A_448 = arith.constant 20 : i32
                %shift_right_logical3A_449 = vector.broadcast %shift_right_logical3A_448 : i32 to vector<16xi32>
                %shift_right_logical3A_450 = arith.shrui %xor3A_447, %shift_right_logical3A_449 : vector<16xi32>
                %shift_left3A_451 = arith.constant 4 : i32
                %shift_left3A_452 = vector.broadcast %shift_left3A_451 : i32 to vector<16xi32>
                %shift_left3A_453 = arith.shli %shift_right_logical3A_450, %shift_left3A_452 : vector<16xi32>
                %add3A_454 = arith.addi %shift_left3A_453, %iota3A : vector<16xi32>
                tpu.vector_store_idx %arg6[%add3A_454], %gather3A_444 {add = true} : memref<65536xi32, #tpu.memory_space<vmem>>[vector<16xi32>], vector<16xi32>,
              }
              %scan3A_270 = arith.constant 3 : i32
            } else {
            }
          }
          %scan3A_251 = arith.constant 64 : i32
        }
        %scan3A_108 = arith.constant 3 : i32
        %scan3A_109 = arith.constant 0 : i32
        %scan3A_110 = arith.constant 14440 : i32
        %scan3A_111 = arith.constant 0 : i32
        %scan3A_112 = arith.constant -1 : i32
        %scan3A_113 = arith.constant 0 : i32
        %scan3A_114 = arith.constant 0 : i32
        %scan3A_115 = arith.constant 256 : i32
        %scan3A_116 = arith.addi %scan3A_114, %scan3A_115 : i32
        %scan3A_117 = arith.constant 1 : i32
        %scan3A_118:3 = scf.for %scan3A_190 = %scan3A_114 to %scan3A_116 step %scan3A_117 iter_args(%scan3A_191 = %scan3A_111, %scan3A_192 = %scan3A_112, %scan3A_193 = %scan3A_113) -> (i32, i32, i32)  : i32 {
          %sub3A_194 = arith.constant 255 : i32
          %sub3A_195 = arith.subi %sub3A_194, %scan3A_190 : i32
          %mul3A_196 = arith.constant 16 : i32
          %mul3A_197 = arith.muli %sub3A_195, %mul3A_196 : i32
          %add3A_198 = arith.addi %scan3A_109, %mul3A_197 : i32
          %add3A_199 = vector.broadcast %add3A_198 : i32 to vector<16xi32>
          %add3A_200 = arith.addi %add3A_199, %iota3A : vector<16xi32>
          %mul3A_201 = arith.constant 16 : i32
          %mul3A_202 = vector.broadcast %mul3A_201 : i32 to vector<16xi32>
          %mul3A_203 = arith.muli %add3A_200, %mul3A_202 : vector<16xi32>
          %add3A_204 = arith.constant 0 : i32
          %add3A_205 = vector.broadcast %add3A_204 : i32 to vector<16xi32>
          %add3A_206 = arith.addi %mul3A_203, %add3A_205 : vector<16xi32>
          %gather3A = tpu.vector_load_idx %arg6[%add3A_206] : memref<65536xi32, #tpu.memory_space<vmem>>[vector<16xi32>], vector<16xi32>,
          %add3A_207 = arith.addi %broadcast_in_dim3A_1, %gather3A : vector<16xi32>
          %mul3A_208 = arith.constant 16 : i32
          %mul3A_209 = vector.broadcast %mul3A_208 : i32 to vector<16xi32>
          %mul3A_210 = arith.muli %add3A_200, %mul3A_209 : vector<16xi32>
          %add3A_211 = arith.constant 1 : i32
          %add3A_212 = vector.broadcast %add3A_211 : i32 to vector<16xi32>
          %add3A_213 = arith.addi %mul3A_210, %add3A_212 : vector<16xi32>
          %gather3A_214 = tpu.vector_load_idx %arg6[%add3A_213] : memref<65536xi32, #tpu.memory_space<vmem>>[vector<16xi32>], vector<16xi32>,
          %add3A_215 = arith.addi %add3A_207, %gather3A_214 : vector<16xi32>
          %mul3A_216 = arith.constant 16 : i32
          %mul3A_217 = vector.broadcast %mul3A_216 : i32 to vector<16xi32>
          %mul3A_218 = arith.muli %add3A_200, %mul3A_217 : vector<16xi32>
          %add3A_219 = arith.constant 2 : i32
          %add3A_220 = vector.broadcast %add3A_219 : i32 to vector<16xi32>
          %add3A_221 = arith.addi %mul3A_218, %add3A_220 : vector<16xi32>
          %gather3A_222 = tpu.vector_load_idx %arg6[%add3A_221] : memref<65536xi32, #tpu.memory_space<vmem>>[vector<16xi32>], vector<16xi32>,
          %add3A_223 = arith.addi %add3A_215, %gather3A_222 : vector<16xi32>
          %mul3A_224 = arith.constant 16 : i32
          %mul3A_225 = vector.broadcast %mul3A_224 : i32 to vector<16xi32>
          %mul3A_226 = arith.muli %add3A_200, %mul3A_225 : vector<16xi32>
          %add3A_227 = arith.constant 3 : i32
          %add3A_228 = vector.broadcast %add3A_227 : i32 to vector<16xi32>
          %add3A_229 = arith.addi %mul3A_226, %add3A_228 : vector<16xi32>
          %gather3A_230 = tpu.vector_load_idx %arg6[%add3A_229] : memref<65536xi32, #tpu.memory_space<vmem>>[vector<16xi32>], vector<16xi32>,
          %add3A_231 = arith.addi %add3A_223, %gather3A_230 : vector<16xi32>
          %mul3A_232 = arith.constant 16 : i32
          %mul3A_233 = vector.broadcast %mul3A_232 : i32 to vector<16xi32>
          %mul3A_234 = arith.muli %add3A_200, %mul3A_233 : vector<16xi32>
          %add3A_235 = arith.constant 4 : i32
          %add3A_236 = vector.broadcast %add3A_235 : i32 to vector<16xi32>
          %add3A_237 = arith.addi %mul3A_234, %add3A_236 : vector<16xi32>
          %gather3A_238 = tpu.vector_load_idx %arg6[%add3A_237] : memref<65536xi32, #tpu.memory_space<vmem>>[vector<16xi32>], vector<16xi32>,
          %add3A_239 = arith.addi %add3A_231, %gather3A_238 : vector<16xi32>
          %mul3A_240 = arith.constant 16 : i32
          %mul3A_241 = vector.broadcast %mul3A_240 : i32 to vector<16xi32>
          %mul3A_242 = arith.muli %add3A_200, %mul3A_241 : vector<16xi32>
          %add3A_243 = arith.constant 5 : i32
          %add3A_244 = vector.broadcast %add3A_243 : i32 to vector<16xi32>
          %add3A_245 = arith.addi %mul3A_242, %add3A_244 : vector<16xi32>
          %gather3A_246 = tpu.vector_load_idx %arg6[%add3A_245] : memref<65536xi32, #tpu.memory_space<vmem>>[vector<16xi32>], vector<16xi32>,
          %add3A_247 = arith.addi %add3A_239, %gather3A_246 : vector<16xi32>
          %mul3A_248 = arith.constant 16 : i32
          %mul3A_249 = vector.broadcast %mul3A_248 : i32 to vector<16xi32>
          %mul3A_250 = arith.muli %add3A_200, %mul3A_249 : vector<16xi32>
          %add3A_251 = arith.constant 6 : i32
          %add3A_252 = vector.broadcast %add3A_251 : i32 to vector<16xi32>
          %add3A_253 = arith.addi %mul3A_250, %add3A_252 : vector<16xi32>
          %gather3A_254 = tpu.vector_load_idx %arg6[%add3A_253] : memref<65536xi32, #tpu.memory_space<vmem>>[vector<16xi32>], vector<16xi32>,
          %add3A_255 = arith.addi %add3A_247, %gather3A_254 : vector<16xi32>
          %mul3A_256 = arith.constant 16 : i32
          %mul3A_257 = vector.broadcast %mul3A_256 : i32 to vector<16xi32>
          %mul3A_258 = arith.muli %add3A_200, %mul3A_257 : vector<16xi32>
          %add3A_259 = arith.constant 7 : i32
          %add3A_260 = vector.broadcast %add3A_259 : i32 to vector<16xi32>
          %add3A_261 = arith.addi %mul3A_258, %add3A_260 : vector<16xi32>
          %gather3A_262 = tpu.vector_load_idx %arg6[%add3A_261] : memref<65536xi32, #tpu.memory_space<vmem>>[vector<16xi32>], vector<16xi32>,
          %add3A_263 = arith.addi %add3A_255, %gather3A_262 : vector<16xi32>
          %mul3A_264 = arith.constant 16 : i32
          %mul3A_265 = vector.broadcast %mul3A_264 : i32 to vector<16xi32>
          %mul3A_266 = arith.muli %add3A_200, %mul3A_265 : vector<16xi32>
          %add3A_267 = arith.constant 8 : i32
          %add3A_268 = vector.broadcast %add3A_267 : i32 to vector<16xi32>
          %add3A_269 = arith.addi %mul3A_266, %add3A_268 : vector<16xi32>
          %gather3A_270 = tpu.vector_load_idx %arg6[%add3A_269] : memref<65536xi32, #tpu.memory_space<vmem>>[vector<16xi32>], vector<16xi32>,
          %add3A_271 = arith.addi %add3A_263, %gather3A_270 : vector<16xi32>
          %mul3A_272 = arith.constant 16 : i32
          %mul3A_273 = vector.broadcast %mul3A_272 : i32 to vector<16xi32>
          %mul3A_274 = arith.muli %add3A_200, %mul3A_273 : vector<16xi32>
          %add3A_275 = arith.constant 9 : i32
          %add3A_276 = vector.broadcast %add3A_275 : i32 to vector<16xi32>
          %add3A_277 = arith.addi %mul3A_274, %add3A_276 : vector<16xi32>
          %gather3A_278 = tpu.vector_load_idx %arg6[%add3A_277] : memref<65536xi32, #tpu.memory_space<vmem>>[vector<16xi32>], vector<16xi32>,
          %add3A_279 = arith.addi %add3A_271, %gather3A_278 : vector<16xi32>
          %mul3A_280 = arith.constant 16 : i32
          %mul3A_281 = vector.broadcast %mul3A_280 : i32 to vector<16xi32>
          %mul3A_282 = arith.muli %add3A_200, %mul3A_281 : vector<16xi32>
          %add3A_283 = arith.constant 10 : i32
          %add3A_284 = vector.broadcast %add3A_283 : i32 to vector<16xi32>
          %add3A_285 = arith.addi %mul3A_282, %add3A_284 : vector<16xi32>
          %gather3A_286 = tpu.vector_load_idx %arg6[%add3A_285] : memref<65536xi32, #tpu.memory_space<vmem>>[vector<16xi32>], vector<16xi32>,
          %add3A_287 = arith.addi %add3A_279, %gather3A_286 : vector<16xi32>
          %mul3A_288 = arith.constant 16 : i32
          %mul3A_289 = vector.broadcast %mul3A_288 : i32 to vector<16xi32>
          %mul3A_290 = arith.muli %add3A_200, %mul3A_289 : vector<16xi32>
          %add3A_291 = arith.constant 11 : i32
          %add3A_292 = vector.broadcast %add3A_291 : i32 to vector<16xi32>
          %add3A_293 = arith.addi %mul3A_290, %add3A_292 : vector<16xi32>
          %gather3A_294 = tpu.vector_load_idx %arg6[%add3A_293] : memref<65536xi32, #tpu.memory_space<vmem>>[vector<16xi32>], vector<16xi32>,
          %add3A_295 = arith.addi %add3A_287, %gather3A_294 : vector<16xi32>
          %mul3A_296 = arith.constant 16 : i32
          %mul3A_297 = vector.broadcast %mul3A_296 : i32 to vector<16xi32>
          %mul3A_298 = arith.muli %add3A_200, %mul3A_297 : vector<16xi32>
          %add3A_299 = arith.constant 12 : i32
          %add3A_300 = vector.broadcast %add3A_299 : i32 to vector<16xi32>
          %add3A_301 = arith.addi %mul3A_298, %add3A_300 : vector<16xi32>
          %gather3A_302 = tpu.vector_load_idx %arg6[%add3A_301] : memref<65536xi32, #tpu.memory_space<vmem>>[vector<16xi32>], vector<16xi32>,
          %add3A_303 = arith.addi %add3A_295, %gather3A_302 : vector<16xi32>
          %mul3A_304 = arith.constant 16 : i32
          %mul3A_305 = vector.broadcast %mul3A_304 : i32 to vector<16xi32>
          %mul3A_306 = arith.muli %add3A_200, %mul3A_305 : vector<16xi32>
          %add3A_307 = arith.constant 13 : i32
          %add3A_308 = vector.broadcast %add3A_307 : i32 to vector<16xi32>
          %add3A_309 = arith.addi %mul3A_306, %add3A_308 : vector<16xi32>
          %gather3A_310 = tpu.vector_load_idx %arg6[%add3A_309] : memref<65536xi32, #tpu.memory_space<vmem>>[vector<16xi32>], vector<16xi32>,
          %add3A_311 = arith.addi %add3A_303, %gather3A_310 : vector<16xi32>
          %mul3A_312 = arith.constant 16 : i32
          %mul3A_313 = vector.broadcast %mul3A_312 : i32 to vector<16xi32>
          %mul3A_314 = arith.muli %add3A_200, %mul3A_313 : vector<16xi32>
          %add3A_315 = arith.constant 14 : i32
          %add3A_316 = vector.broadcast %add3A_315 : i32 to vector<16xi32>
          %add3A_317 = arith.addi %mul3A_314, %add3A_316 : vector<16xi32>
          %gather3A_318 = tpu.vector_load_idx %arg6[%add3A_317] : memref<65536xi32, #tpu.memory_space<vmem>>[vector<16xi32>], vector<16xi32>,
          %add3A_319 = arith.addi %add3A_311, %gather3A_318 : vector<16xi32>
          %mul3A_320 = arith.constant 16 : i32
          %mul3A_321 = vector.broadcast %mul3A_320 : i32 to vector<16xi32>
          %mul3A_322 = arith.muli %add3A_200, %mul3A_321 : vector<16xi32>
          %add3A_323 = arith.constant 15 : i32
          %add3A_324 = vector.broadcast %add3A_323 : i32 to vector<16xi32>
          %add3A_325 = arith.addi %mul3A_322, %add3A_324 : vector<16xi32>
          %gather3A_326 = tpu.vector_load_idx %arg6[%add3A_325] : memref<65536xi32, #tpu.memory_space<vmem>>[vector<16xi32>], vector<16xi32>,
          %add3A_327 = arith.addi %add3A_319, %gather3A_326 : vector<16xi32>
          %rev3A = arith.constant 15 : i32
          %rev3A_328 = vector.broadcast %rev3A : i32 to vector<16xi32>
          %rev3A_329 = tpu.iota {dimensions = array<i32: 0>} : vector<16xi32>
          %rev3A_330 = arith.subi %rev3A_328, %rev3A_329 : vector<16xi32>
          %rev3A_331 = tpu.dynamic_gather %add3A_327[%rev3A_330] in [0] : vector<16xi32>, vector<16xi32> -> vector<16xi32>
          %cumsum3A = arith.constant true
          %cumsum3A_332 = vector.broadcast %cumsum3A : i1 to vector<16xi1>
          %cumsum3A_333 = tpu.scan <sum>, %rev3A_331 masked %cumsum3A_332 : vector<16xi32>, vector<16xi1> -> vector<16xi32>
          %rev3A_334 = arith.constant 15 : i32
          %rev3A_335 = vector.broadcast %rev3A_334 : i32 to vector<16xi32>
          %rev3A_336 = tpu.iota {dimensions = array<i32: 0>} : vector<16xi32>
          %rev3A_337 = arith.subi %rev3A_335, %rev3A_336 : vector<16xi32>
          %rev3A_338 = tpu.dynamic_gather %cumsum3A_333[%rev3A_337] in [0] : vector<16xi32>, vector<16xi32> -> vector<16xi32>
          %add3A_339 = vector.broadcast %scan3A_191 : i32 to vector<16xi32>
          %add3A_340 = arith.addi %add3A_339, %rev3A_338 : vector<16xi32>
          %sub3A_341 = arith.subi %add3A_340, %add3A_327 : vector<16xi32>
          %ge3A = vector.broadcast %scan3A_110 : i32 to vector<16xi32>
          %ge3A_342 = arith.cmpi sge, %add3A_340, %ge3A : vector<16xi32>
          %lt3A_343 = vector.broadcast %scan3A_110 : i32 to vector<16xi32>
          %lt3A_344 = arith.cmpi slt, %sub3A_341, %lt3A_343 : vector<16xi32>
          %and3A_345 = arith.andi %ge3A_342, %lt3A_344 : vector<16xi1>
          %add3A_346 = arith.constant 1 : i32
          %add3A_347 = vector.broadcast %add3A_346 : i32 to vector<16xi32>
          %add3A_348 = arith.addi %add3A_200, %add3A_347 : vector<16xi32>
          %jit3A_349 = arith.constant 0 : i32
          %broadcast_in_dim3A_350 = vector.broadcast %jit3A_349 : i32 to vector<16xi32>
          %select_n3A_351 = arith.select %and3A_345, %add3A_348, %broadcast_in_dim3A_350 : vector<16xi1>, vector<16xi32>
          %reduce_sum3A = arith.constant true
          %reduce_sum3A_352 = vector.broadcast %reduce_sum3A : i1 to vector<16xi1>
          %reduce_sum3A_353 = tpu.scan <sum>, %select_n3A_351 masked %reduce_sum3A_352 : vector<16xi32>, vector<16xi1> -> vector<16xi32>
          %reduce_sum3A_354 = vector.extract %reduce_sum3A_353[15] : i32 from vector<16xi32>
          %add3A_355 = arith.addi %scan3A_192, %reduce_sum3A_354 : i32
          %sub3A_356 = vector.broadcast %scan3A_110 : i32 to vector<16xi32>
          %sub3A_357 = arith.subi %sub3A_356, %sub3A_341 : vector<16xi32>
          %jit3A_358 = arith.constant 0 : i32
          %broadcast_in_dim3A_359 = vector.broadcast %jit3A_358 : i32 to vector<16xi32>
          %select_n3A_360 = arith.select %and3A_345, %sub3A_357, %broadcast_in_dim3A_359 : vector<16xi1>, vector<16xi32>
          %reduce_sum3A_361 = arith.constant true
          %reduce_sum3A_362 = vector.broadcast %reduce_sum3A_361 : i1 to vector<16xi1>
          %reduce_sum3A_363 = tpu.scan <sum>, %select_n3A_360 masked %reduce_sum3A_362 : vector<16xi32>, vector<16xi1> -> vector<16xi32>
          %reduce_sum3A_364 = vector.extract %reduce_sum3A_363[15] : i32 from vector<16xi32>
          %add3A_365 = arith.addi %scan3A_193, %reduce_sum3A_364 : i32
          %reduce_sum3A_366 = arith.constant true
          %reduce_sum3A_367 = vector.broadcast %reduce_sum3A_366 : i1 to vector<16xi1>
          %reduce_sum3A_368 = tpu.scan <sum>, %add3A_327 masked %reduce_sum3A_367 : vector<16xi32>, vector<16xi1> -> vector<16xi32>
          %reduce_sum3A_369 = vector.extract %reduce_sum3A_368[15] : i32 from vector<16xi32>
          %add3A_370 = arith.addi %scan3A_191, %reduce_sum3A_369 : i32
          scf.yield %add3A_370, %add3A_355, %add3A_365 : i32, i32, i32
        }
        %scan3A_119 = arith.constant 256 : i32
        %scan3A_120 = arith.constant 0 : i32
        %scan3A_121 = arith.constant 0 : i32
        %scan3A_122 = arith.constant 512 : i32
        %scan3A_123 = arith.addi %scan3A_121, %scan3A_122 : i32
        %scan3A_124 = arith.constant 1 : i32
        scf.for %scan3A_190 = %scan3A_121 to %scan3A_123 step %scan3A_124  : i32 {
          %mul3A_191 = arith.constant 128 : i32
          %mul3A_192 = arith.muli %scan3A_190, %mul3A_191 : i32
          %add3A_193 = arith.constant 0 : i32
          %add3A_194 = arith.addi %mul3A_192, %add3A_193 : i32
          %add3A_195 = vector.broadcast %add3A_194 : i32 to vector<16xi32>
          %add3A_196 = arith.addi %add3A_195, %iota3A : vector<16xi32>
          tpu.vector_store_idx %arg6[%add3A_196], %broadcast_in_dim3A_1 : memref<65536xi32, #tpu.memory_space<vmem>>[vector<16xi32>], vector<16xi32>,
          %mul3A_197 = arith.constant 128 : i32
          %mul3A_198 = arith.muli %scan3A_190, %mul3A_197 : i32
          %add3A_199 = arith.constant 16 : i32
          %add3A_200 = arith.addi %mul3A_198, %add3A_199 : i32
          %add3A_201 = vector.broadcast %add3A_200 : i32 to vector<16xi32>
          %add3A_202 = arith.addi %add3A_201, %iota3A : vector<16xi32>
          tpu.vector_store_idx %arg6[%add3A_202], %broadcast_in_dim3A_1 : memref<65536xi32, #tpu.memory_space<vmem>>[vector<16xi32>], vector<16xi32>,
          %mul3A_203 = arith.constant 128 : i32
          %mul3A_204 = arith.muli %scan3A_190, %mul3A_203 : i32
          %add3A_205 = arith.constant 32 : i32
          %add3A_206 = arith.addi %mul3A_204, %add3A_205 : i32
          %add3A_207 = vector.broadcast %add3A_206 : i32 to vector<16xi32>
          %add3A_208 = arith.addi %add3A_207, %iota3A : vector<16xi32>
          tpu.vector_store_idx %arg6[%add3A_208], %broadcast_in_dim3A_1 : memref<65536xi32, #tpu.memory_space<vmem>>[vector<16xi32>], vector<16xi32>,
          %mul3A_209 = arith.constant 128 : i32
          %mul3A_210 = arith.muli %scan3A_190, %mul3A_209 : i32
          %add3A_211 = arith.constant 48 : i32
          %add3A_212 = arith.addi %mul3A_210, %add3A_211 : i32
          %add3A_213 = vector.broadcast %add3A_212 : i32 to vector<16xi32>
          %add3A_214 = arith.addi %add3A_213, %iota3A : vector<16xi32>
          tpu.vector_store_idx %arg6[%add3A_214], %broadcast_in_dim3A_1 : memref<65536xi32, #tpu.memory_space<vmem>>[vector<16xi32>], vector<16xi32>,
          %mul3A_215 = arith.constant 128 : i32
          %mul3A_216 = arith.muli %scan3A_190, %mul3A_215 : i32
          %add3A_217 = arith.constant 64 : i32
          %add3A_218 = arith.addi %mul3A_216, %add3A_217 : i32
          %add3A_219 = vector.broadcast %add3A_218 : i32 to vector<16xi32>
          %add3A_220 = arith.addi %add3A_219, %iota3A : vector<16xi32>
          tpu.vector_store_idx %arg6[%add3A_220], %broadcast_in_dim3A_1 : memref<65536xi32, #tpu.memory_space<vmem>>[vector<16xi32>], vector<16xi32>,
          %mul3A_221 = arith.constant 128 : i32
          %mul3A_222 = arith.muli %scan3A_190, %mul3A_221 : i32
          %add3A_223 = arith.constant 80 : i32
          %add3A_224 = arith.addi %mul3A_222, %add3A_223 : i32
          %add3A_225 = vector.broadcast %add3A_224 : i32 to vector<16xi32>
          %add3A_226 = arith.addi %add3A_225, %iota3A : vector<16xi32>
          tpu.vector_store_idx %arg6[%add3A_226], %broadcast_in_dim3A_1 : memref<65536xi32, #tpu.memory_space<vmem>>[vector<16xi32>], vector<16xi32>,
          %mul3A_227 = arith.constant 128 : i32
          %mul3A_228 = arith.muli %scan3A_190, %mul3A_227 : i32
          %add3A_229 = arith.constant 96 : i32
          %add3A_230 = arith.addi %mul3A_228, %add3A_229 : i32
          %add3A_231 = vector.broadcast %add3A_230 : i32 to vector<16xi32>
          %add3A_232 = arith.addi %add3A_231, %iota3A : vector<16xi32>
          tpu.vector_store_idx %arg6[%add3A_232], %broadcast_in_dim3A_1 : memref<65536xi32, #tpu.memory_space<vmem>>[vector<16xi32>], vector<16xi32>,
          %mul3A_233 = arith.constant 128 : i32
          %mul3A_234 = arith.muli %scan3A_190, %mul3A_233 : i32
          %add3A_235 = arith.constant 112 : i32
          %add3A_236 = arith.addi %mul3A_234, %add3A_235 : i32
          %add3A_237 = vector.broadcast %add3A_236 : i32 to vector<16xi32>
          %add3A_238 = arith.addi %add3A_237, %iota3A : vector<16xi32>
          tpu.vector_store_idx %arg6[%add3A_238], %broadcast_in_dim3A_1 : memref<65536xi32, #tpu.memory_space<vmem>>[vector<16xi32>], vector<16xi32>,
        }
        %scan3A_125 = arith.constant 512 : i32
        %mul3A_126 = arith.constant 384 : i32
        %mul3A_127 = arith.muli %select_n3A, %mul3A_126 : i32
        %add3A_128 = arith.constant 0 : i32
        %add3A_129 = arith.addi %mul3A_127, %add3A_128 : i32
        %mul3A_130 = arith.constant 384 : i32
        %mul3A_131 = arith.muli %add3A_129, %mul3A_130 : i32
        %dma_start3A_132 = tpu.memref_slice %arg2[%mul3A_131] : memref<589824xi32, #tpu.memory_space<hbm>> -> memref<24576xi32, #tpu.memory_space<hbm>>
        %dma_start3A_133 = tpu.memref_slice %arg2[%mul3A_131] : memref<589824xi32, #tpu.memory_space<hbm>> -> memref<24576xi32, #tpu.memory_space<hbm>>
        tpu.enqueue_dma source(%dma_start3A_133 : memref<24576xi32, #tpu.memory_space<hbm>>) target(%arg4 : memref<24576xi32, #tpu.memory_space<vmem>>) target_semaphore(%arg9 : memref<!tpu.dma_semaphore, #tpu.memory_space<semaphore_mem>>)
        %scan3A_134 = arith.constant 0 : i32
        %scan3A_135 = arith.constant 0 : i32
        %scan3A_136 = arith.constant 3 : i32
        %scan3A_137 = arith.addi %scan3A_135, %scan3A_136 : i32
        %scan3A_138 = arith.constant 1 : i32
        scf.for %scan3A_190 = %scan3A_135 to %scan3A_137 step %scan3A_138  : i32 {
          %mul3A_191 = arith.constant 2 : i32
          %mul3A_192 = arith.muli %mul3A_191, %scan3A_190 : i32
          %add3A_193 = arith.constant 1 : i32
          %add3A_194 = arith.addi %mul3A_192, %add3A_193 : i32
          %mul3A_195 = arith.constant 384 : i32
          %mul3A_196 = arith.muli %select_n3A, %mul3A_195 : i32
          %mul3A_197 = arith.constant 64 : i32
          %mul3A_198 = arith.muli %add3A_194, %mul3A_197 : i32
          %add3A_199 = arith.addi %mul3A_196, %mul3A_198 : i32
          %mul3A_200 = arith.constant 384 : i32
          %mul3A_201 = arith.muli %add3A_199, %mul3A_200 : i32
          %dma_start3A_202 = tpu.memref_slice %arg2[%mul3A_201] : memref<589824xi32, #tpu.memory_space<hbm>> -> memref<24576xi32, #tpu.memory_space<hbm>>
          %dma_start3A_203 = tpu.memref_slice %arg2[%mul3A_201] : memref<589824xi32, #tpu.memory_space<hbm>> -> memref<24576xi32, #tpu.memory_space<hbm>>
          tpu.enqueue_dma source(%dma_start3A_203 : memref<24576xi32, #tpu.memory_space<hbm>>) target(%arg5 : memref<24576xi32, #tpu.memory_space<vmem>>) target_semaphore(%arg10 : memref<!tpu.dma_semaphore, #tpu.memory_space<semaphore_mem>>)
          %mul3A_204 = arith.constant 2 : i32
          %mul3A_205 = arith.muli %mul3A_204, %scan3A_190 : i32
          %mul3A_206 = arith.constant 384 : i32
          %mul3A_207 = arith.muli %select_n3A, %mul3A_206 : i32
          %mul3A_208 = arith.constant 64 : i32
          %mul3A_209 = arith.muli %mul3A_205, %mul3A_208 : i32
          %add3A_210 = arith.addi %mul3A_207, %mul3A_209 : i32
          %mul3A_211 = arith.constant 384 : i32
          %mul3A_212 = arith.muli %add3A_210, %mul3A_211 : i32
          %dma_wait3A = tpu.memref_slice %arg2[%mul3A_212] : memref<589824xi32, #tpu.memory_space<hbm>> -> memref<24576xi32, #tpu.memory_space<hbm>>
          %dma_wait3A_213 = tpu.memref_slice %arg2[%mul3A_212] : memref<589824xi32, #tpu.memory_space<hbm>> -> memref<24576xi32, #tpu.memory_space<hbm>>
          tpu.wait_dma2 semaphore(%arg9 : memref<!tpu.dma_semaphore, #tpu.memory_space<semaphore_mem>>) src(%dma_wait3A_213 : memref<24576xi32, #tpu.memory_space<hbm>>) dst(%arg4 : memref<24576xi32, #tpu.memory_space<vmem>>)
          %mul3A_214 = arith.constant 2 : i32
          %mul3A_215 = arith.muli %mul3A_214, %scan3A_190 : i32
          %scan3A_216 = arith.constant 0 : i32
          %scan3A_217 = arith.constant 0 : i32
          %scan3A_218 = arith.constant 64 : i32
          %scan3A_219 = arith.addi %scan3A_217, %scan3A_218 : i32
          %scan3A_220 = arith.constant 1 : i32
          scf.for %scan3A_252 = %scan3A_217 to %scan3A_219 step %scan3A_220  : i32 {
            %mul3A_253 = arith.constant 64 : i32
            %mul3A_254 = arith.muli %mul3A_215, %mul3A_253 : i32
            %add3A_255 = arith.addi %mul3A_254, %scan3A_252 : i32
            %ge3A = arith.cmpi sge, %add3A_255, %select_n3A_67 : i32
            %add3A_256 = arith.constant 380 : i32
            %add3A_257 = arith.addi %select_n3A_67, %add3A_256 : i32
            %lt3A_258 = arith.cmpi slt, %add3A_255, %add3A_257 : i32
            %and3A_259 = arith.andi %ge3A, %lt3A_258 : i1
            %convert_element_type3A_260 = arith.extui %and3A_259 : i1 to i32
            %cond3A_261 = arith.constant 0 : i32
            %cond3A_262 = arith.cmpi ne, %convert_element_type3A_260, %cond3A_261 : i32
            scf.if %cond3A_262 {
              %mul3A_263 = arith.constant 384 : i32
              %mul3A_264 = arith.muli %scan3A_252, %mul3A_263 : i32
              %scan3A_265 = arith.constant 0 : i32
              %scan3A_266 = arith.constant 0 : i32
              %scan3A_267 = arith.constant 3 : i32
              %scan3A_268 = arith.addi %scan3A_266, %scan3A_267 : i32
              %scan3A_269 = arith.constant 1 : i32
              scf.for %scan3A_271 = %scan3A_266 to %scan3A_268 step %scan3A_269  : i32 {
                %mul3A_272 = arith.constant 8 : i32
                %mul3A_273 = arith.muli %scan3A_271, %mul3A_272 : i32
                %add3A_274 = arith.constant 0 : i32
                %add3A_275 = arith.addi %mul3A_273, %add3A_274 : i32
                %mul3A_276 = arith.constant 16 : i32
                %mul3A_277 = arith.muli %add3A_275, %mul3A_276 : i32
                %add3A_278 = arith.addi %mul3A_264, %mul3A_277 : i32
                %add3A_279 = vector.broadcast %add3A_278 : i32 to vector<16xi32>
                %add3A_280 = arith.addi %add3A_279, %iota3A : vector<16xi32>
                %gather3A = tpu.vector_load_idx %arg4[%add3A_280] : memref<24576xi32, #tpu.memory_space<vmem>>[vector<16xi32>], vector<16xi32>,
                %add3A_281 = vector.broadcast %mul3A_277 : i32 to vector<16xi32>
                %add3A_282 = arith.addi %add3A_281, %iota3A : vector<16xi32>
                %gather3A_283 = tpu.vector_load_idx %arg7[%add3A_282] : memref<384xi32, #tpu.memory_space<vmem>>[vector<16xi32>], vector<16xi32>,
                %xor3A_284 = arith.constant -2147483648 : i32
                %xor3A_285 = vector.broadcast %xor3A_284 : i32 to vector<16xi32>
                %xor3A_286 = arith.xori %gather3A, %xor3A_285 : vector<16xi32>
                %shift_right_logical3A_287 = arith.constant 8 : i32
                %shift_right_logical3A_288 = vector.broadcast %shift_right_logical3A_287 : i32 to vector<16xi32>
                %shift_right_logical3A_289 = arith.shrui %xor3A_286, %shift_right_logical3A_288 : vector<16xi32>
                %and3A_290 = arith.constant 4095 : i32
                %and3A_291 = vector.broadcast %and3A_290 : i32 to vector<16xi32>
                %and3A_292 = arith.andi %shift_right_logical3A_289, %and3A_291 : vector<16xi32>
                %shift_right_logical3A_293 = arith.constant 20 : i32
                %shift_right_logical3A_294 = vector.broadcast %shift_right_logical3A_293 : i32 to vector<16xi32>
                %shift_right_logical3A_295 = arith.shrui %xor3A_286, %shift_right_logical3A_294 : vector<16xi32>
                %eq3A_296 = vector.broadcast %scan3A_118#1 : i32 to vector<16xi32>
                %eq3A_297 = arith.cmpi eq, %shift_right_logical3A_295, %eq3A_296 : vector<16xi32>
                %jit3A_298 = arith.constant 0 : i32
                %broadcast_in_dim3A_299 = vector.broadcast %jit3A_298 : i32 to vector<16xi32>
                %select_n3A_300 = arith.select %eq3A_297, %gather3A_283, %broadcast_in_dim3A_299 : vector<16xi1>, vector<16xi32>
                %shift_left3A_301 = arith.constant 4 : i32
                %shift_left3A_302 = vector.broadcast %shift_left3A_301 : i32 to vector<16xi32>
                %shift_left3A_303 = arith.shli %and3A_292, %shift_left3A_302 : vector<16xi32>
                %add3A_304 = arith.addi %shift_left3A_303, %iota3A : vector<16xi32>
                tpu.vector_store_idx %arg6[%add3A_304], %select_n3A_300 {add = true} : memref<65536xi32, #tpu.memory_space<vmem>>[vector<16xi32>], vector<16xi32>,
                %mul3A_305 = arith.constant 8 : i32
                %mul3A_306 = arith.muli %scan3A_271, %mul3A_305 : i32
                %add3A_307 = arith.constant 1 : i32
                %add3A_308 = arith.addi %mul3A_306, %add3A_307 : i32
                %mul3A_309 = arith.constant 16 : i32
                %mul3A_310 = arith.muli %add3A_308, %mul3A_309 : i32
                %add3A_311 = arith.addi %mul3A_264, %mul3A_310 : i32
                %add3A_312 = vector.broadcast %add3A_311 : i32 to vector<16xi32>
                %add3A_313 = arith.addi %add3A_312, %iota3A : vector<16xi32>
                %gather3A_314 = tpu.vector_load_idx %arg4[%add3A_313] : memref<24576xi32, #tpu.memory_space<vmem>>[vector<16xi32>], vector<16xi32>,
                %add3A_315 = vector.broadcast %mul3A_310 : i32 to vector<16xi32>
                %add3A_316 = arith.addi %add3A_315, %iota3A : vector<16xi32>
                %gather3A_317 = tpu.vector_load_idx %arg7[%add3A_316] : memref<384xi32, #tpu.memory_space<vmem>>[vector<16xi32>], vector<16xi32>,
                %xor3A_318 = arith.constant -2147483648 : i32
                %xor3A_319 = vector.broadcast %xor3A_318 : i32 to vector<16xi32>
                %xor3A_320 = arith.xori %gather3A_314, %xor3A_319 : vector<16xi32>
                %shift_right_logical3A_321 = arith.constant 8 : i32
                %shift_right_logical3A_322 = vector.broadcast %shift_right_logical3A_321 : i32 to vector<16xi32>
                %shift_right_logical3A_323 = arith.shrui %xor3A_320, %shift_right_logical3A_322 : vector<16xi32>
                %and3A_324 = arith.constant 4095 : i32
                %and3A_325 = vector.broadcast %and3A_324 : i32 to vector<16xi32>
                %and3A_326 = arith.andi %shift_right_logical3A_323, %and3A_325 : vector<16xi32>
                %shift_right_logical3A_327 = arith.constant 20 : i32
                %shift_right_logical3A_328 = vector.broadcast %shift_right_logical3A_327 : i32 to vector<16xi32>
                %shift_right_logical3A_329 = arith.shrui %xor3A_320, %shift_right_logical3A_328 : vector<16xi32>
                %eq3A_330 = vector.broadcast %scan3A_118#1 : i32 to vector<16xi32>
                %eq3A_331 = arith.cmpi eq, %shift_right_logical3A_329, %eq3A_330 : vector<16xi32>
                %jit3A_332 = arith.constant 0 : i32
                %broadcast_in_dim3A_333 = vector.broadcast %jit3A_332 : i32 to vector<16xi32>
                %select_n3A_334 = arith.select %eq3A_331, %gather3A_317, %broadcast_in_dim3A_333 : vector<16xi1>, vector<16xi32>
                %shift_left3A_335 = arith.constant 4 : i32
                %shift_left3A_336 = vector.broadcast %shift_left3A_335 : i32 to vector<16xi32>
                %shift_left3A_337 = arith.shli %and3A_326, %shift_left3A_336 : vector<16xi32>
                %add3A_338 = arith.addi %shift_left3A_337, %iota3A : vector<16xi32>
                tpu.vector_store_idx %arg6[%add3A_338], %select_n3A_334 {add = true} : memref<65536xi32, #tpu.memory_space<vmem>>[vector<16xi32>], vector<16xi32>,
                %mul3A_339 = arith.constant 8 : i32
                %mul3A_340 = arith.muli %scan3A_271, %mul3A_339 : i32
                %add3A_341 = arith.constant 2 : i32
                %add3A_342 = arith.addi %mul3A_340, %add3A_341 : i32
                %mul3A_343 = arith.constant 16 : i32
                %mul3A_344 = arith.muli %add3A_342, %mul3A_343 : i32
                %add3A_345 = arith.addi %mul3A_264, %mul3A_344 : i32
                %add3A_346 = vector.broadcast %add3A_345 : i32 to vector<16xi32>
                %add3A_347 = arith.addi %add3A_346, %iota3A : vector<16xi32>
                %gather3A_348 = tpu.vector_load_idx %arg4[%add3A_347] : memref<24576xi32, #tpu.memory_space<vmem>>[vector<16xi32>], vector<16xi32>,
                %add3A_349 = vector.broadcast %mul3A_344 : i32 to vector<16xi32>
                %add3A_350 = arith.addi %add3A_349, %iota3A : vector<16xi32>
                %gather3A_351 = tpu.vector_load_idx %arg7[%add3A_350] : memref<384xi32, #tpu.memory_space<vmem>>[vector<16xi32>], vector<16xi32>,
                %xor3A_352 = arith.constant -2147483648 : i32
                %xor3A_353 = vector.broadcast %xor3A_352 : i32 to vector<16xi32>
                %xor3A_354 = arith.xori %gather3A_348, %xor3A_353 : vector<16xi32>
                %shift_right_logical3A_355 = arith.constant 8 : i32
                %shift_right_logical3A_356 = vector.broadcast %shift_right_logical3A_355 : i32 to vector<16xi32>
                %shift_right_logical3A_357 = arith.shrui %xor3A_354, %shift_right_logical3A_356 : vector<16xi32>
                %and3A_358 = arith.constant 4095 : i32
                %and3A_359 = vector.broadcast %and3A_358 : i32 to vector<16xi32>
                %and3A_360 = arith.andi %shift_right_logical3A_357, %and3A_359 : vector<16xi32>
                %shift_right_logical3A_361 = arith.constant 20 : i32
                %shift_right_logical3A_362 = vector.broadcast %shift_right_logical3A_361 : i32 to vector<16xi32>
                %shift_right_logical3A_363 = arith.shrui %xor3A_354, %shift_right_logical3A_362 : vector<16xi32>
                %eq3A_364 = vector.broadcast %scan3A_118#1 : i32 to vector<16xi32>
                %eq3A_365 = arith.cmpi eq, %shift_right_logical3A_363, %eq3A_364 : vector<16xi32>
                %jit3A_366 = arith.constant 0 : i32
                %broadcast_in_dim3A_367 = vector.broadcast %jit3A_366 : i32 to vector<16xi32>
                %select_n3A_368 = arith.select %eq3A_365, %gather3A_351, %broadcast_in_dim3A_367 : vector<16xi1>, vector<16xi32>
                %shift_left3A_369 = arith.constant 4 : i32
                %shift_left3A_370 = vector.broadcast %shift_left3A_369 : i32 to vector<16xi32>
                %shift_left3A_371 = arith.shli %and3A_360, %shift_left3A_370 : vector<16xi32>
                %add3A_372 = arith.addi %shift_left3A_371, %iota3A : vector<16xi32>
                tpu.vector_store_idx %arg6[%add3A_372], %select_n3A_368 {add = true} : memref<65536xi32, #tpu.memory_space<vmem>>[vector<16xi32>], vector<16xi32>,
                %mul3A_373 = arith.constant 8 : i32
                %mul3A_374 = arith.muli %scan3A_271, %mul3A_373 : i32
                %add3A_375 = arith.constant 3 : i32
                %add3A_376 = arith.addi %mul3A_374, %add3A_375 : i32
                %mul3A_377 = arith.constant 16 : i32
                %mul3A_378 = arith.muli %add3A_376, %mul3A_377 : i32
                %add3A_379 = arith.addi %mul3A_264, %mul3A_378 : i32
                %add3A_380 = vector.broadcast %add3A_379 : i32 to vector<16xi32>
                %add3A_381 = arith.addi %add3A_380, %iota3A : vector<16xi32>
                %gather3A_382 = tpu.vector_load_idx %arg4[%add3A_381] : memref<24576xi32, #tpu.memory_space<vmem>>[vector<16xi32>], vector<16xi32>,
                %add3A_383 = vector.broadcast %mul3A_378 : i32 to vector<16xi32>
                %add3A_384 = arith.addi %add3A_383, %iota3A : vector<16xi32>
                %gather3A_385 = tpu.vector_load_idx %arg7[%add3A_384] : memref<384xi32, #tpu.memory_space<vmem>>[vector<16xi32>], vector<16xi32>,
                %xor3A_386 = arith.constant -2147483648 : i32
                %xor3A_387 = vector.broadcast %xor3A_386 : i32 to vector<16xi32>
                %xor3A_388 = arith.xori %gather3A_382, %xor3A_387 : vector<16xi32>
                %shift_right_logical3A_389 = arith.constant 8 : i32
                %shift_right_logical3A_390 = vector.broadcast %shift_right_logical3A_389 : i32 to vector<16xi32>
                %shift_right_logical3A_391 = arith.shrui %xor3A_388, %shift_right_logical3A_390 : vector<16xi32>
                %and3A_392 = arith.constant 4095 : i32
                %and3A_393 = vector.broadcast %and3A_392 : i32 to vector<16xi32>
                %and3A_394 = arith.andi %shift_right_logical3A_391, %and3A_393 : vector<16xi32>
                %shift_right_logical3A_395 = arith.constant 20 : i32
                %shift_right_logical3A_396 = vector.broadcast %shift_right_logical3A_395 : i32 to vector<16xi32>
                %shift_right_logical3A_397 = arith.shrui %xor3A_388, %shift_right_logical3A_396 : vector<16xi32>
                %eq3A_398 = vector.broadcast %scan3A_118#1 : i32 to vector<16xi32>
                %eq3A_399 = arith.cmpi eq, %shift_right_logical3A_397, %eq3A_398 : vector<16xi32>
                %jit3A_400 = arith.constant 0 : i32
                %broadcast_in_dim3A_401 = vector.broadcast %jit3A_400 : i32 to vector<16xi32>
                %select_n3A_402 = arith.select %eq3A_399, %gather3A_385, %broadcast_in_dim3A_401 : vector<16xi1>, vector<16xi32>
                %shift_left3A_403 = arith.constant 4 : i32
                %shift_left3A_404 = vector.broadcast %shift_left3A_403 : i32 to vector<16xi32>
                %shift_left3A_405 = arith.shli %and3A_394, %shift_left3A_404 : vector<16xi32>
                %add3A_406 = arith.addi %shift_left3A_405, %iota3A : vector<16xi32>
                tpu.vector_store_idx %arg6[%add3A_406], %select_n3A_402 {add = true} : memref<65536xi32, #tpu.memory_space<vmem>>[vector<16xi32>], vector<16xi32>,
                %mul3A_407 = arith.constant 8 : i32
                %mul3A_408 = arith.muli %scan3A_271, %mul3A_407 : i32
                %add3A_409 = arith.constant 4 : i32
                %add3A_410 = arith.addi %mul3A_408, %add3A_409 : i32
                %mul3A_411 = arith.constant 16 : i32
                %mul3A_412 = arith.muli %add3A_410, %mul3A_411 : i32
                %add3A_413 = arith.addi %mul3A_264, %mul3A_412 : i32
                %add3A_414 = vector.broadcast %add3A_413 : i32 to vector<16xi32>
                %add3A_415 = arith.addi %add3A_414, %iota3A : vector<16xi32>
                %gather3A_416 = tpu.vector_load_idx %arg4[%add3A_415] : memref<24576xi32, #tpu.memory_space<vmem>>[vector<16xi32>], vector<16xi32>,
                %add3A_417 = vector.broadcast %mul3A_412 : i32 to vector<16xi32>
                %add3A_418 = arith.addi %add3A_417, %iota3A : vector<16xi32>
                %gather3A_419 = tpu.vector_load_idx %arg7[%add3A_418] : memref<384xi32, #tpu.memory_space<vmem>>[vector<16xi32>], vector<16xi32>,
                %xor3A_420 = arith.constant -2147483648 : i32
                %xor3A_421 = vector.broadcast %xor3A_420 : i32 to vector<16xi32>
                %xor3A_422 = arith.xori %gather3A_416, %xor3A_421 : vector<16xi32>
                %shift_right_logical3A_423 = arith.constant 8 : i32
                %shift_right_logical3A_424 = vector.broadcast %shift_right_logical3A_423 : i32 to vector<16xi32>
                %shift_right_logical3A_425 = arith.shrui %xor3A_422, %shift_right_logical3A_424 : vector<16xi32>
                %and3A_426 = arith.constant 4095 : i32
                %and3A_427 = vector.broadcast %and3A_426 : i32 to vector<16xi32>
                %and3A_428 = arith.andi %shift_right_logical3A_425, %and3A_427 : vector<16xi32>
                %shift_right_logical3A_429 = arith.constant 20 : i32
                %shift_right_logical3A_430 = vector.broadcast %shift_right_logical3A_429 : i32 to vector<16xi32>
                %shift_right_logical3A_431 = arith.shrui %xor3A_422, %shift_right_logical3A_430 : vector<16xi32>
                %eq3A_432 = vector.broadcast %scan3A_118#1 : i32 to vector<16xi32>
                %eq3A_433 = arith.cmpi eq, %shift_right_logical3A_431, %eq3A_432 : vector<16xi32>
                %jit3A_434 = arith.constant 0 : i32
                %broadcast_in_dim3A_435 = vector.broadcast %jit3A_434 : i32 to vector<16xi32>
                %select_n3A_436 = arith.select %eq3A_433, %gather3A_419, %broadcast_in_dim3A_435 : vector<16xi1>, vector<16xi32>
                %shift_left3A_437 = arith.constant 4 : i32
                %shift_left3A_438 = vector.broadcast %shift_left3A_437 : i32 to vector<16xi32>
                %shift_left3A_439 = arith.shli %and3A_428, %shift_left3A_438 : vector<16xi32>
                %add3A_440 = arith.addi %shift_left3A_439, %iota3A : vector<16xi32>
                tpu.vector_store_idx %arg6[%add3A_440], %select_n3A_436 {add = true} : memref<65536xi32, #tpu.memory_space<vmem>>[vector<16xi32>], vector<16xi32>,
                %mul3A_441 = arith.constant 8 : i32
                %mul3A_442 = arith.muli %scan3A_271, %mul3A_441 : i32
                %add3A_443 = arith.constant 5 : i32
                %add3A_444 = arith.addi %mul3A_442, %add3A_443 : i32
                %mul3A_445 = arith.constant 16 : i32
                %mul3A_446 = arith.muli %add3A_444, %mul3A_445 : i32
                %add3A_447 = arith.addi %mul3A_264, %mul3A_446 : i32
                %add3A_448 = vector.broadcast %add3A_447 : i32 to vector<16xi32>
                %add3A_449 = arith.addi %add3A_448, %iota3A : vector<16xi32>
                %gather3A_450 = tpu.vector_load_idx %arg4[%add3A_449] : memref<24576xi32, #tpu.memory_space<vmem>>[vector<16xi32>], vector<16xi32>,
                %add3A_451 = vector.broadcast %mul3A_446 : i32 to vector<16xi32>
                %add3A_452 = arith.addi %add3A_451, %iota3A : vector<16xi32>
                %gather3A_453 = tpu.vector_load_idx %arg7[%add3A_452] : memref<384xi32, #tpu.memory_space<vmem>>[vector<16xi32>], vector<16xi32>,
                %xor3A_454 = arith.constant -2147483648 : i32
                %xor3A_455 = vector.broadcast %xor3A_454 : i32 to vector<16xi32>
                %xor3A_456 = arith.xori %gather3A_450, %xor3A_455 : vector<16xi32>
                %shift_right_logical3A_457 = arith.constant 8 : i32
                %shift_right_logical3A_458 = vector.broadcast %shift_right_logical3A_457 : i32 to vector<16xi32>
                %shift_right_logical3A_459 = arith.shrui %xor3A_456, %shift_right_logical3A_458 : vector<16xi32>
                %and3A_460 = arith.constant 4095 : i32
                %and3A_461 = vector.broadcast %and3A_460 : i32 to vector<16xi32>
                %and3A_462 = arith.andi %shift_right_logical3A_459, %and3A_461 : vector<16xi32>
                %shift_right_logical3A_463 = arith.constant 20 : i32
                %shift_right_logical3A_464 = vector.broadcast %shift_right_logical3A_463 : i32 to vector<16xi32>
                %shift_right_logical3A_465 = arith.shrui %xor3A_456, %shift_right_logical3A_464 : vector<16xi32>
                %eq3A_466 = vector.broadcast %scan3A_118#1 : i32 to vector<16xi32>
                %eq3A_467 = arith.cmpi eq, %shift_right_logical3A_465, %eq3A_466 : vector<16xi32>
                %jit3A_468 = arith.constant 0 : i32
                %broadcast_in_dim3A_469 = vector.broadcast %jit3A_468 : i32 to vector<16xi32>
                %select_n3A_470 = arith.select %eq3A_467, %gather3A_453, %broadcast_in_dim3A_469 : vector<16xi1>, vector<16xi32>
                %shift_left3A_471 = arith.constant 4 : i32
                %shift_left3A_472 = vector.broadcast %shift_left3A_471 : i32 to vector<16xi32>
                %shift_left3A_473 = arith.shli %and3A_462, %shift_left3A_472 : vector<16xi32>
                %add3A_474 = arith.addi %shift_left3A_473, %iota3A : vector<16xi32>
                tpu.vector_store_idx %arg6[%add3A_474], %select_n3A_470 {add = true} : memref<65536xi32, #tpu.memory_space<vmem>>[vector<16xi32>], vector<16xi32>,
                %mul3A_475 = arith.constant 8 : i32
                %mul3A_476 = arith.muli %scan3A_271, %mul3A_475 : i32
                %add3A_477 = arith.constant 6 : i32
                %add3A_478 = arith.addi %mul3A_476, %add3A_477 : i32
                %mul3A_479 = arith.constant 16 : i32
                %mul3A_480 = arith.muli %add3A_478, %mul3A_479 : i32
                %add3A_481 = arith.addi %mul3A_264, %mul3A_480 : i32
                %add3A_482 = vector.broadcast %add3A_481 : i32 to vector<16xi32>
                %add3A_483 = arith.addi %add3A_482, %iota3A : vector<16xi32>
                %gather3A_484 = tpu.vector_load_idx %arg4[%add3A_483] : memref<24576xi32, #tpu.memory_space<vmem>>[vector<16xi32>], vector<16xi32>,
                %add3A_485 = vector.broadcast %mul3A_480 : i32 to vector<16xi32>
                %add3A_486 = arith.addi %add3A_485, %iota3A : vector<16xi32>
                %gather3A_487 = tpu.vector_load_idx %arg7[%add3A_486] : memref<384xi32, #tpu.memory_space<vmem>>[vector<16xi32>], vector<16xi32>,
                %xor3A_488 = arith.constant -2147483648 : i32
                %xor3A_489 = vector.broadcast %xor3A_488 : i32 to vector<16xi32>
                %xor3A_490 = arith.xori %gather3A_484, %xor3A_489 : vector<16xi32>
                %shift_right_logical3A_491 = arith.constant 8 : i32
                %shift_right_logical3A_492 = vector.broadcast %shift_right_logical3A_491 : i32 to vector<16xi32>
                %shift_right_logical3A_493 = arith.shrui %xor3A_490, %shift_right_logical3A_492 : vector<16xi32>
                %and3A_494 = arith.constant 4095 : i32
                %and3A_495 = vector.broadcast %and3A_494 : i32 to vector<16xi32>
                %and3A_496 = arith.andi %shift_right_logical3A_493, %and3A_495 : vector<16xi32>
                %shift_right_logical3A_497 = arith.constant 20 : i32
                %shift_right_logical3A_498 = vector.broadcast %shift_right_logical3A_497 : i32 to vector<16xi32>
                %shift_right_logical3A_499 = arith.shrui %xor3A_490, %shift_right_logical3A_498 : vector<16xi32>
                %eq3A_500 = vector.broadcast %scan3A_118#1 : i32 to vector<16xi32>
                %eq3A_501 = arith.cmpi eq, %shift_right_logical3A_499, %eq3A_500 : vector<16xi32>
                %jit3A_502 = arith.constant 0 : i32
                %broadcast_in_dim3A_503 = vector.broadcast %jit3A_502 : i32 to vector<16xi32>
                %select_n3A_504 = arith.select %eq3A_501, %gather3A_487, %broadcast_in_dim3A_503 : vector<16xi1>, vector<16xi32>
                %shift_left3A_505 = arith.constant 4 : i32
                %shift_left3A_506 = vector.broadcast %shift_left3A_505 : i32 to vector<16xi32>
                %shift_left3A_507 = arith.shli %and3A_496, %shift_left3A_506 : vector<16xi32>
                %add3A_508 = arith.addi %shift_left3A_507, %iota3A : vector<16xi32>
                tpu.vector_store_idx %arg6[%add3A_508], %select_n3A_504 {add = true} : memref<65536xi32, #tpu.memory_space<vmem>>[vector<16xi32>], vector<16xi32>,
                %mul3A_509 = arith.constant 8 : i32
                %mul3A_510 = arith.muli %scan3A_271, %mul3A_509 : i32
                %add3A_511 = arith.constant 7 : i32
                %add3A_512 = arith.addi %mul3A_510, %add3A_511 : i32
                %mul3A_513 = arith.constant 16 : i32
                %mul3A_514 = arith.muli %add3A_512, %mul3A_513 : i32
                %add3A_515 = arith.addi %mul3A_264, %mul3A_514 : i32
                %add3A_516 = vector.broadcast %add3A_515 : i32 to vector<16xi32>
                %add3A_517 = arith.addi %add3A_516, %iota3A : vector<16xi32>
                %gather3A_518 = tpu.vector_load_idx %arg4[%add3A_517] : memref<24576xi32, #tpu.memory_space<vmem>>[vector<16xi32>], vector<16xi32>,
                %add3A_519 = vector.broadcast %mul3A_514 : i32 to vector<16xi32>
                %add3A_520 = arith.addi %add3A_519, %iota3A : vector<16xi32>
                %gather3A_521 = tpu.vector_load_idx %arg7[%add3A_520] : memref<384xi32, #tpu.memory_space<vmem>>[vector<16xi32>], vector<16xi32>,
                %xor3A_522 = arith.constant -2147483648 : i32
                %xor3A_523 = vector.broadcast %xor3A_522 : i32 to vector<16xi32>
                %xor3A_524 = arith.xori %gather3A_518, %xor3A_523 : vector<16xi32>
                %shift_right_logical3A_525 = arith.constant 8 : i32
                %shift_right_logical3A_526 = vector.broadcast %shift_right_logical3A_525 : i32 to vector<16xi32>
                %shift_right_logical3A_527 = arith.shrui %xor3A_524, %shift_right_logical3A_526 : vector<16xi32>
                %and3A_528 = arith.constant 4095 : i32
                %and3A_529 = vector.broadcast %and3A_528 : i32 to vector<16xi32>
                %and3A_530 = arith.andi %shift_right_logical3A_527, %and3A_529 : vector<16xi32>
                %shift_right_logical3A_531 = arith.constant 20 : i32
                %shift_right_logical3A_532 = vector.broadcast %shift_right_logical3A_531 : i32 to vector<16xi32>
                %shift_right_logical3A_533 = arith.shrui %xor3A_524, %shift_right_logical3A_532 : vector<16xi32>
                %eq3A_534 = vector.broadcast %scan3A_118#1 : i32 to vector<16xi32>
                %eq3A_535 = arith.cmpi eq, %shift_right_logical3A_533, %eq3A_534 : vector<16xi32>
                %jit3A_536 = arith.constant 0 : i32
                %broadcast_in_dim3A_537 = vector.broadcast %jit3A_536 : i32 to vector<16xi32>
                %select_n3A_538 = arith.select %eq3A_535, %gather3A_521, %broadcast_in_dim3A_537 : vector<16xi1>, vector<16xi32>
                %shift_left3A_539 = arith.constant 4 : i32
                %shift_left3A_540 = vector.broadcast %shift_left3A_539 : i32 to vector<16xi32>
                %shift_left3A_541 = arith.shli %and3A_530, %shift_left3A_540 : vector<16xi32>
                %add3A_542 = arith.addi %shift_left3A_541, %iota3A : vector<16xi32>
                tpu.vector_store_idx %arg6[%add3A_542], %select_n3A_538 {add = true} : memref<65536xi32, #tpu.memory_space<vmem>>[vector<16xi32>], vector<16xi32>,
              }
              %scan3A_270 = arith.constant 3 : i32
            } else {
            }
          }
          %scan3A_221 = arith.constant 64 : i32
          %add3A_222 = arith.constant 1 : i32
          %add3A_223 = arith.addi %scan3A_190, %add3A_222 : i32
          %lt3A_224 = arith.constant 3 : i32
          %lt3A_225 = arith.cmpi slt, %add3A_223, %lt3A_224 : i32
          %convert_element_type3A_226 = arith.extui %lt3A_225 : i1 to i32
          %cond3A_227 = arith.constant 0 : i32
          %cond3A_228 = arith.cmpi ne, %convert_element_type3A_226, %cond3A_227 : i32
          scf.if %cond3A_228 {
            %mul3A_252 = arith.constant 2 : i32
            %mul3A_253 = arith.muli %mul3A_252, %scan3A_190 : i32
            %add3A_254 = arith.constant 2 : i32
            %add3A_255 = arith.addi %mul3A_253, %add3A_254 : i32
            %mul3A_256 = arith.constant 384 : i32
            %mul3A_257 = arith.muli %select_n3A, %mul3A_256 : i32
            %mul3A_258 = arith.constant 64 : i32
            %mul3A_259 = arith.muli %add3A_255, %mul3A_258 : i32
            %add3A_260 = arith.addi %mul3A_257, %mul3A_259 : i32
            %mul3A_261 = arith.constant 384 : i32
            %mul3A_262 = arith.muli %add3A_260, %mul3A_261 : i32
            %dma_start3A_263 = tpu.memref_slice %arg2[%mul3A_262] : memref<589824xi32, #tpu.memory_space<hbm>> -> memref<24576xi32, #tpu.memory_space<hbm>>
            %dma_start3A_264 = tpu.memref_slice %arg2[%mul3A_262] : memref<589824xi32, #tpu.memory_space<hbm>> -> memref<24576xi32, #tpu.memory_space<hbm>>
            tpu.enqueue_dma source(%dma_start3A_264 : memref<24576xi32, #tpu.memory_space<hbm>>) target(%arg4 : memref<24576xi32, #tpu.memory_space<vmem>>) target_semaphore(%arg9 : memref<!tpu.dma_semaphore, #tpu.memory_space<semaphore_mem>>)
          } else {
          }
          %mul3A_229 = arith.constant 2 : i32
          %mul3A_230 = arith.muli %mul3A_229, %scan3A_190 : i32
          %add3A_231 = arith.constant 1 : i32
          %add3A_232 = arith.addi %mul3A_230, %add3A_231 : i32
          %mul3A_233 = arith.constant 384 : i32
          %mul3A_234 = arith.muli %select_n3A, %mul3A_233 : i32
          %mul3A_235 = arith.constant 64 : i32
          %mul3A_236 = arith.muli %add3A_232, %mul3A_235 : i32
          %add3A_237 = arith.addi %mul3A_234, %mul3A_236 : i32
          %mul3A_238 = arith.constant 384 : i32
          %mul3A_239 = arith.muli %add3A_237, %mul3A_238 : i32
          %dma_wait3A_240 = tpu.memref_slice %arg2[%mul3A_239] : memref<589824xi32, #tpu.memory_space<hbm>> -> memref<24576xi32, #tpu.memory_space<hbm>>
          %dma_wait3A_241 = tpu.memref_slice %arg2[%mul3A_239] : memref<589824xi32, #tpu.memory_space<hbm>> -> memref<24576xi32, #tpu.memory_space<hbm>>
          tpu.wait_dma2 semaphore(%arg10 : memref<!tpu.dma_semaphore, #tpu.memory_space<semaphore_mem>>) src(%dma_wait3A_241 : memref<24576xi32, #tpu.memory_space<hbm>>) dst(%arg5 : memref<24576xi32, #tpu.memory_space<vmem>>)
          %mul3A_242 = arith.constant 2 : i32
          %mul3A_243 = arith.muli %mul3A_242, %scan3A_190 : i32
          %add3A_244 = arith.constant 1 : i32
          %add3A_245 = arith.addi %mul3A_243, %add3A_244 : i32
          %scan3A_246 = arith.constant 0 : i32
          %scan3A_247 = arith.constant 0 : i32
          %scan3A_248 = arith.constant 64 : i32
          %scan3A_249 = arith.addi %scan3A_247, %scan3A_248 : i32
          %scan3A_250 = arith.constant 1 : i32
          scf.for %scan3A_252 = %scan3A_247 to %scan3A_249 step %scan3A_250  : i32 {
            %mul3A_253 = arith.constant 64 : i32
            %mul3A_254 = arith.muli %add3A_245, %mul3A_253 : i32
            %add3A_255 = arith.addi %mul3A_254, %scan3A_252 : i32
            %ge3A = arith.cmpi sge, %add3A_255, %select_n3A_67 : i32
            %add3A_256 = arith.constant 380 : i32
            %add3A_257 = arith.addi %select_n3A_67, %add3A_256 : i32
            %lt3A_258 = arith.cmpi slt, %add3A_255, %add3A_257 : i32
            %and3A_259 = arith.andi %ge3A, %lt3A_258 : i1
            %convert_element_type3A_260 = arith.extui %and3A_259 : i1 to i32
            %cond3A_261 = arith.constant 0 : i32
            %cond3A_262 = arith.cmpi ne, %convert_element_type3A_260, %cond3A_261 : i32
            scf.if %cond3A_262 {
              %mul3A_263 = arith.constant 384 : i32
              %mul3A_264 = arith.muli %scan3A_252, %mul3A_263 : i32
              %scan3A_265 = arith.constant 0 : i32
              %scan3A_266 = arith.constant 0 : i32
              %scan3A_267 = arith.constant 3 : i32
              %scan3A_268 = arith.addi %scan3A_266, %scan3A_267 : i32
              %scan3A_269 = arith.constant 1 : i32
              scf.for %scan3A_271 = %scan3A_266 to %scan3A_268 step %scan3A_269  : i32 {
                %mul3A_272 = arith.constant 8 : i32
                %mul3A_273 = arith.muli %scan3A_271, %mul3A_272 : i32
                %add3A_274 = arith.constant 0 : i32
                %add3A_275 = arith.addi %mul3A_273, %add3A_274 : i32
                %mul3A_276 = arith.constant 16 : i32
                %mul3A_277 = arith.muli %add3A_275, %mul3A_276 : i32
                %add3A_278 = arith.addi %mul3A_264, %mul3A_277 : i32
                %add3A_279 = vector.broadcast %add3A_278 : i32 to vector<16xi32>
                %add3A_280 = arith.addi %add3A_279, %iota3A : vector<16xi32>
                %gather3A = tpu.vector_load_idx %arg5[%add3A_280] : memref<24576xi32, #tpu.memory_space<vmem>>[vector<16xi32>], vector<16xi32>,
                %add3A_281 = vector.broadcast %mul3A_277 : i32 to vector<16xi32>
                %add3A_282 = arith.addi %add3A_281, %iota3A : vector<16xi32>
                %gather3A_283 = tpu.vector_load_idx %arg7[%add3A_282] : memref<384xi32, #tpu.memory_space<vmem>>[vector<16xi32>], vector<16xi32>,
                %xor3A_284 = arith.constant -2147483648 : i32
                %xor3A_285 = vector.broadcast %xor3A_284 : i32 to vector<16xi32>
                %xor3A_286 = arith.xori %gather3A, %xor3A_285 : vector<16xi32>
                %shift_right_logical3A_287 = arith.constant 8 : i32
                %shift_right_logical3A_288 = vector.broadcast %shift_right_logical3A_287 : i32 to vector<16xi32>
                %shift_right_logical3A_289 = arith.shrui %xor3A_286, %shift_right_logical3A_288 : vector<16xi32>
                %and3A_290 = arith.constant 4095 : i32
                %and3A_291 = vector.broadcast %and3A_290 : i32 to vector<16xi32>
                %and3A_292 = arith.andi %shift_right_logical3A_289, %and3A_291 : vector<16xi32>
                %shift_right_logical3A_293 = arith.constant 20 : i32
                %shift_right_logical3A_294 = vector.broadcast %shift_right_logical3A_293 : i32 to vector<16xi32>
                %shift_right_logical3A_295 = arith.shrui %xor3A_286, %shift_right_logical3A_294 : vector<16xi32>
                %eq3A_296 = vector.broadcast %scan3A_118#1 : i32 to vector<16xi32>
                %eq3A_297 = arith.cmpi eq, %shift_right_logical3A_295, %eq3A_296 : vector<16xi32>
                %jit3A_298 = arith.constant 0 : i32
                %broadcast_in_dim3A_299 = vector.broadcast %jit3A_298 : i32 to vector<16xi32>
                %select_n3A_300 = arith.select %eq3A_297, %gather3A_283, %broadcast_in_dim3A_299 : vector<16xi1>, vector<16xi32>
                %shift_left3A_301 = arith.constant 4 : i32
                %shift_left3A_302 = vector.broadcast %shift_left3A_301 : i32 to vector<16xi32>
                %shift_left3A_303 = arith.shli %and3A_292, %shift_left3A_302 : vector<16xi32>
                %add3A_304 = arith.addi %shift_left3A_303, %iota3A : vector<16xi32>
                tpu.vector_store_idx %arg6[%add3A_304], %select_n3A_300 {add = true} : memref<65536xi32, #tpu.memory_space<vmem>>[vector<16xi32>], vector<16xi32>,
                %mul3A_305 = arith.constant 8 : i32
                %mul3A_306 = arith.muli %scan3A_271, %mul3A_305 : i32
                %add3A_307 = arith.constant 1 : i32
                %add3A_308 = arith.addi %mul3A_306, %add3A_307 : i32
                %mul3A_309 = arith.constant 16 : i32
                %mul3A_310 = arith.muli %add3A_308, %mul3A_309 : i32
                %add3A_311 = arith.addi %mul3A_264, %mul3A_310 : i32
                %add3A_312 = vector.broadcast %add3A_311 : i32 to vector<16xi32>
                %add3A_313 = arith.addi %add3A_312, %iota3A : vector<16xi32>
                %gather3A_314 = tpu.vector_load_idx %arg5[%add3A_313] : memref<24576xi32, #tpu.memory_space<vmem>>[vector<16xi32>], vector<16xi32>,
                %add3A_315 = vector.broadcast %mul3A_310 : i32 to vector<16xi32>
                %add3A_316 = arith.addi %add3A_315, %iota3A : vector<16xi32>
                %gather3A_317 = tpu.vector_load_idx %arg7[%add3A_316] : memref<384xi32, #tpu.memory_space<vmem>>[vector<16xi32>], vector<16xi32>,
                %xor3A_318 = arith.constant -2147483648 : i32
                %xor3A_319 = vector.broadcast %xor3A_318 : i32 to vector<16xi32>
                %xor3A_320 = arith.xori %gather3A_314, %xor3A_319 : vector<16xi32>
                %shift_right_logical3A_321 = arith.constant 8 : i32
                %shift_right_logical3A_322 = vector.broadcast %shift_right_logical3A_321 : i32 to vector<16xi32>
                %shift_right_logical3A_323 = arith.shrui %xor3A_320, %shift_right_logical3A_322 : vector<16xi32>
                %and3A_324 = arith.constant 4095 : i32
                %and3A_325 = vector.broadcast %and3A_324 : i32 to vector<16xi32>
                %and3A_326 = arith.andi %shift_right_logical3A_323, %and3A_325 : vector<16xi32>
                %shift_right_logical3A_327 = arith.constant 20 : i32
                %shift_right_logical3A_328 = vector.broadcast %shift_right_logical3A_327 : i32 to vector<16xi32>
                %shift_right_logical3A_329 = arith.shrui %xor3A_320, %shift_right_logical3A_328 : vector<16xi32>
                %eq3A_330 = vector.broadcast %scan3A_118#1 : i32 to vector<16xi32>
                %eq3A_331 = arith.cmpi eq, %shift_right_logical3A_329, %eq3A_330 : vector<16xi32>
                %jit3A_332 = arith.constant 0 : i32
                %broadcast_in_dim3A_333 = vector.broadcast %jit3A_332 : i32 to vector<16xi32>
                %select_n3A_334 = arith.select %eq3A_331, %gather3A_317, %broadcast_in_dim3A_333 : vector<16xi1>, vector<16xi32>
                %shift_left3A_335 = arith.constant 4 : i32
                %shift_left3A_336 = vector.broadcast %shift_left3A_335 : i32 to vector<16xi32>
                %shift_left3A_337 = arith.shli %and3A_326, %shift_left3A_336 : vector<16xi32>
                %add3A_338 = arith.addi %shift_left3A_337, %iota3A : vector<16xi32>
                tpu.vector_store_idx %arg6[%add3A_338], %select_n3A_334 {add = true} : memref<65536xi32, #tpu.memory_space<vmem>>[vector<16xi32>], vector<16xi32>,
                %mul3A_339 = arith.constant 8 : i32
                %mul3A_340 = arith.muli %scan3A_271, %mul3A_339 : i32
                %add3A_341 = arith.constant 2 : i32
                %add3A_342 = arith.addi %mul3A_340, %add3A_341 : i32
                %mul3A_343 = arith.constant 16 : i32
                %mul3A_344 = arith.muli %add3A_342, %mul3A_343 : i32
                %add3A_345 = arith.addi %mul3A_264, %mul3A_344 : i32
                %add3A_346 = vector.broadcast %add3A_345 : i32 to vector<16xi32>
                %add3A_347 = arith.addi %add3A_346, %iota3A : vector<16xi32>
                %gather3A_348 = tpu.vector_load_idx %arg5[%add3A_347] : memref<24576xi32, #tpu.memory_space<vmem>>[vector<16xi32>], vector<16xi32>,
                %add3A_349 = vector.broadcast %mul3A_344 : i32 to vector<16xi32>
                %add3A_350 = arith.addi %add3A_349, %iota3A : vector<16xi32>
                %gather3A_351 = tpu.vector_load_idx %arg7[%add3A_350] : memref<384xi32, #tpu.memory_space<vmem>>[vector<16xi32>], vector<16xi32>,
                %xor3A_352 = arith.constant -2147483648 : i32
                %xor3A_353 = vector.broadcast %xor3A_352 : i32 to vector<16xi32>
                %xor3A_354 = arith.xori %gather3A_348, %xor3A_353 : vector<16xi32>
                %shift_right_logical3A_355 = arith.constant 8 : i32
                %shift_right_logical3A_356 = vector.broadcast %shift_right_logical3A_355 : i32 to vector<16xi32>
                %shift_right_logical3A_357 = arith.shrui %xor3A_354, %shift_right_logical3A_356 : vector<16xi32>
                %and3A_358 = arith.constant 4095 : i32
                %and3A_359 = vector.broadcast %and3A_358 : i32 to vector<16xi32>
                %and3A_360 = arith.andi %shift_right_logical3A_357, %and3A_359 : vector<16xi32>
                %shift_right_logical3A_361 = arith.constant 20 : i32
                %shift_right_logical3A_362 = vector.broadcast %shift_right_logical3A_361 : i32 to vector<16xi32>
                %shift_right_logical3A_363 = arith.shrui %xor3A_354, %shift_right_logical3A_362 : vector<16xi32>
                %eq3A_364 = vector.broadcast %scan3A_118#1 : i32 to vector<16xi32>
                %eq3A_365 = arith.cmpi eq, %shift_right_logical3A_363, %eq3A_364 : vector<16xi32>
                %jit3A_366 = arith.constant 0 : i32
                %broadcast_in_dim3A_367 = vector.broadcast %jit3A_366 : i32 to vector<16xi32>
                %select_n3A_368 = arith.select %eq3A_365, %gather3A_351, %broadcast_in_dim3A_367 : vector<16xi1>, vector<16xi32>
                %shift_left3A_369 = arith.constant 4 : i32
                %shift_left3A_370 = vector.broadcast %shift_left3A_369 : i32 to vector<16xi32>
                %shift_left3A_371 = arith.shli %and3A_360, %shift_left3A_370 : vector<16xi32>
                %add3A_372 = arith.addi %shift_left3A_371, %iota3A : vector<16xi32>
                tpu.vector_store_idx %arg6[%add3A_372], %select_n3A_368 {add = true} : memref<65536xi32, #tpu.memory_space<vmem>>[vector<16xi32>], vector<16xi32>,
                %mul3A_373 = arith.constant 8 : i32
                %mul3A_374 = arith.muli %scan3A_271, %mul3A_373 : i32
                %add3A_375 = arith.constant 3 : i32
                %add3A_376 = arith.addi %mul3A_374, %add3A_375 : i32
                %mul3A_377 = arith.constant 16 : i32
                %mul3A_378 = arith.muli %add3A_376, %mul3A_377 : i32
                %add3A_379 = arith.addi %mul3A_264, %mul3A_378 : i32
                %add3A_380 = vector.broadcast %add3A_379 : i32 to vector<16xi32>
                %add3A_381 = arith.addi %add3A_380, %iota3A : vector<16xi32>
                %gather3A_382 = tpu.vector_load_idx %arg5[%add3A_381] : memref<24576xi32, #tpu.memory_space<vmem>>[vector<16xi32>], vector<16xi32>,
                %add3A_383 = vector.broadcast %mul3A_378 : i32 to vector<16xi32>
                %add3A_384 = arith.addi %add3A_383, %iota3A : vector<16xi32>
                %gather3A_385 = tpu.vector_load_idx %arg7[%add3A_384] : memref<384xi32, #tpu.memory_space<vmem>>[vector<16xi32>], vector<16xi32>,
                %xor3A_386 = arith.constant -2147483648 : i32
                %xor3A_387 = vector.broadcast %xor3A_386 : i32 to vector<16xi32>
                %xor3A_388 = arith.xori %gather3A_382, %xor3A_387 : vector<16xi32>
                %shift_right_logical3A_389 = arith.constant 8 : i32
                %shift_right_logical3A_390 = vector.broadcast %shift_right_logical3A_389 : i32 to vector<16xi32>
                %shift_right_logical3A_391 = arith.shrui %xor3A_388, %shift_right_logical3A_390 : vector<16xi32>
                %and3A_392 = arith.constant 4095 : i32
                %and3A_393 = vector.broadcast %and3A_392 : i32 to vector<16xi32>
                %and3A_394 = arith.andi %shift_right_logical3A_391, %and3A_393 : vector<16xi32>
                %shift_right_logical3A_395 = arith.constant 20 : i32
                %shift_right_logical3A_396 = vector.broadcast %shift_right_logical3A_395 : i32 to vector<16xi32>
                %shift_right_logical3A_397 = arith.shrui %xor3A_388, %shift_right_logical3A_396 : vector<16xi32>
                %eq3A_398 = vector.broadcast %scan3A_118#1 : i32 to vector<16xi32>
                %eq3A_399 = arith.cmpi eq, %shift_right_logical3A_397, %eq3A_398 : vector<16xi32>
                %jit3A_400 = arith.constant 0 : i32
                %broadcast_in_dim3A_401 = vector.broadcast %jit3A_400 : i32 to vector<16xi32>
                %select_n3A_402 = arith.select %eq3A_399, %gather3A_385, %broadcast_in_dim3A_401 : vector<16xi1>, vector<16xi32>
                %shift_left3A_403 = arith.constant 4 : i32
                %shift_left3A_404 = vector.broadcast %shift_left3A_403 : i32 to vector<16xi32>
                %shift_left3A_405 = arith.shli %and3A_394, %shift_left3A_404 : vector<16xi32>
                %add3A_406 = arith.addi %shift_left3A_405, %iota3A : vector<16xi32>
                tpu.vector_store_idx %arg6[%add3A_406], %select_n3A_402 {add = true} : memref<65536xi32, #tpu.memory_space<vmem>>[vector<16xi32>], vector<16xi32>,
                %mul3A_407 = arith.constant 8 : i32
                %mul3A_408 = arith.muli %scan3A_271, %mul3A_407 : i32
                %add3A_409 = arith.constant 4 : i32
                %add3A_410 = arith.addi %mul3A_408, %add3A_409 : i32
                %mul3A_411 = arith.constant 16 : i32
                %mul3A_412 = arith.muli %add3A_410, %mul3A_411 : i32
                %add3A_413 = arith.addi %mul3A_264, %mul3A_412 : i32
                %add3A_414 = vector.broadcast %add3A_413 : i32 to vector<16xi32>
                %add3A_415 = arith.addi %add3A_414, %iota3A : vector<16xi32>
                %gather3A_416 = tpu.vector_load_idx %arg5[%add3A_415] : memref<24576xi32, #tpu.memory_space<vmem>>[vector<16xi32>], vector<16xi32>,
                %add3A_417 = vector.broadcast %mul3A_412 : i32 to vector<16xi32>
                %add3A_418 = arith.addi %add3A_417, %iota3A : vector<16xi32>
                %gather3A_419 = tpu.vector_load_idx %arg7[%add3A_418] : memref<384xi32, #tpu.memory_space<vmem>>[vector<16xi32>], vector<16xi32>,
                %xor3A_420 = arith.constant -2147483648 : i32
                %xor3A_421 = vector.broadcast %xor3A_420 : i32 to vector<16xi32>
                %xor3A_422 = arith.xori %gather3A_416, %xor3A_421 : vector<16xi32>
                %shift_right_logical3A_423 = arith.constant 8 : i32
                %shift_right_logical3A_424 = vector.broadcast %shift_right_logical3A_423 : i32 to vector<16xi32>
                %shift_right_logical3A_425 = arith.shrui %xor3A_422, %shift_right_logical3A_424 : vector<16xi32>
                %and3A_426 = arith.constant 4095 : i32
                %and3A_427 = vector.broadcast %and3A_426 : i32 to vector<16xi32>
                %and3A_428 = arith.andi %shift_right_logical3A_425, %and3A_427 : vector<16xi32>
                %shift_right_logical3A_429 = arith.constant 20 : i32
                %shift_right_logical3A_430 = vector.broadcast %shift_right_logical3A_429 : i32 to vector<16xi32>
                %shift_right_logical3A_431 = arith.shrui %xor3A_422, %shift_right_logical3A_430 : vector<16xi32>
                %eq3A_432 = vector.broadcast %scan3A_118#1 : i32 to vector<16xi32>
                %eq3A_433 = arith.cmpi eq, %shift_right_logical3A_431, %eq3A_432 : vector<16xi32>
                %jit3A_434 = arith.constant 0 : i32
                %broadcast_in_dim3A_435 = vector.broadcast %jit3A_434 : i32 to vector<16xi32>
                %select_n3A_436 = arith.select %eq3A_433, %gather3A_419, %broadcast_in_dim3A_435 : vector<16xi1>, vector<16xi32>
                %shift_left3A_437 = arith.constant 4 : i32
                %shift_left3A_438 = vector.broadcast %shift_left3A_437 : i32 to vector<16xi32>
                %shift_left3A_439 = arith.shli %and3A_428, %shift_left3A_438 : vector<16xi32>
                %add3A_440 = arith.addi %shift_left3A_439, %iota3A : vector<16xi32>
                tpu.vector_store_idx %arg6[%add3A_440], %select_n3A_436 {add = true} : memref<65536xi32, #tpu.memory_space<vmem>>[vector<16xi32>], vector<16xi32>,
                %mul3A_441 = arith.constant 8 : i32
                %mul3A_442 = arith.muli %scan3A_271, %mul3A_441 : i32
                %add3A_443 = arith.constant 5 : i32
                %add3A_444 = arith.addi %mul3A_442, %add3A_443 : i32
                %mul3A_445 = arith.constant 16 : i32
                %mul3A_446 = arith.muli %add3A_444, %mul3A_445 : i32
                %add3A_447 = arith.addi %mul3A_264, %mul3A_446 : i32
                %add3A_448 = vector.broadcast %add3A_447 : i32 to vector<16xi32>
                %add3A_449 = arith.addi %add3A_448, %iota3A : vector<16xi32>
                %gather3A_450 = tpu.vector_load_idx %arg5[%add3A_449] : memref<24576xi32, #tpu.memory_space<vmem>>[vector<16xi32>], vector<16xi32>,
                %add3A_451 = vector.broadcast %mul3A_446 : i32 to vector<16xi32>
                %add3A_452 = arith.addi %add3A_451, %iota3A : vector<16xi32>
                %gather3A_453 = tpu.vector_load_idx %arg7[%add3A_452] : memref<384xi32, #tpu.memory_space<vmem>>[vector<16xi32>], vector<16xi32>,
                %xor3A_454 = arith.constant -2147483648 : i32
                %xor3A_455 = vector.broadcast %xor3A_454 : i32 to vector<16xi32>
                %xor3A_456 = arith.xori %gather3A_450, %xor3A_455 : vector<16xi32>
                %shift_right_logical3A_457 = arith.constant 8 : i32
                %shift_right_logical3A_458 = vector.broadcast %shift_right_logical3A_457 : i32 to vector<16xi32>
                %shift_right_logical3A_459 = arith.shrui %xor3A_456, %shift_right_logical3A_458 : vector<16xi32>
                %and3A_460 = arith.constant 4095 : i32
                %and3A_461 = vector.broadcast %and3A_460 : i32 to vector<16xi32>
                %and3A_462 = arith.andi %shift_right_logical3A_459, %and3A_461 : vector<16xi32>
                %shift_right_logical3A_463 = arith.constant 20 : i32
                %shift_right_logical3A_464 = vector.broadcast %shift_right_logical3A_463 : i32 to vector<16xi32>
                %shift_right_logical3A_465 = arith.shrui %xor3A_456, %shift_right_logical3A_464 : vector<16xi32>
                %eq3A_466 = vector.broadcast %scan3A_118#1 : i32 to vector<16xi32>
                %eq3A_467 = arith.cmpi eq, %shift_right_logical3A_465, %eq3A_466 : vector<16xi32>
                %jit3A_468 = arith.constant 0 : i32
                %broadcast_in_dim3A_469 = vector.broadcast %jit3A_468 : i32 to vector<16xi32>
                %select_n3A_470 = arith.select %eq3A_467, %gather3A_453, %broadcast_in_dim3A_469 : vector<16xi1>, vector<16xi32>
                %shift_left3A_471 = arith.constant 4 : i32
                %shift_left3A_472 = vector.broadcast %shift_left3A_471 : i32 to vector<16xi32>
                %shift_left3A_473 = arith.shli %and3A_462, %shift_left3A_472 : vector<16xi32>
                %add3A_474 = arith.addi %shift_left3A_473, %iota3A : vector<16xi32>
                tpu.vector_store_idx %arg6[%add3A_474], %select_n3A_470 {add = true} : memref<65536xi32, #tpu.memory_space<vmem>>[vector<16xi32>], vector<16xi32>,
                %mul3A_475 = arith.constant 8 : i32
                %mul3A_476 = arith.muli %scan3A_271, %mul3A_475 : i32
                %add3A_477 = arith.constant 6 : i32
                %add3A_478 = arith.addi %mul3A_476, %add3A_477 : i32
                %mul3A_479 = arith.constant 16 : i32
                %mul3A_480 = arith.muli %add3A_478, %mul3A_479 : i32
                %add3A_481 = arith.addi %mul3A_264, %mul3A_480 : i32
                %add3A_482 = vector.broadcast %add3A_481 : i32 to vector<16xi32>
                %add3A_483 = arith.addi %add3A_482, %iota3A : vector<16xi32>
                %gather3A_484 = tpu.vector_load_idx %arg5[%add3A_483] : memref<24576xi32, #tpu.memory_space<vmem>>[vector<16xi32>], vector<16xi32>,
                %add3A_485 = vector.broadcast %mul3A_480 : i32 to vector<16xi32>
                %add3A_486 = arith.addi %add3A_485, %iota3A : vector<16xi32>
                %gather3A_487 = tpu.vector_load_idx %arg7[%add3A_486] : memref<384xi32, #tpu.memory_space<vmem>>[vector<16xi32>], vector<16xi32>,
                %xor3A_488 = arith.constant -2147483648 : i32
                %xor3A_489 = vector.broadcast %xor3A_488 : i32 to vector<16xi32>
                %xor3A_490 = arith.xori %gather3A_484, %xor3A_489 : vector<16xi32>
                %shift_right_logical3A_491 = arith.constant 8 : i32
                %shift_right_logical3A_492 = vector.broadcast %shift_right_logical3A_491 : i32 to vector<16xi32>
                %shift_right_logical3A_493 = arith.shrui %xor3A_490, %shift_right_logical3A_492 : vector<16xi32>
                %and3A_494 = arith.constant 4095 : i32
                %and3A_495 = vector.broadcast %and3A_494 : i32 to vector<16xi32>
                %and3A_496 = arith.andi %shift_right_logical3A_493, %and3A_495 : vector<16xi32>
                %shift_right_logical3A_497 = arith.constant 20 : i32
                %shift_right_logical3A_498 = vector.broadcast %shift_right_logical3A_497 : i32 to vector<16xi32>
                %shift_right_logical3A_499 = arith.shrui %xor3A_490, %shift_right_logical3A_498 : vector<16xi32>
                %eq3A_500 = vector.broadcast %scan3A_118#1 : i32 to vector<16xi32>
                %eq3A_501 = arith.cmpi eq, %shift_right_logical3A_499, %eq3A_500 : vector<16xi32>
                %jit3A_502 = arith.constant 0 : i32
                %broadcast_in_dim3A_503 = vector.broadcast %jit3A_502 : i32 to vector<16xi32>
                %select_n3A_504 = arith.select %eq3A_501, %gather3A_487, %broadcast_in_dim3A_503 : vector<16xi1>, vector<16xi32>
                %shift_left3A_505 = arith.constant 4 : i32
                %shift_left3A_506 = vector.broadcast %shift_left3A_505 : i32 to vector<16xi32>
                %shift_left3A_507 = arith.shli %and3A_496, %shift_left3A_506 : vector<16xi32>
                %add3A_508 = arith.addi %shift_left3A_507, %iota3A : vector<16xi32>
                tpu.vector_store_idx %arg6[%add3A_508], %select_n3A_504 {add = true} : memref<65536xi32, #tpu.memory_space<vmem>>[vector<16xi32>], vector<16xi32>,
                %mul3A_509 = arith.constant 8 : i32
                %mul3A_510 = arith.muli %scan3A_271, %mul3A_509 : i32
                %add3A_511 = arith.constant 7 : i32
                %add3A_512 = arith.addi %mul3A_510, %add3A_511 : i32
                %mul3A_513 = arith.constant 16 : i32
                %mul3A_514 = arith.muli %add3A_512, %mul3A_513 : i32
                %add3A_515 = arith.addi %mul3A_264, %mul3A_514 : i32
                %add3A_516 = vector.broadcast %add3A_515 : i32 to vector<16xi32>
                %add3A_517 = arith.addi %add3A_516, %iota3A : vector<16xi32>
                %gather3A_518 = tpu.vector_load_idx %arg5[%add3A_517] : memref<24576xi32, #tpu.memory_space<vmem>>[vector<16xi32>], vector<16xi32>,
                %add3A_519 = vector.broadcast %mul3A_514 : i32 to vector<16xi32>
                %add3A_520 = arith.addi %add3A_519, %iota3A : vector<16xi32>
                %gather3A_521 = tpu.vector_load_idx %arg7[%add3A_520] : memref<384xi32, #tpu.memory_space<vmem>>[vector<16xi32>], vector<16xi32>,
                %xor3A_522 = arith.constant -2147483648 : i32
                %xor3A_523 = vector.broadcast %xor3A_522 : i32 to vector<16xi32>
                %xor3A_524 = arith.xori %gather3A_518, %xor3A_523 : vector<16xi32>
                %shift_right_logical3A_525 = arith.constant 8 : i32
                %shift_right_logical3A_526 = vector.broadcast %shift_right_logical3A_525 : i32 to vector<16xi32>
                %shift_right_logical3A_527 = arith.shrui %xor3A_524, %shift_right_logical3A_526 : vector<16xi32>
                %and3A_528 = arith.constant 4095 : i32
                %and3A_529 = vector.broadcast %and3A_528 : i32 to vector<16xi32>
                %and3A_530 = arith.andi %shift_right_logical3A_527, %and3A_529 : vector<16xi32>
                %shift_right_logical3A_531 = arith.constant 20 : i32
                %shift_right_logical3A_532 = vector.broadcast %shift_right_logical3A_531 : i32 to vector<16xi32>
                %shift_right_logical3A_533 = arith.shrui %xor3A_524, %shift_right_logical3A_532 : vector<16xi32>
                %eq3A_534 = vector.broadcast %scan3A_118#1 : i32 to vector<16xi32>
                %eq3A_535 = arith.cmpi eq, %shift_right_logical3A_533, %eq3A_534 : vector<16xi32>
                %jit3A_536 = arith.constant 0 : i32
                %broadcast_in_dim3A_537 = vector.broadcast %jit3A_536 : i32 to vector<16xi32>
                %select_n3A_538 = arith.select %eq3A_535, %gather3A_521, %broadcast_in_dim3A_537 : vector<16xi1>, vector<16xi32>
                %shift_left3A_539 = arith.constant 4 : i32
                %shift_left3A_540 = vector.broadcast %shift_left3A_539 : i32 to vector<16xi32>
                %shift_left3A_541 = arith.shli %and3A_530, %shift_left3A_540 : vector<16xi32>
                %add3A_542 = arith.addi %shift_left3A_541, %iota3A : vector<16xi32>
                tpu.vector_store_idx %arg6[%add3A_542], %select_n3A_538 {add = true} : memref<65536xi32, #tpu.memory_space<vmem>>[vector<16xi32>], vector<16xi32>,
              }
              %scan3A_270 = arith.constant 3 : i32
            } else {
            }
          }
          %scan3A_251 = arith.constant 64 : i32
        }
        %scan3A_139 = arith.constant 3 : i32
        %scan3A_140 = arith.constant 0 : i32
        %scan3A_141 = arith.constant 0 : i32
        %scan3A_142 = arith.constant -1 : i32
        %scan3A_143 = arith.constant 0 : i32
        %scan3A_144 = arith.constant 0 : i32
        %scan3A_145 = arith.constant 256 : i32
        %scan3A_146 = arith.addi %scan3A_144, %scan3A_145 : i32
        %scan3A_147 = arith.constant 1 : i32
        %scan3A_148:3 = scf.for %scan3A_190 = %scan3A_144 to %scan3A_146 step %scan3A_147 iter_args(%scan3A_191 = %scan3A_141, %scan3A_192 = %scan3A_142, %scan3A_193 = %scan3A_143) -> (i32, i32, i32)  : i32 {
          %sub3A_194 = arith.constant 255 : i32
          %sub3A_195 = arith.subi %sub3A_194, %scan3A_190 : i32
          %mul3A_196 = arith.constant 16 : i32
          %mul3A_197 = arith.muli %sub3A_195, %mul3A_196 : i32
          %add3A_198 = arith.addi %scan3A_140, %mul3A_197 : i32
          %add3A_199 = vector.broadcast %add3A_198 : i32 to vector<16xi32>
          %add3A_200 = arith.addi %add3A_199, %iota3A : vector<16xi32>
          %mul3A_201 = arith.constant 16 : i32
          %mul3A_202 = vector.broadcast %mul3A_201 : i32 to vector<16xi32>
          %mul3A_203 = arith.muli %add3A_200, %mul3A_202 : vector<16xi32>
          %add3A_204 = arith.constant 0 : i32
          %add3A_205 = vector.broadcast %add3A_204 : i32 to vector<16xi32>
          %add3A_206 = arith.addi %mul3A_203, %add3A_205 : vector<16xi32>
          %gather3A = tpu.vector_load_idx %arg6[%add3A_206] : memref<65536xi32, #tpu.memory_space<vmem>>[vector<16xi32>], vector<16xi32>,
          %add3A_207 = arith.addi %broadcast_in_dim3A_1, %gather3A : vector<16xi32>
          %mul3A_208 = arith.constant 16 : i32
          %mul3A_209 = vector.broadcast %mul3A_208 : i32 to vector<16xi32>
          %mul3A_210 = arith.muli %add3A_200, %mul3A_209 : vector<16xi32>
          %add3A_211 = arith.constant 1 : i32
          %add3A_212 = vector.broadcast %add3A_211 : i32 to vector<16xi32>
          %add3A_213 = arith.addi %mul3A_210, %add3A_212 : vector<16xi32>
          %gather3A_214 = tpu.vector_load_idx %arg6[%add3A_213] : memref<65536xi32, #tpu.memory_space<vmem>>[vector<16xi32>], vector<16xi32>,
          %add3A_215 = arith.addi %add3A_207, %gather3A_214 : vector<16xi32>
          %mul3A_216 = arith.constant 16 : i32
          %mul3A_217 = vector.broadcast %mul3A_216 : i32 to vector<16xi32>
          %mul3A_218 = arith.muli %add3A_200, %mul3A_217 : vector<16xi32>
          %add3A_219 = arith.constant 2 : i32
          %add3A_220 = vector.broadcast %add3A_219 : i32 to vector<16xi32>
          %add3A_221 = arith.addi %mul3A_218, %add3A_220 : vector<16xi32>
          %gather3A_222 = tpu.vector_load_idx %arg6[%add3A_221] : memref<65536xi32, #tpu.memory_space<vmem>>[vector<16xi32>], vector<16xi32>,
          %add3A_223 = arith.addi %add3A_215, %gather3A_222 : vector<16xi32>
          %mul3A_224 = arith.constant 16 : i32
          %mul3A_225 = vector.broadcast %mul3A_224 : i32 to vector<16xi32>
          %mul3A_226 = arith.muli %add3A_200, %mul3A_225 : vector<16xi32>
          %add3A_227 = arith.constant 3 : i32
          %add3A_228 = vector.broadcast %add3A_227 : i32 to vector<16xi32>
          %add3A_229 = arith.addi %mul3A_226, %add3A_228 : vector<16xi32>
          %gather3A_230 = tpu.vector_load_idx %arg6[%add3A_229] : memref<65536xi32, #tpu.memory_space<vmem>>[vector<16xi32>], vector<16xi32>,
          %add3A_231 = arith.addi %add3A_223, %gather3A_230 : vector<16xi32>
          %mul3A_232 = arith.constant 16 : i32
          %mul3A_233 = vector.broadcast %mul3A_232 : i32 to vector<16xi32>
          %mul3A_234 = arith.muli %add3A_200, %mul3A_233 : vector<16xi32>
          %add3A_235 = arith.constant 4 : i32
          %add3A_236 = vector.broadcast %add3A_235 : i32 to vector<16xi32>
          %add3A_237 = arith.addi %mul3A_234, %add3A_236 : vector<16xi32>
          %gather3A_238 = tpu.vector_load_idx %arg6[%add3A_237] : memref<65536xi32, #tpu.memory_space<vmem>>[vector<16xi32>], vector<16xi32>,
          %add3A_239 = arith.addi %add3A_231, %gather3A_238 : vector<16xi32>
          %mul3A_240 = arith.constant 16 : i32
          %mul3A_241 = vector.broadcast %mul3A_240 : i32 to vector<16xi32>
          %mul3A_242 = arith.muli %add3A_200, %mul3A_241 : vector<16xi32>
          %add3A_243 = arith.constant 5 : i32
          %add3A_244 = vector.broadcast %add3A_243 : i32 to vector<16xi32>
          %add3A_245 = arith.addi %mul3A_242, %add3A_244 : vector<16xi32>
          %gather3A_246 = tpu.vector_load_idx %arg6[%add3A_245] : memref<65536xi32, #tpu.memory_space<vmem>>[vector<16xi32>], vector<16xi32>,
          %add3A_247 = arith.addi %add3A_239, %gather3A_246 : vector<16xi32>
          %mul3A_248 = arith.constant 16 : i32
          %mul3A_249 = vector.broadcast %mul3A_248 : i32 to vector<16xi32>
          %mul3A_250 = arith.muli %add3A_200, %mul3A_249 : vector<16xi32>
          %add3A_251 = arith.constant 6 : i32
          %add3A_252 = vector.broadcast %add3A_251 : i32 to vector<16xi32>
          %add3A_253 = arith.addi %mul3A_250, %add3A_252 : vector<16xi32>
          %gather3A_254 = tpu.vector_load_idx %arg6[%add3A_253] : memref<65536xi32, #tpu.memory_space<vmem>>[vector<16xi32>], vector<16xi32>,
          %add3A_255 = arith.addi %add3A_247, %gather3A_254 : vector<16xi32>
          %mul3A_256 = arith.constant 16 : i32
          %mul3A_257 = vector.broadcast %mul3A_256 : i32 to vector<16xi32>
          %mul3A_258 = arith.muli %add3A_200, %mul3A_257 : vector<16xi32>
          %add3A_259 = arith.constant 7 : i32
          %add3A_260 = vector.broadcast %add3A_259 : i32 to vector<16xi32>
          %add3A_261 = arith.addi %mul3A_258, %add3A_260 : vector<16xi32>
          %gather3A_262 = tpu.vector_load_idx %arg6[%add3A_261] : memref<65536xi32, #tpu.memory_space<vmem>>[vector<16xi32>], vector<16xi32>,
          %add3A_263 = arith.addi %add3A_255, %gather3A_262 : vector<16xi32>
          %mul3A_264 = arith.constant 16 : i32
          %mul3A_265 = vector.broadcast %mul3A_264 : i32 to vector<16xi32>
          %mul3A_266 = arith.muli %add3A_200, %mul3A_265 : vector<16xi32>
          %add3A_267 = arith.constant 8 : i32
          %add3A_268 = vector.broadcast %add3A_267 : i32 to vector<16xi32>
          %add3A_269 = arith.addi %mul3A_266, %add3A_268 : vector<16xi32>
          %gather3A_270 = tpu.vector_load_idx %arg6[%add3A_269] : memref<65536xi32, #tpu.memory_space<vmem>>[vector<16xi32>], vector<16xi32>,
          %add3A_271 = arith.addi %add3A_263, %gather3A_270 : vector<16xi32>
          %mul3A_272 = arith.constant 16 : i32
          %mul3A_273 = vector.broadcast %mul3A_272 : i32 to vector<16xi32>
          %mul3A_274 = arith.muli %add3A_200, %mul3A_273 : vector<16xi32>
          %add3A_275 = arith.constant 9 : i32
          %add3A_276 = vector.broadcast %add3A_275 : i32 to vector<16xi32>
          %add3A_277 = arith.addi %mul3A_274, %add3A_276 : vector<16xi32>
          %gather3A_278 = tpu.vector_load_idx %arg6[%add3A_277] : memref<65536xi32, #tpu.memory_space<vmem>>[vector<16xi32>], vector<16xi32>,
          %add3A_279 = arith.addi %add3A_271, %gather3A_278 : vector<16xi32>
          %mul3A_280 = arith.constant 16 : i32
          %mul3A_281 = vector.broadcast %mul3A_280 : i32 to vector<16xi32>
          %mul3A_282 = arith.muli %add3A_200, %mul3A_281 : vector<16xi32>
          %add3A_283 = arith.constant 10 : i32
          %add3A_284 = vector.broadcast %add3A_283 : i32 to vector<16xi32>
          %add3A_285 = arith.addi %mul3A_282, %add3A_284 : vector<16xi32>
          %gather3A_286 = tpu.vector_load_idx %arg6[%add3A_285] : memref<65536xi32, #tpu.memory_space<vmem>>[vector<16xi32>], vector<16xi32>,
          %add3A_287 = arith.addi %add3A_279, %gather3A_286 : vector<16xi32>
          %mul3A_288 = arith.constant 16 : i32
          %mul3A_289 = vector.broadcast %mul3A_288 : i32 to vector<16xi32>
          %mul3A_290 = arith.muli %add3A_200, %mul3A_289 : vector<16xi32>
          %add3A_291 = arith.constant 11 : i32
          %add3A_292 = vector.broadcast %add3A_291 : i32 to vector<16xi32>
          %add3A_293 = arith.addi %mul3A_290, %add3A_292 : vector<16xi32>
          %gather3A_294 = tpu.vector_load_idx %arg6[%add3A_293] : memref<65536xi32, #tpu.memory_space<vmem>>[vector<16xi32>], vector<16xi32>,
          %add3A_295 = arith.addi %add3A_287, %gather3A_294 : vector<16xi32>
          %mul3A_296 = arith.constant 16 : i32
          %mul3A_297 = vector.broadcast %mul3A_296 : i32 to vector<16xi32>
          %mul3A_298 = arith.muli %add3A_200, %mul3A_297 : vector<16xi32>
          %add3A_299 = arith.constant 12 : i32
          %add3A_300 = vector.broadcast %add3A_299 : i32 to vector<16xi32>
          %add3A_301 = arith.addi %mul3A_298, %add3A_300 : vector<16xi32>
          %gather3A_302 = tpu.vector_load_idx %arg6[%add3A_301] : memref<65536xi32, #tpu.memory_space<vmem>>[vector<16xi32>], vector<16xi32>,
          %add3A_303 = arith.addi %add3A_295, %gather3A_302 : vector<16xi32>
          %mul3A_304 = arith.constant 16 : i32
          %mul3A_305 = vector.broadcast %mul3A_304 : i32 to vector<16xi32>
          %mul3A_306 = arith.muli %add3A_200, %mul3A_305 : vector<16xi32>
          %add3A_307 = arith.constant 13 : i32
          %add3A_308 = vector.broadcast %add3A_307 : i32 to vector<16xi32>
          %add3A_309 = arith.addi %mul3A_306, %add3A_308 : vector<16xi32>
          %gather3A_310 = tpu.vector_load_idx %arg6[%add3A_309] : memref<65536xi32, #tpu.memory_space<vmem>>[vector<16xi32>], vector<16xi32>,
          %add3A_311 = arith.addi %add3A_303, %gather3A_310 : vector<16xi32>
          %mul3A_312 = arith.constant 16 : i32
          %mul3A_313 = vector.broadcast %mul3A_312 : i32 to vector<16xi32>
          %mul3A_314 = arith.muli %add3A_200, %mul3A_313 : vector<16xi32>
          %add3A_315 = arith.constant 14 : i32
          %add3A_316 = vector.broadcast %add3A_315 : i32 to vector<16xi32>
          %add3A_317 = arith.addi %mul3A_314, %add3A_316 : vector<16xi32>
          %gather3A_318 = tpu.vector_load_idx %arg6[%add3A_317] : memref<65536xi32, #tpu.memory_space<vmem>>[vector<16xi32>], vector<16xi32>,
          %add3A_319 = arith.addi %add3A_311, %gather3A_318 : vector<16xi32>
          %mul3A_320 = arith.constant 16 : i32
          %mul3A_321 = vector.broadcast %mul3A_320 : i32 to vector<16xi32>
          %mul3A_322 = arith.muli %add3A_200, %mul3A_321 : vector<16xi32>
          %add3A_323 = arith.constant 15 : i32
          %add3A_324 = vector.broadcast %add3A_323 : i32 to vector<16xi32>
          %add3A_325 = arith.addi %mul3A_322, %add3A_324 : vector<16xi32>
          %gather3A_326 = tpu.vector_load_idx %arg6[%add3A_325] : memref<65536xi32, #tpu.memory_space<vmem>>[vector<16xi32>], vector<16xi32>,
          %add3A_327 = arith.addi %add3A_319, %gather3A_326 : vector<16xi32>
          %rev3A = arith.constant 15 : i32
          %rev3A_328 = vector.broadcast %rev3A : i32 to vector<16xi32>
          %rev3A_329 = tpu.iota {dimensions = array<i32: 0>} : vector<16xi32>
          %rev3A_330 = arith.subi %rev3A_328, %rev3A_329 : vector<16xi32>
          %rev3A_331 = tpu.dynamic_gather %add3A_327[%rev3A_330] in [0] : vector<16xi32>, vector<16xi32> -> vector<16xi32>
          %cumsum3A = arith.constant true
          %cumsum3A_332 = vector.broadcast %cumsum3A : i1 to vector<16xi1>
          %cumsum3A_333 = tpu.scan <sum>, %rev3A_331 masked %cumsum3A_332 : vector<16xi32>, vector<16xi1> -> vector<16xi32>
          %rev3A_334 = arith.constant 15 : i32
          %rev3A_335 = vector.broadcast %rev3A_334 : i32 to vector<16xi32>
          %rev3A_336 = tpu.iota {dimensions = array<i32: 0>} : vector<16xi32>
          %rev3A_337 = arith.subi %rev3A_335, %rev3A_336 : vector<16xi32>
          %rev3A_338 = tpu.dynamic_gather %cumsum3A_333[%rev3A_337] in [0] : vector<16xi32>, vector<16xi32> -> vector<16xi32>
          %add3A_339 = vector.broadcast %scan3A_191 : i32 to vector<16xi32>
          %add3A_340 = arith.addi %add3A_339, %rev3A_338 : vector<16xi32>
          %sub3A_341 = arith.subi %add3A_340, %add3A_327 : vector<16xi32>
          %ge3A = vector.broadcast %scan3A_118#2 : i32 to vector<16xi32>
          %ge3A_342 = arith.cmpi sge, %add3A_340, %ge3A : vector<16xi32>
          %lt3A_343 = vector.broadcast %scan3A_118#2 : i32 to vector<16xi32>
          %lt3A_344 = arith.cmpi slt, %sub3A_341, %lt3A_343 : vector<16xi32>
          %and3A_345 = arith.andi %ge3A_342, %lt3A_344 : vector<16xi1>
          %add3A_346 = arith.constant 1 : i32
          %add3A_347 = vector.broadcast %add3A_346 : i32 to vector<16xi32>
          %add3A_348 = arith.addi %add3A_200, %add3A_347 : vector<16xi32>
          %jit3A_349 = arith.constant 0 : i32
          %broadcast_in_dim3A_350 = vector.broadcast %jit3A_349 : i32 to vector<16xi32>
          %select_n3A_351 = arith.select %and3A_345, %add3A_348, %broadcast_in_dim3A_350 : vector<16xi1>, vector<16xi32>
          %reduce_sum3A = arith.constant true
          %reduce_sum3A_352 = vector.broadcast %reduce_sum3A : i1 to vector<16xi1>
          %reduce_sum3A_353 = tpu.scan <sum>, %select_n3A_351 masked %reduce_sum3A_352 : vector<16xi32>, vector<16xi1> -> vector<16xi32>
          %reduce_sum3A_354 = vector.extract %reduce_sum3A_353[15] : i32 from vector<16xi32>
          %add3A_355 = arith.addi %scan3A_192, %reduce_sum3A_354 : i32
          %sub3A_356 = vector.broadcast %scan3A_118#2 : i32 to vector<16xi32>
          %sub3A_357 = arith.subi %sub3A_356, %sub3A_341 : vector<16xi32>
          %jit3A_358 = arith.constant 0 : i32
          %broadcast_in_dim3A_359 = vector.broadcast %jit3A_358 : i32 to vector<16xi32>
          %select_n3A_360 = arith.select %and3A_345, %sub3A_357, %broadcast_in_dim3A_359 : vector<16xi1>, vector<16xi32>
          %reduce_sum3A_361 = arith.constant true
          %reduce_sum3A_362 = vector.broadcast %reduce_sum3A_361 : i1 to vector<16xi1>
          %reduce_sum3A_363 = tpu.scan <sum>, %select_n3A_360 masked %reduce_sum3A_362 : vector<16xi32>, vector<16xi1> -> vector<16xi32>
          %reduce_sum3A_364 = vector.extract %reduce_sum3A_363[15] : i32 from vector<16xi32>
          %add3A_365 = arith.addi %scan3A_193, %reduce_sum3A_364 : i32
          %reduce_sum3A_366 = arith.constant true
          %reduce_sum3A_367 = vector.broadcast %reduce_sum3A_366 : i1 to vector<16xi1>
          %reduce_sum3A_368 = tpu.scan <sum>, %add3A_327 masked %reduce_sum3A_367 : vector<16xi32>, vector<16xi1> -> vector<16xi32>
          %reduce_sum3A_369 = vector.extract %reduce_sum3A_368[15] : i32 from vector<16xi32>
          %add3A_370 = arith.addi %scan3A_191, %reduce_sum3A_369 : i32
          scf.yield %add3A_370, %add3A_355, %add3A_365 : i32, i32, i32
        }
        %scan3A_149 = arith.constant 256 : i32
        %shift_left3A = arith.constant 12 : i32
        %shift_left3A_150 = arith.shli %scan3A_118#1, %shift_left3A : i32
        %or3A = arith.ori %shift_left3A_150, %scan3A_148#1 : i32
        %scan3A_151 = arith.constant 0 : i32
        %scan3A_152 = arith.constant 0 : i32
        %scan3A_153 = arith.constant 512 : i32
        %scan3A_154 = arith.addi %scan3A_152, %scan3A_153 : i32
        %scan3A_155 = arith.constant 1 : i32
        scf.for %scan3A_190 = %scan3A_152 to %scan3A_154 step %scan3A_155  : i32 {
          %mul3A_191 = arith.constant 128 : i32
          %mul3A_192 = arith.muli %scan3A_190, %mul3A_191 : i32
          %add3A_193 = arith.constant 0 : i32
          %add3A_194 = arith.addi %mul3A_192, %add3A_193 : i32
          %add3A_195 = vector.broadcast %add3A_194 : i32 to vector<16xi32>
          %add3A_196 = arith.addi %add3A_195, %iota3A : vector<16xi32>
          tpu.vector_store_idx %arg6[%add3A_196], %broadcast_in_dim3A_1 : memref<65536xi32, #tpu.memory_space<vmem>>[vector<16xi32>], vector<16xi32>,
          %mul3A_197 = arith.constant 128 : i32
          %mul3A_198 = arith.muli %scan3A_190, %mul3A_197 : i32
          %add3A_199 = arith.constant 16 : i32
          %add3A_200 = arith.addi %mul3A_198, %add3A_199 : i32
          %add3A_201 = vector.broadcast %add3A_200 : i32 to vector<16xi32>
          %add3A_202 = arith.addi %add3A_201, %iota3A : vector<16xi32>
          tpu.vector_store_idx %arg6[%add3A_202], %broadcast_in_dim3A_1 : memref<65536xi32, #tpu.memory_space<vmem>>[vector<16xi32>], vector<16xi32>,
          %mul3A_203 = arith.constant 128 : i32
          %mul3A_204 = arith.muli %scan3A_190, %mul3A_203 : i32
          %add3A_205 = arith.constant 32 : i32
          %add3A_206 = arith.addi %mul3A_204, %add3A_205 : i32
          %add3A_207 = vector.broadcast %add3A_206 : i32 to vector<16xi32>
          %add3A_208 = arith.addi %add3A_207, %iota3A : vector<16xi32>
          tpu.vector_store_idx %arg6[%add3A_208], %broadcast_in_dim3A_1 : memref<65536xi32, #tpu.memory_space<vmem>>[vector<16xi32>], vector<16xi32>,
          %mul3A_209 = arith.constant 128 : i32
          %mul3A_210 = arith.muli %scan3A_190, %mul3A_209 : i32
          %add3A_211 = arith.constant 48 : i32
          %add3A_212 = arith.addi %mul3A_210, %add3A_211 : i32
          %add3A_213 = vector.broadcast %add3A_212 : i32 to vector<16xi32>
          %add3A_214 = arith.addi %add3A_213, %iota3A : vector<16xi32>
          tpu.vector_store_idx %arg6[%add3A_214], %broadcast_in_dim3A_1 : memref<65536xi32, #tpu.memory_space<vmem>>[vector<16xi32>], vector<16xi32>,
          %mul3A_215 = arith.constant 128 : i32
          %mul3A_216 = arith.muli %scan3A_190, %mul3A_215 : i32
          %add3A_217 = arith.constant 64 : i32
          %add3A_218 = arith.addi %mul3A_216, %add3A_217 : i32
          %add3A_219 = vector.broadcast %add3A_218 : i32 to vector<16xi32>
          %add3A_220 = arith.addi %add3A_219, %iota3A : vector<16xi32>
          tpu.vector_store_idx %arg6[%add3A_220], %broadcast_in_dim3A_1 : memref<65536xi32, #tpu.memory_space<vmem>>[vector<16xi32>], vector<16xi32>,
          %mul3A_221 = arith.constant 128 : i32
          %mul3A_222 = arith.muli %scan3A_190, %mul3A_221 : i32
          %add3A_223 = arith.constant 80 : i32
          %add3A_224 = arith.addi %mul3A_222, %add3A_223 : i32
          %add3A_225 = vector.broadcast %add3A_224 : i32 to vector<16xi32>
          %add3A_226 = arith.addi %add3A_225, %iota3A : vector<16xi32>
          tpu.vector_store_idx %arg6[%add3A_226], %broadcast_in_dim3A_1 : memref<65536xi32, #tpu.memory_space<vmem>>[vector<16xi32>], vector<16xi32>,
          %mul3A_227 = arith.constant 128 : i32
          %mul3A_228 = arith.muli %scan3A_190, %mul3A_227 : i32
          %add3A_229 = arith.constant 96 : i32
          %add3A_230 = arith.addi %mul3A_228, %add3A_229 : i32
          %add3A_231 = vector.broadcast %add3A_230 : i32 to vector<16xi32>
          %add3A_232 = arith.addi %add3A_231, %iota3A : vector<16xi32>
          tpu.vector_store_idx %arg6[%add3A_232], %broadcast_in_dim3A_1 : memref<65536xi32, #tpu.memory_space<vmem>>[vector<16xi32>], vector<16xi32>,
          %mul3A_233 = arith.constant 128 : i32
          %mul3A_234 = arith.muli %scan3A_190, %mul3A_233 : i32
          %add3A_235 = arith.constant 112 : i32
          %add3A_236 = arith.addi %mul3A_234, %add3A_235 : i32
          %add3A_237 = vector.broadcast %add3A_236 : i32 to vector<16xi32>
          %add3A_238 = arith.addi %add3A_237, %iota3A : vector<16xi32>
          tpu.vector_store_idx %arg6[%add3A_238], %broadcast_in_dim3A_1 : memref<65536xi32, #tpu.memory_space<vmem>>[vector<16xi32>], vector<16xi32>,
        }
        %scan3A_156 = arith.constant 512 : i32
        %mul3A_157 = arith.constant 384 : i32
        %mul3A_158 = arith.muli %select_n3A, %mul3A_157 : i32
        %add3A_159 = arith.constant 0 : i32
        %add3A_160 = arith.addi %mul3A_158, %add3A_159 : i32
        %mul3A_161 = arith.constant 384 : i32
        %mul3A_162 = arith.muli %add3A_160, %mul3A_161 : i32
        %dma_start3A_163 = tpu.memref_slice %arg2[%mul3A_162] : memref<589824xi32, #tpu.memory_space<hbm>> -> memref<24576xi32, #tpu.memory_space<hbm>>
        %dma_start3A_164 = tpu.memref_slice %arg2[%mul3A_162] : memref<589824xi32, #tpu.memory_space<hbm>> -> memref<24576xi32, #tpu.memory_space<hbm>>
        tpu.enqueue_dma source(%dma_start3A_164 : memref<24576xi32, #tpu.memory_space<hbm>>) target(%arg4 : memref<24576xi32, #tpu.memory_space<vmem>>) target_semaphore(%arg9 : memref<!tpu.dma_semaphore, #tpu.memory_space<semaphore_mem>>)
        %scan3A_165 = arith.constant 0 : i32
        %scan3A_166 = arith.constant 0 : i32
        %scan3A_167 = arith.constant 3 : i32
        %scan3A_168 = arith.addi %scan3A_166, %scan3A_167 : i32
        %scan3A_169 = arith.constant 1 : i32
        scf.for %scan3A_190 = %scan3A_166 to %scan3A_168 step %scan3A_169  : i32 {
          %mul3A_191 = arith.constant 2 : i32
          %mul3A_192 = arith.muli %mul3A_191, %scan3A_190 : i32
          %add3A_193 = arith.constant 1 : i32
          %add3A_194 = arith.addi %mul3A_192, %add3A_193 : i32
          %mul3A_195 = arith.constant 384 : i32
          %mul3A_196 = arith.muli %select_n3A, %mul3A_195 : i32
          %mul3A_197 = arith.constant 64 : i32
          %mul3A_198 = arith.muli %add3A_194, %mul3A_197 : i32
          %add3A_199 = arith.addi %mul3A_196, %mul3A_198 : i32
          %mul3A_200 = arith.constant 384 : i32
          %mul3A_201 = arith.muli %add3A_199, %mul3A_200 : i32
          %dma_start3A_202 = tpu.memref_slice %arg2[%mul3A_201] : memref<589824xi32, #tpu.memory_space<hbm>> -> memref<24576xi32, #tpu.memory_space<hbm>>
          %dma_start3A_203 = tpu.memref_slice %arg2[%mul3A_201] : memref<589824xi32, #tpu.memory_space<hbm>> -> memref<24576xi32, #tpu.memory_space<hbm>>
          tpu.enqueue_dma source(%dma_start3A_203 : memref<24576xi32, #tpu.memory_space<hbm>>) target(%arg5 : memref<24576xi32, #tpu.memory_space<vmem>>) target_semaphore(%arg10 : memref<!tpu.dma_semaphore, #tpu.memory_space<semaphore_mem>>)
          %mul3A_204 = arith.constant 2 : i32
          %mul3A_205 = arith.muli %mul3A_204, %scan3A_190 : i32
          %mul3A_206 = arith.constant 384 : i32
          %mul3A_207 = arith.muli %select_n3A, %mul3A_206 : i32
          %mul3A_208 = arith.constant 64 : i32
          %mul3A_209 = arith.muli %mul3A_205, %mul3A_208 : i32
          %add3A_210 = arith.addi %mul3A_207, %mul3A_209 : i32
          %mul3A_211 = arith.constant 384 : i32
          %mul3A_212 = arith.muli %add3A_210, %mul3A_211 : i32
          %dma_wait3A = tpu.memref_slice %arg2[%mul3A_212] : memref<589824xi32, #tpu.memory_space<hbm>> -> memref<24576xi32, #tpu.memory_space<hbm>>
          %dma_wait3A_213 = tpu.memref_slice %arg2[%mul3A_212] : memref<589824xi32, #tpu.memory_space<hbm>> -> memref<24576xi32, #tpu.memory_space<hbm>>
          tpu.wait_dma2 semaphore(%arg9 : memref<!tpu.dma_semaphore, #tpu.memory_space<semaphore_mem>>) src(%dma_wait3A_213 : memref<24576xi32, #tpu.memory_space<hbm>>) dst(%arg4 : memref<24576xi32, #tpu.memory_space<vmem>>)
          %mul3A_214 = arith.constant 2 : i32
          %mul3A_215 = arith.muli %mul3A_214, %scan3A_190 : i32
          %scan3A_216 = arith.constant 0 : i32
          %scan3A_217 = arith.constant 0 : i32
          %scan3A_218 = arith.constant 64 : i32
          %scan3A_219 = arith.addi %scan3A_217, %scan3A_218 : i32
          %scan3A_220 = arith.constant 1 : i32
          scf.for %scan3A_252 = %scan3A_217 to %scan3A_219 step %scan3A_220  : i32 {
            %mul3A_253 = arith.constant 64 : i32
            %mul3A_254 = arith.muli %mul3A_215, %mul3A_253 : i32
            %add3A_255 = arith.addi %mul3A_254, %scan3A_252 : i32
            %ge3A = arith.cmpi sge, %add3A_255, %select_n3A_67 : i32
            %add3A_256 = arith.constant 380 : i32
            %add3A_257 = arith.addi %select_n3A_67, %add3A_256 : i32
            %lt3A_258 = arith.cmpi slt, %add3A_255, %add3A_257 : i32
            %and3A_259 = arith.andi %ge3A, %lt3A_258 : i1
            %convert_element_type3A_260 = arith.extui %and3A_259 : i1 to i32
            %cond3A_261 = arith.constant 0 : i32
            %cond3A_262 = arith.cmpi ne, %convert_element_type3A_260, %cond3A_261 : i32
            scf.if %cond3A_262 {
              %mul3A_263 = arith.constant 384 : i32
              %mul3A_264 = arith.muli %scan3A_252, %mul3A_263 : i32
              %scan3A_265 = arith.constant 0 : i32
              %scan3A_266 = arith.constant 0 : i32
              %scan3A_267 = arith.constant 3 : i32
              %scan3A_268 = arith.addi %scan3A_266, %scan3A_267 : i32
              %scan3A_269 = arith.constant 1 : i32
              scf.for %scan3A_271 = %scan3A_266 to %scan3A_268 step %scan3A_269  : i32 {
                %mul3A_272 = arith.constant 8 : i32
                %mul3A_273 = arith.muli %scan3A_271, %mul3A_272 : i32
                %add3A_274 = arith.constant 0 : i32
                %add3A_275 = arith.addi %mul3A_273, %add3A_274 : i32
                %mul3A_276 = arith.constant 16 : i32
                %mul3A_277 = arith.muli %add3A_275, %mul3A_276 : i32
                %add3A_278 = arith.addi %mul3A_264, %mul3A_277 : i32
                %add3A_279 = vector.broadcast %add3A_278 : i32 to vector<16xi32>
                %add3A_280 = arith.addi %add3A_279, %iota3A : vector<16xi32>
                %gather3A = tpu.vector_load_idx %arg4[%add3A_280] : memref<24576xi32, #tpu.memory_space<vmem>>[vector<16xi32>], vector<16xi32>,
                %add3A_281 = vector.broadcast %mul3A_277 : i32 to vector<16xi32>
                %add3A_282 = arith.addi %add3A_281, %iota3A : vector<16xi32>
                %gather3A_283 = tpu.vector_load_idx %arg7[%add3A_282] : memref<384xi32, #tpu.memory_space<vmem>>[vector<16xi32>], vector<16xi32>,
                %xor3A_284 = arith.constant -2147483648 : i32
                %xor3A_285 = vector.broadcast %xor3A_284 : i32 to vector<16xi32>
                %xor3A_286 = arith.xori %gather3A, %xor3A_285 : vector<16xi32>
                %and3A_287 = arith.constant 255 : i32
                %and3A_288 = vector.broadcast %and3A_287 : i32 to vector<16xi32>
                %and3A_289 = arith.andi %xor3A_286, %and3A_288 : vector<16xi32>
                %shift_left3A_290 = arith.constant 4 : i32
                %shift_left3A_291 = vector.broadcast %shift_left3A_290 : i32 to vector<16xi32>
                %shift_left3A_292 = arith.shli %and3A_289, %shift_left3A_291 : vector<16xi32>
                %shift_right_logical3A_293 = arith.constant 8 : i32
                %shift_right_logical3A_294 = vector.broadcast %shift_right_logical3A_293 : i32 to vector<16xi32>
                %shift_right_logical3A_295 = arith.shrui %xor3A_286, %shift_right_logical3A_294 : vector<16xi32>
                %eq3A_296 = vector.broadcast %or3A : i32 to vector<16xi32>
                %eq3A_297 = arith.cmpi eq, %shift_right_logical3A_295, %eq3A_296 : vector<16xi32>
                %jit3A_298 = arith.constant 0 : i32
                %broadcast_in_dim3A_299 = vector.broadcast %jit3A_298 : i32 to vector<16xi32>
                %select_n3A_300 = arith.select %eq3A_297, %gather3A_283, %broadcast_in_dim3A_299 : vector<16xi1>, vector<16xi32>
                %shift_left3A_301 = arith.constant 4 : i32
                %shift_left3A_302 = vector.broadcast %shift_left3A_301 : i32 to vector<16xi32>
                %shift_left3A_303 = arith.shli %shift_left3A_292, %shift_left3A_302 : vector<16xi32>
                %add3A_304 = arith.addi %shift_left3A_303, %iota3A : vector<16xi32>
                tpu.vector_store_idx %arg6[%add3A_304], %select_n3A_300 {add = true} : memref<65536xi32, #tpu.memory_space<vmem>>[vector<16xi32>], vector<16xi32>,
                %mul3A_305 = arith.constant 8 : i32
                %mul3A_306 = arith.muli %scan3A_271, %mul3A_305 : i32
                %add3A_307 = arith.constant 1 : i32
                %add3A_308 = arith.addi %mul3A_306, %add3A_307 : i32
                %mul3A_309 = arith.constant 16 : i32
                %mul3A_310 = arith.muli %add3A_308, %mul3A_309 : i32
                %add3A_311 = arith.addi %mul3A_264, %mul3A_310 : i32
                %add3A_312 = vector.broadcast %add3A_311 : i32 to vector<16xi32>
                %add3A_313 = arith.addi %add3A_312, %iota3A : vector<16xi32>
                %gather3A_314 = tpu.vector_load_idx %arg4[%add3A_313] : memref<24576xi32, #tpu.memory_space<vmem>>[vector<16xi32>], vector<16xi32>,
                %add3A_315 = vector.broadcast %mul3A_310 : i32 to vector<16xi32>
                %add3A_316 = arith.addi %add3A_315, %iota3A : vector<16xi32>
                %gather3A_317 = tpu.vector_load_idx %arg7[%add3A_316] : memref<384xi32, #tpu.memory_space<vmem>>[vector<16xi32>], vector<16xi32>,
                %xor3A_318 = arith.constant -2147483648 : i32
                %xor3A_319 = vector.broadcast %xor3A_318 : i32 to vector<16xi32>
                %xor3A_320 = arith.xori %gather3A_314, %xor3A_319 : vector<16xi32>
                %and3A_321 = arith.constant 255 : i32
                %and3A_322 = vector.broadcast %and3A_321 : i32 to vector<16xi32>
                %and3A_323 = arith.andi %xor3A_320, %and3A_322 : vector<16xi32>
                %shift_left3A_324 = arith.constant 4 : i32
                %shift_left3A_325 = vector.broadcast %shift_left3A_324 : i32 to vector<16xi32>
                %shift_left3A_326 = arith.shli %and3A_323, %shift_left3A_325 : vector<16xi32>
                %shift_right_logical3A_327 = arith.constant 8 : i32
                %shift_right_logical3A_328 = vector.broadcast %shift_right_logical3A_327 : i32 to vector<16xi32>
                %shift_right_logical3A_329 = arith.shrui %xor3A_320, %shift_right_logical3A_328 : vector<16xi32>
                %eq3A_330 = vector.broadcast %or3A : i32 to vector<16xi32>
                %eq3A_331 = arith.cmpi eq, %shift_right_logical3A_329, %eq3A_330 : vector<16xi32>
                %jit3A_332 = arith.constant 0 : i32
                %broadcast_in_dim3A_333 = vector.broadcast %jit3A_332 : i32 to vector<16xi32>
                %select_n3A_334 = arith.select %eq3A_331, %gather3A_317, %broadcast_in_dim3A_333 : vector<16xi1>, vector<16xi32>
                %shift_left3A_335 = arith.constant 4 : i32
                %shift_left3A_336 = vector.broadcast %shift_left3A_335 : i32 to vector<16xi32>
                %shift_left3A_337 = arith.shli %shift_left3A_326, %shift_left3A_336 : vector<16xi32>
                %add3A_338 = arith.addi %shift_left3A_337, %iota3A : vector<16xi32>
                tpu.vector_store_idx %arg6[%add3A_338], %select_n3A_334 {add = true} : memref<65536xi32, #tpu.memory_space<vmem>>[vector<16xi32>], vector<16xi32>,
                %mul3A_339 = arith.constant 8 : i32
                %mul3A_340 = arith.muli %scan3A_271, %mul3A_339 : i32
                %add3A_341 = arith.constant 2 : i32
                %add3A_342 = arith.addi %mul3A_340, %add3A_341 : i32
                %mul3A_343 = arith.constant 16 : i32
                %mul3A_344 = arith.muli %add3A_342, %mul3A_343 : i32
                %add3A_345 = arith.addi %mul3A_264, %mul3A_344 : i32
                %add3A_346 = vector.broadcast %add3A_345 : i32 to vector<16xi32>
                %add3A_347 = arith.addi %add3A_346, %iota3A : vector<16xi32>
                %gather3A_348 = tpu.vector_load_idx %arg4[%add3A_347] : memref<24576xi32, #tpu.memory_space<vmem>>[vector<16xi32>], vector<16xi32>,
                %add3A_349 = vector.broadcast %mul3A_344 : i32 to vector<16xi32>
                %add3A_350 = arith.addi %add3A_349, %iota3A : vector<16xi32>
                %gather3A_351 = tpu.vector_load_idx %arg7[%add3A_350] : memref<384xi32, #tpu.memory_space<vmem>>[vector<16xi32>], vector<16xi32>,
                %xor3A_352 = arith.constant -2147483648 : i32
                %xor3A_353 = vector.broadcast %xor3A_352 : i32 to vector<16xi32>
                %xor3A_354 = arith.xori %gather3A_348, %xor3A_353 : vector<16xi32>
                %and3A_355 = arith.constant 255 : i32
                %and3A_356 = vector.broadcast %and3A_355 : i32 to vector<16xi32>
                %and3A_357 = arith.andi %xor3A_354, %and3A_356 : vector<16xi32>
                %shift_left3A_358 = arith.constant 4 : i32
                %shift_left3A_359 = vector.broadcast %shift_left3A_358 : i32 to vector<16xi32>
                %shift_left3A_360 = arith.shli %and3A_357, %shift_left3A_359 : vector<16xi32>
                %shift_right_logical3A_361 = arith.constant 8 : i32
                %shift_right_logical3A_362 = vector.broadcast %shift_right_logical3A_361 : i32 to vector<16xi32>
                %shift_right_logical3A_363 = arith.shrui %xor3A_354, %shift_right_logical3A_362 : vector<16xi32>
                %eq3A_364 = vector.broadcast %or3A : i32 to vector<16xi32>
                %eq3A_365 = arith.cmpi eq, %shift_right_logical3A_363, %eq3A_364 : vector<16xi32>
                %jit3A_366 = arith.constant 0 : i32
                %broadcast_in_dim3A_367 = vector.broadcast %jit3A_366 : i32 to vector<16xi32>
                %select_n3A_368 = arith.select %eq3A_365, %gather3A_351, %broadcast_in_dim3A_367 : vector<16xi1>, vector<16xi32>
                %shift_left3A_369 = arith.constant 4 : i32
                %shift_left3A_370 = vector.broadcast %shift_left3A_369 : i32 to vector<16xi32>
                %shift_left3A_371 = arith.shli %shift_left3A_360, %shift_left3A_370 : vector<16xi32>
                %add3A_372 = arith.addi %shift_left3A_371, %iota3A : vector<16xi32>
                tpu.vector_store_idx %arg6[%add3A_372], %select_n3A_368 {add = true} : memref<65536xi32, #tpu.memory_space<vmem>>[vector<16xi32>], vector<16xi32>,
                %mul3A_373 = arith.constant 8 : i32
                %mul3A_374 = arith.muli %scan3A_271, %mul3A_373 : i32
                %add3A_375 = arith.constant 3 : i32
                %add3A_376 = arith.addi %mul3A_374, %add3A_375 : i32
                %mul3A_377 = arith.constant 16 : i32
                %mul3A_378 = arith.muli %add3A_376, %mul3A_377 : i32
                %add3A_379 = arith.addi %mul3A_264, %mul3A_378 : i32
                %add3A_380 = vector.broadcast %add3A_379 : i32 to vector<16xi32>
                %add3A_381 = arith.addi %add3A_380, %iota3A : vector<16xi32>
                %gather3A_382 = tpu.vector_load_idx %arg4[%add3A_381] : memref<24576xi32, #tpu.memory_space<vmem>>[vector<16xi32>], vector<16xi32>,
                %add3A_383 = vector.broadcast %mul3A_378 : i32 to vector<16xi32>
                %add3A_384 = arith.addi %add3A_383, %iota3A : vector<16xi32>
                %gather3A_385 = tpu.vector_load_idx %arg7[%add3A_384] : memref<384xi32, #tpu.memory_space<vmem>>[vector<16xi32>], vector<16xi32>,
                %xor3A_386 = arith.constant -2147483648 : i32
                %xor3A_387 = vector.broadcast %xor3A_386 : i32 to vector<16xi32>
                %xor3A_388 = arith.xori %gather3A_382, %xor3A_387 : vector<16xi32>
                %and3A_389 = arith.constant 255 : i32
                %and3A_390 = vector.broadcast %and3A_389 : i32 to vector<16xi32>
                %and3A_391 = arith.andi %xor3A_388, %and3A_390 : vector<16xi32>
                %shift_left3A_392 = arith.constant 4 : i32
                %shift_left3A_393 = vector.broadcast %shift_left3A_392 : i32 to vector<16xi32>
                %shift_left3A_394 = arith.shli %and3A_391, %shift_left3A_393 : vector<16xi32>
                %shift_right_logical3A_395 = arith.constant 8 : i32
                %shift_right_logical3A_396 = vector.broadcast %shift_right_logical3A_395 : i32 to vector<16xi32>
                %shift_right_logical3A_397 = arith.shrui %xor3A_388, %shift_right_logical3A_396 : vector<16xi32>
                %eq3A_398 = vector.broadcast %or3A : i32 to vector<16xi32>
                %eq3A_399 = arith.cmpi eq, %shift_right_logical3A_397, %eq3A_398 : vector<16xi32>
                %jit3A_400 = arith.constant 0 : i32
                %broadcast_in_dim3A_401 = vector.broadcast %jit3A_400 : i32 to vector<16xi32>
                %select_n3A_402 = arith.select %eq3A_399, %gather3A_385, %broadcast_in_dim3A_401 : vector<16xi1>, vector<16xi32>
                %shift_left3A_403 = arith.constant 4 : i32
                %shift_left3A_404 = vector.broadcast %shift_left3A_403 : i32 to vector<16xi32>
                %shift_left3A_405 = arith.shli %shift_left3A_394, %shift_left3A_404 : vector<16xi32>
                %add3A_406 = arith.addi %shift_left3A_405, %iota3A : vector<16xi32>
                tpu.vector_store_idx %arg6[%add3A_406], %select_n3A_402 {add = true} : memref<65536xi32, #tpu.memory_space<vmem>>[vector<16xi32>], vector<16xi32>,
                %mul3A_407 = arith.constant 8 : i32
                %mul3A_408 = arith.muli %scan3A_271, %mul3A_407 : i32
                %add3A_409 = arith.constant 4 : i32
                %add3A_410 = arith.addi %mul3A_408, %add3A_409 : i32
                %mul3A_411 = arith.constant 16 : i32
                %mul3A_412 = arith.muli %add3A_410, %mul3A_411 : i32
                %add3A_413 = arith.addi %mul3A_264, %mul3A_412 : i32
                %add3A_414 = vector.broadcast %add3A_413 : i32 to vector<16xi32>
                %add3A_415 = arith.addi %add3A_414, %iota3A : vector<16xi32>
                %gather3A_416 = tpu.vector_load_idx %arg4[%add3A_415] : memref<24576xi32, #tpu.memory_space<vmem>>[vector<16xi32>], vector<16xi32>,
                %add3A_417 = vector.broadcast %mul3A_412 : i32 to vector<16xi32>
                %add3A_418 = arith.addi %add3A_417, %iota3A : vector<16xi32>
                %gather3A_419 = tpu.vector_load_idx %arg7[%add3A_418] : memref<384xi32, #tpu.memory_space<vmem>>[vector<16xi32>], vector<16xi32>,
                %xor3A_420 = arith.constant -2147483648 : i32
                %xor3A_421 = vector.broadcast %xor3A_420 : i32 to vector<16xi32>
                %xor3A_422 = arith.xori %gather3A_416, %xor3A_421 : vector<16xi32>
                %and3A_423 = arith.constant 255 : i32
                %and3A_424 = vector.broadcast %and3A_423 : i32 to vector<16xi32>
                %and3A_425 = arith.andi %xor3A_422, %and3A_424 : vector<16xi32>
                %shift_left3A_426 = arith.constant 4 : i32
                %shift_left3A_427 = vector.broadcast %shift_left3A_426 : i32 to vector<16xi32>
                %shift_left3A_428 = arith.shli %and3A_425, %shift_left3A_427 : vector<16xi32>
                %shift_right_logical3A_429 = arith.constant 8 : i32
                %shift_right_logical3A_430 = vector.broadcast %shift_right_logical3A_429 : i32 to vector<16xi32>
                %shift_right_logical3A_431 = arith.shrui %xor3A_422, %shift_right_logical3A_430 : vector<16xi32>
                %eq3A_432 = vector.broadcast %or3A : i32 to vector<16xi32>
                %eq3A_433 = arith.cmpi eq, %shift_right_logical3A_431, %eq3A_432 : vector<16xi32>
                %jit3A_434 = arith.constant 0 : i32
                %broadcast_in_dim3A_435 = vector.broadcast %jit3A_434 : i32 to vector<16xi32>
                %select_n3A_436 = arith.select %eq3A_433, %gather3A_419, %broadcast_in_dim3A_435 : vector<16xi1>, vector<16xi32>
                %shift_left3A_437 = arith.constant 4 : i32
                %shift_left3A_438 = vector.broadcast %shift_left3A_437 : i32 to vector<16xi32>
                %shift_left3A_439 = arith.shli %shift_left3A_428, %shift_left3A_438 : vector<16xi32>
                %add3A_440 = arith.addi %shift_left3A_439, %iota3A : vector<16xi32>
                tpu.vector_store_idx %arg6[%add3A_440], %select_n3A_436 {add = true} : memref<65536xi32, #tpu.memory_space<vmem>>[vector<16xi32>], vector<16xi32>,
                %mul3A_441 = arith.constant 8 : i32
                %mul3A_442 = arith.muli %scan3A_271, %mul3A_441 : i32
                %add3A_443 = arith.constant 5 : i32
                %add3A_444 = arith.addi %mul3A_442, %add3A_443 : i32
                %mul3A_445 = arith.constant 16 : i32
                %mul3A_446 = arith.muli %add3A_444, %mul3A_445 : i32
                %add3A_447 = arith.addi %mul3A_264, %mul3A_446 : i32
                %add3A_448 = vector.broadcast %add3A_447 : i32 to vector<16xi32>
                %add3A_449 = arith.addi %add3A_448, %iota3A : vector<16xi32>
                %gather3A_450 = tpu.vector_load_idx %arg4[%add3A_449] : memref<24576xi32, #tpu.memory_space<vmem>>[vector<16xi32>], vector<16xi32>,
                %add3A_451 = vector.broadcast %mul3A_446 : i32 to vector<16xi32>
                %add3A_452 = arith.addi %add3A_451, %iota3A : vector<16xi32>
                %gather3A_453 = tpu.vector_load_idx %arg7[%add3A_452] : memref<384xi32, #tpu.memory_space<vmem>>[vector<16xi32>], vector<16xi32>,
                %xor3A_454 = arith.constant -2147483648 : i32
                %xor3A_455 = vector.broadcast %xor3A_454 : i32 to vector<16xi32>
                %xor3A_456 = arith.xori %gather3A_450, %xor3A_455 : vector<16xi32>
                %and3A_457 = arith.constant 255 : i32
                %and3A_458 = vector.broadcast %and3A_457 : i32 to vector<16xi32>
                %and3A_459 = arith.andi %xor3A_456, %and3A_458 : vector<16xi32>
                %shift_left3A_460 = arith.constant 4 : i32
                %shift_left3A_461 = vector.broadcast %shift_left3A_460 : i32 to vector<16xi32>
                %shift_left3A_462 = arith.shli %and3A_459, %shift_left3A_461 : vector<16xi32>
                %shift_right_logical3A_463 = arith.constant 8 : i32
                %shift_right_logical3A_464 = vector.broadcast %shift_right_logical3A_463 : i32 to vector<16xi32>
                %shift_right_logical3A_465 = arith.shrui %xor3A_456, %shift_right_logical3A_464 : vector<16xi32>
                %eq3A_466 = vector.broadcast %or3A : i32 to vector<16xi32>
                %eq3A_467 = arith.cmpi eq, %shift_right_logical3A_465, %eq3A_466 : vector<16xi32>
                %jit3A_468 = arith.constant 0 : i32
                %broadcast_in_dim3A_469 = vector.broadcast %jit3A_468 : i32 to vector<16xi32>
                %select_n3A_470 = arith.select %eq3A_467, %gather3A_453, %broadcast_in_dim3A_469 : vector<16xi1>, vector<16xi32>
                %shift_left3A_471 = arith.constant 4 : i32
                %shift_left3A_472 = vector.broadcast %shift_left3A_471 : i32 to vector<16xi32>
                %shift_left3A_473 = arith.shli %shift_left3A_462, %shift_left3A_472 : vector<16xi32>
                %add3A_474 = arith.addi %shift_left3A_473, %iota3A : vector<16xi32>
                tpu.vector_store_idx %arg6[%add3A_474], %select_n3A_470 {add = true} : memref<65536xi32, #tpu.memory_space<vmem>>[vector<16xi32>], vector<16xi32>,
                %mul3A_475 = arith.constant 8 : i32
                %mul3A_476 = arith.muli %scan3A_271, %mul3A_475 : i32
                %add3A_477 = arith.constant 6 : i32
                %add3A_478 = arith.addi %mul3A_476, %add3A_477 : i32
                %mul3A_479 = arith.constant 16 : i32
                %mul3A_480 = arith.muli %add3A_478, %mul3A_479 : i32
                %add3A_481 = arith.addi %mul3A_264, %mul3A_480 : i32
                %add3A_482 = vector.broadcast %add3A_481 : i32 to vector<16xi32>
                %add3A_483 = arith.addi %add3A_482, %iota3A : vector<16xi32>
                %gather3A_484 = tpu.vector_load_idx %arg4[%add3A_483] : memref<24576xi32, #tpu.memory_space<vmem>>[vector<16xi32>], vector<16xi32>,
                %add3A_485 = vector.broadcast %mul3A_480 : i32 to vector<16xi32>
                %add3A_486 = arith.addi %add3A_485, %iota3A : vector<16xi32>
                %gather3A_487 = tpu.vector_load_idx %arg7[%add3A_486] : memref<384xi32, #tpu.memory_space<vmem>>[vector<16xi32>], vector<16xi32>,
                %xor3A_488 = arith.constant -2147483648 : i32
                %xor3A_489 = vector.broadcast %xor3A_488 : i32 to vector<16xi32>
                %xor3A_490 = arith.xori %gather3A_484, %xor3A_489 : vector<16xi32>
                %and3A_491 = arith.constant 255 : i32
                %and3A_492 = vector.broadcast %and3A_491 : i32 to vector<16xi32>
                %and3A_493 = arith.andi %xor3A_490, %and3A_492 : vector<16xi32>
                %shift_left3A_494 = arith.constant 4 : i32
                %shift_left3A_495 = vector.broadcast %shift_left3A_494 : i32 to vector<16xi32>
                %shift_left3A_496 = arith.shli %and3A_493, %shift_left3A_495 : vector<16xi32>
                %shift_right_logical3A_497 = arith.constant 8 : i32
                %shift_right_logical3A_498 = vector.broadcast %shift_right_logical3A_497 : i32 to vector<16xi32>
                %shift_right_logical3A_499 = arith.shrui %xor3A_490, %shift_right_logical3A_498 : vector<16xi32>
                %eq3A_500 = vector.broadcast %or3A : i32 to vector<16xi32>
                %eq3A_501 = arith.cmpi eq, %shift_right_logical3A_499, %eq3A_500 : vector<16xi32>
                %jit3A_502 = arith.constant 0 : i32
                %broadcast_in_dim3A_503 = vector.broadcast %jit3A_502 : i32 to vector<16xi32>
                %select_n3A_504 = arith.select %eq3A_501, %gather3A_487, %broadcast_in_dim3A_503 : vector<16xi1>, vector<16xi32>
                %shift_left3A_505 = arith.constant 4 : i32
                %shift_left3A_506 = vector.broadcast %shift_left3A_505 : i32 to vector<16xi32>
                %shift_left3A_507 = arith.shli %shift_left3A_496, %shift_left3A_506 : vector<16xi32>
                %add3A_508 = arith.addi %shift_left3A_507, %iota3A : vector<16xi32>
                tpu.vector_store_idx %arg6[%add3A_508], %select_n3A_504 {add = true} : memref<65536xi32, #tpu.memory_space<vmem>>[vector<16xi32>], vector<16xi32>,
                %mul3A_509 = arith.constant 8 : i32
                %mul3A_510 = arith.muli %scan3A_271, %mul3A_509 : i32
                %add3A_511 = arith.constant 7 : i32
                %add3A_512 = arith.addi %mul3A_510, %add3A_511 : i32
                %mul3A_513 = arith.constant 16 : i32
                %mul3A_514 = arith.muli %add3A_512, %mul3A_513 : i32
                %add3A_515 = arith.addi %mul3A_264, %mul3A_514 : i32
                %add3A_516 = vector.broadcast %add3A_515 : i32 to vector<16xi32>
                %add3A_517 = arith.addi %add3A_516, %iota3A : vector<16xi32>
                %gather3A_518 = tpu.vector_load_idx %arg4[%add3A_517] : memref<24576xi32, #tpu.memory_space<vmem>>[vector<16xi32>], vector<16xi32>,
                %add3A_519 = vector.broadcast %mul3A_514 : i32 to vector<16xi32>
                %add3A_520 = arith.addi %add3A_519, %iota3A : vector<16xi32>
                %gather3A_521 = tpu.vector_load_idx %arg7[%add3A_520] : memref<384xi32, #tpu.memory_space<vmem>>[vector<16xi32>], vector<16xi32>,
                %xor3A_522 = arith.constant -2147483648 : i32
                %xor3A_523 = vector.broadcast %xor3A_522 : i32 to vector<16xi32>
                %xor3A_524 = arith.xori %gather3A_518, %xor3A_523 : vector<16xi32>
                %and3A_525 = arith.constant 255 : i32
                %and3A_526 = vector.broadcast %and3A_525 : i32 to vector<16xi32>
                %and3A_527 = arith.andi %xor3A_524, %and3A_526 : vector<16xi32>
                %shift_left3A_528 = arith.constant 4 : i32
                %shift_left3A_529 = vector.broadcast %shift_left3A_528 : i32 to vector<16xi32>
                %shift_left3A_530 = arith.shli %and3A_527, %shift_left3A_529 : vector<16xi32>
                %shift_right_logical3A_531 = arith.constant 8 : i32
                %shift_right_logical3A_532 = vector.broadcast %shift_right_logical3A_531 : i32 to vector<16xi32>
                %shift_right_logical3A_533 = arith.shrui %xor3A_524, %shift_right_logical3A_532 : vector<16xi32>
                %eq3A_534 = vector.broadcast %or3A : i32 to vector<16xi32>
                %eq3A_535 = arith.cmpi eq, %shift_right_logical3A_533, %eq3A_534 : vector<16xi32>
                %jit3A_536 = arith.constant 0 : i32
                %broadcast_in_dim3A_537 = vector.broadcast %jit3A_536 : i32 to vector<16xi32>
                %select_n3A_538 = arith.select %eq3A_535, %gather3A_521, %broadcast_in_dim3A_537 : vector<16xi1>, vector<16xi32>
                %shift_left3A_539 = arith.constant 4 : i32
                %shift_left3A_540 = vector.broadcast %shift_left3A_539 : i32 to vector<16xi32>
                %shift_left3A_541 = arith.shli %shift_left3A_530, %shift_left3A_540 : vector<16xi32>
                %add3A_542 = arith.addi %shift_left3A_541, %iota3A : vector<16xi32>
                tpu.vector_store_idx %arg6[%add3A_542], %select_n3A_538 {add = true} : memref<65536xi32, #tpu.memory_space<vmem>>[vector<16xi32>], vector<16xi32>,
              }
              %scan3A_270 = arith.constant 3 : i32
            } else {
            }
          }
          %scan3A_221 = arith.constant 64 : i32
          %add3A_222 = arith.constant 1 : i32
          %add3A_223 = arith.addi %scan3A_190, %add3A_222 : i32
          %lt3A_224 = arith.constant 3 : i32
          %lt3A_225 = arith.cmpi slt, %add3A_223, %lt3A_224 : i32
          %convert_element_type3A_226 = arith.extui %lt3A_225 : i1 to i32
          %cond3A_227 = arith.constant 0 : i32
          %cond3A_228 = arith.cmpi ne, %convert_element_type3A_226, %cond3A_227 : i32
          scf.if %cond3A_228 {
            %mul3A_252 = arith.constant 2 : i32
            %mul3A_253 = arith.muli %mul3A_252, %scan3A_190 : i32
            %add3A_254 = arith.constant 2 : i32
            %add3A_255 = arith.addi %mul3A_253, %add3A_254 : i32
            %mul3A_256 = arith.constant 384 : i32
            %mul3A_257 = arith.muli %select_n3A, %mul3A_256 : i32
            %mul3A_258 = arith.constant 64 : i32
            %mul3A_259 = arith.muli %add3A_255, %mul3A_258 : i32
            %add3A_260 = arith.addi %mul3A_257, %mul3A_259 : i32
            %mul3A_261 = arith.constant 384 : i32
            %mul3A_262 = arith.muli %add3A_260, %mul3A_261 : i32
            %dma_start3A_263 = tpu.memref_slice %arg2[%mul3A_262] : memref<589824xi32, #tpu.memory_space<hbm>> -> memref<24576xi32, #tpu.memory_space<hbm>>
            %dma_start3A_264 = tpu.memref_slice %arg2[%mul3A_262] : memref<589824xi32, #tpu.memory_space<hbm>> -> memref<24576xi32, #tpu.memory_space<hbm>>
            tpu.enqueue_dma source(%dma_start3A_264 : memref<24576xi32, #tpu.memory_space<hbm>>) target(%arg4 : memref<24576xi32, #tpu.memory_space<vmem>>) target_semaphore(%arg9 : memref<!tpu.dma_semaphore, #tpu.memory_space<semaphore_mem>>)
          } else {
          }
          %mul3A_229 = arith.constant 2 : i32
          %mul3A_230 = arith.muli %mul3A_229, %scan3A_190 : i32
          %add3A_231 = arith.constant 1 : i32
          %add3A_232 = arith.addi %mul3A_230, %add3A_231 : i32
          %mul3A_233 = arith.constant 384 : i32
          %mul3A_234 = arith.muli %select_n3A, %mul3A_233 : i32
          %mul3A_235 = arith.constant 64 : i32
          %mul3A_236 = arith.muli %add3A_232, %mul3A_235 : i32
          %add3A_237 = arith.addi %mul3A_234, %mul3A_236 : i32
          %mul3A_238 = arith.constant 384 : i32
          %mul3A_239 = arith.muli %add3A_237, %mul3A_238 : i32
          %dma_wait3A_240 = tpu.memref_slice %arg2[%mul3A_239] : memref<589824xi32, #tpu.memory_space<hbm>> -> memref<24576xi32, #tpu.memory_space<hbm>>
          %dma_wait3A_241 = tpu.memref_slice %arg2[%mul3A_239] : memref<589824xi32, #tpu.memory_space<hbm>> -> memref<24576xi32, #tpu.memory_space<hbm>>
          tpu.wait_dma2 semaphore(%arg10 : memref<!tpu.dma_semaphore, #tpu.memory_space<semaphore_mem>>) src(%dma_wait3A_241 : memref<24576xi32, #tpu.memory_space<hbm>>) dst(%arg5 : memref<24576xi32, #tpu.memory_space<vmem>>)
          %mul3A_242 = arith.constant 2 : i32
          %mul3A_243 = arith.muli %mul3A_242, %scan3A_190 : i32
          %add3A_244 = arith.constant 1 : i32
          %add3A_245 = arith.addi %mul3A_243, %add3A_244 : i32
          %scan3A_246 = arith.constant 0 : i32
          %scan3A_247 = arith.constant 0 : i32
          %scan3A_248 = arith.constant 64 : i32
          %scan3A_249 = arith.addi %scan3A_247, %scan3A_248 : i32
          %scan3A_250 = arith.constant 1 : i32
          scf.for %scan3A_252 = %scan3A_247 to %scan3A_249 step %scan3A_250  : i32 {
            %mul3A_253 = arith.constant 64 : i32
            %mul3A_254 = arith.muli %add3A_245, %mul3A_253 : i32
            %add3A_255 = arith.addi %mul3A_254, %scan3A_252 : i32
            %ge3A = arith.cmpi sge, %add3A_255, %select_n3A_67 : i32
            %add3A_256 = arith.constant 380 : i32
            %add3A_257 = arith.addi %select_n3A_67, %add3A_256 : i32
            %lt3A_258 = arith.cmpi slt, %add3A_255, %add3A_257 : i32
            %and3A_259 = arith.andi %ge3A, %lt3A_258 : i1
            %convert_element_type3A_260 = arith.extui %and3A_259 : i1 to i32
            %cond3A_261 = arith.constant 0 : i32
            %cond3A_262 = arith.cmpi ne, %convert_element_type3A_260, %cond3A_261 : i32
            scf.if %cond3A_262 {
              %mul3A_263 = arith.constant 384 : i32
              %mul3A_264 = arith.muli %scan3A_252, %mul3A_263 : i32
              %scan3A_265 = arith.constant 0 : i32
              %scan3A_266 = arith.constant 0 : i32
              %scan3A_267 = arith.constant 3 : i32
              %scan3A_268 = arith.addi %scan3A_266, %scan3A_267 : i32
              %scan3A_269 = arith.constant 1 : i32
              scf.for %scan3A_271 = %scan3A_266 to %scan3A_268 step %scan3A_269  : i32 {
                %mul3A_272 = arith.constant 8 : i32
                %mul3A_273 = arith.muli %scan3A_271, %mul3A_272 : i32
                %add3A_274 = arith.constant 0 : i32
                %add3A_275 = arith.addi %mul3A_273, %add3A_274 : i32
                %mul3A_276 = arith.constant 16 : i32
                %mul3A_277 = arith.muli %add3A_275, %mul3A_276 : i32
                %add3A_278 = arith.addi %mul3A_264, %mul3A_277 : i32
                %add3A_279 = vector.broadcast %add3A_278 : i32 to vector<16xi32>
                %add3A_280 = arith.addi %add3A_279, %iota3A : vector<16xi32>
                %gather3A = tpu.vector_load_idx %arg5[%add3A_280] : memref<24576xi32, #tpu.memory_space<vmem>>[vector<16xi32>], vector<16xi32>,
                %add3A_281 = vector.broadcast %mul3A_277 : i32 to vector<16xi32>
                %add3A_282 = arith.addi %add3A_281, %iota3A : vector<16xi32>
                %gather3A_283 = tpu.vector_load_idx %arg7[%add3A_282] : memref<384xi32, #tpu.memory_space<vmem>>[vector<16xi32>], vector<16xi32>,
                %xor3A_284 = arith.constant -2147483648 : i32
                %xor3A_285 = vector.broadcast %xor3A_284 : i32 to vector<16xi32>
                %xor3A_286 = arith.xori %gather3A, %xor3A_285 : vector<16xi32>
                %and3A_287 = arith.constant 255 : i32
                %and3A_288 = vector.broadcast %and3A_287 : i32 to vector<16xi32>
                %and3A_289 = arith.andi %xor3A_286, %and3A_288 : vector<16xi32>
                %shift_left3A_290 = arith.constant 4 : i32
                %shift_left3A_291 = vector.broadcast %shift_left3A_290 : i32 to vector<16xi32>
                %shift_left3A_292 = arith.shli %and3A_289, %shift_left3A_291 : vector<16xi32>
                %shift_right_logical3A_293 = arith.constant 8 : i32
                %shift_right_logical3A_294 = vector.broadcast %shift_right_logical3A_293 : i32 to vector<16xi32>
                %shift_right_logical3A_295 = arith.shrui %xor3A_286, %shift_right_logical3A_294 : vector<16xi32>
                %eq3A_296 = vector.broadcast %or3A : i32 to vector<16xi32>
                %eq3A_297 = arith.cmpi eq, %shift_right_logical3A_295, %eq3A_296 : vector<16xi32>
                %jit3A_298 = arith.constant 0 : i32
                %broadcast_in_dim3A_299 = vector.broadcast %jit3A_298 : i32 to vector<16xi32>
                %select_n3A_300 = arith.select %eq3A_297, %gather3A_283, %broadcast_in_dim3A_299 : vector<16xi1>, vector<16xi32>
                %shift_left3A_301 = arith.constant 4 : i32
                %shift_left3A_302 = vector.broadcast %shift_left3A_301 : i32 to vector<16xi32>
                %shift_left3A_303 = arith.shli %shift_left3A_292, %shift_left3A_302 : vector<16xi32>
                %add3A_304 = arith.addi %shift_left3A_303, %iota3A : vector<16xi32>
                tpu.vector_store_idx %arg6[%add3A_304], %select_n3A_300 {add = true} : memref<65536xi32, #tpu.memory_space<vmem>>[vector<16xi32>], vector<16xi32>,
                %mul3A_305 = arith.constant 8 : i32
                %mul3A_306 = arith.muli %scan3A_271, %mul3A_305 : i32
                %add3A_307 = arith.constant 1 : i32
                %add3A_308 = arith.addi %mul3A_306, %add3A_307 : i32
                %mul3A_309 = arith.constant 16 : i32
                %mul3A_310 = arith.muli %add3A_308, %mul3A_309 : i32
                %add3A_311 = arith.addi %mul3A_264, %mul3A_310 : i32
                %add3A_312 = vector.broadcast %add3A_311 : i32 to vector<16xi32>
                %add3A_313 = arith.addi %add3A_312, %iota3A : vector<16xi32>
                %gather3A_314 = tpu.vector_load_idx %arg5[%add3A_313] : memref<24576xi32, #tpu.memory_space<vmem>>[vector<16xi32>], vector<16xi32>,
                %add3A_315 = vector.broadcast %mul3A_310 : i32 to vector<16xi32>
                %add3A_316 = arith.addi %add3A_315, %iota3A : vector<16xi32>
                %gather3A_317 = tpu.vector_load_idx %arg7[%add3A_316] : memref<384xi32, #tpu.memory_space<vmem>>[vector<16xi32>], vector<16xi32>,
                %xor3A_318 = arith.constant -2147483648 : i32
                %xor3A_319 = vector.broadcast %xor3A_318 : i32 to vector<16xi32>
                %xor3A_320 = arith.xori %gather3A_314, %xor3A_319 : vector<16xi32>
                %and3A_321 = arith.constant 255 : i32
                %and3A_322 = vector.broadcast %and3A_321 : i32 to vector<16xi32>
                %and3A_323 = arith.andi %xor3A_320, %and3A_322 : vector<16xi32>
                %shift_left3A_324 = arith.constant 4 : i32
                %shift_left3A_325 = vector.broadcast %shift_left3A_324 : i32 to vector<16xi32>
                %shift_left3A_326 = arith.shli %and3A_323, %shift_left3A_325 : vector<16xi32>
                %shift_right_logical3A_327 = arith.constant 8 : i32
                %shift_right_logical3A_328 = vector.broadcast %shift_right_logical3A_327 : i32 to vector<16xi32>
                %shift_right_logical3A_329 = arith.shrui %xor3A_320, %shift_right_logical3A_328 : vector<16xi32>
                %eq3A_330 = vector.broadcast %or3A : i32 to vector<16xi32>
                %eq3A_331 = arith.cmpi eq, %shift_right_logical3A_329, %eq3A_330 : vector<16xi32>
                %jit3A_332 = arith.constant 0 : i32
                %broadcast_in_dim3A_333 = vector.broadcast %jit3A_332 : i32 to vector<16xi32>
                %select_n3A_334 = arith.select %eq3A_331, %gather3A_317, %broadcast_in_dim3A_333 : vector<16xi1>, vector<16xi32>
                %shift_left3A_335 = arith.constant 4 : i32
                %shift_left3A_336 = vector.broadcast %shift_left3A_335 : i32 to vector<16xi32>
                %shift_left3A_337 = arith.shli %shift_left3A_326, %shift_left3A_336 : vector<16xi32>
                %add3A_338 = arith.addi %shift_left3A_337, %iota3A : vector<16xi32>
                tpu.vector_store_idx %arg6[%add3A_338], %select_n3A_334 {add = true} : memref<65536xi32, #tpu.memory_space<vmem>>[vector<16xi32>], vector<16xi32>,
                %mul3A_339 = arith.constant 8 : i32
                %mul3A_340 = arith.muli %scan3A_271, %mul3A_339 : i32
                %add3A_341 = arith.constant 2 : i32
                %add3A_342 = arith.addi %mul3A_340, %add3A_341 : i32
                %mul3A_343 = arith.constant 16 : i32
                %mul3A_344 = arith.muli %add3A_342, %mul3A_343 : i32
                %add3A_345 = arith.addi %mul3A_264, %mul3A_344 : i32
                %add3A_346 = vector.broadcast %add3A_345 : i32 to vector<16xi32>
                %add3A_347 = arith.addi %add3A_346, %iota3A : vector<16xi32>
                %gather3A_348 = tpu.vector_load_idx %arg5[%add3A_347] : memref<24576xi32, #tpu.memory_space<vmem>>[vector<16xi32>], vector<16xi32>,
                %add3A_349 = vector.broadcast %mul3A_344 : i32 to vector<16xi32>
                %add3A_350 = arith.addi %add3A_349, %iota3A : vector<16xi32>
                %gather3A_351 = tpu.vector_load_idx %arg7[%add3A_350] : memref<384xi32, #tpu.memory_space<vmem>>[vector<16xi32>], vector<16xi32>,
                %xor3A_352 = arith.constant -2147483648 : i32
                %xor3A_353 = vector.broadcast %xor3A_352 : i32 to vector<16xi32>
                %xor3A_354 = arith.xori %gather3A_348, %xor3A_353 : vector<16xi32>
                %and3A_355 = arith.constant 255 : i32
                %and3A_356 = vector.broadcast %and3A_355 : i32 to vector<16xi32>
                %and3A_357 = arith.andi %xor3A_354, %and3A_356 : vector<16xi32>
                %shift_left3A_358 = arith.constant 4 : i32
                %shift_left3A_359 = vector.broadcast %shift_left3A_358 : i32 to vector<16xi32>
                %shift_left3A_360 = arith.shli %and3A_357, %shift_left3A_359 : vector<16xi32>
                %shift_right_logical3A_361 = arith.constant 8 : i32
                %shift_right_logical3A_362 = vector.broadcast %shift_right_logical3A_361 : i32 to vector<16xi32>
                %shift_right_logical3A_363 = arith.shrui %xor3A_354, %shift_right_logical3A_362 : vector<16xi32>
                %eq3A_364 = vector.broadcast %or3A : i32 to vector<16xi32>
                %eq3A_365 = arith.cmpi eq, %shift_right_logical3A_363, %eq3A_364 : vector<16xi32>
                %jit3A_366 = arith.constant 0 : i32
                %broadcast_in_dim3A_367 = vector.broadcast %jit3A_366 : i32 to vector<16xi32>
                %select_n3A_368 = arith.select %eq3A_365, %gather3A_351, %broadcast_in_dim3A_367 : vector<16xi1>, vector<16xi32>
                %shift_left3A_369 = arith.constant 4 : i32
                %shift_left3A_370 = vector.broadcast %shift_left3A_369 : i32 to vector<16xi32>
                %shift_left3A_371 = arith.shli %shift_left3A_360, %shift_left3A_370 : vector<16xi32>
                %add3A_372 = arith.addi %shift_left3A_371, %iota3A : vector<16xi32>
                tpu.vector_store_idx %arg6[%add3A_372], %select_n3A_368 {add = true} : memref<65536xi32, #tpu.memory_space<vmem>>[vector<16xi32>], vector<16xi32>,
                %mul3A_373 = arith.constant 8 : i32
                %mul3A_374 = arith.muli %scan3A_271, %mul3A_373 : i32
                %add3A_375 = arith.constant 3 : i32
                %add3A_376 = arith.addi %mul3A_374, %add3A_375 : i32
                %mul3A_377 = arith.constant 16 : i32
                %mul3A_378 = arith.muli %add3A_376, %mul3A_377 : i32
                %add3A_379 = arith.addi %mul3A_264, %mul3A_378 : i32
                %add3A_380 = vector.broadcast %add3A_379 : i32 to vector<16xi32>
                %add3A_381 = arith.addi %add3A_380, %iota3A : vector<16xi32>
                %gather3A_382 = tpu.vector_load_idx %arg5[%add3A_381] : memref<24576xi32, #tpu.memory_space<vmem>>[vector<16xi32>], vector<16xi32>,
                %add3A_383 = vector.broadcast %mul3A_378 : i32 to vector<16xi32>
                %add3A_384 = arith.addi %add3A_383, %iota3A : vector<16xi32>
                %gather3A_385 = tpu.vector_load_idx %arg7[%add3A_384] : memref<384xi32, #tpu.memory_space<vmem>>[vector<16xi32>], vector<16xi32>,
                %xor3A_386 = arith.constant -2147483648 : i32
                %xor3A_387 = vector.broadcast %xor3A_386 : i32 to vector<16xi32>
                %xor3A_388 = arith.xori %gather3A_382, %xor3A_387 : vector<16xi32>
                %and3A_389 = arith.constant 255 : i32
                %and3A_390 = vector.broadcast %and3A_389 : i32 to vector<16xi32>
                %and3A_391 = arith.andi %xor3A_388, %and3A_390 : vector<16xi32>
                %shift_left3A_392 = arith.constant 4 : i32
                %shift_left3A_393 = vector.broadcast %shift_left3A_392 : i32 to vector<16xi32>
                %shift_left3A_394 = arith.shli %and3A_391, %shift_left3A_393 : vector<16xi32>
                %shift_right_logical3A_395 = arith.constant 8 : i32
                %shift_right_logical3A_396 = vector.broadcast %shift_right_logical3A_395 : i32 to vector<16xi32>
                %shift_right_logical3A_397 = arith.shrui %xor3A_388, %shift_right_logical3A_396 : vector<16xi32>
                %eq3A_398 = vector.broadcast %or3A : i32 to vector<16xi32>
                %eq3A_399 = arith.cmpi eq, %shift_right_logical3A_397, %eq3A_398 : vector<16xi32>
                %jit3A_400 = arith.constant 0 : i32
                %broadcast_in_dim3A_401 = vector.broadcast %jit3A_400 : i32 to vector<16xi32>
                %select_n3A_402 = arith.select %eq3A_399, %gather3A_385, %broadcast_in_dim3A_401 : vector<16xi1>, vector<16xi32>
                %shift_left3A_403 = arith.constant 4 : i32
                %shift_left3A_404 = vector.broadcast %shift_left3A_403 : i32 to vector<16xi32>
                %shift_left3A_405 = arith.shli %shift_left3A_394, %shift_left3A_404 : vector<16xi32>
                %add3A_406 = arith.addi %shift_left3A_405, %iota3A : vector<16xi32>
                tpu.vector_store_idx %arg6[%add3A_406], %select_n3A_402 {add = true} : memref<65536xi32, #tpu.memory_space<vmem>>[vector<16xi32>], vector<16xi32>,
                %mul3A_407 = arith.constant 8 : i32
                %mul3A_408 = arith.muli %scan3A_271, %mul3A_407 : i32
                %add3A_409 = arith.constant 4 : i32
                %add3A_410 = arith.addi %mul3A_408, %add3A_409 : i32
                %mul3A_411 = arith.constant 16 : i32
                %mul3A_412 = arith.muli %add3A_410, %mul3A_411 : i32
                %add3A_413 = arith.addi %mul3A_264, %mul3A_412 : i32
                %add3A_414 = vector.broadcast %add3A_413 : i32 to vector<16xi32>
                %add3A_415 = arith.addi %add3A_414, %iota3A : vector<16xi32>
                %gather3A_416 = tpu.vector_load_idx %arg5[%add3A_415] : memref<24576xi32, #tpu.memory_space<vmem>>[vector<16xi32>], vector<16xi32>,
                %add3A_417 = vector.broadcast %mul3A_412 : i32 to vector<16xi32>
                %add3A_418 = arith.addi %add3A_417, %iota3A : vector<16xi32>
                %gather3A_419 = tpu.vector_load_idx %arg7[%add3A_418] : memref<384xi32, #tpu.memory_space<vmem>>[vector<16xi32>], vector<16xi32>,
                %xor3A_420 = arith.constant -2147483648 : i32
                %xor3A_421 = vector.broadcast %xor3A_420 : i32 to vector<16xi32>
                %xor3A_422 = arith.xori %gather3A_416, %xor3A_421 : vector<16xi32>
                %and3A_423 = arith.constant 255 : i32
                %and3A_424 = vector.broadcast %and3A_423 : i32 to vector<16xi32>
                %and3A_425 = arith.andi %xor3A_422, %and3A_424 : vector<16xi32>
                %shift_left3A_426 = arith.constant 4 : i32
                %shift_left3A_427 = vector.broadcast %shift_left3A_426 : i32 to vector<16xi32>
                %shift_left3A_428 = arith.shli %and3A_425, %shift_left3A_427 : vector<16xi32>
                %shift_right_logical3A_429 = arith.constant 8 : i32
                %shift_right_logical3A_430 = vector.broadcast %shift_right_logical3A_429 : i32 to vector<16xi32>
                %shift_right_logical3A_431 = arith.shrui %xor3A_422, %shift_right_logical3A_430 : vector<16xi32>
                %eq3A_432 = vector.broadcast %or3A : i32 to vector<16xi32>
                %eq3A_433 = arith.cmpi eq, %shift_right_logical3A_431, %eq3A_432 : vector<16xi32>
                %jit3A_434 = arith.constant 0 : i32
                %broadcast_in_dim3A_435 = vector.broadcast %jit3A_434 : i32 to vector<16xi32>
                %select_n3A_436 = arith.select %eq3A_433, %gather3A_419, %broadcast_in_dim3A_435 : vector<16xi1>, vector<16xi32>
                %shift_left3A_437 = arith.constant 4 : i32
                %shift_left3A_438 = vector.broadcast %shift_left3A_437 : i32 to vector<16xi32>
                %shift_left3A_439 = arith.shli %shift_left3A_428, %shift_left3A_438 : vector<16xi32>
                %add3A_440 = arith.addi %shift_left3A_439, %iota3A : vector<16xi32>
                tpu.vector_store_idx %arg6[%add3A_440], %select_n3A_436 {add = true} : memref<65536xi32, #tpu.memory_space<vmem>>[vector<16xi32>], vector<16xi32>,
                %mul3A_441 = arith.constant 8 : i32
                %mul3A_442 = arith.muli %scan3A_271, %mul3A_441 : i32
                %add3A_443 = arith.constant 5 : i32
                %add3A_444 = arith.addi %mul3A_442, %add3A_443 : i32
                %mul3A_445 = arith.constant 16 : i32
                %mul3A_446 = arith.muli %add3A_444, %mul3A_445 : i32
                %add3A_447 = arith.addi %mul3A_264, %mul3A_446 : i32
                %add3A_448 = vector.broadcast %add3A_447 : i32 to vector<16xi32>
                %add3A_449 = arith.addi %add3A_448, %iota3A : vector<16xi32>
                %gather3A_450 = tpu.vector_load_idx %arg5[%add3A_449] : memref<24576xi32, #tpu.memory_space<vmem>>[vector<16xi32>], vector<16xi32>,
                %add3A_451 = vector.broadcast %mul3A_446 : i32 to vector<16xi32>
                %add3A_452 = arith.addi %add3A_451, %iota3A : vector<16xi32>
                %gather3A_453 = tpu.vector_load_idx %arg7[%add3A_452] : memref<384xi32, #tpu.memory_space<vmem>>[vector<16xi32>], vector<16xi32>,
                %xor3A_454 = arith.constant -2147483648 : i32
                %xor3A_455 = vector.broadcast %xor3A_454 : i32 to vector<16xi32>
                %xor3A_456 = arith.xori %gather3A_450, %xor3A_455 : vector<16xi32>
                %and3A_457 = arith.constant 255 : i32
                %and3A_458 = vector.broadcast %and3A_457 : i32 to vector<16xi32>
                %and3A_459 = arith.andi %xor3A_456, %and3A_458 : vector<16xi32>
                %shift_left3A_460 = arith.constant 4 : i32
                %shift_left3A_461 = vector.broadcast %shift_left3A_460 : i32 to vector<16xi32>
                %shift_left3A_462 = arith.shli %and3A_459, %shift_left3A_461 : vector<16xi32>
                %shift_right_logical3A_463 = arith.constant 8 : i32
                %shift_right_logical3A_464 = vector.broadcast %shift_right_logical3A_463 : i32 to vector<16xi32>
                %shift_right_logical3A_465 = arith.shrui %xor3A_456, %shift_right_logical3A_464 : vector<16xi32>
                %eq3A_466 = vector.broadcast %or3A : i32 to vector<16xi32>
                %eq3A_467 = arith.cmpi eq, %shift_right_logical3A_465, %eq3A_466 : vector<16xi32>
                %jit3A_468 = arith.constant 0 : i32
                %broadcast_in_dim3A_469 = vector.broadcast %jit3A_468 : i32 to vector<16xi32>
                %select_n3A_470 = arith.select %eq3A_467, %gather3A_453, %broadcast_in_dim3A_469 : vector<16xi1>, vector<16xi32>
                %shift_left3A_471 = arith.constant 4 : i32
                %shift_left3A_472 = vector.broadcast %shift_left3A_471 : i32 to vector<16xi32>
                %shift_left3A_473 = arith.shli %shift_left3A_462, %shift_left3A_472 : vector<16xi32>
                %add3A_474 = arith.addi %shift_left3A_473, %iota3A : vector<16xi32>
                tpu.vector_store_idx %arg6[%add3A_474], %select_n3A_470 {add = true} : memref<65536xi32, #tpu.memory_space<vmem>>[vector<16xi32>], vector<16xi32>,
                %mul3A_475 = arith.constant 8 : i32
                %mul3A_476 = arith.muli %scan3A_271, %mul3A_475 : i32
                %add3A_477 = arith.constant 6 : i32
                %add3A_478 = arith.addi %mul3A_476, %add3A_477 : i32
                %mul3A_479 = arith.constant 16 : i32
                %mul3A_480 = arith.muli %add3A_478, %mul3A_479 : i32
                %add3A_481 = arith.addi %mul3A_264, %mul3A_480 : i32
                %add3A_482 = vector.broadcast %add3A_481 : i32 to vector<16xi32>
                %add3A_483 = arith.addi %add3A_482, %iota3A : vector<16xi32>
                %gather3A_484 = tpu.vector_load_idx %arg5[%add3A_483] : memref<24576xi32, #tpu.memory_space<vmem>>[vector<16xi32>], vector<16xi32>,
                %add3A_485 = vector.broadcast %mul3A_480 : i32 to vector<16xi32>
                %add3A_486 = arith.addi %add3A_485, %iota3A : vector<16xi32>
                %gather3A_487 = tpu.vector_load_idx %arg7[%add3A_486] : memref<384xi32, #tpu.memory_space<vmem>>[vector<16xi32>], vector<16xi32>,
                %xor3A_488 = arith.constant -2147483648 : i32
                %xor3A_489 = vector.broadcast %xor3A_488 : i32 to vector<16xi32>
                %xor3A_490 = arith.xori %gather3A_484, %xor3A_489 : vector<16xi32>
                %and3A_491 = arith.constant 255 : i32
                %and3A_492 = vector.broadcast %and3A_491 : i32 to vector<16xi32>
                %and3A_493 = arith.andi %xor3A_490, %and3A_492 : vector<16xi32>
                %shift_left3A_494 = arith.constant 4 : i32
                %shift_left3A_495 = vector.broadcast %shift_left3A_494 : i32 to vector<16xi32>
                %shift_left3A_496 = arith.shli %and3A_493, %shift_left3A_495 : vector<16xi32>
                %shift_right_logical3A_497 = arith.constant 8 : i32
                %shift_right_logical3A_498 = vector.broadcast %shift_right_logical3A_497 : i32 to vector<16xi32>
                %shift_right_logical3A_499 = arith.shrui %xor3A_490, %shift_right_logical3A_498 : vector<16xi32>
                %eq3A_500 = vector.broadcast %or3A : i32 to vector<16xi32>
                %eq3A_501 = arith.cmpi eq, %shift_right_logical3A_499, %eq3A_500 : vector<16xi32>
                %jit3A_502 = arith.constant 0 : i32
                %broadcast_in_dim3A_503 = vector.broadcast %jit3A_502 : i32 to vector<16xi32>
                %select_n3A_504 = arith.select %eq3A_501, %gather3A_487, %broadcast_in_dim3A_503 : vector<16xi1>, vector<16xi32>
                %shift_left3A_505 = arith.constant 4 : i32
                %shift_left3A_506 = vector.broadcast %shift_left3A_505 : i32 to vector<16xi32>
                %shift_left3A_507 = arith.shli %shift_left3A_496, %shift_left3A_506 : vector<16xi32>
                %add3A_508 = arith.addi %shift_left3A_507, %iota3A : vector<16xi32>
                tpu.vector_store_idx %arg6[%add3A_508], %select_n3A_504 {add = true} : memref<65536xi32, #tpu.memory_space<vmem>>[vector<16xi32>], vector<16xi32>,
                %mul3A_509 = arith.constant 8 : i32
                %mul3A_510 = arith.muli %scan3A_271, %mul3A_509 : i32
                %add3A_511 = arith.constant 7 : i32
                %add3A_512 = arith.addi %mul3A_510, %add3A_511 : i32
                %mul3A_513 = arith.constant 16 : i32
                %mul3A_514 = arith.muli %add3A_512, %mul3A_513 : i32
                %add3A_515 = arith.addi %mul3A_264, %mul3A_514 : i32
                %add3A_516 = vector.broadcast %add3A_515 : i32 to vector<16xi32>
                %add3A_517 = arith.addi %add3A_516, %iota3A : vector<16xi32>
                %gather3A_518 = tpu.vector_load_idx %arg5[%add3A_517] : memref<24576xi32, #tpu.memory_space<vmem>>[vector<16xi32>], vector<16xi32>,
                %add3A_519 = vector.broadcast %mul3A_514 : i32 to vector<16xi32>
                %add3A_520 = arith.addi %add3A_519, %iota3A : vector<16xi32>
                %gather3A_521 = tpu.vector_load_idx %arg7[%add3A_520] : memref<384xi32, #tpu.memory_space<vmem>>[vector<16xi32>], vector<16xi32>,
                %xor3A_522 = arith.constant -2147483648 : i32
                %xor3A_523 = vector.broadcast %xor3A_522 : i32 to vector<16xi32>
                %xor3A_524 = arith.xori %gather3A_518, %xor3A_523 : vector<16xi32>
                %and3A_525 = arith.constant 255 : i32
                %and3A_526 = vector.broadcast %and3A_525 : i32 to vector<16xi32>
                %and3A_527 = arith.andi %xor3A_524, %and3A_526 : vector<16xi32>
                %shift_left3A_528 = arith.constant 4 : i32
                %shift_left3A_529 = vector.broadcast %shift_left3A_528 : i32 to vector<16xi32>
                %shift_left3A_530 = arith.shli %and3A_527, %shift_left3A_529 : vector<16xi32>
                %shift_right_logical3A_531 = arith.constant 8 : i32
                %shift_right_logical3A_532 = vector.broadcast %shift_right_logical3A_531 : i32 to vector<16xi32>
                %shift_right_logical3A_533 = arith.shrui %xor3A_524, %shift_right_logical3A_532 : vector<16xi32>
                %eq3A_534 = vector.broadcast %or3A : i32 to vector<16xi32>
                %eq3A_535 = arith.cmpi eq, %shift_right_logical3A_533, %eq3A_534 : vector<16xi32>
                %jit3A_536 = arith.constant 0 : i32
                %broadcast_in_dim3A_537 = vector.broadcast %jit3A_536 : i32 to vector<16xi32>
                %select_n3A_538 = arith.select %eq3A_535, %gather3A_521, %broadcast_in_dim3A_537 : vector<16xi1>, vector<16xi32>
                %shift_left3A_539 = arith.constant 4 : i32
                %shift_left3A_540 = vector.broadcast %shift_left3A_539 : i32 to vector<16xi32>
                %shift_left3A_541 = arith.shli %shift_left3A_530, %shift_left3A_540 : vector<16xi32>
                %add3A_542 = arith.addi %shift_left3A_541, %iota3A : vector<16xi32>
                tpu.vector_store_idx %arg6[%add3A_542], %select_n3A_538 {add = true} : memref<65536xi32, #tpu.memory_space<vmem>>[vector<16xi32>], vector<16xi32>,
              }
              %scan3A_270 = arith.constant 3 : i32
            } else {
            }
          }
          %scan3A_251 = arith.constant 64 : i32
        }
        %scan3A_170 = arith.constant 3 : i32
        %scan3A_171 = arith.constant 0 : i32
        %scan3A_172 = arith.constant 0 : i32
        %scan3A_173 = arith.constant -1 : i32
        %scan3A_174 = arith.constant 0 : i32
        %scan3A_175 = arith.constant 0 : i32
        %scan3A_176 = arith.constant 256 : i32
        %scan3A_177 = arith.addi %scan3A_175, %scan3A_176 : i32
        %scan3A_178 = arith.constant 1 : i32
        %scan3A_179:3 = scf.for %scan3A_190 = %scan3A_175 to %scan3A_177 step %scan3A_178 iter_args(%scan3A_191 = %scan3A_172, %scan3A_192 = %scan3A_173, %scan3A_193 = %scan3A_174) -> (i32, i32, i32)  : i32 {
          %sub3A_194 = arith.constant 255 : i32
          %sub3A_195 = arith.subi %sub3A_194, %scan3A_190 : i32
          %mul3A_196 = arith.constant 16 : i32
          %mul3A_197 = arith.muli %sub3A_195, %mul3A_196 : i32
          %add3A_198 = arith.addi %scan3A_171, %mul3A_197 : i32
          %add3A_199 = vector.broadcast %add3A_198 : i32 to vector<16xi32>
          %add3A_200 = arith.addi %add3A_199, %iota3A : vector<16xi32>
          %mul3A_201 = arith.constant 16 : i32
          %mul3A_202 = vector.broadcast %mul3A_201 : i32 to vector<16xi32>
          %mul3A_203 = arith.muli %add3A_200, %mul3A_202 : vector<16xi32>
          %add3A_204 = arith.constant 0 : i32
          %add3A_205 = vector.broadcast %add3A_204 : i32 to vector<16xi32>
          %add3A_206 = arith.addi %mul3A_203, %add3A_205 : vector<16xi32>
          %gather3A = tpu.vector_load_idx %arg6[%add3A_206] : memref<65536xi32, #tpu.memory_space<vmem>>[vector<16xi32>], vector<16xi32>,
          %add3A_207 = arith.addi %broadcast_in_dim3A_1, %gather3A : vector<16xi32>
          %mul3A_208 = arith.constant 16 : i32
          %mul3A_209 = vector.broadcast %mul3A_208 : i32 to vector<16xi32>
          %mul3A_210 = arith.muli %add3A_200, %mul3A_209 : vector<16xi32>
          %add3A_211 = arith.constant 1 : i32
          %add3A_212 = vector.broadcast %add3A_211 : i32 to vector<16xi32>
          %add3A_213 = arith.addi %mul3A_210, %add3A_212 : vector<16xi32>
          %gather3A_214 = tpu.vector_load_idx %arg6[%add3A_213] : memref<65536xi32, #tpu.memory_space<vmem>>[vector<16xi32>], vector<16xi32>,
          %add3A_215 = arith.addi %add3A_207, %gather3A_214 : vector<16xi32>
          %mul3A_216 = arith.constant 16 : i32
          %mul3A_217 = vector.broadcast %mul3A_216 : i32 to vector<16xi32>
          %mul3A_218 = arith.muli %add3A_200, %mul3A_217 : vector<16xi32>
          %add3A_219 = arith.constant 2 : i32
          %add3A_220 = vector.broadcast %add3A_219 : i32 to vector<16xi32>
          %add3A_221 = arith.addi %mul3A_218, %add3A_220 : vector<16xi32>
          %gather3A_222 = tpu.vector_load_idx %arg6[%add3A_221] : memref<65536xi32, #tpu.memory_space<vmem>>[vector<16xi32>], vector<16xi32>,
          %add3A_223 = arith.addi %add3A_215, %gather3A_222 : vector<16xi32>
          %mul3A_224 = arith.constant 16 : i32
          %mul3A_225 = vector.broadcast %mul3A_224 : i32 to vector<16xi32>
          %mul3A_226 = arith.muli %add3A_200, %mul3A_225 : vector<16xi32>
          %add3A_227 = arith.constant 3 : i32
          %add3A_228 = vector.broadcast %add3A_227 : i32 to vector<16xi32>
          %add3A_229 = arith.addi %mul3A_226, %add3A_228 : vector<16xi32>
          %gather3A_230 = tpu.vector_load_idx %arg6[%add3A_229] : memref<65536xi32, #tpu.memory_space<vmem>>[vector<16xi32>], vector<16xi32>,
          %add3A_231 = arith.addi %add3A_223, %gather3A_230 : vector<16xi32>
          %mul3A_232 = arith.constant 16 : i32
          %mul3A_233 = vector.broadcast %mul3A_232 : i32 to vector<16xi32>
          %mul3A_234 = arith.muli %add3A_200, %mul3A_233 : vector<16xi32>
          %add3A_235 = arith.constant 4 : i32
          %add3A_236 = vector.broadcast %add3A_235 : i32 to vector<16xi32>
          %add3A_237 = arith.addi %mul3A_234, %add3A_236 : vector<16xi32>
          %gather3A_238 = tpu.vector_load_idx %arg6[%add3A_237] : memref<65536xi32, #tpu.memory_space<vmem>>[vector<16xi32>], vector<16xi32>,
          %add3A_239 = arith.addi %add3A_231, %gather3A_238 : vector<16xi32>
          %mul3A_240 = arith.constant 16 : i32
          %mul3A_241 = vector.broadcast %mul3A_240 : i32 to vector<16xi32>
          %mul3A_242 = arith.muli %add3A_200, %mul3A_241 : vector<16xi32>
          %add3A_243 = arith.constant 5 : i32
          %add3A_244 = vector.broadcast %add3A_243 : i32 to vector<16xi32>
          %add3A_245 = arith.addi %mul3A_242, %add3A_244 : vector<16xi32>
          %gather3A_246 = tpu.vector_load_idx %arg6[%add3A_245] : memref<65536xi32, #tpu.memory_space<vmem>>[vector<16xi32>], vector<16xi32>,
          %add3A_247 = arith.addi %add3A_239, %gather3A_246 : vector<16xi32>
          %mul3A_248 = arith.constant 16 : i32
          %mul3A_249 = vector.broadcast %mul3A_248 : i32 to vector<16xi32>
          %mul3A_250 = arith.muli %add3A_200, %mul3A_249 : vector<16xi32>
          %add3A_251 = arith.constant 6 : i32
          %add3A_252 = vector.broadcast %add3A_251 : i32 to vector<16xi32>
          %add3A_253 = arith.addi %mul3A_250, %add3A_252 : vector<16xi32>
          %gather3A_254 = tpu.vector_load_idx %arg6[%add3A_253] : memref<65536xi32, #tpu.memory_space<vmem>>[vector<16xi32>], vector<16xi32>,
          %add3A_255 = arith.addi %add3A_247, %gather3A_254 : vector<16xi32>
          %mul3A_256 = arith.constant 16 : i32
          %mul3A_257 = vector.broadcast %mul3A_256 : i32 to vector<16xi32>
          %mul3A_258 = arith.muli %add3A_200, %mul3A_257 : vector<16xi32>
          %add3A_259 = arith.constant 7 : i32
          %add3A_260 = vector.broadcast %add3A_259 : i32 to vector<16xi32>
          %add3A_261 = arith.addi %mul3A_258, %add3A_260 : vector<16xi32>
          %gather3A_262 = tpu.vector_load_idx %arg6[%add3A_261] : memref<65536xi32, #tpu.memory_space<vmem>>[vector<16xi32>], vector<16xi32>,
          %add3A_263 = arith.addi %add3A_255, %gather3A_262 : vector<16xi32>
          %mul3A_264 = arith.constant 16 : i32
          %mul3A_265 = vector.broadcast %mul3A_264 : i32 to vector<16xi32>
          %mul3A_266 = arith.muli %add3A_200, %mul3A_265 : vector<16xi32>
          %add3A_267 = arith.constant 8 : i32
          %add3A_268 = vector.broadcast %add3A_267 : i32 to vector<16xi32>
          %add3A_269 = arith.addi %mul3A_266, %add3A_268 : vector<16xi32>
          %gather3A_270 = tpu.vector_load_idx %arg6[%add3A_269] : memref<65536xi32, #tpu.memory_space<vmem>>[vector<16xi32>], vector<16xi32>,
          %add3A_271 = arith.addi %add3A_263, %gather3A_270 : vector<16xi32>
          %mul3A_272 = arith.constant 16 : i32
          %mul3A_273 = vector.broadcast %mul3A_272 : i32 to vector<16xi32>
          %mul3A_274 = arith.muli %add3A_200, %mul3A_273 : vector<16xi32>
          %add3A_275 = arith.constant 9 : i32
          %add3A_276 = vector.broadcast %add3A_275 : i32 to vector<16xi32>
          %add3A_277 = arith.addi %mul3A_274, %add3A_276 : vector<16xi32>
          %gather3A_278 = tpu.vector_load_idx %arg6[%add3A_277] : memref<65536xi32, #tpu.memory_space<vmem>>[vector<16xi32>], vector<16xi32>,
          %add3A_279 = arith.addi %add3A_271, %gather3A_278 : vector<16xi32>
          %mul3A_280 = arith.constant 16 : i32
          %mul3A_281 = vector.broadcast %mul3A_280 : i32 to vector<16xi32>
          %mul3A_282 = arith.muli %add3A_200, %mul3A_281 : vector<16xi32>
          %add3A_283 = arith.constant 10 : i32
          %add3A_284 = vector.broadcast %add3A_283 : i32 to vector<16xi32>
          %add3A_285 = arith.addi %mul3A_282, %add3A_284 : vector<16xi32>
          %gather3A_286 = tpu.vector_load_idx %arg6[%add3A_285] : memref<65536xi32, #tpu.memory_space<vmem>>[vector<16xi32>], vector<16xi32>,
          %add3A_287 = arith.addi %add3A_279, %gather3A_286 : vector<16xi32>
          %mul3A_288 = arith.constant 16 : i32
          %mul3A_289 = vector.broadcast %mul3A_288 : i32 to vector<16xi32>
          %mul3A_290 = arith.muli %add3A_200, %mul3A_289 : vector<16xi32>
          %add3A_291 = arith.constant 11 : i32
          %add3A_292 = vector.broadcast %add3A_291 : i32 to vector<16xi32>
          %add3A_293 = arith.addi %mul3A_290, %add3A_292 : vector<16xi32>
          %gather3A_294 = tpu.vector_load_idx %arg6[%add3A_293] : memref<65536xi32, #tpu.memory_space<vmem>>[vector<16xi32>], vector<16xi32>,
          %add3A_295 = arith.addi %add3A_287, %gather3A_294 : vector<16xi32>
          %mul3A_296 = arith.constant 16 : i32
          %mul3A_297 = vector.broadcast %mul3A_296 : i32 to vector<16xi32>
          %mul3A_298 = arith.muli %add3A_200, %mul3A_297 : vector<16xi32>
          %add3A_299 = arith.constant 12 : i32
          %add3A_300 = vector.broadcast %add3A_299 : i32 to vector<16xi32>
          %add3A_301 = arith.addi %mul3A_298, %add3A_300 : vector<16xi32>
          %gather3A_302 = tpu.vector_load_idx %arg6[%add3A_301] : memref<65536xi32, #tpu.memory_space<vmem>>[vector<16xi32>], vector<16xi32>,
          %add3A_303 = arith.addi %add3A_295, %gather3A_302 : vector<16xi32>
          %mul3A_304 = arith.constant 16 : i32
          %mul3A_305 = vector.broadcast %mul3A_304 : i32 to vector<16xi32>
          %mul3A_306 = arith.muli %add3A_200, %mul3A_305 : vector<16xi32>
          %add3A_307 = arith.constant 13 : i32
          %add3A_308 = vector.broadcast %add3A_307 : i32 to vector<16xi32>
          %add3A_309 = arith.addi %mul3A_306, %add3A_308 : vector<16xi32>
          %gather3A_310 = tpu.vector_load_idx %arg6[%add3A_309] : memref<65536xi32, #tpu.memory_space<vmem>>[vector<16xi32>], vector<16xi32>,
          %add3A_311 = arith.addi %add3A_303, %gather3A_310 : vector<16xi32>
          %mul3A_312 = arith.constant 16 : i32
          %mul3A_313 = vector.broadcast %mul3A_312 : i32 to vector<16xi32>
          %mul3A_314 = arith.muli %add3A_200, %mul3A_313 : vector<16xi32>
          %add3A_315 = arith.constant 14 : i32
          %add3A_316 = vector.broadcast %add3A_315 : i32 to vector<16xi32>
          %add3A_317 = arith.addi %mul3A_314, %add3A_316 : vector<16xi32>
          %gather3A_318 = tpu.vector_load_idx %arg6[%add3A_317] : memref<65536xi32, #tpu.memory_space<vmem>>[vector<16xi32>], vector<16xi32>,
          %add3A_319 = arith.addi %add3A_311, %gather3A_318 : vector<16xi32>
          %mul3A_320 = arith.constant 16 : i32
          %mul3A_321 = vector.broadcast %mul3A_320 : i32 to vector<16xi32>
          %mul3A_322 = arith.muli %add3A_200, %mul3A_321 : vector<16xi32>
          %add3A_323 = arith.constant 15 : i32
          %add3A_324 = vector.broadcast %add3A_323 : i32 to vector<16xi32>
          %add3A_325 = arith.addi %mul3A_322, %add3A_324 : vector<16xi32>
          %gather3A_326 = tpu.vector_load_idx %arg6[%add3A_325] : memref<65536xi32, #tpu.memory_space<vmem>>[vector<16xi32>], vector<16xi32>,
          %add3A_327 = arith.addi %add3A_319, %gather3A_326 : vector<16xi32>
          %rev3A = arith.constant 15 : i32
          %rev3A_328 = vector.broadcast %rev3A : i32 to vector<16xi32>
          %rev3A_329 = tpu.iota {dimensions = array<i32: 0>} : vector<16xi32>
          %rev3A_330 = arith.subi %rev3A_328, %rev3A_329 : vector<16xi32>
          %rev3A_331 = tpu.dynamic_gather %add3A_327[%rev3A_330] in [0] : vector<16xi32>, vector<16xi32> -> vector<16xi32>
          %cumsum3A = arith.constant true
          %cumsum3A_332 = vector.broadcast %cumsum3A : i1 to vector<16xi1>
          %cumsum3A_333 = tpu.scan <sum>, %rev3A_331 masked %cumsum3A_332 : vector<16xi32>, vector<16xi1> -> vector<16xi32>
          %rev3A_334 = arith.constant 15 : i32
          %rev3A_335 = vector.broadcast %rev3A_334 : i32 to vector<16xi32>
          %rev3A_336 = tpu.iota {dimensions = array<i32: 0>} : vector<16xi32>
          %rev3A_337 = arith.subi %rev3A_335, %rev3A_336 : vector<16xi32>
          %rev3A_338 = tpu.dynamic_gather %cumsum3A_333[%rev3A_337] in [0] : vector<16xi32>, vector<16xi32> -> vector<16xi32>
          %add3A_339 = vector.broadcast %scan3A_191 : i32 to vector<16xi32>
          %add3A_340 = arith.addi %add3A_339, %rev3A_338 : vector<16xi32>
          %sub3A_341 = arith.subi %add3A_340, %add3A_327 : vector<16xi32>
          %ge3A = vector.broadcast %scan3A_148#2 : i32 to vector<16xi32>
          %ge3A_342 = arith.cmpi sge, %add3A_340, %ge3A : vector<16xi32>
          %lt3A_343 = vector.broadcast %scan3A_148#2 : i32 to vector<16xi32>
          %lt3A_344 = arith.cmpi slt, %sub3A_341, %lt3A_343 : vector<16xi32>
          %and3A_345 = arith.andi %ge3A_342, %lt3A_344 : vector<16xi1>
          %add3A_346 = arith.constant 1 : i32
          %add3A_347 = vector.broadcast %add3A_346 : i32 to vector<16xi32>
          %add3A_348 = arith.addi %add3A_200, %add3A_347 : vector<16xi32>
          %jit3A_349 = arith.constant 0 : i32
          %broadcast_in_dim3A_350 = vector.broadcast %jit3A_349 : i32 to vector<16xi32>
          %select_n3A_351 = arith.select %and3A_345, %add3A_348, %broadcast_in_dim3A_350 : vector<16xi1>, vector<16xi32>
          %reduce_sum3A = arith.constant true
          %reduce_sum3A_352 = vector.broadcast %reduce_sum3A : i1 to vector<16xi1>
          %reduce_sum3A_353 = tpu.scan <sum>, %select_n3A_351 masked %reduce_sum3A_352 : vector<16xi32>, vector<16xi1> -> vector<16xi32>
          %reduce_sum3A_354 = vector.extract %reduce_sum3A_353[15] : i32 from vector<16xi32>
          %add3A_355 = arith.addi %scan3A_192, %reduce_sum3A_354 : i32
          %sub3A_356 = vector.broadcast %scan3A_148#2 : i32 to vector<16xi32>
          %sub3A_357 = arith.subi %sub3A_356, %sub3A_341 : vector<16xi32>
          %jit3A_358 = arith.constant 0 : i32
          %broadcast_in_dim3A_359 = vector.broadcast %jit3A_358 : i32 to vector<16xi32>
          %select_n3A_360 = arith.select %and3A_345, %sub3A_357, %broadcast_in_dim3A_359 : vector<16xi1>, vector<16xi32>
          %reduce_sum3A_361 = arith.constant true
          %reduce_sum3A_362 = vector.broadcast %reduce_sum3A_361 : i1 to vector<16xi1>
          %reduce_sum3A_363 = tpu.scan <sum>, %select_n3A_360 masked %reduce_sum3A_362 : vector<16xi32>, vector<16xi1> -> vector<16xi32>
          %reduce_sum3A_364 = vector.extract %reduce_sum3A_363[15] : i32 from vector<16xi32>
          %add3A_365 = arith.addi %scan3A_193, %reduce_sum3A_364 : i32
          %reduce_sum3A_366 = arith.constant true
          %reduce_sum3A_367 = vector.broadcast %reduce_sum3A_366 : i1 to vector<16xi1>
          %reduce_sum3A_368 = tpu.scan <sum>, %add3A_327 masked %reduce_sum3A_367 : vector<16xi32>, vector<16xi1> -> vector<16xi32>
          %reduce_sum3A_369 = vector.extract %reduce_sum3A_368[15] : i32 from vector<16xi32>
          %add3A_370 = arith.addi %scan3A_191, %reduce_sum3A_369 : i32
          scf.yield %add3A_370, %add3A_355, %add3A_365 : i32, i32, i32
        }
        %scan3A_180 = arith.constant 256 : i32
        %shift_left3A_181 = arith.constant 8 : i32
        %shift_left3A_182 = arith.shli %or3A, %shift_left3A_181 : i32
        %shift_right_logical3A = arith.constant 4 : i32
        %shift_right_logical3A_183 = arith.shrui %scan3A_179#1, %shift_right_logical3A : i32
        %or3A_184 = arith.ori %shift_left3A_182, %shift_right_logical3A_183 : i32
        %xor3A = arith.constant -2147483648 : i32
        %xor3A_185 = arith.xori %or3A_184, %xor3A : i32
        %broadcast_in_dim3A_186 = vector.broadcast %xor3A_185 : i32 to vector<16xi32>
        %swap3A = arith.constant 0 : index
        %swap3A_187 = tpu.vector_load %arg8[%swap3A] {strides = array<i32>} : memref<16xi32, #tpu.memory_space<vmem>>, vector<16xi32>,
        tpu.vector_store %arg8[%swap3A], %broadcast_in_dim3A_186 {strides = array<i32>} : memref<16xi32, #tpu.memory_space<vmem>>, vector<16xi32>,
        %mul3A_188 = arith.constant 16 : i32
        %mul3A_189 = arith.muli %add3A_10, %mul3A_188 : i32
        "tpu.region"() ({
          %run_scoped3A = tpu.sem_alloc : memref<!tpu.dma_semaphore, #tpu.memory_space<semaphore_mem>>
          %dma_start3A_190 = tpu.memref_slice %arg3[%mul3A_189] : memref<1600xi32, #tpu.memory_space<hbm>> -> memref<16xi32, #tpu.memory_space<hbm>>
          %dma_start3A_191 = tpu.memref_slice %arg3[%mul3A_189] : memref<1600xi32, #tpu.memory_space<hbm>> -> memref<16xi32, #tpu.memory_space<hbm>>
          tpu.enqueue_dma source(%arg8 : memref<16xi32, #tpu.memory_space<vmem>>) target(%dma_start3A_191 : memref<16xi32, #tpu.memory_space<hbm>>) target_semaphore(%run_scoped3A : memref<!tpu.dma_semaphore, #tpu.memory_space<semaphore_mem>>)
          %dma_wait3A = tpu.memref_slice %arg3[%mul3A_189] : memref<1600xi32, #tpu.memory_space<hbm>> -> memref<16xi32, #tpu.memory_space<hbm>>
          %dma_wait3A_192 = tpu.memref_slice %arg3[%mul3A_189] : memref<1600xi32, #tpu.memory_space<hbm>> -> memref<16xi32, #tpu.memory_space<hbm>>
          tpu.wait_dma2 semaphore(%run_scoped3A : memref<!tpu.dma_semaphore, #tpu.memory_space<semaphore_mem>>) src(%arg8 : memref<16xi32, #tpu.memory_space<vmem>>) dst(%dma_wait3A_192 : memref<16xi32, #tpu.memory_space<hbm>>)
          tpu.yield
        }) : () -> ()
      } else {
      }
    }
    %scan3A_6 = arith.constant 4 : i32
    return
  }
}

module attributes {stable_mosaic.version = 14 : i64} {
  func.func @_mean_body(%arg0: i32, %arg1: i32, %arg2: memref<1x96x32x384xf32, #tpu.memory_space<vmem>>, %arg3: memref<1x32x384xi32, #tpu.memory_space<vmem>>) attributes {dimension_semantics = [#tpu.dimension_semantics<arbitrary>, #tpu.dimension_semantics<arbitrary>], iteration_bounds = array<i64: 4, 12>, scalar_prefetch = 0 : i64, scratch_operands = 0 : i64, tpu.core_type = #tpu.core_type<tc>, window_params = [{transform_indices = @transform_0, window_bounds = array<i64: 1, 96, 32, 384>}, {transform_indices = @transform_1, window_bounds = array<i64: 1, 32, 384>}]} {
    %get3A = arith.constant 0 : index
    %get3A_0 = arith.constant 0 : index
    %get3A_1 = arith.constant 0 : index
    %get3A_2 = arith.constant 0 : index
    %get3A_3 = vector.load %arg2[%get3A, %get3A_0, %get3A_1, %get3A_2] : memref<1x96x32x384xf32, #tpu.memory_space<vmem>>, vector<1x96x32x384xf32>
    %get3A_4 = vector.shape_cast %get3A_3 : vector<1x96x32x384xf32> to vector<96x32x384xf32>
    %reduce_sum3A = arith.constant dense<0.000000e+00> : vector<32x384xf32>
    %reduce_sum3A_5 = vector.multi_reduction <add>, %get3A_4, %reduce_sum3A [0] : vector<96x32x384xf32> to vector<32x384xf32>
    %div3A = arith.constant 9.600000e+01 : f32
    %div3A_6 = vector.broadcast %div3A : f32 to vector<32x384xf32>
    %div3A_7 = arith.divf %reduce_sum3A_5, %div3A_6 : vector<32x384xf32>
    %bitcast_convert_type3A = tpu.bitcast %div3A_7 : vector<32x384xf32> -> vector<32x384xi32>
    %lt3A = arith.constant 0 : i32
    %lt3A_8 = vector.broadcast %lt3A : i32 to vector<32x384xi32>
    %lt3A_9 = arith.cmpi slt, %bitcast_convert_type3A, %lt3A_8 : vector<32x384xi32>
    %xor3A = arith.constant 2147483647 : i32
    %xor3A_10 = vector.broadcast %xor3A : i32 to vector<32x384xi32>
    %xor3A_11 = arith.xori %bitcast_convert_type3A, %xor3A_10 : vector<32x384xi32>
    %select_n3A = arith.select %lt3A_9, %xor3A_11, %bitcast_convert_type3A : vector<32x384xi1>, vector<32x384xi32>
    %swap3A = arith.constant 0 : index
    %swap3A_12 = arith.constant 0 : index
    %swap3A_13 = arith.constant 0 : index
    %swap3A_14 = vector.load %arg3[%swap3A, %swap3A_12, %swap3A_13] : memref<1x32x384xi32, #tpu.memory_space<vmem>>, vector<1x32x384xi32>
    %swap3A_15 = vector.shape_cast %swap3A_14 : vector<1x32x384xi32> to vector<32x384xi32>
    %swap3A_16 = vector.shape_cast %select_n3A : vector<32x384xi32> to vector<1x32x384xi32>
    tpu.vector_store %arg3[%swap3A, %swap3A_12, %swap3A_13], %swap3A_16 {strides = array<i32>} : memref<1x32x384xi32, #tpu.memory_space<vmem>>, vector<1x32x384xi32>,
    return
  }
  func.func @transform_0(%arg0: i32, %arg1: i32) -> (i32, i32, i32, i32) {
    %c0_i32 = arith.constant 0 : i32
    %c0_i32_0 = arith.constant 0 : i32
    %c0_i32_1 = arith.constant 0 : i32
    return %arg0, %c0_i32, %arg1, %c0_i32_0 : i32, i32, i32, i32
  }
  func.func @transform_1(%arg0: i32, %arg1: i32) -> (i32, i32, i32) {
    %c0_i32 = arith.constant 0 : i32
    %c0_i32_0 = arith.constant 0 : i32
    return %arg0, %arg1, %c0_i32 : i32, i32, i32
  }
}

module attributes {stable_mosaic.version = 14 : i64} {
  func.func @_apply_body(%arg0: i32, %arg1: i32, %arg2: memref<1x96x32x384xf32, #tpu.memory_space<vmem>>, %arg3: memref<1x32x384xi32, #tpu.memory_space<vmem>>, %arg4: memref<1x8x128xi32, #tpu.memory_space<vmem>>, %arg5: memref<8x128xf32, #tpu.memory_space<vmem>>, %arg6: memref<1x96x32x384xf32, #tpu.memory_space<vmem>>) attributes {dimension_semantics = [#tpu.dimension_semantics<arbitrary>, #tpu.dimension_semantics<arbitrary>], iteration_bounds = array<i64: 4, 12>, scalar_prefetch = 0 : i64, scratch_operands = 0 : i64, tpu.core_type = #tpu.core_type<tc>, window_params = [{transform_indices = @transform_0, window_bounds = array<i64: 1, 96, 32, 384>}, {transform_indices = @transform_1, window_bounds = array<i64: 1, 32, 384>}, {transform_indices = @transform_2, window_bounds = array<i64: 1, 8, 128>}, {pipeline_mode = #tpu.pipeline_mode<synchronous>, transform_indices = @transform_3, window_bounds = array<i64: 8, 128>}, {transform_indices = @transform_4, window_bounds = array<i64: 1, 96, 32, 384>}]} {
    %get3A = arith.constant 0 : index
    %get3A_0 = arith.constant 0 : index
    %get3A_1 = arith.constant 0 : index
    %get3A_2 = vector.load %arg3[%get3A, %get3A_0, %get3A_1] : memref<1x32x384xi32, #tpu.memory_space<vmem>>, vector<1x32x384xi32>
    %get3A_3 = vector.shape_cast %get3A_2 : vector<1x32x384xi32> to vector<32x384xi32>
    %mul3A = arith.constant 32 : i32
    %mul3A_4 = arith.muli %arg1, %mul3A : i32
    %iota3A = tpu.iota {dimensions = array<i32: 0>} : vector<32x1xi32>
    %add3A = vector.broadcast %mul3A_4 : i32 to vector<32x1xi32>
    %add3A_5 = arith.addi %add3A, %iota3A : vector<32x1xi32>
    %iota3A_6 = tpu.iota {dimensions = array<i32: 1>} : vector<1x384xi32>
    %ge3A = arith.constant 0 : i32
    %ge3A_7 = vector.broadcast %ge3A : i32 to vector<1x384xi32>
    %ge3A_8 = arith.cmpi sge, %iota3A_6, %ge3A_7 : vector<1x384xi32>
    %lt3A = arith.constant 380 : i32
    %lt3A_9 = vector.broadcast %lt3A : i32 to vector<1x384xi32>
    %lt3A_10 = arith.cmpi slt, %iota3A_6, %lt3A_9 : vector<1x384xi32>
    %and3A = arith.andi %ge3A_8, %lt3A_10 : vector<1x384xi1>
    %ge3A_11 = arith.constant 0 : i32
    %ge3A_12 = vector.broadcast %ge3A_11 : i32 to vector<32x1xi32>
    %ge3A_13 = arith.cmpi sge, %add3A_5, %ge3A_12 : vector<32x1xi32>
    %lt3A_14 = arith.constant 380 : i32
    %lt3A_15 = vector.broadcast %lt3A_14 : i32 to vector<32x1xi32>
    %lt3A_16 = arith.cmpi slt, %add3A_5, %lt3A_15 : vector<32x1xi32>
    %and3A_17 = arith.andi %ge3A_13, %lt3A_16 : vector<32x1xi1>
    %get3A_18 = arith.constant 0 : index
    %get3A_19 = arith.constant 0 : index
    %get3A_20 = arith.constant 0 : index
    %get3A_21 = vector.load %arg4[%get3A_18, %get3A_19, %get3A_20] : memref<1x8x128xi32, #tpu.memory_space<vmem>>, vector<1x1x1xi32>
    %get3A_22 = vector.extract %get3A_21[0, 0, 0] : i32 from vector<1x1x1xi32>
    %jit3A = arith.constant 2147483647 : i32
    %broadcast_in_dim3A = vector.broadcast %get3A_22 : i32 to vector<32x1xi32>
    %broadcast_in_dim3A_23 = vector.broadcast %jit3A : i32 to vector<32x1xi32>
    %select_n3A = arith.select %and3A_17, %broadcast_in_dim3A, %broadcast_in_dim3A_23 : vector<32x1xi1>, vector<32x1xi32>
    %ge3A_24 = arith.constant 1 : i32
    %ge3A_25 = vector.broadcast %ge3A_24 : i32 to vector<32x1xi32>
    %ge3A_26 = arith.cmpi sge, %add3A_5, %ge3A_25 : vector<32x1xi32>
    %lt3A_27 = arith.constant 381 : i32
    %lt3A_28 = vector.broadcast %lt3A_27 : i32 to vector<32x1xi32>
    %lt3A_29 = arith.cmpi slt, %add3A_5, %lt3A_28 : vector<32x1xi32>
    %and3A_30 = arith.andi %ge3A_26, %lt3A_29 : vector<32x1xi1>
    %get3A_31 = arith.constant 0 : index
    %get3A_32 = arith.constant 0 : index
    %get3A_33 = arith.constant 5 : index
    %get3A_34 = vector.load %arg4[%get3A_31, %get3A_32, %get3A_33] : memref<1x8x128xi32, #tpu.memory_space<vmem>>, vector<1x1x1xi32>
    %get3A_35 = vector.extract %get3A_34[0, 0, 0] : i32 from vector<1x1x1xi32>
    %jit3A_36 = arith.constant 2147483647 : i32
    %broadcast_in_dim3A_37 = vector.broadcast %get3A_35 : i32 to vector<32x1xi32>
    %broadcast_in_dim3A_38 = vector.broadcast %jit3A_36 : i32 to vector<32x1xi32>
    %select_n3A_39 = arith.select %and3A_30, %broadcast_in_dim3A_37, %broadcast_in_dim3A_38 : vector<32x1xi1>, vector<32x1xi32>
    %min3A = arith.minsi %select_n3A, %select_n3A_39 : vector<32x1xi32>
    %ge3A_40 = arith.constant 2 : i32
    %ge3A_41 = vector.broadcast %ge3A_40 : i32 to vector<32x1xi32>
    %ge3A_42 = arith.cmpi sge, %add3A_5, %ge3A_41 : vector<32x1xi32>
    %lt3A_43 = arith.constant 382 : i32
    %lt3A_44 = vector.broadcast %lt3A_43 : i32 to vector<32x1xi32>
    %lt3A_45 = arith.cmpi slt, %add3A_5, %lt3A_44 : vector<32x1xi32>
    %and3A_46 = arith.andi %ge3A_42, %lt3A_45 : vector<32x1xi1>
    %get3A_47 = arith.constant 0 : index
    %get3A_48 = arith.constant 0 : index
    %get3A_49 = arith.constant 10 : index
    %get3A_50 = vector.load %arg4[%get3A_47, %get3A_48, %get3A_49] : memref<1x8x128xi32, #tpu.memory_space<vmem>>, vector<1x1x1xi32>
    %get3A_51 = vector.extract %get3A_50[0, 0, 0] : i32 from vector<1x1x1xi32>
    %jit3A_52 = arith.constant 2147483647 : i32
    %broadcast_in_dim3A_53 = vector.broadcast %get3A_51 : i32 to vector<32x1xi32>
    %broadcast_in_dim3A_54 = vector.broadcast %jit3A_52 : i32 to vector<32x1xi32>
    %select_n3A_55 = arith.select %and3A_46, %broadcast_in_dim3A_53, %broadcast_in_dim3A_54 : vector<32x1xi1>, vector<32x1xi32>
    %min3A_56 = arith.minsi %min3A, %select_n3A_55 : vector<32x1xi32>
    %ge3A_57 = arith.constant 3 : i32
    %ge3A_58 = vector.broadcast %ge3A_57 : i32 to vector<32x1xi32>
    %ge3A_59 = arith.cmpi sge, %add3A_5, %ge3A_58 : vector<32x1xi32>
    %lt3A_60 = arith.constant 383 : i32
    %lt3A_61 = vector.broadcast %lt3A_60 : i32 to vector<32x1xi32>
    %lt3A_62 = arith.cmpi slt, %add3A_5, %lt3A_61 : vector<32x1xi32>
    %and3A_63 = arith.andi %ge3A_59, %lt3A_62 : vector<32x1xi1>
    %get3A_64 = arith.constant 0 : index
    %get3A_65 = arith.constant 0 : index
    %get3A_66 = arith.constant 15 : index
    %get3A_67 = vector.load %arg4[%get3A_64, %get3A_65, %get3A_66] : memref<1x8x128xi32, #tpu.memory_space<vmem>>, vector<1x1x1xi32>
    %get3A_68 = vector.extract %get3A_67[0, 0, 0] : i32 from vector<1x1x1xi32>
    %jit3A_69 = arith.constant 2147483647 : i32
    %broadcast_in_dim3A_70 = vector.broadcast %get3A_68 : i32 to vector<32x1xi32>
    %broadcast_in_dim3A_71 = vector.broadcast %jit3A_69 : i32 to vector<32x1xi32>
    %select_n3A_72 = arith.select %and3A_63, %broadcast_in_dim3A_70, %broadcast_in_dim3A_71 : vector<32x1xi1>, vector<32x1xi32>
    %min3A_73 = arith.minsi %min3A_56, %select_n3A_72 : vector<32x1xi32>
    %ge3A_74 = arith.constant 4 : i32
    %ge3A_75 = vector.broadcast %ge3A_74 : i32 to vector<32x1xi32>
    %ge3A_76 = arith.cmpi sge, %add3A_5, %ge3A_75 : vector<32x1xi32>
    %lt3A_77 = arith.constant 384 : i32
    %lt3A_78 = vector.broadcast %lt3A_77 : i32 to vector<32x1xi32>
    %lt3A_79 = arith.cmpi slt, %add3A_5, %lt3A_78 : vector<32x1xi32>
    %and3A_80 = arith.andi %ge3A_76, %lt3A_79 : vector<32x1xi1>
    %get3A_81 = arith.constant 0 : index
    %get3A_82 = arith.constant 0 : index
    %get3A_83 = arith.constant 20 : index
    %get3A_84 = vector.load %arg4[%get3A_81, %get3A_82, %get3A_83] : memref<1x8x128xi32, #tpu.memory_space<vmem>>, vector<1x1x1xi32>
    %get3A_85 = vector.extract %get3A_84[0, 0, 0] : i32 from vector<1x1x1xi32>
    %jit3A_86 = arith.constant 2147483647 : i32
    %broadcast_in_dim3A_87 = vector.broadcast %get3A_85 : i32 to vector<32x1xi32>
    %broadcast_in_dim3A_88 = vector.broadcast %jit3A_86 : i32 to vector<32x1xi32>
    %select_n3A_89 = arith.select %and3A_80, %broadcast_in_dim3A_87, %broadcast_in_dim3A_88 : vector<32x1xi1>, vector<32x1xi32>
    %min3A_90 = arith.minsi %min3A_73, %select_n3A_89 : vector<32x1xi32>
    %jit3A_91 = arith.constant 2147483647 : i32
    %broadcast_in_dim3A_92 = vector.shape_cast %and3A : vector<1x384xi1> to vector<1x384xi1>
    %broadcast_in_dim3A_93 = vector.broadcast %broadcast_in_dim3A_92 : vector<1x384xi1> to vector<32x384xi1>
    %broadcast_in_dim3A_94 = vector.shape_cast %min3A_90 : vector<32x1xi32> to vector<32x1xi32>
    %broadcast_in_dim3A_95 = vector.broadcast %broadcast_in_dim3A_94 : vector<32x1xi32> to vector<32x384xi32>
    %broadcast_in_dim3A_96 = vector.broadcast %jit3A_91 : i32 to vector<32x384xi32>
    %select_n3A_97 = arith.select %broadcast_in_dim3A_93, %broadcast_in_dim3A_95, %broadcast_in_dim3A_96 : vector<32x384xi1>, vector<32x384xi32>
    %ge3A_98 = arith.constant 1 : i32
    %ge3A_99 = vector.broadcast %ge3A_98 : i32 to vector<1x384xi32>
    %ge3A_100 = arith.cmpi sge, %iota3A_6, %ge3A_99 : vector<1x384xi32>
    %lt3A_101 = arith.constant 381 : i32
    %lt3A_102 = vector.broadcast %lt3A_101 : i32 to vector<1x384xi32>
    %lt3A_103 = arith.cmpi slt, %iota3A_6, %lt3A_102 : vector<1x384xi32>
    %and3A_104 = arith.andi %ge3A_100, %lt3A_103 : vector<1x384xi1>
    %ge3A_105 = arith.constant 0 : i32
    %ge3A_106 = vector.broadcast %ge3A_105 : i32 to vector<32x1xi32>
    %ge3A_107 = arith.cmpi sge, %add3A_5, %ge3A_106 : vector<32x1xi32>
    %lt3A_108 = arith.constant 380 : i32
    %lt3A_109 = vector.broadcast %lt3A_108 : i32 to vector<32x1xi32>
    %lt3A_110 = arith.cmpi slt, %add3A_5, %lt3A_109 : vector<32x1xi32>
    %and3A_111 = arith.andi %ge3A_107, %lt3A_110 : vector<32x1xi1>
    %get3A_112 = arith.constant 0 : index
    %get3A_113 = arith.constant 0 : index
    %get3A_114 = arith.constant 1 : index
    %get3A_115 = vector.load %arg4[%get3A_112, %get3A_113, %get3A_114] : memref<1x8x128xi32, #tpu.memory_space<vmem>>, vector<1x1x1xi32>
    %get3A_116 = vector.extract %get3A_115[0, 0, 0] : i32 from vector<1x1x1xi32>
    %jit3A_117 = arith.constant 2147483647 : i32
    %broadcast_in_dim3A_118 = vector.broadcast %get3A_116 : i32 to vector<32x1xi32>
    %broadcast_in_dim3A_119 = vector.broadcast %jit3A_117 : i32 to vector<32x1xi32>
    %select_n3A_120 = arith.select %and3A_111, %broadcast_in_dim3A_118, %broadcast_in_dim3A_119 : vector<32x1xi1>, vector<32x1xi32>
    %ge3A_121 = arith.constant 1 : i32
    %ge3A_122 = vector.broadcast %ge3A_121 : i32 to vector<32x1xi32>
    %ge3A_123 = arith.cmpi sge, %add3A_5, %ge3A_122 : vector<32x1xi32>
    %lt3A_124 = arith.constant 381 : i32
    %lt3A_125 = vector.broadcast %lt3A_124 : i32 to vector<32x1xi32>
    %lt3A_126 = arith.cmpi slt, %add3A_5, %lt3A_125 : vector<32x1xi32>
    %and3A_127 = arith.andi %ge3A_123, %lt3A_126 : vector<32x1xi1>
    %get3A_128 = arith.constant 0 : index
    %get3A_129 = arith.constant 0 : index
    %get3A_130 = arith.constant 6 : index
    %get3A_131 = vector.load %arg4[%get3A_128, %get3A_129, %get3A_130] : memref<1x8x128xi32, #tpu.memory_space<vmem>>, vector<1x1x1xi32>
    %get3A_132 = vector.extract %get3A_131[0, 0, 0] : i32 from vector<1x1x1xi32>
    %jit3A_133 = arith.constant 2147483647 : i32
    %broadcast_in_dim3A_134 = vector.broadcast %get3A_132 : i32 to vector<32x1xi32>
    %broadcast_in_dim3A_135 = vector.broadcast %jit3A_133 : i32 to vector<32x1xi32>
    %select_n3A_136 = arith.select %and3A_127, %broadcast_in_dim3A_134, %broadcast_in_dim3A_135 : vector<32x1xi1>, vector<32x1xi32>
    %min3A_137 = arith.minsi %select_n3A_120, %select_n3A_136 : vector<32x1xi32>
    %ge3A_138 = arith.constant 2 : i32
    %ge3A_139 = vector.broadcast %ge3A_138 : i32 to vector<32x1xi32>
    %ge3A_140 = arith.cmpi sge, %add3A_5, %ge3A_139 : vector<32x1xi32>
    %lt3A_141 = arith.constant 382 : i32
    %lt3A_142 = vector.broadcast %lt3A_141 : i32 to vector<32x1xi32>
    %lt3A_143 = arith.cmpi slt, %add3A_5, %lt3A_142 : vector<32x1xi32>
    %and3A_144 = arith.andi %ge3A_140, %lt3A_143 : vector<32x1xi1>
    %get3A_145 = arith.constant 0 : index
    %get3A_146 = arith.constant 0 : index
    %get3A_147 = arith.constant 11 : index
    %get3A_148 = vector.load %arg4[%get3A_145, %get3A_146, %get3A_147] : memref<1x8x128xi32, #tpu.memory_space<vmem>>, vector<1x1x1xi32>
    %get3A_149 = vector.extract %get3A_148[0, 0, 0] : i32 from vector<1x1x1xi32>
    %jit3A_150 = arith.constant 2147483647 : i32
    %broadcast_in_dim3A_151 = vector.broadcast %get3A_149 : i32 to vector<32x1xi32>
    %broadcast_in_dim3A_152 = vector.broadcast %jit3A_150 : i32 to vector<32x1xi32>
    %select_n3A_153 = arith.select %and3A_144, %broadcast_in_dim3A_151, %broadcast_in_dim3A_152 : vector<32x1xi1>, vector<32x1xi32>
    %min3A_154 = arith.minsi %min3A_137, %select_n3A_153 : vector<32x1xi32>
    %ge3A_155 = arith.constant 3 : i32
    %ge3A_156 = vector.broadcast %ge3A_155 : i32 to vector<32x1xi32>
    %ge3A_157 = arith.cmpi sge, %add3A_5, %ge3A_156 : vector<32x1xi32>
    %lt3A_158 = arith.constant 383 : i32
    %lt3A_159 = vector.broadcast %lt3A_158 : i32 to vector<32x1xi32>
    %lt3A_160 = arith.cmpi slt, %add3A_5, %lt3A_159 : vector<32x1xi32>
    %and3A_161 = arith.andi %ge3A_157, %lt3A_160 : vector<32x1xi1>
    %get3A_162 = arith.constant 0 : index
    %get3A_163 = arith.constant 0 : index
    %get3A_164 = arith.constant 16 : index
    %get3A_165 = vector.load %arg4[%get3A_162, %get3A_163, %get3A_164] : memref<1x8x128xi32, #tpu.memory_space<vmem>>, vector<1x1x1xi32>
    %get3A_166 = vector.extract %get3A_165[0, 0, 0] : i32 from vector<1x1x1xi32>
    %jit3A_167 = arith.constant 2147483647 : i32
    %broadcast_in_dim3A_168 = vector.broadcast %get3A_166 : i32 to vector<32x1xi32>
    %broadcast_in_dim3A_169 = vector.broadcast %jit3A_167 : i32 to vector<32x1xi32>
    %select_n3A_170 = arith.select %and3A_161, %broadcast_in_dim3A_168, %broadcast_in_dim3A_169 : vector<32x1xi1>, vector<32x1xi32>
    %min3A_171 = arith.minsi %min3A_154, %select_n3A_170 : vector<32x1xi32>
    %ge3A_172 = arith.constant 4 : i32
    %ge3A_173 = vector.broadcast %ge3A_172 : i32 to vector<32x1xi32>
    %ge3A_174 = arith.cmpi sge, %add3A_5, %ge3A_173 : vector<32x1xi32>
    %lt3A_175 = arith.constant 384 : i32
    %lt3A_176 = vector.broadcast %lt3A_175 : i32 to vector<32x1xi32>
    %lt3A_177 = arith.cmpi slt, %add3A_5, %lt3A_176 : vector<32x1xi32>
    %and3A_178 = arith.andi %ge3A_174, %lt3A_177 : vector<32x1xi1>
    %get3A_179 = arith.constant 0 : index
    %get3A_180 = arith.constant 0 : index
    %get3A_181 = arith.constant 21 : index
    %get3A_182 = vector.load %arg4[%get3A_179, %get3A_180, %get3A_181] : memref<1x8x128xi32, #tpu.memory_space<vmem>>, vector<1x1x1xi32>
    %get3A_183 = vector.extract %get3A_182[0, 0, 0] : i32 from vector<1x1x1xi32>
    %jit3A_184 = arith.constant 2147483647 : i32
    %broadcast_in_dim3A_185 = vector.broadcast %get3A_183 : i32 to vector<32x1xi32>
    %broadcast_in_dim3A_186 = vector.broadcast %jit3A_184 : i32 to vector<32x1xi32>
    %select_n3A_187 = arith.select %and3A_178, %broadcast_in_dim3A_185, %broadcast_in_dim3A_186 : vector<32x1xi1>, vector<32x1xi32>
    %min3A_188 = arith.minsi %min3A_171, %select_n3A_187 : vector<32x1xi32>
    %jit3A_189 = arith.constant 2147483647 : i32
    %broadcast_in_dim3A_190 = vector.shape_cast %and3A_104 : vector<1x384xi1> to vector<1x384xi1>
    %broadcast_in_dim3A_191 = vector.broadcast %broadcast_in_dim3A_190 : vector<1x384xi1> to vector<32x384xi1>
    %broadcast_in_dim3A_192 = vector.shape_cast %min3A_188 : vector<32x1xi32> to vector<32x1xi32>
    %broadcast_in_dim3A_193 = vector.broadcast %broadcast_in_dim3A_192 : vector<32x1xi32> to vector<32x384xi32>
    %broadcast_in_dim3A_194 = vector.broadcast %jit3A_189 : i32 to vector<32x384xi32>
    %select_n3A_195 = arith.select %broadcast_in_dim3A_191, %broadcast_in_dim3A_193, %broadcast_in_dim3A_194 : vector<32x384xi1>, vector<32x384xi32>
    %min3A_196 = arith.minsi %select_n3A_97, %select_n3A_195 : vector<32x384xi32>
    %ge3A_197 = arith.constant 2 : i32
    %ge3A_198 = vector.broadcast %ge3A_197 : i32 to vector<1x384xi32>
    %ge3A_199 = arith.cmpi sge, %iota3A_6, %ge3A_198 : vector<1x384xi32>
    %lt3A_200 = arith.constant 382 : i32
    %lt3A_201 = vector.broadcast %lt3A_200 : i32 to vector<1x384xi32>
    %lt3A_202 = arith.cmpi slt, %iota3A_6, %lt3A_201 : vector<1x384xi32>
    %and3A_203 = arith.andi %ge3A_199, %lt3A_202 : vector<1x384xi1>
    %ge3A_204 = arith.constant 0 : i32
    %ge3A_205 = vector.broadcast %ge3A_204 : i32 to vector<32x1xi32>
    %ge3A_206 = arith.cmpi sge, %add3A_5, %ge3A_205 : vector<32x1xi32>
    %lt3A_207 = arith.constant 380 : i32
    %lt3A_208 = vector.broadcast %lt3A_207 : i32 to vector<32x1xi32>
    %lt3A_209 = arith.cmpi slt, %add3A_5, %lt3A_208 : vector<32x1xi32>
    %and3A_210 = arith.andi %ge3A_206, %lt3A_209 : vector<32x1xi1>
    %get3A_211 = arith.constant 0 : index
    %get3A_212 = arith.constant 0 : index
    %get3A_213 = arith.constant 2 : index
    %get3A_214 = vector.load %arg4[%get3A_211, %get3A_212, %get3A_213] : memref<1x8x128xi32, #tpu.memory_space<vmem>>, vector<1x1x1xi32>
    %get3A_215 = vector.extract %get3A_214[0, 0, 0] : i32 from vector<1x1x1xi32>
    %jit3A_216 = arith.constant 2147483647 : i32
    %broadcast_in_dim3A_217 = vector.broadcast %get3A_215 : i32 to vector<32x1xi32>
    %broadcast_in_dim3A_218 = vector.broadcast %jit3A_216 : i32 to vector<32x1xi32>
    %select_n3A_219 = arith.select %and3A_210, %broadcast_in_dim3A_217, %broadcast_in_dim3A_218 : vector<32x1xi1>, vector<32x1xi32>
    %ge3A_220 = arith.constant 1 : i32
    %ge3A_221 = vector.broadcast %ge3A_220 : i32 to vector<32x1xi32>
    %ge3A_222 = arith.cmpi sge, %add3A_5, %ge3A_221 : vector<32x1xi32>
    %lt3A_223 = arith.constant 381 : i32
    %lt3A_224 = vector.broadcast %lt3A_223 : i32 to vector<32x1xi32>
    %lt3A_225 = arith.cmpi slt, %add3A_5, %lt3A_224 : vector<32x1xi32>
    %and3A_226 = arith.andi %ge3A_222, %lt3A_225 : vector<32x1xi1>
    %get3A_227 = arith.constant 0 : index
    %get3A_228 = arith.constant 0 : index
    %get3A_229 = arith.constant 7 : index
    %get3A_230 = vector.load %arg4[%get3A_227, %get3A_228, %get3A_229] : memref<1x8x128xi32, #tpu.memory_space<vmem>>, vector<1x1x1xi32>
    %get3A_231 = vector.extract %get3A_230[0, 0, 0] : i32 from vector<1x1x1xi32>
    %jit3A_232 = arith.constant 2147483647 : i32
    %broadcast_in_dim3A_233 = vector.broadcast %get3A_231 : i32 to vector<32x1xi32>
    %broadcast_in_dim3A_234 = vector.broadcast %jit3A_232 : i32 to vector<32x1xi32>
    %select_n3A_235 = arith.select %and3A_226, %broadcast_in_dim3A_233, %broadcast_in_dim3A_234 : vector<32x1xi1>, vector<32x1xi32>
    %min3A_236 = arith.minsi %select_n3A_219, %select_n3A_235 : vector<32x1xi32>
    %ge3A_237 = arith.constant 2 : i32
    %ge3A_238 = vector.broadcast %ge3A_237 : i32 to vector<32x1xi32>
    %ge3A_239 = arith.cmpi sge, %add3A_5, %ge3A_238 : vector<32x1xi32>
    %lt3A_240 = arith.constant 382 : i32
    %lt3A_241 = vector.broadcast %lt3A_240 : i32 to vector<32x1xi32>
    %lt3A_242 = arith.cmpi slt, %add3A_5, %lt3A_241 : vector<32x1xi32>
    %and3A_243 = arith.andi %ge3A_239, %lt3A_242 : vector<32x1xi1>
    %get3A_244 = arith.constant 0 : index
    %get3A_245 = arith.constant 0 : index
    %get3A_246 = arith.constant 12 : index
    %get3A_247 = vector.load %arg4[%get3A_244, %get3A_245, %get3A_246] : memref<1x8x128xi32, #tpu.memory_space<vmem>>, vector<1x1x1xi32>
    %get3A_248 = vector.extract %get3A_247[0, 0, 0] : i32 from vector<1x1x1xi32>
    %jit3A_249 = arith.constant 2147483647 : i32
    %broadcast_in_dim3A_250 = vector.broadcast %get3A_248 : i32 to vector<32x1xi32>
    %broadcast_in_dim3A_251 = vector.broadcast %jit3A_249 : i32 to vector<32x1xi32>
    %select_n3A_252 = arith.select %and3A_243, %broadcast_in_dim3A_250, %broadcast_in_dim3A_251 : vector<32x1xi1>, vector<32x1xi32>
    %min3A_253 = arith.minsi %min3A_236, %select_n3A_252 : vector<32x1xi32>
    %ge3A_254 = arith.constant 3 : i32
    %ge3A_255 = vector.broadcast %ge3A_254 : i32 to vector<32x1xi32>
    %ge3A_256 = arith.cmpi sge, %add3A_5, %ge3A_255 : vector<32x1xi32>
    %lt3A_257 = arith.constant 383 : i32
    %lt3A_258 = vector.broadcast %lt3A_257 : i32 to vector<32x1xi32>
    %lt3A_259 = arith.cmpi slt, %add3A_5, %lt3A_258 : vector<32x1xi32>
    %and3A_260 = arith.andi %ge3A_256, %lt3A_259 : vector<32x1xi1>
    %get3A_261 = arith.constant 0 : index
    %get3A_262 = arith.constant 0 : index
    %get3A_263 = arith.constant 17 : index
    %get3A_264 = vector.load %arg4[%get3A_261, %get3A_262, %get3A_263] : memref<1x8x128xi32, #tpu.memory_space<vmem>>, vector<1x1x1xi32>
    %get3A_265 = vector.extract %get3A_264[0, 0, 0] : i32 from vector<1x1x1xi32>
    %jit3A_266 = arith.constant 2147483647 : i32
    %broadcast_in_dim3A_267 = vector.broadcast %get3A_265 : i32 to vector<32x1xi32>
    %broadcast_in_dim3A_268 = vector.broadcast %jit3A_266 : i32 to vector<32x1xi32>
    %select_n3A_269 = arith.select %and3A_260, %broadcast_in_dim3A_267, %broadcast_in_dim3A_268 : vector<32x1xi1>, vector<32x1xi32>
    %min3A_270 = arith.minsi %min3A_253, %select_n3A_269 : vector<32x1xi32>
    %ge3A_271 = arith.constant 4 : i32
    %ge3A_272 = vector.broadcast %ge3A_271 : i32 to vector<32x1xi32>
    %ge3A_273 = arith.cmpi sge, %add3A_5, %ge3A_272 : vector<32x1xi32>
    %lt3A_274 = arith.constant 384 : i32
    %lt3A_275 = vector.broadcast %lt3A_274 : i32 to vector<32x1xi32>
    %lt3A_276 = arith.cmpi slt, %add3A_5, %lt3A_275 : vector<32x1xi32>
    %and3A_277 = arith.andi %ge3A_273, %lt3A_276 : vector<32x1xi1>
    %get3A_278 = arith.constant 0 : index
    %get3A_279 = arith.constant 0 : index
    %get3A_280 = arith.constant 22 : index
    %get3A_281 = vector.load %arg4[%get3A_278, %get3A_279, %get3A_280] : memref<1x8x128xi32, #tpu.memory_space<vmem>>, vector<1x1x1xi32>
    %get3A_282 = vector.extract %get3A_281[0, 0, 0] : i32 from vector<1x1x1xi32>
    %jit3A_283 = arith.constant 2147483647 : i32
    %broadcast_in_dim3A_284 = vector.broadcast %get3A_282 : i32 to vector<32x1xi32>
    %broadcast_in_dim3A_285 = vector.broadcast %jit3A_283 : i32 to vector<32x1xi32>
    %select_n3A_286 = arith.select %and3A_277, %broadcast_in_dim3A_284, %broadcast_in_dim3A_285 : vector<32x1xi1>, vector<32x1xi32>
    %min3A_287 = arith.minsi %min3A_270, %select_n3A_286 : vector<32x1xi32>
    %jit3A_288 = arith.constant 2147483647 : i32
    %broadcast_in_dim3A_289 = vector.shape_cast %and3A_203 : vector<1x384xi1> to vector<1x384xi1>
    %broadcast_in_dim3A_290 = vector.broadcast %broadcast_in_dim3A_289 : vector<1x384xi1> to vector<32x384xi1>
    %broadcast_in_dim3A_291 = vector.shape_cast %min3A_287 : vector<32x1xi32> to vector<32x1xi32>
    %broadcast_in_dim3A_292 = vector.broadcast %broadcast_in_dim3A_291 : vector<32x1xi32> to vector<32x384xi32>
    %broadcast_in_dim3A_293 = vector.broadcast %jit3A_288 : i32 to vector<32x384xi32>
    %select_n3A_294 = arith.select %broadcast_in_dim3A_290, %broadcast_in_dim3A_292, %broadcast_in_dim3A_293 : vector<32x384xi1>, vector<32x384xi32>
    %min3A_295 = arith.minsi %min3A_196, %select_n3A_294 : vector<32x384xi32>
    %ge3A_296 = arith.constant 3 : i32
    %ge3A_297 = vector.broadcast %ge3A_296 : i32 to vector<1x384xi32>
    %ge3A_298 = arith.cmpi sge, %iota3A_6, %ge3A_297 : vector<1x384xi32>
    %lt3A_299 = arith.constant 383 : i32
    %lt3A_300 = vector.broadcast %lt3A_299 : i32 to vector<1x384xi32>
    %lt3A_301 = arith.cmpi slt, %iota3A_6, %lt3A_300 : vector<1x384xi32>
    %and3A_302 = arith.andi %ge3A_298, %lt3A_301 : vector<1x384xi1>
    %ge3A_303 = arith.constant 0 : i32
    %ge3A_304 = vector.broadcast %ge3A_303 : i32 to vector<32x1xi32>
    %ge3A_305 = arith.cmpi sge, %add3A_5, %ge3A_304 : vector<32x1xi32>
    %lt3A_306 = arith.constant 380 : i32
    %lt3A_307 = vector.broadcast %lt3A_306 : i32 to vector<32x1xi32>
    %lt3A_308 = arith.cmpi slt, %add3A_5, %lt3A_307 : vector<32x1xi32>
    %and3A_309 = arith.andi %ge3A_305, %lt3A_308 : vector<32x1xi1>
    %get3A_310 = arith.constant 0 : index
    %get3A_311 = arith.constant 0 : index
    %get3A_312 = arith.constant 3 : index
    %get3A_313 = vector.load %arg4[%get3A_310, %get3A_311, %get3A_312] : memref<1x8x128xi32, #tpu.memory_space<vmem>>, vector<1x1x1xi32>
    %get3A_314 = vector.extract %get3A_313[0, 0, 0] : i32 from vector<1x1x1xi32>
    %jit3A_315 = arith.constant 2147483647 : i32
    %broadcast_in_dim3A_316 = vector.broadcast %get3A_314 : i32 to vector<32x1xi32>
    %broadcast_in_dim3A_317 = vector.broadcast %jit3A_315 : i32 to vector<32x1xi32>
    %select_n3A_318 = arith.select %and3A_309, %broadcast_in_dim3A_316, %broadcast_in_dim3A_317 : vector<32x1xi1>, vector<32x1xi32>
    %ge3A_319 = arith.constant 1 : i32
    %ge3A_320 = vector.broadcast %ge3A_319 : i32 to vector<32x1xi32>
    %ge3A_321 = arith.cmpi sge, %add3A_5, %ge3A_320 : vector<32x1xi32>
    %lt3A_322 = arith.constant 381 : i32
    %lt3A_323 = vector.broadcast %lt3A_322 : i32 to vector<32x1xi32>
    %lt3A_324 = arith.cmpi slt, %add3A_5, %lt3A_323 : vector<32x1xi32>
    %and3A_325 = arith.andi %ge3A_321, %lt3A_324 : vector<32x1xi1>
    %get3A_326 = arith.constant 0 : index
    %get3A_327 = arith.constant 0 : index
    %get3A_328 = arith.constant 8 : index
    %get3A_329 = vector.load %arg4[%get3A_326, %get3A_327, %get3A_328] : memref<1x8x128xi32, #tpu.memory_space<vmem>>, vector<1x1x1xi32>
    %get3A_330 = vector.extract %get3A_329[0, 0, 0] : i32 from vector<1x1x1xi32>
    %jit3A_331 = arith.constant 2147483647 : i32
    %broadcast_in_dim3A_332 = vector.broadcast %get3A_330 : i32 to vector<32x1xi32>
    %broadcast_in_dim3A_333 = vector.broadcast %jit3A_331 : i32 to vector<32x1xi32>
    %select_n3A_334 = arith.select %and3A_325, %broadcast_in_dim3A_332, %broadcast_in_dim3A_333 : vector<32x1xi1>, vector<32x1xi32>
    %min3A_335 = arith.minsi %select_n3A_318, %select_n3A_334 : vector<32x1xi32>
    %ge3A_336 = arith.constant 2 : i32
    %ge3A_337 = vector.broadcast %ge3A_336 : i32 to vector<32x1xi32>
    %ge3A_338 = arith.cmpi sge, %add3A_5, %ge3A_337 : vector<32x1xi32>
    %lt3A_339 = arith.constant 382 : i32
    %lt3A_340 = vector.broadcast %lt3A_339 : i32 to vector<32x1xi32>
    %lt3A_341 = arith.cmpi slt, %add3A_5, %lt3A_340 : vector<32x1xi32>
    %and3A_342 = arith.andi %ge3A_338, %lt3A_341 : vector<32x1xi1>
    %get3A_343 = arith.constant 0 : index
    %get3A_344 = arith.constant 0 : index
    %get3A_345 = arith.constant 13 : index
    %get3A_346 = vector.load %arg4[%get3A_343, %get3A_344, %get3A_345] : memref<1x8x128xi32, #tpu.memory_space<vmem>>, vector<1x1x1xi32>
    %get3A_347 = vector.extract %get3A_346[0, 0, 0] : i32 from vector<1x1x1xi32>
    %jit3A_348 = arith.constant 2147483647 : i32
    %broadcast_in_dim3A_349 = vector.broadcast %get3A_347 : i32 to vector<32x1xi32>
    %broadcast_in_dim3A_350 = vector.broadcast %jit3A_348 : i32 to vector<32x1xi32>
    %select_n3A_351 = arith.select %and3A_342, %broadcast_in_dim3A_349, %broadcast_in_dim3A_350 : vector<32x1xi1>, vector<32x1xi32>
    %min3A_352 = arith.minsi %min3A_335, %select_n3A_351 : vector<32x1xi32>
    %ge3A_353 = arith.constant 3 : i32
    %ge3A_354 = vector.broadcast %ge3A_353 : i32 to vector<32x1xi32>
    %ge3A_355 = arith.cmpi sge, %add3A_5, %ge3A_354 : vector<32x1xi32>
    %lt3A_356 = arith.constant 383 : i32
    %lt3A_357 = vector.broadcast %lt3A_356 : i32 to vector<32x1xi32>
    %lt3A_358 = arith.cmpi slt, %add3A_5, %lt3A_357 : vector<32x1xi32>
    %and3A_359 = arith.andi %ge3A_355, %lt3A_358 : vector<32x1xi1>
    %get3A_360 = arith.constant 0 : index
    %get3A_361 = arith.constant 0 : index
    %get3A_362 = arith.constant 18 : index
    %get3A_363 = vector.load %arg4[%get3A_360, %get3A_361, %get3A_362] : memref<1x8x128xi32, #tpu.memory_space<vmem>>, vector<1x1x1xi32>
    %get3A_364 = vector.extract %get3A_363[0, 0, 0] : i32 from vector<1x1x1xi32>
    %jit3A_365 = arith.constant 2147483647 : i32
    %broadcast_in_dim3A_366 = vector.broadcast %get3A_364 : i32 to vector<32x1xi32>
    %broadcast_in_dim3A_367 = vector.broadcast %jit3A_365 : i32 to vector<32x1xi32>
    %select_n3A_368 = arith.select %and3A_359, %broadcast_in_dim3A_366, %broadcast_in_dim3A_367 : vector<32x1xi1>, vector<32x1xi32>
    %min3A_369 = arith.minsi %min3A_352, %select_n3A_368 : vector<32x1xi32>
    %ge3A_370 = arith.constant 4 : i32
    %ge3A_371 = vector.broadcast %ge3A_370 : i32 to vector<32x1xi32>
    %ge3A_372 = arith.cmpi sge, %add3A_5, %ge3A_371 : vector<32x1xi32>
    %lt3A_373 = arith.constant 384 : i32
    %lt3A_374 = vector.broadcast %lt3A_373 : i32 to vector<32x1xi32>
    %lt3A_375 = arith.cmpi slt, %add3A_5, %lt3A_374 : vector<32x1xi32>
    %and3A_376 = arith.andi %ge3A_372, %lt3A_375 : vector<32x1xi1>
    %get3A_377 = arith.constant 0 : index
    %get3A_378 = arith.constant 0 : index
    %get3A_379 = arith.constant 23 : index
    %get3A_380 = vector.load %arg4[%get3A_377, %get3A_378, %get3A_379] : memref<1x8x128xi32, #tpu.memory_space<vmem>>, vector<1x1x1xi32>
    %get3A_381 = vector.extract %get3A_380[0, 0, 0] : i32 from vector<1x1x1xi32>
    %jit3A_382 = arith.constant 2147483647 : i32
    %broadcast_in_dim3A_383 = vector.broadcast %get3A_381 : i32 to vector<32x1xi32>
    %broadcast_in_dim3A_384 = vector.broadcast %jit3A_382 : i32 to vector<32x1xi32>
    %select_n3A_385 = arith.select %and3A_376, %broadcast_in_dim3A_383, %broadcast_in_dim3A_384 : vector<32x1xi1>, vector<32x1xi32>
    %min3A_386 = arith.minsi %min3A_369, %select_n3A_385 : vector<32x1xi32>
    %jit3A_387 = arith.constant 2147483647 : i32
    %broadcast_in_dim3A_388 = vector.shape_cast %and3A_302 : vector<1x384xi1> to vector<1x384xi1>
    %broadcast_in_dim3A_389 = vector.broadcast %broadcast_in_dim3A_388 : vector<1x384xi1> to vector<32x384xi1>
    %broadcast_in_dim3A_390 = vector.shape_cast %min3A_386 : vector<32x1xi32> to vector<32x1xi32>
    %broadcast_in_dim3A_391 = vector.broadcast %broadcast_in_dim3A_390 : vector<32x1xi32> to vector<32x384xi32>
    %broadcast_in_dim3A_392 = vector.broadcast %jit3A_387 : i32 to vector<32x384xi32>
    %select_n3A_393 = arith.select %broadcast_in_dim3A_389, %broadcast_in_dim3A_391, %broadcast_in_dim3A_392 : vector<32x384xi1>, vector<32x384xi32>
    %min3A_394 = arith.minsi %min3A_295, %select_n3A_393 : vector<32x384xi32>
    %ge3A_395 = arith.constant 4 : i32
    %ge3A_396 = vector.broadcast %ge3A_395 : i32 to vector<1x384xi32>
    %ge3A_397 = arith.cmpi sge, %iota3A_6, %ge3A_396 : vector<1x384xi32>
    %lt3A_398 = arith.constant 384 : i32
    %lt3A_399 = vector.broadcast %lt3A_398 : i32 to vector<1x384xi32>
    %lt3A_400 = arith.cmpi slt, %iota3A_6, %lt3A_399 : vector<1x384xi32>
    %and3A_401 = arith.andi %ge3A_397, %lt3A_400 : vector<1x384xi1>
    %ge3A_402 = arith.constant 0 : i32
    %ge3A_403 = vector.broadcast %ge3A_402 : i32 to vector<32x1xi32>
    %ge3A_404 = arith.cmpi sge, %add3A_5, %ge3A_403 : vector<32x1xi32>
    %lt3A_405 = arith.constant 380 : i32
    %lt3A_406 = vector.broadcast %lt3A_405 : i32 to vector<32x1xi32>
    %lt3A_407 = arith.cmpi slt, %add3A_5, %lt3A_406 : vector<32x1xi32>
    %and3A_408 = arith.andi %ge3A_404, %lt3A_407 : vector<32x1xi1>
    %get3A_409 = arith.constant 0 : index
    %get3A_410 = arith.constant 0 : index
    %get3A_411 = arith.constant 4 : index
    %get3A_412 = vector.load %arg4[%get3A_409, %get3A_410, %get3A_411] : memref<1x8x128xi32, #tpu.memory_space<vmem>>, vector<1x1x1xi32>
    %get3A_413 = vector.extract %get3A_412[0, 0, 0] : i32 from vector<1x1x1xi32>
    %jit3A_414 = arith.constant 2147483647 : i32
    %broadcast_in_dim3A_415 = vector.broadcast %get3A_413 : i32 to vector<32x1xi32>
    %broadcast_in_dim3A_416 = vector.broadcast %jit3A_414 : i32 to vector<32x1xi32>
    %select_n3A_417 = arith.select %and3A_408, %broadcast_in_dim3A_415, %broadcast_in_dim3A_416 : vector<32x1xi1>, vector<32x1xi32>
    %ge3A_418 = arith.constant 1 : i32
    %ge3A_419 = vector.broadcast %ge3A_418 : i32 to vector<32x1xi32>
    %ge3A_420 = arith.cmpi sge, %add3A_5, %ge3A_419 : vector<32x1xi32>
    %lt3A_421 = arith.constant 381 : i32
    %lt3A_422 = vector.broadcast %lt3A_421 : i32 to vector<32x1xi32>
    %lt3A_423 = arith.cmpi slt, %add3A_5, %lt3A_422 : vector<32x1xi32>
    %and3A_424 = arith.andi %ge3A_420, %lt3A_423 : vector<32x1xi1>
    %get3A_425 = arith.constant 0 : index
    %get3A_426 = arith.constant 0 : index
    %get3A_427 = arith.constant 9 : index
    %get3A_428 = vector.load %arg4[%get3A_425, %get3A_426, %get3A_427] : memref<1x8x128xi32, #tpu.memory_space<vmem>>, vector<1x1x1xi32>
    %get3A_429 = vector.extract %get3A_428[0, 0, 0] : i32 from vector<1x1x1xi32>
    %jit3A_430 = arith.constant 2147483647 : i32
    %broadcast_in_dim3A_431 = vector.broadcast %get3A_429 : i32 to vector<32x1xi32>
    %broadcast_in_dim3A_432 = vector.broadcast %jit3A_430 : i32 to vector<32x1xi32>
    %select_n3A_433 = arith.select %and3A_424, %broadcast_in_dim3A_431, %broadcast_in_dim3A_432 : vector<32x1xi1>, vector<32x1xi32>
    %min3A_434 = arith.minsi %select_n3A_417, %select_n3A_433 : vector<32x1xi32>
    %ge3A_435 = arith.constant 2 : i32
    %ge3A_436 = vector.broadcast %ge3A_435 : i32 to vector<32x1xi32>
    %ge3A_437 = arith.cmpi sge, %add3A_5, %ge3A_436 : vector<32x1xi32>
    %lt3A_438 = arith.constant 382 : i32
    %lt3A_439 = vector.broadcast %lt3A_438 : i32 to vector<32x1xi32>
    %lt3A_440 = arith.cmpi slt, %add3A_5, %lt3A_439 : vector<32x1xi32>
    %and3A_441 = arith.andi %ge3A_437, %lt3A_440 : vector<32x1xi1>
    %get3A_442 = arith.constant 0 : index
    %get3A_443 = arith.constant 0 : index
    %get3A_444 = arith.constant 14 : index
    %get3A_445 = vector.load %arg4[%get3A_442, %get3A_443, %get3A_444] : memref<1x8x128xi32, #tpu.memory_space<vmem>>, vector<1x1x1xi32>
    %get3A_446 = vector.extract %get3A_445[0, 0, 0] : i32 from vector<1x1x1xi32>
    %jit3A_447 = arith.constant 2147483647 : i32
    %broadcast_in_dim3A_448 = vector.broadcast %get3A_446 : i32 to vector<32x1xi32>
    %broadcast_in_dim3A_449 = vector.broadcast %jit3A_447 : i32 to vector<32x1xi32>
    %select_n3A_450 = arith.select %and3A_441, %broadcast_in_dim3A_448, %broadcast_in_dim3A_449 : vector<32x1xi1>, vector<32x1xi32>
    %min3A_451 = arith.minsi %min3A_434, %select_n3A_450 : vector<32x1xi32>
    %ge3A_452 = arith.constant 3 : i32
    %ge3A_453 = vector.broadcast %ge3A_452 : i32 to vector<32x1xi32>
    %ge3A_454 = arith.cmpi sge, %add3A_5, %ge3A_453 : vector<32x1xi32>
    %lt3A_455 = arith.constant 383 : i32
    %lt3A_456 = vector.broadcast %lt3A_455 : i32 to vector<32x1xi32>
    %lt3A_457 = arith.cmpi slt, %add3A_5, %lt3A_456 : vector<32x1xi32>
    %and3A_458 = arith.andi %ge3A_454, %lt3A_457 : vector<32x1xi1>
    %get3A_459 = arith.constant 0 : index
    %get3A_460 = arith.constant 0 : index
    %get3A_461 = arith.constant 19 : index
    %get3A_462 = vector.load %arg4[%get3A_459, %get3A_460, %get3A_461] : memref<1x8x128xi32, #tpu.memory_space<vmem>>, vector<1x1x1xi32>
    %get3A_463 = vector.extract %get3A_462[0, 0, 0] : i32 from vector<1x1x1xi32>
    %jit3A_464 = arith.constant 2147483647 : i32
    %broadcast_in_dim3A_465 = vector.broadcast %get3A_463 : i32 to vector<32x1xi32>
    %broadcast_in_dim3A_466 = vector.broadcast %jit3A_464 : i32 to vector<32x1xi32>
    %select_n3A_467 = arith.select %and3A_458, %broadcast_in_dim3A_465, %broadcast_in_dim3A_466 : vector<32x1xi1>, vector<32x1xi32>
    %min3A_468 = arith.minsi %min3A_451, %select_n3A_467 : vector<32x1xi32>
    %ge3A_469 = arith.constant 4 : i32
    %ge3A_470 = vector.broadcast %ge3A_469 : i32 to vector<32x1xi32>
    %ge3A_471 = arith.cmpi sge, %add3A_5, %ge3A_470 : vector<32x1xi32>
    %lt3A_472 = arith.constant 384 : i32
    %lt3A_473 = vector.broadcast %lt3A_472 : i32 to vector<32x1xi32>
    %lt3A_474 = arith.cmpi slt, %add3A_5, %lt3A_473 : vector<32x1xi32>
    %and3A_475 = arith.andi %ge3A_471, %lt3A_474 : vector<32x1xi1>
    %get3A_476 = arith.constant 0 : index
    %get3A_477 = arith.constant 0 : index
    %get3A_478 = arith.constant 24 : index
    %get3A_479 = vector.load %arg4[%get3A_476, %get3A_477, %get3A_478] : memref<1x8x128xi32, #tpu.memory_space<vmem>>, vector<1x1x1xi32>
    %get3A_480 = vector.extract %get3A_479[0, 0, 0] : i32 from vector<1x1x1xi32>
    %jit3A_481 = arith.constant 2147483647 : i32
    %broadcast_in_dim3A_482 = vector.broadcast %get3A_480 : i32 to vector<32x1xi32>
    %broadcast_in_dim3A_483 = vector.broadcast %jit3A_481 : i32 to vector<32x1xi32>
    %select_n3A_484 = arith.select %and3A_475, %broadcast_in_dim3A_482, %broadcast_in_dim3A_483 : vector<32x1xi1>, vector<32x1xi32>
    %min3A_485 = arith.minsi %min3A_468, %select_n3A_484 : vector<32x1xi32>
    %jit3A_486 = arith.constant 2147483647 : i32
    %broadcast_in_dim3A_487 = vector.shape_cast %and3A_401 : vector<1x384xi1> to vector<1x384xi1>
    %broadcast_in_dim3A_488 = vector.broadcast %broadcast_in_dim3A_487 : vector<1x384xi1> to vector<32x384xi1>
    %broadcast_in_dim3A_489 = vector.shape_cast %min3A_485 : vector<32x1xi32> to vector<32x1xi32>
    %broadcast_in_dim3A_490 = vector.broadcast %broadcast_in_dim3A_489 : vector<32x1xi32> to vector<32x384xi32>
    %broadcast_in_dim3A_491 = vector.broadcast %jit3A_486 : i32 to vector<32x384xi32>
    %select_n3A_492 = arith.select %broadcast_in_dim3A_488, %broadcast_in_dim3A_490, %broadcast_in_dim3A_491 : vector<32x384xi1>, vector<32x384xi32>
    %min3A_493 = arith.minsi %min3A_394, %select_n3A_492 : vector<32x384xi32>
    %ge3A_494 = arith.cmpi sge, %get3A_3, %min3A_493 : vector<32x384xi32>
    %convert_element_type3A = arith.extui %ge3A_494 : vector<32x384xi1> to vector<32x384xi32>
    %convert_element_type3A_495 = arith.sitofp %convert_element_type3A : vector<32x384xi32> to vector<32x384xf32>
    %get3A_496 = arith.constant 0 : index
    %get3A_497 = arith.constant 0 : index
    %get3A_498 = vector.load %arg5[%get3A_496, %get3A_497] : memref<8x128xf32, #tpu.memory_space<vmem>>, vector<1x1xf32>
    %get3A_499 = vector.extract %get3A_498[0, 0] : f32 from vector<1x1xf32>
    %mul3A_500 = vector.broadcast %get3A_499 : f32 to vector<32x384xf32>
    %mul3A_501 = arith.mulf %convert_element_type3A_495, %mul3A_500 : vector<32x384xf32>
    %sub3A = arith.constant 1.000000e+00 : f32
    %sub3A_502 = arith.subf %sub3A, %get3A_499 : f32
    %add3A_503 = vector.broadcast %sub3A_502 : f32 to vector<32x384xf32>
    %add3A_504 = arith.addf %mul3A_501, %add3A_503 : vector<32x384xf32>
    %get3A_505 = arith.constant 0 : index
    %get3A_506 = arith.constant 0 : index
    %get3A_507 = arith.constant 0 : index
    %get3A_508 = arith.constant 0 : index
    %get3A_509 = vector.load %arg2[%get3A_505, %get3A_506, %get3A_507, %get3A_508] : memref<1x96x32x384xf32, #tpu.memory_space<vmem>>, vector<1x96x32x384xf32>
    %get3A_510 = vector.shape_cast %get3A_509 : vector<1x96x32x384xf32> to vector<96x32x384xf32>
    %broadcast_in_dim3A_511 = vector.shape_cast %add3A_504 : vector<32x384xf32> to vector<1x32x384xf32>
    %mul3A_512 = vector.broadcast %broadcast_in_dim3A_511 : vector<1x32x384xf32> to vector<96x32x384xf32>
    %mul3A_513 = arith.mulf %get3A_510, %mul3A_512 : vector<96x32x384xf32>
    %swap3A = arith.constant 0 : index
    %swap3A_514 = arith.constant 0 : index
    %swap3A_515 = arith.constant 0 : index
    %swap3A_516 = arith.constant 0 : index
    %swap3A_517 = vector.load %arg6[%swap3A, %swap3A_514, %swap3A_515, %swap3A_516] : memref<1x96x32x384xf32, #tpu.memory_space<vmem>>, vector<1x96x32x384xf32>
    %swap3A_518 = vector.shape_cast %swap3A_517 : vector<1x96x32x384xf32> to vector<96x32x384xf32>
    %swap3A_519 = vector.shape_cast %mul3A_513 : vector<96x32x384xf32> to vector<1x96x32x384xf32>
    tpu.vector_store %arg6[%swap3A, %swap3A_514, %swap3A_515, %swap3A_516], %swap3A_519 {strides = array<i32>} : memref<1x96x32x384xf32, #tpu.memory_space<vmem>>, vector<1x96x32x384xf32>,
    return
  }
  func.func @transform_0(%arg0: i32, %arg1: i32) -> (i32, i32, i32, i32) {
    %c0_i32 = arith.constant 0 : i32
    %c0_i32_0 = arith.constant 0 : i32
    %c0_i32_1 = arith.constant 0 : i32
    return %arg0, %c0_i32, %arg1, %c0_i32_0 : i32, i32, i32, i32
  }
  func.func @transform_1(%arg0: i32, %arg1: i32) -> (i32, i32, i32) {
    %c0_i32 = arith.constant 0 : i32
    %c0_i32_0 = arith.constant 0 : i32
    return %arg0, %arg1, %c0_i32 : i32, i32, i32
  }
  func.func @transform_2(%arg0: i32, %arg1: i32) -> (i32, i32, i32) {
    %c0_i32 = arith.constant 0 : i32
    %c0_i32_0 = arith.constant 0 : i32
    %c0_i32_1 = arith.constant 0 : i32
    return %arg0, %c0_i32, %c0_i32_0 : i32, i32, i32
  }
  func.func @transform_3(%arg0: i32, %arg1: i32) -> (i32, i32) {
    %c0_i32 = arith.constant 0 : i32
    %c0_i32_0 = arith.constant 0 : i32
    %c0_i32_1 = arith.constant 0 : i32
    return %c0_i32, %c0_i32_0 : i32, i32
  }
  func.func @transform_4(%arg0: i32, %arg1: i32) -> (i32, i32, i32, i32) {
    %c0_i32 = arith.constant 0 : i32
    %c0_i32_0 = arith.constant 0 : i32
    %c0_i32_1 = arith.constant 0 : i32
    return %arg0, %c0_i32, %arg1, %c0_i32_0 : i32, i32, i32, i32
  }
}

</mosaic_0001>

<sc_bundles>
// kernel: kernel.5.cloned.1.call-start
scs
__scs_entry_jumppad:
0x0: {  	(pc) =	sbr.rel $0x88, $3  }
0x1: {  	(tag) =	ssettag $0x0;
	lr =	simm.s32 $0x1  }
0x2: {  	[smem:$0x3F9F] =	sst lr;
	_ =	strace $0xD0000000  }
0x3: {  	_ = 	snop  }
0x4: {  	_ = 	snop  }
0x5: {  	_ = 	snop  }
0x6: {  	_ = 	snop  }
0x7: {  	_ = 	snop  }
__scs_overlays_trampoline_lowered:
0x8: {  	[smem:$0x3FAE] =	sst s0  }
0x9: {  	[smem:$0x3FAF] =	sst s1  }
0xa: {  	[smem:$0x3FB0] =	sst s2  }
0xb: {  	[smem:$0x3FB1] =	sst s3  }
0xc: {  	[smem:$0x3FB2] =	sst s4  }
0xd: {  	[smem:$0x3FB3] =	sst s5  }
0xe: {  	[smem:$0x3FB4] =	sst s6  }
0xf: {  	[smem:$0x3FB5] =	sst s7  }
0x10: {  	[smem:$0x3FB6] =	sst s8  }
0x11: {  	[smem:$0x3FB7] =	sst s9;
	s0 =	simm.s32 @!p0 $0x0  }
0x12: {  	s1 =	sld [smem:$0x3F9D];
	s0 =	simm.s32 @p0 $0x1  }
0x13: {  	[smem:$0x3FB8] =	sst s0;
	s0 =	simm.s32 @!p1 $0x0  }
0x14: {  	s2 =	sld [smem:$0x3F9C];
	s0 =	simm.s32 @p1 $0x1  }
0x15: {  	[smem:$0x3FB9] =	sst s0;
	s0 =	simm.s32 @!p2 $0x0  }
0x16: {  	s3 =	sld [smem:$0x3FDB];
	s0 =	simm.s32 @p2 $0x1  }
0x17: {  	s4 =	simm.s32 $0x1BF5;
	[smem:$0x3FBB] =	sst s0  }
0x18: {  	s0 =	sld [smem:$0x3F9E];
	_ =	swait.ge [sflag:s4], $0x0  }
0x19: {  	s7 =	sld [smem:$0x3F9F]  }
0x1a: {  	s8 =	sadd.s32 $0xFFFFE003, lr  }
0x1b: {  	s9 =	sadd.s32 $0xFFFFFEF7, lr;
	s5 =	simm.s32 $0xFFFFFFFF;
	p2 =	slt.u32 s8, $0xFFFFF086  }
0x1c: {  	p1 =	slt.u32 s9, $0xF7A;
	s5 =	simm.s32 @!p2 $0x0  }
0x1d: {  	s5 =	simm.s32 @p1 $0x1;
	p0 =	seq.s32 s7, s2  }
0x1e: {  	s7 =	smul.u32 @!p0 $0xF7A, s2;
	p2 =	seq.s32 @!p0 s5, $0x0  }
0x1f: {  	s9 =	smul.u32 $0xF7A, s1;
	s8 =	simm.s32 @!p0 $0x1BF5;
	p2 =	por !p2, p0  }
0x20: {  	[sflag:s8] =	ssyncset.s32 @!p0 $0xFFFFF086;
	s6 =	sadd.s32 @!p0 s3, s7;
	s7 =	simm.s32 @!p0 $0x108  }
0x21: {  	s3 =	sadd.s32 s3, s9;
	s6 =	sadd.s32 @!p0 $0x88, s6;
	s7 =	simm.s32 @p2 $0x1082  }
0x22: {  	[simem:s7], [sflag:s8] =	dma.local @!p0 [hbm:s6], $0xF7A  }
0x23: {  	s9 =	sor.u32 $0xD0000000, s2;
	s6 =	simm.s32 $0x108;
	_ =	swait.ge @!p0 [sflag:s8], $0x0  }
0x24: {  	s3 =	sadd.s32 $0x88, s3;
	s6 =	simm.s32 @!p1 $0x1082;
	[sflag:s4] =	ssyncset.s32 $0xFFFFF086  }
0x25: {  	[simem:s6], [sflag:s4] =	dma.local [hbm:s3], $0xF7A  }
0x26: {  	[smem:$0x3F9F] =	sst s1;
	(tag) =	ssettag s2;
	_ =	strace s9  }
0x27: {  	s1 =	sld [smem:$0x3FAF]  }
0x28: {  	s2 =	sld [smem:$0x3FB0]  }
0x29: {  	s4 =	sld [smem:$0x3FB2]  }
0x2a: {  	p0 =	seq.s32 s5, $0x0;
	s5 =	sld [smem:$0x3FB3]  }
0x2b: {  	s6 =	sld [smem:$0x3FB4]  }
0x2c: {  	s7 =	sld [smem:$0x3FB5]  }
0x2d: {  	s3 =	simm.s32 $0x108;
	s8 =	sld [smem:$0x3FB6]  }
0x2e: {  	s3 =	simm.s32 @!p0 $0x1082;
	s9 =	sld [smem:$0x3FB7]  }
0x2f: {  	lr =	sadd.s32 s0, s3;
	s0 =	sld [smem:$0x3FAE]  }
0x30: {  	s3 =	sld [smem:$0x3FB1]  }
0x31: {  	[smem:$0x3FBA] =	sst s10  }
0x32: {  	s10 =	sld [smem:$0x3FB8];
	_ =	sdelay $0x3  }
0x33: {  	p0 =	seq.s32 s10, $0x1;
	s10 =	sld [smem:$0x3FBA];
	_ =	sdelay $0x3  }
0x34: {  	[smem:$0x3FBA] =	sst s10  }
0x35: {  	s10 =	sld [smem:$0x3FB9];
	_ =	sdelay $0x3  }
0x36: {  	p1 =	seq.s32 s10, $0x1;
	s10 =	sld [smem:$0x3FBA];
	_ =	sdelay $0x3  }
0x37: {  	[smem:$0x3FBA] =	sst s10  }
0x38: {  	s10 =	sld [smem:$0x3FBB]  }
0x39: {  	_ = 	snop;
	(pc) =	sbr.ind lr, $3  }
0x3a: {  	_ = 	snop  }
0x3b: {  	_ = 	snop  }
0x3c: {  	p2 =	seq.s32 s10, $0x1;
	s10 =	sld [smem:$0x3FBA]  }
0x3d: {  	_ =	shalt  }
0x3e: {  	_ =	shalt  }
0x3f: {  	_ =	shalt  }
0x40: {  	_ =	shalt  }
0x41: {  	_ =	shalt  }
0x42: {  	_ =	shalt  }
0x43: {  	_ =	shalt  }
0x44: {  	_ =	shalt  }
0x45: {  	_ =	shalt  }
0x46: {  	_ =	shalt  }
0x47: {  	_ =	shalt  }
0x48: {  	_ =	shalt  }
0x49: {  	_ =	shalt  }
0x4a: {  	_ =	shalt  }
0x4b: {  	_ =	shalt  }
0x4c: {  	_ =	shalt  }
0x4d: {  	_ =	shalt  }
0x4e: {  	_ =	shalt  }
0x4f: {  	_ =	shalt  }
0x50: {  	_ =	shalt  }
0x51: {  	_ =	shalt  }
0x52: {  	_ =	shalt  }
0x53: {  	_ =	shalt  }
0x54: {  	_ =	shalt  }
0x55: {  	_ =	shalt  }
0x56: {  	_ =	shalt  }
0x57: {  	_ =	shalt  }
0x58: {  	_ =	shalt  }
0x59: {  	_ =	shalt  }
0x5a: {  	_ =	shalt  }
0x5b: {  	_ =	shalt  }
0x5c: {  	_ =	shalt  }
0x5d: {  	_ =	shalt  }
0x5e: {  	_ =	shalt  }
0x5f: {  	_ =	shalt  }
0x60: {  	_ =	shalt  }
0x61: {  	_ =	shalt  }
0x62: {  	_ =	shalt  }
0x63: {  	_ =	shalt  }
0x64: {  	_ =	shalt  }
0x65: {  	_ =	shalt  }
0x66: {  	_ =	shalt  }
0x67: {  	_ =	shalt  }
0x68: {  	_ =	shalt  }
0x69: {  	_ =	shalt  }
0x6a: {  	_ =	shalt  }
0x6b: {  	_ =	shalt  }
0x6c: {  	_ =	shalt  }
0x6d: {  	_ =	shalt  }
0x6e: {  	_ =	shalt  }
0x6f: {  	_ =	shalt  }
0x70: {  	_ =	shalt  }
0x71: {  	_ =	shalt  }
0x72: {  	_ =	shalt  }
0x73: {  	_ =	shalt  }
0x74: {  	_ =	shalt  }
0x75: {  	_ =	shalt  }
0x76: {  	_ =	shalt  }
0x77: {  	_ =	shalt  }
0x78: {  	_ =	shalt  }
0x79: {  	_ =	shalt  }
0x7a: {  	_ =	shalt  }
0x7b: {  	_ =	shalt  }
0x7c: {  	_ =	shalt  }
0x7d: {  	_ =	shalt  }
0x7e: {  	_ =	shalt  }
0x7f: {  	_ =	shalt  }
0x80: {  	_ =	shalt  }
0x81: {  	_ =	shalt  }
0x82: {  	_ =	shalt  }
0x83: {  	_ =	shalt  }
0x84: {  	_ =	shalt  }
0x85: {  	_ =	shalt  }
0x86: {  	_ =	shalt  }
0x87: {  	_ =	shalt  }
.Lfunc_end0:
.L_simem_size_0:
called_computation_lowered:
.L_overlay_start_0:
0x88: {  	s2 =	sld [smem:$0x3FD9]  }
0x89: {  	s3 =	sld [smem:$0x3FFE];
	_ =	sdelay $0x1  }
0x8a: {  	s1 =	srdreg.scid  }
0x8b: {  	s0 =	sand.u32 $0x1, s1  }
0x8c: {  	s17 =	sshll.u32 s0, $0xA;
	s2 =	sadd.s32 s3, s2  }
0x8d: {  	s2 =	sadd.s32 s2, s17  }
0x8e: {  	[smem:$0x3FC6] =	sst s2  }
0x8f: {  	_ = 	snop  }
0x90: {  	s2 =	sld [smem:$0x3FD0];
	(tm) =	ssettm $0x1  }
0x91: {  	s18 =	sld [smem:$0x3FFB];
	_ =	sdelay $0x3  }
0x92: {  	_ =	strace s18  }
0x93: {  	s3 =	sld [smem:$0x3FFC];
	_ =	sdelay $0x3  }
0x94: {  	_ =	strace s3  }
0x95: {  	s3 =	sld [smem:$0x3FFD];
	_ =	sdelay $0x3  }
0x96: {  	_ =	strace s3  }
0x97: {  	_ =	strace $0x8FFFFFFF  }
0x98: {  	s19 =	sld [smem:$0x3FDB];
	_ =	sdelay $0x1  }
0x99: {  	s4 =	simm.s32 $_scs_section_size  }
0x9a: {  	s5 =	simm.s32 $_size__tile_overlayer_lowered;
	s6 =	simm.s32 $_tile_overlayer_lowered  }
0x9b: {  	s22 =	simm.s32 $0x1BFF;
	s21 =	sshll.u32 s6, $0x1;
	s3 =	sadd.s32 s4, s19  }
0x9c: {  	s7 =	simm.s32 $0x0;
	s20 =	sshll.u32 s5, $0x1;
	s5 =	sadd.s32 s21, s3  }
0x9d: {  	[timem:s7], [sflag:s22] =	dma.local [hbm:s5], s20  }
0x9e: {  	_ =	swait.ge [sflag:s22], s20  }
0x9f: {  	s4 =	ssub.s32 $0x0, s20;
	[sflag:s22] =	ssyncset.done $0x0  }
0xa0: {  	[sflag:s22] =	ssyncadd.s32 s4;
	_ =	sdelay $0x1  }
0xa1: {  	s23 =	simm.s32 $0x1B8B  }
0xa2: {  	_ =	swait.ge [sflag:s23], $0x1  }
0xa3: {  	[sflag:s23] =	ssyncset.done $0x0  }
0xa4: {  	s25 =	simm.s32 $0x1B8E;
	s24 =	sld [smem:$0x3FFE];
	[sflag:s23] =	ssyncadd.s32 $0xFFFFFFFF  }
0xa5: {  	s26 =	simm.s32 $execute0_lowered;
	[smem:$0x3FD2] =	sst s25  }
0xa6: {  	s5 =	sshll.u32 s26, $0x1;
	_ =	strace $0x80000046;
	[dreg:$0x1] =	wrdreg $0xFFFFFFFF  }
0xa7: {  	s28 =	simm.s32 $_size_execute0_lowered;
	s3 =	sadd.s32 s3, s5;
	[dreg:$0x0] =	wrdreg $0x0  }
0xa8: {  	s5 =	sshll.u32 s28, $0x1;
	[dreg:$0x2] =	wrdreg s3  }
0xa9: {  	[dreg:$0x3] =	wrdreg s5  }
0xaa: {  	[dreg:$0x4] =	wrdreg $0xC0  }
0xab: {  	_ =	task [dreg:s7], $0x5FFFF  }
0xac: {  	[dreg:$0x1] =	wrdreg $0xFFFFFFFF  }
0xad: {  	[dreg:$0x0] =	wrdreg $0x60  }
0xae: {  	[dreg:$0x2] =	wrdreg s2  }
0xaf: {  	[dreg:$0x3] =	wrdreg s24  }
0xb0: {  	[dreg:$0x4] =	wrdreg $0x9  }
0xb1: {  	_ =	task.clear_ibuf [dreg:s7], $0x5FFFF;
	_ =	strace $0x90000046  }
0xb2: {  	s29 =	simm.s32 $0x9;
	_ =	strace $0x80000048  }
0xb3: {  	_ =	swait.ge [sflag:s29], $0x1  }
0xb4: {  	[sflag:s29] =	ssyncadd.s32 $0xFFFFFFFF  }
0xb5: {  	_ =	strace $0x90000048  }
0xb6: {  	_ =	sfence  }
0xb7: {  	s30 =	sld [smem:$0x0];
	_ =	sdelay $0x2  }
0xb8: {  	s31 =	sshll.u32 s1, $0xD;
	s1 =	sshrl.u32 s1, $0x2  }
0xb9: {  	s3 =	sand.u32 $0x4000, s31;
	s1 =	sadd.s32 s1, s30  }
0xba: {  	s0 =	sor.u32 s3, s0;
	s1 =	sshll.u32 s1, $0x11  }
0xbb: {  	s0 =	sor.u32 s1, s0  }
0xbc: {  	s0 =	sadd.s32 $0x8F2B, s0  }
0xbd: {  	[sflag:s0] =	ssyncadd.remote.s32 $0x1  }
0xbe: {  	_ =	sfence.sel $0xFFFF  }
0xbf: {  	[dreg:$0x0] =	wrdreg $0xFFFFFFFF;
	(pc) =	sbr.abs _section_cstart, $3  }
0xc0: {  	[dreg:$0x1] =	wrdreg $0xFFFFFFFF  }
0xc1: {  	_ =	task.clear_ibuf [dreg:s7], $0x2FFFF;
	_ =	strace $0x9FFFFFFF  }
0xc2: {  	(tm) =	ssettm $0x7FFFFFFF  }
0xc3: {  	_ =	shalt  }
tec
execute0_lowered:
.L_overlay_start_1:
0x0: {  	(tag) =	ssettag $0x1  }
0x1: {  	s1 =	rddreg [dreg:$0x0];
	s0 =	srdreg.scid  }
0x2: {  	s2 =	rddreg [dreg:$0x1];
	s4 =	simm.s32 $0x0;
	s6 =	stileid.u32  }
0x3: {  	v0 =	vlaneseq.u32;
	v1 =	vimm.s32 $0x0;
	s8 =	simm.s32 $0x1C000;
	s9 =	simm.s32 $0xC000;
	s3 =	sand.u32 $0x1, s0  }
.Ltmp0:
0x4: {  	vm0 =	vcmask $0x300;
	s10 =	simm.s32 $0x6000;
	v13 =	vimm.s32 $0x3868;
	v2 =	vor.u32 $0x10, v0;
	s0 =	ssub.s32 $0x2, s3;
	(pc) =	sbr.rel .LBB2_1-.Ltmp0, $4  }
0x5: {  	s11 =	simm.s32 $0x1;
	s12 =	simm.s32 $0x2;
	v3 =	vor.u32 $0x20, v0;
	v4 =	vor.u32 $0x30, v0;
	v5 =	vor.u32 $0x40, v0;
	s5 =	sshrl.u32 s0, $0x1  }
0x6: {  	s13 =	simm.s32 $0x1C180;
	s14 =	simm.s32 $0x3;
	v6 =	vor.u32 $0x50, v0;
	v7 =	vor.u32 $0x60, v0;
	v12 =	vmul.u32 $0xFFFFFFFF, v0;
	s0 =	ssub.s32 s0, s5  }
0x7: {  	[smem:$0x7FF] =	sst s4;
	s6 =	sshll.u32 s6, $0x1;
	v8 =	vor.u32 $0x70, v0;
	v9 =	vsel vm0, $0x7, v1;
	v10 =	vor.u32 $0x8000, v0;
	s0 =	smax.u32 s0, $0x1  }
0x8: {  	v11 =	vmul.u32 $0x10, v0;
	v14 =	vadd.s32 $0x1, v0;
	_ =	strace $0x80000047;
	v12 =	vadd.s32 $0xF, v12;
	s5 =	simm.s32 $0x0;
	[dreg:$0x3] =	wrdreg s0  }
.LBB2_49:
0x9: {  	s5 =	rddreg [dreg:$0x4]  }
0xa: {  	s0 =	rddreg [dreg:$0x3];
	s5 =	sadd.s32 $0x1, s5  }
0xb: {  	p0 =	sne.s32 s5, s0  }
.Ltmp1:
0xc: {  	_ = 	snop;
	(pc) =	sbr.rel @!p0 .LBB2_50-.Ltmp1, $1  }
0xd: {  	_ =	sdelay $0x3  }
.LBB2_1:
.Ltmp2:
0xe: {  	(pc) =	sbr.rel .LBB2_2-.Ltmp2, $2  }
0xf: {  	_ =	sdelay $0x2  }
0x10: {  	[dreg:$0x4] =	wrdreg s5;
	s16 =	simm.s32 $0x0  }
.LBB2_47:
0x11: {  	_ =	sdelay $0x2  }
0x12: {  	v19 =	vadd.s32 v19, v30  }
0x13: {  	v29 =	vshll.u32 v29, $0x4;
	v27 =	vld.idx.msk [tilespmem:v27+s9+$0x0], $0xffff;
	v16 =	vor.u32 $0xF, v16;
	v19 =	vadd.s32 v21, v19  }
0x14: {  	v26 =	vld.idx.msk [tilespmem:v26+s9+$0x0], $0xffff;
	v56 =	vor.u32 v11, v29;
	v19 =	vadd.s32 v23, v19  }
0x15: {  	v28 =	vld.idx.msk [tilespmem:v28+s9+$0x0], $0xffff;
	v58 =	vadd.s32 s20, v14;
	v59, _, _ =	vpop (xrf0);
	v57 =	vor.u32 $0x1, v56;
	v19 =	vadd.s32 v22, v19  }
0x16: {  	v25 =	vld.idx.msk [tilespmem:v25+s9+$0x0], $0xffff;
	(v2sf) =	vpush v59, $0xF;
	v60 =	vor.u32 $0x2, v56;
	v18 =	vadd.s32 v18, v19  }
0x17: {  	s0 =	spop (v2sf);
	v24 =	vld.idx.msk [tilespmem:v24+s9+$0x0], $0xffff;
	v31, _, _ =	vpop (xrf0);
	v61 =	vor.u32 $0x3, v56;
	v62 =	vor.u32 $0x8, v56;
	v18 =	vadd.s32 v20, v18  }
0x18: {  	s5 =	spop (v2sf);
	v63 =	vor.u32 $0x4, v56;
	v31 =	vperm.xlane v31, v12;
	v32, _, _ =	vpop (xrf0);
	v16 =	vld.idx.msk [tilespmem:v16+s9+$0x0], $0xffff;
	v18 =	vadd.s32 v27, v18  }
0x19: {  	v33 =	vor.u32 $0x5, v56;
	s5 =	sadd.s32 s23, s5;
	(v2sf) =	vpush v32, $0xF;
	v36 =	vld.idx.msk [tilespmem:v56+s9+$0x0], $0xffff;
	v18 =	vadd.s32 v26, v18  }
0x1a: {  	v37 =	vor.u32 $0x6, v56;
	v31 =	vadd.s32 s5, v31;
	v23 =	vld.idx.msk [tilespmem:v57+s9+$0x0], $0xffff;
	v18 =	vadd.s32 v28, v18  }
0x1b: {  	v38 =	vor.u32 $0x7, v56;
	v17 =	vsub.s32 v31, v17;
	v22 =	vld.idx.msk [tilespmem:v60+s9+$0x0], $0xffff;
	v18 =	vadd.s32 v25, v18  }
0x1c: {  	vm0 =	vge.s32 v31, v15;
	vm1 =	vlt.s32 v17, v15;
	v19 =	vld.idx.msk [tilespmem:v61+s9+$0x0], $0xffff;
	v39 =	vadd.s32 v24, v18  }
0x1d: {  	v41 =	vor.u32 $0x9, v56;
	v40 =	vld.idx.msk [tilespmem:v63+s9+$0x0], $0xffff;
	vm0 =	vmand vm0, vm1;
	v16 =	vadd.s32 v16, v39  }
0x1e: {  	v43 =	vor.u32 $0xA, v56;
	v42 =	vld.idx.msk [tilespmem:v33+s9+$0x0], $0xffff;
	v44 =	vnsel vm0, $0x0, v58;
	v45 =	vperm.xlane v16, v12  }
0x1f: {  	v46 =	vor.u32 $0xB, v56;
	v26 =	vld.idx.msk [tilespmem:v37+s9+$0x0], $0xffff;
	(xrf0) =	vadd.scan.msk.s32 $0xffff, v44;
	v23 =	vadd.s32 v36, v23  }
0x20: {  	v48 =	vor.u32 $0xC, v56;
	v47 =	vld.idx.msk [tilespmem:v38+s9+$0x0], $0xffff;
	v22 =	vadd.s32 v22, v23;
	(xrf0) =	vadd.scan.msk.s32 $0xffff, v45  }
0x21: {  	v50 =	vor.u32 $0xD, v56;
	v49 =	vld.idx.msk [tilespmem:v62+s9+$0x0], $0xffff;
	v19 =	vadd.s32 v19, v22;
	(xrf0) =	vadd.scan.msk.s32 $0xffff, v16  }
0x22: {  	v51 =	vor.u32 $0xE, v56;
	v20 =	vld.idx.msk [tilespmem:v41+s9+$0x0], $0xffff;
	v18 =	vadd.s32 v40, v19  }
0x23: {  	v21 =	vor.u32 $0xF, v56;
	v52 =	vld.idx.msk [tilespmem:v43+s9+$0x0], $0xffff;
	v17 =	vadd.s32 v42, v18  }
0x24: {  	v53 =	vld.idx.msk [tilespmem:v46+s9+$0x0], $0xffff;
	v17 =	vadd.s32 v26, v17  }
0x25: {  	v54 =	vld.idx.msk [tilespmem:v48+s9+$0x0], $0xffff;
	v55, _, _ =	vpop (xrf0);
	v17 =	vadd.s32 v47, v17  }
0x26: {  	v56 =	vld.idx.msk [tilespmem:v50+s9+$0x0], $0xffff;
	v17 =	vadd.s32 v49, v17;
	v57, _, _ =	vpop (xrf0)  }
0x27: {  	v22 =	vld.idx.msk [tilespmem:v51+s9+$0x0], $0xffff;
	s7 =	spop (v2sf);
	(v2sf) =	vpush v55, $0xF;
	v17 =	vadd.s32 v20, v17;
	v58, _, _ =	vpop (xrf0)  }
0x28: {  	v21 =	vld.idx.msk [tilespmem:v21+s9+$0x0], $0xffff;
	s15 =	spop (v2sf);
	v23 =	vperm.xlane v57, v12;
	v17 =	vadd.s32 v52, v17;
	(v2sf) =	vpush v58, $0xF  }
0x29: {  	s5 =	sadd.s32 s5, s15;
	v17 =	vadd.s32 v53, v17  }
0x2a: {  	v59 =	vadd.s32 s5, v23;
	v17 =	vadd.s32 v54, v17  }
0x2b: {  	v16 =	vsub.s32 v59, v16;
	v17 =	vadd.s32 v56, v17  }
0x2c: {  	vm12 =	vge.s32 v59, v15;
	vm13 =	vlt.s32 v16, v15;
	v60 =	vadd.s32 v22, v17  }
0x2d: {  	v61 =	vadd.s32 s19, v14;
	vm0 =	vmand vm12, vm13;
	v16 =	vadd.s32 v21, v60  }
0x2e: {  	v17 =	vnsel vm0, $0x0, v61;
	v62 =	vperm.xlane v16, v12  }
0x2f: {  	(xrf0) =	vadd.scan.msk.s32 $0xffff, v17  }
0x30: {  	(xrf0) =	vadd.scan.msk.s32 $0xffff, v62;
	_ =	sdelay $0x4  }
0x31: {  	v17, _, _ =	vpop (xrf0)  }
0x32: {  	s24 =	spop (v2sf);
	v18, _, _ =	vpop (xrf0)  }
0x33: {  	v18 =	vperm.xlane v18, v12;
	s25 =	spop (v2sf)  }
0x34: {  	s5 =	sadd.s32 s5, s25  }
0x35: {  	v18 =	vadd.s32 s5, v18  }
0x36: {  	v63 =	vsub.s32 v18, v16  }
0x37: {  	vm14 =	vge.s32 v18, v15;
	vm15 =	vlt.s32 v63, v15  }
0x38: {  	v15 =	vadd.s32 s21, v14;
	vm0 =	vmand vm14, vm15  }
0x39: {  	(xrf0) =	vadd.scan.msk.s32 $0xffff, v16;
	v15 =	vnsel vm0, $0x0, v15  }
0x3a: {  	(xrf0) =	vadd.scan.msk.s32 $0xffff, v15;
	_ =	sdelay $0x4  }
0x3b: {  	(v2sf) =	vpush v17, $0xF;
	v15, _, _ =	vpop (xrf0)  }
0x3c: {  	(v2sf) =	vpush v15, $0xF;
	v15, _, _ =	vpop (xrf0)  }
0x3d: {  	(v2sf) =	vpush v15, $0xF;
	_ =	sdelay $0xb  }
0x3e: {  	s0 =	sadd.s32 s18, s0  }
0x3f: {  	s0 =	sadd.s32 s0, s7;
	s26 =	spop (v2sf)  }
0x40: {  	s0 =	sadd.s32 s0, s24;
	s28 =	spop (v2sf)  }
0x41: {  	s0 =	sadd.s32 s0, s26;
	s29 =	spop (v2sf)  }
0x42: {  	s0 =	sadd.s32 s0, s29  }
0x43: {  	s30 =	sshll.u32 s22, $0x8;
	s0 =	sshrl.u32 s0, $0x4  }
0x44: {  	s0 =	sor.u32 s30, s0  }
0x45: {  	s0 =	sxor.u32 $0x80000000, s0  }
0x46: {  	s31 =	sshll.u32 s17, $0x1;
	v15 =	vmov s0  }
0x47: {  	s0 =	sadd.s32 s2, s31;
	[tilespmem:$0x1C180] =	vst v15  }
0x48: {  	[hbm4b:s0+s4] =	stream.linear.scatter [tilespmem:s13], [sflag:$0x3], $0x10, $0x38;
	[tilespmem:$0x1C200] =	vst v63  }
0x49: {  	_ =	swait.ge [sflag:s14], $0x10  }
0x4a: {  	[sflag:s14] =	ssyncset.done $0x0  }
0x4b: {  	[sflag:s14] =	ssyncadd.s32 $0xFFFFFFF0  }
.LBB2_48:
0x4c: {  	s16 =	sadd.s32 $0x1, s16  }
0x4d: {  	p0 =	sne.s32 s16, $0x4  }
.Ltmp3:
0x4e: {  	_ = 	snop;
	(pc) =	sbr.rel @!p0 .LBB2_49-.Ltmp3, $1  }
0x4f: {  	_ =	sdelay $0x3  }
.LBB2_2:
0x50: {  	s0 =	sshll.u32 s16, $0x5  }
0x51: {  	s0 =	sor.u32 s6, s0  }
0x52: {  	p0 =	sgt.u32 s0, $0x63  }
.Ltmp4:
0x53: {  	_ = 	snop;
	(pc) =	sbr.rel @p0 .LBB2_48-.Ltmp4, $1  }
0x54: {  	_ =	sdelay $0x3  }
0x55: {  	s17 =	sor.u32 s3, s0  }
0x56: {  	s0 =	smulhi.u32 $0x51EB851F, s17;
	_ =	sdelay $0x1  }
0x57: {  	s18 =	sshrl.u32 s0, $0x3  }
0x58: {  	s0 =	smul.u32 $0x19, s18;
	_ =	sdelay $0x1  }
0x59: {  	s0 =	ssub.s32 s17, s0  }
0x5a: {  	s5 =	smul.u32 $0x34, s0;
	_ =	sdelay $0x1  }
0x5b: {  	s19 =	sshrl.u32 s5, $0x8  }
0x5c: {  	s5 =	smul.u32 $0x5, s19;
	_ =	sdelay $0x1  }
0x5d: {  	s0 =	ssub.s32 s0, s5  }
0x5e: {  	s5 =	sand.u32 $0xFF, s0;
	s0 =	simm.s32 $0x0  }
0x5f: {  	s20 =	sadd.s32 $0x17C, s5;
	v15 =	vor.u32 s0, v0  }
0x60: {  	v16 =	vmov s5;
	v17 =	vmov s20  }
0x61: {  	vm0 =	vge.u32 v15, v16;
	vm1 =	vlt.u32 v15, v17  }
0x62: {  	vm0 =	vmand vm0, vm1  }
0x63: {  	s5 =	simm.s32 $0x10;
	v18 =	vsel vm0, $0x1, v1  }
.LBB2_4:
0x64: {  	p0 =	sne.s32 s5, $0x170;
	[tilespmem:v15+s8+$0x0] =	vst.idx.msk $0xffff, v18;
	s20 =	smov.u32 s5;
	s5 =	sadd.s32 $0x10, s5  }
.Ltmp5:
0x65: {  	v15 =	vor.u32 s20, v0;
	(pc) =	sbr.rel @p0 .LBB2_4-.Ltmp5, $3  }
0x66: {  	vm0 =	vge.u32 v15, v16;
	vm1 =	vlt.u32 v15, v17  }
0x67: {  	vm0 =	vmand vm0, vm1;
	_ =	sdelay $0x1  }
0x68: {  	v18 =	vsel vm0, $0x1, v1  }
0x69: {  	v16 =	vmov s0  }
0x6a: {  	v16 =	vshrl.u32 v16, $0x7  }
0x6b: {  	v16 =	vshll.u32 v16, $0x7  }
0x6c: {  	v16 =	vbroadcast v16, $0x0;
	_ =	sdelay $0x1  }
0x6d: {  	v17 =	vor.u32 v0, v16  }
0x6e: {  	v19 =	vor.u32 v2, v16  }
0x6f: {  	s31 =	simm.s32 $0x80;
	v20 =	vor.u32 v3, v16  }
0x70: {  	[tilespmem:v15+s8+$0x0] =	vst.idx.msk $0xffff, v18;
	v15 =	vmov s31;
	v21 =	vor.u32 v4, v16  }
0x71: {  	v15 =	vshrl.u32 v15, $0x7;
	v22 =	vor.u32 v5, v16  }
0x72: {  	v15 =	vshll.u32 v15, $0x7;
	v23 =	vor.u32 v6, v16;
	[tilespmem:v17+s9+$0x0] =	vst.idx.msk $0xffff, v1  }
0x73: {  	v15 =	vbroadcast v15, $0x0;
	[tilespmem:v19+s9+$0x0] =	vst.idx.msk $0xffff, v1;
	v19 =	vor.u32 v7, v16  }
0x74: {  	v17 =	vor.u32 v8, v16;
	[tilespmem:v20+s9+$0x0] =	vst.idx.msk $0xffff, v1  }
0x75: {  	v18 =	vor.u32 v0, v15;
	[tilespmem:v21+s9+$0x0] =	vst.idx.msk $0xffff, v1  }
0x76: {  	v21 =	vor.u32 v2, v15;
	[tilespmem:v22+s9+$0x0] =	vst.idx.msk $0xffff, v1  }
0x77: {  	s0 =	simm.s32 $0x100;
	v16 =	vor.u32 v4, v15;
	v20 =	vor.u32 v3, v15;
	[tilespmem:v23+s9+$0x0] =	vst.idx.msk $0xffff, v1  }
.LBB2_6:
0x78: {  	v22 =	vmov s0;
	p0 =	sne.s32 s0, $0xFF80;
	s0 =	sadd.s32 $0x80, s0;
	[tilespmem:v19+s9+$0x0] =	vst.idx.msk $0xffff, v1  }
0x79: {  	v19 =	vshrl.u32 v22, $0x7;
	v22 =	vor.u32 v5, v15;
	[tilespmem:v17+s9+$0x0] =	vst.idx.msk $0xffff, v1  }
0x7a: {  	v23 =	vor.u32 v6, v15;
	v17 =	vshll.u32 v19, $0x7;
	[tilespmem:v18+s9+$0x0] =	vst.idx.msk $0xffff, v1  }
.Ltmp6:
0x7b: {  	v19 =	vor.u32 v7, v15;
	v24 =	vbroadcast v17, $0x0;
	[tilespmem:v21+s9+$0x0] =	vst.idx.msk $0xffff, v1;
	(pc) =	sbr.rel @p0 .LBB2_6-.Ltmp6, $4  }
0x7c: {  	v17 =	vor.u32 v8, v15;
	[tilespmem:v20+s9+$0x0] =	vst.idx.msk $0xffff, v1  }
0x7d: {  	v18 =	vor.u32 v0, v24;
	[tilespmem:v16+s9+$0x0] =	vst.idx.msk $0xffff, v1;
	v16 =	vor.u32 v4, v24;
	v15 =	vmov v24  }
0x7e: {  	v21 =	vor.u32 v2, v15;
	[tilespmem:v22+s9+$0x0] =	vst.idx.msk $0xffff, v1  }
0x7f: {  	v20 =	vor.u32 v3, v15;
	[tilespmem:v23+s9+$0x0] =	vst.idx.msk $0xffff, v1  }
0x80: {  	_ =	sdelay $0x3  }
0x81: {  	[tilespmem:v19+s9+$0x0] =	vst.idx.msk $0xffff, v1  }
0x82: {  	v61 =	vor.u32 v5, v15;
	[tilespmem:v17+s9+$0x0] =	vst.idx.msk $0xffff, v1  }
0x83: {  	v62 =	vor.u32 v6, v15;
	[tilespmem:v18+s9+$0x0] =	vst.idx.msk $0xffff, v1  }
0x84: {  	v63 =	vor.u32 v7, v15;
	[tilespmem:v21+s9+$0x0] =	vst.idx.msk $0xffff, v1  }
0x85: {  	v15 =	vor.u32 v8, v15;
	[tilespmem:v20+s9+$0x0] =	vst.idx.msk $0xffff, v1  }
0x86: {  	s0 =	smul.u32 $0x4800, s18;
	[tilespmem:v16+s9+$0x0] =	vst.idx.msk $0xffff, v1  }
.Ltmp7:
0x87: {  	[tilespmem:v61+s9+$0x0] =	vst.idx.msk $0xffff, v1;
	(pc) =	sbr.rel .LBB2_8-.Ltmp7, $4  }
0x88: {  	s18 =	smul.u32 $0x180, s18;
	s19 =	sand.u32 $0xFF, s19;
	[tilespmem:v62+s9+$0x0] =	vst.idx.msk $0xffff, v1  }
0x89: {  	s23 =	simm.s32 $0x0;
	s21 =	sadd.s32 $0x17C, s19;
	[tilespmem:v63+s9+$0x0] =	vst.idx.msk $0xffff, v1  }
0x8a: {  	s22 =	sadd.s32 s1, s0;
	s20 =	sadd.s32 $0x80, s18;
	s0 =	simm.s32 $0x0;
	[tilespmem:v15+s9+$0x0] =	vst.idx.msk $0xffff, v1  }
0x8b: {  	[tilespmem:s23], [sflag:$0x1] =	stream.linear.gather [hbm4b:s22+s23], $0x6000, $0x38;
	[tilespmem:$0x1C200] =	vst v63  }
.LBB2_16:
0x8c: {  	p0 =	seq.s32 s0, $0x3  }
.Ltmp8:
0x8d: {  	_ = 	snop;
	(pc) =	sbr.rel @p0 .LBB2_17-.Ltmp8, $1  }
0x8e: {  	_ =	sdelay $0x3  }
.LBB2_8:
0x8f: {  	s25 =	sshll.u32 s0, $0x7  }
0x90: {  	s24 =	sor.u32 $0x40, s25  }
0x91: {  	s5 =	sadd.s32 s18, s24  }
0x92: {  	s5 =	smul.u32 $0x30, s5;
	_ =	sdelay $0x1  }
.Ltmp9:
0x93: {  	s5 =	sadd.s32 s1, s5;
	(pc) =	sbr.rel .LBB2_9-.Ltmp9, $4  }
0x94: {  	[tilespmem:s10], [sflag:$0x2] =	stream.linear.gather [hbm4b:s5+s23], $0x6000, $0x38;
	[tilespmem:$0x1C200] =	vst v63  }
0x95: {  	_ =	swait.ge [sflag:s11], $0x6000  }
0x96: {  	[sflag:s11] =	ssyncset.done $0x0  }
0x97: {  	s26 =	simm.s32 $0x0;
	s28 =	simm.s32 $0x0;
	[sflag:s11] =	ssyncadd.s32 $0xFFFFA000  }
.LBB2_11:
0x98: {  	s28 =	sadd.s32 $0x1, s28  }
0x99: {  	p0 =	sne.s32 s28, $0x40  }
.Ltmp10:
0x9a: {  	_ = 	snop;
	(pc) =	sbr.rel @!p0 .LBB2_12-.Ltmp10, $2  }
0x9b: {  	_ =	sdelay $0x2  }
0x9c: {  	s26 =	sadd.s32 $0x180, s26  }
.LBB2_9:
0x9d: {  	s5 =	sor.u32 s25, s28  }
0x9e: {  	p0 =	slt.u32 s5, s19  }
.Ltmp11:
0x9f: {  	_ = 	snop;
	(pc) =	sbr.rel @p0 .LBB2_11-.Ltmp11, $2  }
0xa0: {  	_ =	sdelay $0x2  }
0xa1: {  	s29 =	simm.s32 $0x0  }
.LBB2_10:
0xa2: {  	s5 =	sadd.s32 s29, s26  }
0xa3: {  	v15 =	vmov s5  }
0xa4: {  	v15 =	vshrl.u32 v15, $0x7  }
0xa5: {  	v15 =	vshll.u32 v15, v9  }
0xa6: {  	v15 =	vbroadcast v15, $0x0;
	_ =	sdelay $0x1  }
0xa7: {  	v16 =	vor.u32 v0, v15;
	_ =	sdelay $0x1  }
0xa8: {  	v17 =	vmov s29  }
0xa9: {  	v17 =	vshrl.u32 v17, $0x7  }
0xaa: {  	v17 =	vshll.u32 v17, v9  }
0xab: {  	v17 =	vbroadcast v17, $0x0;
	v16 =	vld.idx.msk [tilespmem:v16+s4+$0x0], $0xffff;
	_ =	sdelay $0x1  }
0xac: {  	v18 =	vor.u32 v0, v17;
	_ =	sdelay $0x2  }
0xad: {  	v16 =	vshrl.u32 v16, $0x10  }
0xae: {  	v16 =	vand.u32 $0xFFF0, v16  }
0xaf: {  	v18 =	vld.idx.msk [tilespmem:v18+s8+$0x0], $0xffff;
	v16 =	vxor.u32 v10, v16  }
0xb0: {  	v19 =	vor.u32 v2, v15;
	_ =	sdelay $0x3  }
0xb1: {  	[tilespmem:v16+s9+$0x0] =	vst.idx.add.s32.msk $0xffff, v18  }
0xb2: {  	v16 =	vld.idx.msk [tilespmem:v19+s4+$0x0], $0xffff;
	_ =	sdelay $0x1  }
0xb3: {  	v52 =	vor.u32 v2, v17;
	_ =	sdelay $0x2  }
0xb4: {  	v16 =	vshrl.u32 v16, $0x10  }
0xb5: {  	v16 =	vand.u32 $0xFFF0, v16  }
0xb6: {  	v18 =	vld.idx.msk [tilespmem:v52+s8+$0x0], $0xffff;
	v16 =	vxor.u32 v10, v16  }
0xb7: {  	v53 =	vor.u32 v3, v15;
	_ =	sdelay $0x3  }
0xb8: {  	[tilespmem:v16+s9+$0x0] =	vst.idx.add.s32.msk $0xffff, v18  }
0xb9: {  	v16 =	vld.idx.msk [tilespmem:v53+s4+$0x0], $0xffff;
	_ =	sdelay $0x1  }
0xba: {  	v54 =	vor.u32 v3, v17;
	_ =	sdelay $0x2  }
0xbb: {  	v16 =	vshrl.u32 v16, $0x10  }
0xbc: {  	v16 =	vand.u32 $0xFFF0, v16  }
0xbd: {  	v18 =	vld.idx.msk [tilespmem:v54+s8+$0x0], $0xffff;
	v16 =	vxor.u32 v10, v16  }
0xbe: {  	v55 =	vor.u32 v4, v15;
	_ =	sdelay $0x3  }
0xbf: {  	[tilespmem:v16+s9+$0x0] =	vst.idx.add.s32.msk $0xffff, v18  }
0xc0: {  	v16 =	vld.idx.msk [tilespmem:v55+s4+$0x0], $0xffff;
	_ =	sdelay $0x1  }
0xc1: {  	v56 =	vor.u32 v4, v17;
	_ =	sdelay $0x2  }
0xc2: {  	v16 =	vshrl.u32 v16, $0x10  }
0xc3: {  	v16 =	vand.u32 $0xFFF0, v16  }
0xc4: {  	v18 =	vld.idx.msk [tilespmem:v56+s8+$0x0], $0xffff;
	v16 =	vxor.u32 v10, v16  }
0xc5: {  	v57 =	vor.u32 v5, v15;
	_ =	sdelay $0x3  }
0xc6: {  	[tilespmem:v16+s9+$0x0] =	vst.idx.add.s32.msk $0xffff, v18  }
0xc7: {  	v16 =	vld.idx.msk [tilespmem:v57+s4+$0x0], $0xffff;
	_ =	sdelay $0x1  }
0xc8: {  	v58 =	vor.u32 v5, v17;
	_ =	sdelay $0x2  }
0xc9: {  	v16 =	vshrl.u32 v16, $0x10  }
0xca: {  	v16 =	vand.u32 $0xFFF0, v16  }
0xcb: {  	v18 =	vld.idx.msk [tilespmem:v58+s8+$0x0], $0xffff;
	v16 =	vxor.u32 v10, v16  }
0xcc: {  	v59 =	vor.u32 v6, v15;
	_ =	sdelay $0x3  }
0xcd: {  	[tilespmem:v16+s9+$0x0] =	vst.idx.add.s32.msk $0xffff, v18  }
0xce: {  	v16 =	vld.idx.msk [tilespmem:v59+s4+$0x0], $0xffff;
	_ =	sdelay $0x1  }
0xcf: {  	v60 =	vor.u32 v6, v17;
	_ =	sdelay $0x2  }
0xd0: {  	v16 =	vshrl.u32 v16, $0x10  }
0xd1: {  	v16 =	vand.u32 $0xFFF0, v16  }
0xd2: {  	v18 =	vld.idx.msk [tilespmem:v60+s8+$0x0], $0xffff;
	v16 =	vxor.u32 v10, v16  }
0xd3: {  	v61 =	vor.u32 v7, v15;
	_ =	sdelay $0x3  }
0xd4: {  	[tilespmem:v16+s9+$0x0] =	vst.idx.add.s32.msk $0xffff, v18  }
0xd5: {  	v16 =	vld.idx.msk [tilespmem:v61+s4+$0x0], $0xffff;
	_ =	sdelay $0x1  }
0xd6: {  	v62 =	vor.u32 v7, v17;
	_ =	sdelay $0x2  }
0xd7: {  	v16 =	vshrl.u32 v16, $0x10  }
0xd8: {  	v16 =	vand.u32 $0xFFF0, v16  }
0xd9: {  	v18 =	vld.idx.msk [tilespmem:v62+s8+$0x0], $0xffff;
	v16 =	vxor.u32 v10, v16  }
0xda: {  	v15 =	vor.u32 v8, v15;
	_ =	sdelay $0x3  }
0xdb: {  	[tilespmem:v16+s9+$0x0] =	vst.idx.add.s32.msk $0xffff, v18  }
0xdc: {  	v15 =	vld.idx.msk [tilespmem:v15+s4+$0x0], $0xffff;
	_ =	sdelay $0x1  }
0xdd: {  	v63 =	vor.u32 v8, v17;
	_ =	sdelay $0x2  }
0xde: {  	v15 =	vshrl.u32 v15, $0x10  }
0xdf: {  	v15 =	vand.u32 $0xFFF0, v15  }
0xe0: {  	p0 =	sne.s32 s29, $0x100;
	v16 =	vld.idx.msk [tilespmem:v63+s8+$0x0], $0xffff;
	v15 =	vxor.u32 v10, v15  }
.Ltmp12:
0xe1: {  	_ = 	snop;
	(pc) =	sbr.rel @p0 .LBB2_10-.Ltmp12, $2  }
0xe2: {  	_ =	sdelay $0x2  }
0xe3: {  	s29 =	sadd.s32 $0x80, s29;
	[tilespmem:v15+s9+$0x0] =	vst.idx.add.s32.msk $0xffff, v16  }
.Ltmp13:
0xe4: {  	_ = 	snop;
	(pc) =	sbr.rel .LBB2_11-.Ltmp13, $1  }
0xe5: {  	_ =	sdelay $0x3  }
.LBB2_12:
0xe6: {  	p0 =	seq.s32 s0, $0x2  }
0xe7: {  	s5 =	sadd.s32 @!p0 s25, s20  }
0xe8: {  	s5 =	smul.u32 @!p0 $0x30, s5;
	_ =	sdelay $0x1  }
.Ltmp14:
0xe9: {  	s25 =	simm.s32 @!p0 $0x0;
	s5 =	sadd.s32 @!p0 s1, s5;
	(pc) =	sbr.rel .LBB2_13-.Ltmp14, $4  }
0xea: {  	[tilespmem:s25], [sflag:$0x1] =	stream.linear.gather @!p0 [hbm4b:s5+s25], $0x6000, $0x38;
	[tilespmem:$0x1C200] =	vst v63  }
0xeb: {  	_ =	swait.ge [sflag:s12], $0x6000  }
0xec: {  	s0 =	sadd.s32 $0x1, s0;
	[sflag:s12] =	ssyncset.done $0x0  }
0xed: {  	s26 =	simm.s32 $0x0;
	s25 =	simm.s32 $0x0;
	[sflag:s12] =	ssyncadd.s32 $0xFFFFA000  }
.LBB2_15:
0xee: {  	s26 =	sadd.s32 $0x1, s26  }
0xef: {  	p0 =	seq.s32 s26, $0x40  }
.Ltmp15:
0xf0: {  	_ = 	snop;
	(pc) =	sbr.rel @p0 .LBB2_16-.Ltmp15, $2  }
0xf1: {  	_ =	sdelay $0x2  }
0xf2: {  	s25 =	sadd.s32 $0x180, s25  }
.LBB2_13:
0xf3: {  	s5 =	sor.u32 s24, s26  }
0xf4: {  	p0 =	sge.u32 s5, s21  }
.Ltmp16:
0xf5: {  	_ = 	snop;
	(pc) =	sbr.rel @p0 .LBB2_15-.Ltmp16, $2  }
0xf6: {  	_ =	sdelay $0x2  }
0xf7: {  	s28 =	simm.s32 $0x0  }
.LBB2_14:
0xf8: {  	s5 =	sadd.s32 s28, s25  }
0xf9: {  	v15 =	vmov s5  }
0xfa: {  	v15 =	vshrl.u32 v15, $0x7  }
0xfb: {  	v15 =	vshll.u32 v15, v9  }
0xfc: {  	v15 =	vbroadcast v15, $0x0;
	_ =	sdelay $0x1  }
0xfd: {  	v16 =	vor.u32 v0, v15;
	_ =	sdelay $0x1  }
0xfe: {  	v17 =	vmov s28  }
0xff: {  	v17 =	vshrl.u32 v17, $0x7  }
0x100: {  	v17 =	vshll.u32 v17, v9  }
0x101: {  	v17 =	vbroadcast v17, $0x0;
	v16 =	vld.idx.msk [tilespmem:v16+s10+$0x0], $0xffff;
	_ =	sdelay $0x1  }
0x102: {  	v18 =	vor.u32 v0, v17;
	_ =	sdelay $0x2  }
0x103: {  	v16 =	vshrl.u32 v16, $0x10  }
0x104: {  	v16 =	vand.u32 $0xFFF0, v16  }
0x105: {  	v18 =	vld.idx.msk [tilespmem:v18+s8+$0x0], $0xffff;
	v16 =	vxor.u32 v10, v16  }
0x106: {  	v19 =	vor.u32 v2, v15;
	_ =	sdelay $0x3  }
0x107: {  	[tilespmem:v16+s9+$0x0] =	vst.idx.add.s32.msk $0xffff, v18  }
0x108: {  	v16 =	vld.idx.msk [tilespmem:v19+s10+$0x0], $0xffff;
	_ =	sdelay $0x1  }
0x109: {  	v52 =	vor.u32 v2, v17;
	_ =	sdelay $0x2  }
0x10a: {  	v16 =	vshrl.u32 v16, $0x10  }
0x10b: {  	v16 =	vand.u32 $0xFFF0, v16  }
0x10c: {  	v18 =	vld.idx.msk [tilespmem:v52+s8+$0x0], $0xffff;
	v16 =	vxor.u32 v10, v16  }
0x10d: {  	v53 =	vor.u32 v3, v15;
	_ =	sdelay $0x3  }
0x10e: {  	[tilespmem:v16+s9+$0x0] =	vst.idx.add.s32.msk $0xffff, v18  }
0x10f: {  	v16 =	vld.idx.msk [tilespmem:v53+s10+$0x0], $0xffff;
	_ =	sdelay $0x1  }
0x110: {  	v54 =	vor.u32 v3, v17;
	_ =	sdelay $0x2  }
0x111: {  	v16 =	vshrl.u32 v16, $0x10  }
0x112: {  	v16 =	vand.u32 $0xFFF0, v16  }
0x113: {  	v18 =	vld.idx.msk [tilespmem:v54+s8+$0x0], $0xffff;
	v16 =	vxor.u32 v10, v16  }
0x114: {  	v55 =	vor.u32 v4, v15;
	_ =	sdelay $0x3  }
0x115: {  	[tilespmem:v16+s9+$0x0] =	vst.idx.add.s32.msk $0xffff, v18  }
0x116: {  	v16 =	vld.idx.msk [tilespmem:v55+s10+$0x0], $0xffff;
	_ =	sdelay $0x1  }
0x117: {  	v56 =	vor.u32 v4, v17;
	_ =	sdelay $0x2  }
0x118: {  	v16 =	vshrl.u32 v16, $0x10  }
0x119: {  	v16 =	vand.u32 $0xFFF0, v16  }
0x11a: {  	v18 =	vld.idx.msk [tilespmem:v56+s8+$0x0], $0xffff;
	v16 =	vxor.u32 v10, v16  }
0x11b: {  	v57 =	vor.u32 v5, v15;
	_ =	sdelay $0x3  }
0x11c: {  	[tilespmem:v16+s9+$0x0] =	vst.idx.add.s32.msk $0xffff, v18  }
0x11d: {  	v16 =	vld.idx.msk [tilespmem:v57+s10+$0x0], $0xffff;
	_ =	sdelay $0x1  }
0x11e: {  	v58 =	vor.u32 v5, v17;
	_ =	sdelay $0x2  }
0x11f: {  	v16 =	vshrl.u32 v16, $0x10  }
0x120: {  	v16 =	vand.u32 $0xFFF0, v16  }
0x121: {  	v18 =	vld.idx.msk [tilespmem:v58+s8+$0x0], $0xffff;
	v16 =	vxor.u32 v10, v16  }
0x122: {  	v59 =	vor.u32 v6, v15;
	_ =	sdelay $0x3  }
0x123: {  	[tilespmem:v16+s9+$0x0] =	vst.idx.add.s32.msk $0xffff, v18  }
0x124: {  	v16 =	vld.idx.msk [tilespmem:v59+s10+$0x0], $0xffff;
	_ =	sdelay $0x1  }
0x125: {  	v60 =	vor.u32 v6, v17;
	_ =	sdelay $0x2  }
0x126: {  	v16 =	vshrl.u32 v16, $0x10  }
0x127: {  	v16 =	vand.u32 $0xFFF0, v16  }
0x128: {  	v18 =	vld.idx.msk [tilespmem:v60+s8+$0x0], $0xffff;
	v16 =	vxor.u32 v10, v16  }
0x129: {  	v61 =	vor.u32 v7, v15;
	_ =	sdelay $0x3  }
0x12a: {  	[tilespmem:v16+s9+$0x0] =	vst.idx.add.s32.msk $0xffff, v18  }
0x12b: {  	v16 =	vld.idx.msk [tilespmem:v61+s10+$0x0], $0xffff;
	_ =	sdelay $0x1  }
0x12c: {  	v62 =	vor.u32 v7, v17;
	_ =	sdelay $0x2  }
0x12d: {  	v16 =	vshrl.u32 v16, $0x10  }
0x12e: {  	v16 =	vand.u32 $0xFFF0, v16  }
0x12f: {  	v18 =	vld.idx.msk [tilespmem:v62+s8+$0x0], $0xffff;
	v16 =	vxor.u32 v10, v16  }
0x130: {  	v15 =	vor.u32 v8, v15;
	_ =	sdelay $0x3  }
0x131: {  	[tilespmem:v16+s9+$0x0] =	vst.idx.add.s32.msk $0xffff, v18  }
0x132: {  	v15 =	vld.idx.msk [tilespmem:v15+s10+$0x0], $0xffff;
	_ =	sdelay $0x1  }
0x133: {  	v63 =	vor.u32 v8, v17;
	_ =	sdelay $0x2  }
0x134: {  	v15 =	vshrl.u32 v15, $0x10  }
0x135: {  	v15 =	vand.u32 $0xFFF0, v15  }
0x136: {  	p0 =	sne.s32 s28, $0x100;
	v16 =	vld.idx.msk [tilespmem:v63+s8+$0x0], $0xffff;
	v15 =	vxor.u32 v10, v15  }
.Ltmp17:
0x137: {  	_ = 	snop;
	(pc) =	sbr.rel @p0 .LBB2_14-.Ltmp17, $2  }
0x138: {  	_ =	sdelay $0x2  }
0x139: {  	s28 =	sadd.s32 $0x80, s28;
	[tilespmem:v15+s9+$0x0] =	vst.idx.add.s32.msk $0xffff, v16  }
.Ltmp18:
0x13a: {  	_ = 	snop;
	(pc) =	sbr.rel .LBB2_15-.Ltmp18, $1  }
0x13b: {  	_ =	sdelay $0x3  }
.LBB2_17:
0x13c: {  	s0 =	simm.s32 $0xFF0  }
0x13d: {  	v15 =	vmov s0  }
0x13e: {  	v15 =	vshll.u32 v15, $0x4  }
0x13f: {  	v15 =	vor.u32 v11, v15  }
0x140: {  	v16 =	vor.u32 $0x1, v15  }
0x141: {  	v17 =	vor.u32 $0x2, v15  }
0x142: {  	v18 =	vor.u32 $0x3, v15  }
0x143: {  	v19 =	vor.u32 $0x4, v15  }
0x144: {  	v21 =	vor.u32 $0x5, v15;
	v20 =	vld.idx.msk [tilespmem:v15+s9+$0x0], $0xffff  }
0x145: {  	v22 =	vor.u32 $0x6, v15;
	v16 =	vld.idx.msk [tilespmem:v16+s9+$0x0], $0xffff  }
0x146: {  	v23 =	vor.u32 $0x7, v15;
	v17 =	vld.idx.msk [tilespmem:v17+s9+$0x0], $0xffff  }
0x147: {  	v24 =	vor.u32 $0x8, v15;
	v18 =	vld.idx.msk [tilespmem:v18+s9+$0x0], $0xffff  }
0x148: {  	v25 =	vor.u32 $0x9, v15;
	v19 =	vld.idx.msk [tilespmem:v19+s9+$0x0], $0xffff  }
0x149: {  	v26 =	vor.u32 $0xA, v15;
	v21 =	vld.idx.msk [tilespmem:v21+s9+$0x0], $0xffff  }
0x14a: {  	v27 =	vor.u32 $0xB, v15;
	v22 =	vld.idx.msk [tilespmem:v22+s9+$0x0], $0xffff  }
0x14b: {  	v16 =	vadd.s32 v20, v16;
	v20 =	vld.idx.msk [tilespmem:v23+s9+$0x0], $0xffff;
	v23 =	vor.u32 $0xC, v15  }
0x14c: {  	s26 =	simm.s32 $0xFE0;
	v16 =	vadd.s32 v17, v16;
	v17 =	vld.idx.msk [tilespmem:v24+s9+$0x0], $0xffff;
	v24 =	vor.u32 $0xD, v15  }
0x14d: {  	v28 =	vmov s26;
	v16 =	vadd.s32 v18, v16;
	v18 =	vld.idx.msk [tilespmem:v25+s9+$0x0], $0xffff;
	v25 =	vor.u32 $0xE, v15  }
0x14e: {  	v28 =	vshll.u32 v28, $0x4;
	v15 =	vor.u32 $0xF, v15;
	v16 =	vadd.s32 v19, v16;
	v19 =	vld.idx.msk [tilespmem:v26+s9+$0x0], $0xffff  }
0x14f: {  	v26 =	vor.u32 v11, v28;
	v16 =	vadd.s32 v21, v16;
	v21 =	vld.idx.msk [tilespmem:v27+s9+$0x0], $0xffff  }
0x150: {  	v27 =	vor.u32 $0x1, v26;
	v16 =	vadd.s32 v22, v16;
	v22 =	vld.idx.msk [tilespmem:v23+s9+$0x0], $0xffff  }
0x151: {  	v23 =	vor.u32 $0x2, v26;
	v16 =	vadd.s32 v20, v16;
	v20 =	vld.idx.msk [tilespmem:v24+s9+$0x0], $0xffff  }
0x152: {  	v24 =	vor.u32 $0x3, v26;
	v16 =	vadd.s32 v17, v16;
	v17 =	vld.idx.msk [tilespmem:v25+s9+$0x0], $0xffff  }
0x153: {  	v25 =	vor.u32 $0x4, v26;
	v15 =	vld.idx.msk [tilespmem:v15+s9+$0x0], $0xffff;
	v16 =	vadd.s32 v18, v16  }
0x154: {  	v28 =	vor.u32 $0x5, v26;
	v18 =	vld.idx.msk [tilespmem:v26+s9+$0x0], $0xffff;
	v16 =	vadd.s32 v19, v16  }
0x155: {  	v19 =	vld.idx.msk [tilespmem:v27+s9+$0x0], $0xffff;
	v27 =	vor.u32 $0x6, v26;
	v16 =	vadd.s32 v21, v16  }
0x156: {  	v21 =	vld.idx.msk [tilespmem:v23+s9+$0x0], $0xffff;
	v23 =	vor.u32 $0x7, v26;
	v16 =	vadd.s32 v22, v16  }
0x157: {  	v22 =	vor.u32 $0x8, v26;
	v24 =	vld.idx.msk [tilespmem:v24+s9+$0x0], $0xffff;
	v16 =	vadd.s32 v20, v16  }
0x158: {  	v20 =	vor.u32 $0x9, v26;
	v25 =	vld.idx.msk [tilespmem:v25+s9+$0x0], $0xffff;
	v16 =	vadd.s32 v17, v16  }
0x159: {  	v17 =	vld.idx.msk [tilespmem:v28+s9+$0x0], $0xffff;
	v28 =	vor.u32 $0xA, v26;
	v15 =	vadd.s32 v15, v16  }
0x15a: {  	v16 =	vld.idx.msk [tilespmem:v27+s9+$0x0], $0xffff;
	v27 =	vor.u32 $0xB, v26;
	v18 =	vadd.s32 v18, v19;
	v29 =	vperm.xlane v15, v12  }
0x15b: {  	v19 =	vld.idx.msk [tilespmem:v23+s9+$0x0], $0xffff;
	v23 =	vor.u32 $0xC, v26;
	v18 =	vadd.s32 v21, v18  }
0x15c: {  	s28 =	simm.s32 $0xFD0;
	v21 =	vld.idx.msk [tilespmem:v22+s9+$0x0], $0xffff;
	v22 =	vor.u32 $0xD, v26;
	v18 =	vadd.s32 v24, v18;
	(xrf0) =	vadd.scan.msk.s32 $0xffff, v29  }
0x15d: {  	v24 =	vor.u32 $0xE, v26;
	v29 =	vmov s28;
	v20 =	vld.idx.msk [tilespmem:v20+s9+$0x0], $0xffff;
	v18 =	vadd.s32 v25, v18  }
0x15e: {  	v26 =	vor.u32 $0xF, v26;
	(xrf0) =	vadd.scan.msk.s32 $0xffff, v15;
	v29 =	vshll.u32 v29, $0x4;
	v25 =	vld.idx.msk [tilespmem:v28+s9+$0x0], $0xffff;
	v17 =	vadd.s32 v17, v18  }
0x15f: {  	v28 =	vor.u32 v11, v29;
	v18 =	vld.idx.msk [tilespmem:v27+s9+$0x0], $0xffff;
	v16 =	vadd.s32 v16, v17  }
0x160: {  	v29 =	vor.u32 $0x1, v28;
	v17 =	vld.idx.msk [tilespmem:v23+s9+$0x0], $0xffff;
	v16 =	vadd.s32 v19, v16  }
0x161: {  	v30 =	vor.u32 $0x2, v28;
	v19 =	vld.idx.msk [tilespmem:v22+s9+$0x0], $0xffff;
	v16 =	vadd.s32 v21, v16  }
0x162: {  	v22 =	vor.u32 $0x3, v28;
	v21 =	vld.idx.msk [tilespmem:v24+s9+$0x0], $0xffff;
	v16 =	vadd.s32 v20, v16;
	v24, _, _ =	vpop (xrf0)  }
0x163: {  	v34 =	vor.u32 $0x5, v28;
	v20 =	vld.idx.msk [tilespmem:v26+s9+$0x0], $0xffff;
	v16 =	vadd.s32 v25, v16;
	v24 =	vperm.xlane v24, v12  }
0x164: {  	s24 =	simm.s32 $0x0;
	v27 =	vadd.s32 s0, v14;
	v32 =	vor.u32 $0x4, v28;
	v26, _, _ =	vpop (xrf0);
	v33 =	vld.idx.msk [tilespmem:v28+s9+$0x0], $0xffff;
	v16 =	vadd.s32 v18, v16  }
0x165: {  	(v2sf) =	vpush v26, $0xF;
	v25 =	vld.idx.msk [tilespmem:v29+s9+$0x0], $0xffff;
	v26 =	vor.u32 $0x6, v28;
	v18 =	vadd.s32 s24, v24  }
0x166: {  	v31 =	vor.u32 $0x8, v28;
	v29 =	vor.u32 $0x7, v28;
	v24 =	vld.idx.msk [tilespmem:v30+s9+$0x0], $0xffff;
	v15 =	vsub.s32 v18, v15  }
0x167: {  	v16 =	vadd.s32 v17, v16;
	v17 =	vld.idx.msk [tilespmem:v22+s9+$0x0], $0xffff;
	vm0 =	vgt.s32 v18, $0x3867;
	vm1 =	vgt.s32 v13, v15  }
0x168: {  	v16 =	vadd.s32 v19, v16;
	v19 =	vld.idx.msk [tilespmem:v34+s9+$0x0], $0xffff;
	v15 =	vsub.s32 $0x3868, v15;
	vm0 =	vmand vm0, vm1  }
0x169: {  	v18 =	vld.idx.msk [tilespmem:v32+s9+$0x0], $0xffff;
	v16 =	vadd.s32 v21, v16;
	v21 =	vor.u32 $0xA, v28;
	v15 =	vnsel vm0, $0x0, v15  }
0x16a: {  	v23 =	vor.u32 $0x9, v28;
	v16 =	vadd.s32 v20, v16;
	v20 =	vld.idx.msk [tilespmem:v26+s9+$0x0], $0xffff;
	v27 =	vnsel vm0, $0x0, v27;
	(xrf0) =	vadd.scan.msk.s32 $0xffff, v15  }
0x16b: {  	v15 =	vadd.s32 v33, v25;
	v25 =	vld.idx.msk [tilespmem:v29+s9+$0x0], $0xffff;
	v29 =	vor.u32 $0xC, v28;
	(xrf0) =	vadd.scan.msk.s32 $0xffff, v27  }
0x16c: {  	v22 =	vor.u32 $0xB, v28;
	v15 =	vadd.s32 v24, v15  }
0x16d: {  	v24 =	vld.idx.msk [tilespmem:v31+s9+$0x0], $0xffff;
	v15 =	vadd.s32 v17, v15  }
0x16e: {  	v26 =	vperm.xlane v16, v12;
	v21 =	vld.idx.msk [tilespmem:v21+s9+$0x0], $0xffff;
	v18 =	vadd.s32 v18, v15  }
0x16f: {  	v17 =	vld.idx.msk [tilespmem:v23+s9+$0x0], $0xffff;
	v18 =	vadd.s32 v19, v18  }
0x170: {  	s25 =	simm.s32 $0xFC0;
	v27 =	vor.u32 $0xD, v28;
	(xrf0) =	vadd.scan.msk.s32 $0xffff, v26;
	v18 =	vadd.s32 v20, v18;
	v20 =	vld.idx.msk [tilespmem:v29+s9+$0x0], $0xffff;
	v29, _, _ =	vpop (xrf0)  }
0x171: {  	v26 =	vmov s25;
	v23 =	vor.u32 $0xE, v28;
	v19 =	vld.idx.msk [tilespmem:v22+s9+$0x0], $0xffff;
	v61, _, _ =	vpop (xrf0);
	(xrf0) =	vadd.scan.msk.s32 $0xffff, v16  }
0x172: {  	v28 =	vor.u32 $0xF, v28;
	v26 =	vshll.u32 v26, $0x4;
	v18 =	vadd.s32 v25, v18  }
0x173: {  	v15 =	vor.u32 v11, v26;
	v18 =	vadd.s32 v24, v18  }
0x174: {  	v26 =	vor.u32 $0x1, v15;
	v17 =	vadd.s32 v17, v18  }
0x175: {  	v31 =	vor.u32 $0x2, v15;
	v25 =	vld.idx.msk [tilespmem:v27+s9+$0x0], $0xffff;
	(v2sf) =	vpush v29, $0xF;
	v17 =	vadd.s32 v21, v17  }
0x176: {  	v27 =	vor.u32 $0x3, v15;
	v23 =	vld.idx.msk [tilespmem:v23+s9+$0x0], $0xffff;
	v24, _, _ =	vpop (xrf0);
	v17 =	vadd.s32 v19, v17  }
0x177: {  	v29 =	vor.u32 $0x4, v15;
	v18 =	vld.idx.msk [tilespmem:v28+s9+$0x0], $0xffff;
	v24 =	vperm.xlane v24, v12;
	s31 =	spop (v2sf);
	v17 =	vadd.s32 v20, v17;
	v20, _, _ =	vpop (xrf0)  }
0x178: {  	v22 =	vadd.s32 s26, v14;
	v63 =	vor.u32 $0x5, v15;
	v62 =	vld.idx.msk [tilespmem:v15+s9+$0x0], $0xffff;
	s30 =	sadd.s32 $0x0, s31;
	(v2sf) =	vpush v20, $0xF  }
0x179: {  	v30 =	vor.u32 $0x9, v15;
	v35 =	vor.u32 $0x6, v15;
	v21 =	vld.idx.msk [tilespmem:v26+s9+$0x0], $0xffff;
	v19 =	vadd.s32 s30, v24  }
0x17a: {  	v28 =	vor.u32 $0x8, v15;
	v24 =	vld.idx.msk [tilespmem:v31+s9+$0x0], $0xffff;
	v31 =	vor.u32 $0x7, v15;
	v16 =	vsub.s32 v19, v16  }
0x17b: {  	v36 =	vld.idx.msk [tilespmem:v27+s9+$0x0], $0xffff;
	v17 =	vadd.s32 v25, v17;
	vm14 =	vgt.s32 v19, $0x3867;
	vm15 =	vgt.s32 v13, v16  }
0x17c: {  	v19 =	vld.idx.msk [tilespmem:v29+s9+$0x0], $0xffff;
	v17 =	vadd.s32 v23, v17;
	v23 =	vsub.s32 $0x3868, v16;
	vm0 =	vmand vm14, vm15  }
0x17d: {  	v26 =	vor.u32 $0xA, v15;
	v20 =	vld.idx.msk [tilespmem:v63+s9+$0x0], $0xffff;
	v16 =	vadd.s32 v18, v17;
	v18 =	vnsel vm0, $0x0, v23  }
0x17e: {  	v27 =	vor.u32 $0xB, v15;
	v17 =	vld.idx.msk [tilespmem:v35+s9+$0x0], $0xffff;
	v25 =	vperm.xlane v16, v12;
	v22 =	vnsel vm0, $0x0, v22;
	(xrf0) =	vadd.scan.msk.s32 $0xffff, v18  }
0x17f: {  	v23 =	vor.u32 $0xC, v15;
	(v2sf) =	vpush v61, $0xF;
	v18 =	vadd.s32 v62, v21;
	v21 =	vld.idx.msk [tilespmem:v31+s9+$0x0], $0xffff;
	(xrf0) =	vadd.scan.msk.s32 $0xffff, v22  }
0x180: {  	s29 =	simm.s32 $0xFB0;
	v22 =	vadd.s32 v24, v18;
	v18 =	vld.idx.msk [tilespmem:v28+s9+$0x0], $0xffff;
	v24 =	vor.u32 $0xD, v15;
	(xrf0) =	vadd.scan.msk.s32 $0xffff, v25  }
0x181: {  	s23 =	simm.s32 $0xFFFFFFFF;
	s0 =	simm.s32 $0xFA0;
	s26 =	simm.s32 $0x0;
	v28 =	vmov s29;
	v29 =	vadd.s32 v36, v22;
	v22 =	vld.idx.msk [tilespmem:v30+s9+$0x0], $0xffff;
	v25 =	vor.u32 $0xE, v15;
	(xrf0) =	vadd.scan.msk.s32 $0xffff, v16  }
.LBB2_18:
0x182: {  	p0 =	sne.s32 s0, $0x0;
	v28 =	vshll.u32 v28, $0x4;
	v19 =	vadd.s32 v19, v29;
	v26 =	vld.idx.msk [tilespmem:v26+s9+$0x0], $0xffff;
	v29 =	vor.u32 $0xF, v15  }
0x183: {  	v15 =	vor.u32 v11, v28;
	v19 =	vadd.s32 v20, v19;
	v20 =	vld.idx.msk [tilespmem:v27+s9+$0x0], $0xffff;
	v28 =	vadd.s32 s28, v14;
	s28 =	smov.u32 s25;
	s25 =	smov.u32 s29;
	s29 =	smov.u32 s0  }
0x184: {  	v27 =	vor.u32 $0x1, v15;
	v30 =	vor.u32 $0x9, v15;
	v17 =	vadd.s32 v17, v19;
	v19 =	vld.idx.msk [tilespmem:v23+s9+$0x0], $0xffff;
	v23, _, _ =	vpop (xrf0);
	s5 =	spop (v2sf)  }
0x185: {  	v31 =	vor.u32 $0x2, v15;
	v17 =	vadd.s32 v21, v17;
	v21 =	vld.idx.msk [tilespmem:v24+s9+$0x0], $0xffff;
	v24, _, _ =	vpop (xrf0);
	(v2sf) =	vpush v23, $0xF;
	s26 =	sadd.s32 s26, s5  }
0x186: {  	v32 =	vor.u32 $0x8, v15;
	v23 =	vor.u32 $0x3, v15;
	v17 =	vadd.s32 v18, v17;
	v18 =	vld.idx.msk [tilespmem:v25+s9+$0x0], $0xffff;
	v25, _, _ =	vpop (xrf0)  }
0x187: {  	v33 =	vor.u32 $0x4, v15;
	v17 =	vadd.s32 v22, v17;
	v22 =	vld.idx.msk [tilespmem:v29+s9+$0x0], $0xffff;
	v25 =	vperm.xlane v25, v12;
	v29, _, _ =	vpop (xrf0);
	s5 =	spop (v2sf)  }
0x188: {  	v35 =	vor.u32 $0x5, v15;
	v34 =	vld.idx.msk [tilespmem:v15+s9+$0x0], $0xffff;
	v17 =	vadd.s32 v26, v17;
	(v2sf) =	vpush v29, $0xF;
	s30 =	sadd.s32 s30, s5  }
0x189: {  	v29 =	vld.idx.msk [tilespmem:v27+s9+$0x0], $0xffff;
	v27 =	vor.u32 $0x6, v15;
	v17 =	vadd.s32 v20, v17;
	v20 =	vadd.s32 s30, v25  }
0x18a: {  	v25 =	vld.idx.msk [tilespmem:v31+s9+$0x0], $0xffff;
	v31 =	vor.u32 $0x7, v15;
	v17 =	vadd.s32 v19, v17;
	v16 =	vsub.s32 v20, v16  }
0x18b: {  	vm0 =	vgt.s32 v20, $0x3867;
	v36 =	vld.idx.msk [tilespmem:v23+s9+$0x0], $0xffff;
	v17 =	vadd.s32 v21, v17;
	vm1 =	vgt.s32 v13, v16  }
0x18c: {  	v19 =	vld.idx.msk [tilespmem:v33+s9+$0x0], $0xffff;
	v17 =	vadd.s32 v18, v17;
	vm0 =	vmand vm0, vm1;
	v18 =	vsub.s32 $0x3868, v16  }
.Ltmp19:
0x18d: {  	v26 =	vor.u32 $0xA, v15;
	v20 =	vld.idx.msk [tilespmem:v35+s9+$0x0], $0xffff;
	v16 =	vadd.s32 v22, v17;
	v18 =	vnsel vm0, $0x0, v18;
	(pc) =	sbr.rel @p0 .LBB2_18-.Ltmp19, $4  }
0x18e: {  	v28 =	vnsel vm0, $0x0, v28;
	v17 =	vld.idx.msk [tilespmem:v27+s9+$0x0], $0xffff;
	v27 =	vor.u32 $0xB, v15;
	v22 =	vperm.xlane v16, v12;
	(xrf0) =	vadd.scan.msk.s32 $0xffff, v18;
	s5 =	spop (v2sf)  }
0x18f: {  	v23 =	vor.u32 $0xC, v15;
	v18 =	vadd.s32 v34, v29;
	v21 =	vld.idx.msk [tilespmem:v31+s9+$0x0], $0xffff;
	(xrf0) =	vadd.scan.msk.s32 $0xffff, v28;
	(v2sf) =	vpush v24, $0xF;
	s23 =	sadd.s32 s23, s5  }
0x190: {  	v25 =	vadd.s32 v25, v18;
	v24 =	vor.u32 $0xD, v15;
	v18 =	vld.idx.msk [tilespmem:v32+s9+$0x0], $0xffff;
	(xrf0) =	vadd.scan.msk.s32 $0xffff, v22  }
0x191: {  	s0 =	sadd.s32 $0xFFFFFFF0, s0;
	v28 =	vmov s29;
	v29 =	vadd.s32 v36, v25;
	v25 =	vor.u32 $0xE, v15;
	v22 =	vld.idx.msk [tilespmem:v30+s9+$0x0], $0xffff;
	(xrf0) =	vadd.scan.msk.s32 $0xffff, v16  }
0x192: {  	_ =	sdelay $0x2  }
0x193: {  	v28 =	vshll.u32 v28, $0x4;
	v19 =	vadd.s32 v19, v29  }
0x194: {  	v26 =	vld.idx.msk [tilespmem:v26+s9+$0x0], $0xffff;
	v15 =	vor.u32 $0xF, v15;
	v28 =	vor.u32 v11, v28;
	v19 =	vadd.s32 v20, v19  }
0x195: {  	v20 =	vld.idx.msk [tilespmem:v27+s9+$0x0], $0xffff;
	v51 =	vor.u32 $0x1, v28;
	v17 =	vadd.s32 v17, v19  }
0x196: {  	v23 =	vld.idx.msk [tilespmem:v23+s9+$0x0], $0xffff;
	v17 =	vadd.s32 v21, v17  }
0x197: {  	v25 =	vld.idx.msk [tilespmem:v25+s9+$0x0], $0xffff;
	v30 =	vor.u32 $0x2, v28;
	v19, _, _ =	vpop (xrf0);
	v17 =	vadd.s32 v18, v17  }
0x198: {  	v52 =	vor.u32 $0x3, v28;
	v21, _, _ =	vpop (xrf0);
	(v2sf) =	vpush v19, $0xF;
	v19 =	vld.idx.msk [tilespmem:v24+s9+$0x0], $0xffff;
	v17 =	vadd.s32 v22, v17  }
0x199: {  	v50 =	vadd.s32 s28, v14;
	s28 =	spop (v2sf);
	v32 =	vor.u32 $0x4, v28;
	v15 =	vld.idx.msk [tilespmem:v15+s9+$0x0], $0xffff;
	v18, _, _ =	vpop (xrf0);
	v17 =	vadd.s32 v26, v17  }
0x19a: {  	v33 =	vor.u32 $0x5, v28;
	s0 =	spop (v2sf);
	v18 =	vperm.xlane v18, v12;
	v22, _, _ =	vpop (xrf0);
	v17 =	vadd.s32 v20, v17;
	v20 =	vld.idx.msk [tilespmem:v51+s9+$0x0], $0xffff  }
0x19b: {  	v31 =	vor.u32 $0x8, v28;
	v53 =	vor.u32 $0x6, v28;
	s31 =	sadd.s32 s30, s0;
	(v2sf) =	vpush v22, $0xF;
	v22 =	vld.idx.msk [tilespmem:v28+s9+$0x0], $0xffff  }
0x19c: {  	v54 =	vor.u32 $0x7, v28;
	v17 =	vadd.s32 v23, v17;
	v23 =	vld.idx.msk [tilespmem:v30+s9+$0x0], $0xffff;
	v18 =	vadd.s32 s31, v18  }
0x19d: {  	v16 =	vsub.s32 v18, v16;
	v17 =	vadd.s32 v19, v17;
	vm0 =	vgt.s32 v18, $0x3867;
	v18 =	vld.idx.msk [tilespmem:v52+s9+$0x0], $0xffff  }
0x19e: {  	v56 =	vor.u32 $0xA, v28;
	v55 =	vld.idx.msk [tilespmem:v32+s9+$0x0], $0xffff;
	vm1 =	vgt.s32 v13, v16;
	v17 =	vadd.s32 v25, v17  }
0x19f: {  	v16 =	vsub.s32 $0x3868, v16;
	vm0 =	vmand vm0, vm1;
	v15 =	vadd.s32 v15, v17;
	v17 =	vld.idx.msk [tilespmem:v33+s9+$0x0], $0xffff  }
0x1a0: {  	v19 =	vor.u32 $0x9, v28;
	v16 =	vnsel vm0, $0x0, v16;
	v20 =	vadd.s32 v22, v20  }
0x1a1: {  	v57 =	vperm.xlane v15, v12;
	v27 =	vnsel vm0, $0x0, v50;
	(xrf0) =	vadd.scan.msk.s32 $0xffff, v16;
	v20 =	vadd.s32 v23, v20  }
0x1a2: {  	v58 =	vor.u32 $0xB, v28;
	v16 =	vld.idx.msk [tilespmem:v53+s9+$0x0], $0xffff;
	(xrf0) =	vadd.scan.msk.s32 $0xffff, v27;
	v18 =	vadd.s32 v18, v20  }
0x1a3: {  	v59 =	vor.u32 $0xC, v28;
	v22 =	vld.idx.msk [tilespmem:v54+s9+$0x0], $0xffff;
	(xrf0) =	vadd.scan.msk.s32 $0xffff, v57;
	v18 =	vadd.s32 v55, v18  }
0x1a4: {  	v60 =	vor.u32 $0xD, v28;
	v23 =	vld.idx.msk [tilespmem:v31+s9+$0x0], $0xffff;
	(xrf0) =	vadd.scan.msk.s32 $0xffff, v15;
	v17 =	vadd.s32 v17, v18  }
0x1a5: {  	v19 =	vld.idx.msk [tilespmem:v19+s9+$0x0], $0xffff;
	v20 =	vor.u32 $0xE, v28  }
0x1a6: {  	v62 =	vor.u32 $0xF, v28;
	v61 =	vld.idx.msk [tilespmem:v56+s9+$0x0], $0xffff  }
0x1a7: {  	v18 =	vld.idx.msk [tilespmem:v58+s9+$0x0], $0xffff;
	v16 =	vadd.s32 v16, v17;
	v17, _, _ =	vpop (xrf0)  }
0x1a8: {  	v63 =	vld.idx.msk [tilespmem:v59+s9+$0x0], $0xffff;
	s0 =	spop (v2sf);
	v16 =	vadd.s32 v22, v16;
	v22, _, _ =	vpop (xrf0)  }
0x1a9: {  	(v2sf) =	vpush v21, $0xF;
	v21 =	vld.idx.msk [tilespmem:v60+s9+$0x0], $0xffff;
	s30 =	spop (v2sf);
	v16 =	vadd.s32 v23, v16;
	v23, _, _ =	vpop (xrf0)  }
0x1aa: {  	(v2sf) =	vpush v17, $0xF;
	v17 =	vld.idx.msk [tilespmem:v20+s9+$0x0], $0xffff;
	v16 =	vadd.s32 v19, v16;
	v19 =	vperm.xlane v23, v12;
	v20, _, _ =	vpop (xrf0);
	s5 =	spop (v2sf)  }
0x1ab: {  	v23 =	vld.idx.msk [tilespmem:v62+s9+$0x0], $0xffff;
	v16 =	vadd.s32 v61, v16;
	(v2sf) =	vpush v20, $0xF;
	s5 =	sadd.s32 s31, s5  }
0x1ac: {  	v16 =	vadd.s32 v18, v16;
	v18 =	vadd.s32 s5, v19  }
0x1ad: {  	v16 =	vadd.s32 v63, v16;
	v15 =	vsub.s32 v18, v15  }
0x1ae: {  	v16 =	vadd.s32 v21, v16;
	vm12 =	vgt.s32 v18, $0x3867;
	vm13 =	vgt.s32 v13, v15  }
0x1af: {  	v16 =	vadd.s32 v17, v16;
	v15 =	vsub.s32 $0x3868, v15;
	vm0 =	vmand vm12, vm13  }
0x1b0: {  	v17 =	vadd.s32 s25, v14;
	v16 =	vadd.s32 v23, v16;
	v15 =	vnsel vm0, $0x0, v15  }
0x1b1: {  	v18 =	vperm.xlane v16, v12;
	v17 =	vnsel vm0, $0x0, v17;
	(xrf0) =	vadd.scan.msk.s32 $0xffff, v15  }
0x1b2: {  	(xrf0) =	vadd.scan.msk.s32 $0xffff, v17  }
0x1b3: {  	(xrf0) =	vadd.scan.msk.s32 $0xffff, v18;
	_ =	sdelay $0x3  }
0x1b4: {  	v15, _, _ =	vpop (xrf0)  }
0x1b5: {  	s25 =	spop (v2sf);
	v17, _, _ =	vpop (xrf0)  }
0x1b6: {  	s31 =	spop (v2sf);
	v18, _, _ =	vpop (xrf0)  }
0x1b7: {  	v18 =	vperm.xlane v18, v12;
	s7 =	spop (v2sf)  }
0x1b8: {  	s5 =	sadd.s32 s5, s7  }
0x1b9: {  	v18 =	vadd.s32 s5, v18  }
0x1ba: {  	v19 =	vsub.s32 v18, v16  }
0x1bb: {  	vm14 =	vgt.s32 v18, $0x3867;
	vm15 =	vgt.s32 v13, v19  }
0x1bc: {  	(xrf0) =	vadd.scan.msk.s32 $0xffff, v16;
	v16 =	vsub.s32 $0x3868, v19;
	vm0 =	vmand vm14, vm15  }
0x1bd: {  	v18 =	vadd.s32 s29, v14;
	v16 =	vnsel vm0, $0x0, v16  }
0x1be: {  	v18 =	vnsel vm0, $0x0, v18;
	(xrf0) =	vadd.scan.msk.s32 $0xffff, v16  }
0x1bf: {  	(xrf0) =	vadd.scan.msk.s32 $0xffff, v18;
	_ =	sdelay $0x1  }
0x1c0: {  	(v2sf) =	vpush v22, $0xF  }
0x1c1: {  	(v2sf) =	vpush v15, $0xF;
	v15, _, _ =	vpop (xrf0)  }
0x1c2: {  	(v2sf) =	vpush v15, $0xF  }
0x1c3: {  	(v2sf) =	vpush v17, $0xF;
	v15, _, _ =	vpop (xrf0)  }
0x1c4: {  	v16, _, _ =	vpop (xrf0);
	(v2sf) =	vpush v15, $0xF  }
0x1c5: {  	v15 =	vmov s24;
	(v2sf) =	vpush v16, $0xF  }
0x1c6: {  	v15 =	vshrl.u32 v15, $0x7  }
0x1c7: {  	v15 =	vshll.u32 v15, $0x7  }
0x1c8: {  	v16 =	vbroadcast v15, $0x0;
	_ =	sdelay $0x1  }
0x1c9: {  	v15 =	vor.u32 v0, v16  }
0x1ca: {  	v17 =	vor.u32 v2, v16  }
0x1cb: {  	v18 =	vor.u32 v3, v16  }
0x1cc: {  	s29 =	simm.s32 $0x80  }
0x1cd: {  	v20 =	vmov s29;
	v19 =	vor.u32 v4, v16  }
0x1ce: {  	s7 =	spop (v2sf);
	v20 =	vshrl.u32 v20, $0x7;
	v21 =	vor.u32 v5, v16;
	[tilespmem:v15+s9+$0x0] =	vst.idx.msk $0xffff, v1  }
0x1cf: {  	s15 =	spop (v2sf);
	v22 =	vor.u32 v6, v16;
	v15 =	vshll.u32 v20, $0x7;
	[tilespmem:v17+s9+$0x0] =	vst.idx.msk $0xffff, v1  }
0x1d0: {  	s26 =	sadd.s32 s26, s28;
	s0 =	sadd.s32 s23, s0;
	s28 =	spop (v2sf);
	v15 =	vbroadcast v15, $0x0;
	[tilespmem:v18+s9+$0x0] =	vst.idx.msk $0xffff, v1;
	v18 =	vor.u32 v7, v16  }
0x1d1: {  	s23 =	sadd.s32 s26, s30;
	s0 =	sadd.s32 s0, s25;
	s29 =	spop (v2sf);
	v17 =	vor.u32 v8, v16  }
0x1d2: {  	s23 =	sadd.s32 s23, s31;
	s0 =	sadd.s32 s0, s7;
	[tilespmem:v19+s9+$0x0] =	vst.idx.msk $0xffff, v1;
	v19 =	vor.u32 v0, v15;
	s30 =	spop (v2sf)  }
0x1d3: {  	s5 =	sadd.s32 s23, s15;
	s0 =	sadd.s32 s0, s29;
	[tilespmem:v21+s9+$0x0] =	vst.idx.msk $0xffff, v1;
	v21 =	vor.u32 v2, v15;
	s31 =	spop (v2sf)  }
0x1d4: {  	v16 =	vor.u32 v4, v15;
	v20 =	vor.u32 v3, v15;
	[tilespmem:v22+s9+$0x0] =	vst.idx.msk $0xffff, v1;
	s24 =	sadd.s32 s5, s30;
	s23 =	sadd.s32 s0, s31;
	s0 =	simm.s32 $0x100  }
.LBB2_20:
0x1d5: {  	v22 =	vmov s0;
	p0 =	sne.s32 s0, $0xFF80;
	s0 =	sadd.s32 $0x80, s0;
	[tilespmem:v18+s9+$0x0] =	vst.idx.msk $0xffff, v1  }
0x1d6: {  	v18 =	vshrl.u32 v22, $0x7;
	v22 =	vor.u32 v5, v15;
	[tilespmem:v17+s9+$0x0] =	vst.idx.msk $0xffff, v1  }
0x1d7: {  	v23 =	vor.u32 v6, v15;
	v17 =	vshll.u32 v18, $0x7;
	[tilespmem:v19+s9+$0x0] =	vst.idx.msk $0xffff, v1  }
.Ltmp20:
0x1d8: {  	v18 =	vor.u32 v7, v15;
	v24 =	vbroadcast v17, $0x0;
	[tilespmem:v21+s9+$0x0] =	vst.idx.msk $0xffff, v1;
	(pc) =	sbr.rel @p0 .LBB2_20-.Ltmp20, $4  }
0x1d9: {  	v17 =	vor.u32 v8, v15;
	[tilespmem:v20+s9+$0x0] =	vst.idx.msk $0xffff, v1  }
0x1da: {  	v19 =	vor.u32 v0, v24;
	[tilespmem:v16+s9+$0x0] =	vst.idx.msk $0xffff, v1;
	v16 =	vor.u32 v4, v24;
	v15 =	vmov v24  }
0x1db: {  	v21 =	vor.u32 v2, v15;
	[tilespmem:v22+s9+$0x0] =	vst.idx.msk $0xffff, v1  }
0x1dc: {  	v20 =	vor.u32 v3, v15;
	[tilespmem:v23+s9+$0x0] =	vst.idx.msk $0xffff, v1  }
0x1dd: {  	_ =	sdelay $0x3  }
0x1de: {  	[tilespmem:v18+s9+$0x0] =	vst.idx.msk $0xffff, v1  }
0x1df: {  	v62 =	vor.u32 v5, v15;
	[tilespmem:v17+s9+$0x0] =	vst.idx.msk $0xffff, v1  }
0x1e0: {  	v17 =	vor.u32 v6, v15;
	[tilespmem:v19+s9+$0x0] =	vst.idx.msk $0xffff, v1  }
0x1e1: {  	v63 =	vor.u32 v7, v15;
	[tilespmem:v21+s9+$0x0] =	vst.idx.msk $0xffff, v1  }
0x1e2: {  	v15 =	vor.u32 v8, v15;
	[tilespmem:v20+s9+$0x0] =	vst.idx.msk $0xffff, v1  }
0x1e3: {  	[tilespmem:v16+s9+$0x0] =	vst.idx.msk $0xffff, v1  }
.Ltmp21:
0x1e4: {  	[tilespmem:v62+s9+$0x0] =	vst.idx.msk $0xffff, v1;
	(pc) =	sbr.rel .LBB2_22-.Ltmp21, $4  }
0x1e5: {  	[tilespmem:v17+s9+$0x0] =	vst.idx.msk $0xffff, v1  }
0x1e6: {  	[tilespmem:v63+s9+$0x0] =	vst.idx.msk $0xffff, v1  }
0x1e7: {  	s25 =	simm.s32 $0x0;
	s28 =	simm.s32 $0x0;
	[tilespmem:v15+s9+$0x0] =	vst.idx.msk $0xffff, v1  }
0x1e8: {  	v15 =	vmov s23;
	[tilespmem:s25], [sflag:$0x1] =	stream.linear.gather [hbm4b:s22+s25], $0x6000, $0x38;
	[tilespmem:$0x1C200] =	vst v63  }
.LBB2_30:
0x1e9: {  	p0 =	sne.s32 s28, $0x3  }
.Ltmp22:
0x1ea: {  	_ = 	snop;
	(pc) =	sbr.rel @!p0 .LBB2_31-.Ltmp22, $1  }
0x1eb: {  	_ =	sdelay $0x3  }
.LBB2_22:
0x1ec: {  	s29 =	sshll.u32 s28, $0x7  }
0x1ed: {  	s26 =	sor.u32 $0x40, s29  }
0x1ee: {  	s0 =	sadd.s32 s18, s26  }
0x1ef: {  	s0 =	smul.u32 $0x30, s0;
	_ =	sdelay $0x1  }
.Ltmp23:
0x1f0: {  	s0 =	sadd.s32 s1, s0;
	(pc) =	sbr.rel .LBB2_23-.Ltmp23, $4  }
0x1f1: {  	[tilespmem:s10], [sflag:$0x2] =	stream.linear.gather [hbm4b:s0+s25], $0x6000, $0x38;
	[tilespmem:$0x1C200] =	vst v63  }
0x1f2: {  	_ =	swait.ge [sflag:s11], $0x6000  }
0x1f3: {  	[sflag:s11] =	ssyncset.done $0x0  }
0x1f4: {  	s30 =	simm.s32 $0x0;
	s31 =	simm.s32 $0x0;
	[sflag:s11] =	ssyncadd.s32 $0xFFFFA000  }
.LBB2_25:
0x1f5: {  	s31 =	sadd.s32 $0x1, s31  }
0x1f6: {  	p0 =	sne.s32 s31, $0x40  }
.Ltmp24:
0x1f7: {  	_ = 	snop;
	(pc) =	sbr.rel @!p0 .LBB2_26-.Ltmp24, $2  }
0x1f8: {  	_ =	sdelay $0x2  }
0x1f9: {  	s30 =	sadd.s32 $0x180, s30  }
.LBB2_23:
0x1fa: {  	s0 =	sor.u32 s29, s31  }
0x1fb: {  	p0 =	slt.u32 s0, s19  }
.Ltmp25:
0x1fc: {  	_ = 	snop;
	(pc) =	sbr.rel @p0 .LBB2_25-.Ltmp25, $2  }
0x1fd: {  	_ =	sdelay $0x2  }
0x1fe: {  	s0 =	simm.s32 $0x0  }
.LBB2_24:
0x1ff: {  	s5 =	sadd.s32 s0, s30  }
0x200: {  	v16 =	vmov s5  }
0x201: {  	v16 =	vshrl.u32 v16, $0x7  }
0x202: {  	v16 =	vshll.u32 v16, v9  }
0x203: {  	v16 =	vbroadcast v16, $0x0;
	_ =	sdelay $0x1  }
0x204: {  	v17 =	vor.u32 v0, v16  }
0x205: {  	v18 =	vmov s0  }
0x206: {  	v18 =	vshrl.u32 v18, $0x7  }
0x207: {  	v18 =	vshll.u32 v18, v9  }
0x208: {  	v18 =	vbroadcast v18, $0x0  }
0x209: {  	v17 =	vld.idx.msk [tilespmem:v17+s4+$0x0], $0xffff  }
0x20a: {  	v19 =	vor.u32 v0, v18;
	_ =	sdelay $0x3  }
0x20b: {  	v20 =	vshrl.u32 v17, $0x4  }
0x20c: {  	v19 =	vld.idx.msk [tilespmem:v19+s8+$0x0], $0xffff;
	v20 =	vand.u32 $0xFFF0, v20  }
0x20d: {  	v20 =	vor.u32 v0, v20  }
0x20e: {  	v21 =	vor.u32 v2, v16;
	v17 =	vshrl.u32 v17, $0x14  }
0x20f: {  	v17 =	vxor.u32 v15, v17  }
0x210: {  	vm0 =	veq.s32 v17, $0x800  }
0x211: {  	v17 =	vnsel vm0, $0x0, v19  }
0x212: {  	[tilespmem:v20+s9+$0x0] =	vst.idx.add.s32.msk $0xffff, v17  }
0x213: {  	v17 =	vld.idx.msk [tilespmem:v21+s4+$0x0], $0xffff  }
0x214: {  	v46 =	vor.u32 v2, v18;
	_ =	sdelay $0x3  }
0x215: {  	v47 =	vshrl.u32 v17, $0x4  }
0x216: {  	v19 =	vld.idx.msk [tilespmem:v46+s8+$0x0], $0xffff;
	v20 =	vand.u32 $0xFFF0, v47  }
0x217: {  	v20 =	vor.u32 v0, v20  }
0x218: {  	v48 =	vor.u32 v3, v16;
	v17 =	vshrl.u32 v17, $0x14  }
0x219: {  	v17 =	vxor.u32 v15, v17  }
0x21a: {  	vm9 =	veq.s32 v17, $0x800  }
0x21b: {  	v17 =	vnsel vm9, $0x0, v19  }
0x21c: {  	[tilespmem:v20+s9+$0x0] =	vst.idx.add.s32.msk $0xffff, v17  }
0x21d: {  	v17 =	vld.idx.msk [tilespmem:v48+s4+$0x0], $0xffff  }
0x21e: {  	v49 =	vor.u32 v3, v18;
	_ =	sdelay $0x3  }
0x21f: {  	v50 =	vshrl.u32 v17, $0x4  }
0x220: {  	v19 =	vld.idx.msk [tilespmem:v49+s8+$0x0], $0xffff;
	v20 =	vand.u32 $0xFFF0, v50  }
0x221: {  	v20 =	vor.u32 v0, v20  }
0x222: {  	v51 =	vor.u32 v4, v16;
	v17 =	vshrl.u32 v17, $0x14  }
0x223: {  	v17 =	vxor.u32 v15, v17  }
0x224: {  	vm10 =	veq.s32 v17, $0x800  }
0x225: {  	v17 =	vnsel vm10, $0x0, v19  }
0x226: {  	[tilespmem:v20+s9+$0x0] =	vst.idx.add.s32.msk $0xffff, v17  }
0x227: {  	v17 =	vld.idx.msk [tilespmem:v51+s4+$0x0], $0xffff  }
0x228: {  	v52 =	vor.u32 v4, v18;
	_ =	sdelay $0x3  }
0x229: {  	v53 =	vshrl.u32 v17, $0x4  }
0x22a: {  	v19 =	vld.idx.msk [tilespmem:v52+s8+$0x0], $0xffff;
	v20 =	vand.u32 $0xFFF0, v53  }
0x22b: {  	v20 =	vor.u32 v0, v20  }
0x22c: {  	v54 =	vor.u32 v5, v16;
	v17 =	vshrl.u32 v17, $0x14  }
0x22d: {  	v17 =	vxor.u32 v15, v17  }
0x22e: {  	vm11 =	veq.s32 v17, $0x800  }
0x22f: {  	v17 =	vnsel vm11, $0x0, v19  }
0x230: {  	[tilespmem:v20+s9+$0x0] =	vst.idx.add.s32.msk $0xffff, v17  }
0x231: {  	v17 =	vld.idx.msk [tilespmem:v54+s4+$0x0], $0xffff  }
0x232: {  	v55 =	vor.u32 v5, v18;
	_ =	sdelay $0x3  }
0x233: {  	v56 =	vshrl.u32 v17, $0x4  }
0x234: {  	v19 =	vld.idx.msk [tilespmem:v55+s8+$0x0], $0xffff;
	v20 =	vand.u32 $0xFFF0, v56  }
0x235: {  	v20 =	vor.u32 v0, v20  }
0x236: {  	v57 =	vor.u32 v6, v16;
	v17 =	vshrl.u32 v17, $0x14  }
0x237: {  	v17 =	vxor.u32 v15, v17  }
0x238: {  	vm12 =	veq.s32 v17, $0x800  }
0x239: {  	v17 =	vnsel vm12, $0x0, v19  }
0x23a: {  	[tilespmem:v20+s9+$0x0] =	vst.idx.add.s32.msk $0xffff, v17  }
0x23b: {  	v17 =	vld.idx.msk [tilespmem:v57+s4+$0x0], $0xffff  }
0x23c: {  	v58 =	vor.u32 v6, v18;
	_ =	sdelay $0x3  }
0x23d: {  	v59 =	vshrl.u32 v17, $0x4  }
0x23e: {  	v19 =	vld.idx.msk [tilespmem:v58+s8+$0x0], $0xffff;
	v20 =	vand.u32 $0xFFF0, v59  }
0x23f: {  	v20 =	vor.u32 v0, v20  }
0x240: {  	v60 =	vor.u32 v7, v16;
	v17 =	vshrl.u32 v17, $0x14  }
0x241: {  	v17 =	vxor.u32 v15, v17  }
0x242: {  	vm13 =	veq.s32 v17, $0x800  }
0x243: {  	v17 =	vnsel vm13, $0x0, v19  }
0x244: {  	[tilespmem:v20+s9+$0x0] =	vst.idx.add.s32.msk $0xffff, v17  }
0x245: {  	v17 =	vld.idx.msk [tilespmem:v60+s4+$0x0], $0xffff  }
0x246: {  	v61 =	vor.u32 v7, v18;
	_ =	sdelay $0x3  }
0x247: {  	v62 =	vshrl.u32 v17, $0x4  }
0x248: {  	v19 =	vld.idx.msk [tilespmem:v61+s8+$0x0], $0xffff;
	v20 =	vand.u32 $0xFFF0, v62  }
0x249: {  	v20 =	vor.u32 v0, v20  }
0x24a: {  	v16 =	vor.u32 v8, v16;
	v17 =	vshrl.u32 v17, $0x14  }
0x24b: {  	v17 =	vxor.u32 v15, v17  }
0x24c: {  	vm14 =	veq.s32 v17, $0x800  }
0x24d: {  	v17 =	vnsel vm14, $0x0, v19  }
0x24e: {  	[tilespmem:v20+s9+$0x0] =	vst.idx.add.s32.msk $0xffff, v17  }
0x24f: {  	v16 =	vld.idx.msk [tilespmem:v16+s4+$0x0], $0xffff  }
0x250: {  	v17 =	vor.u32 v8, v18;
	_ =	sdelay $0x3  }
0x251: {  	v63 =	vshrl.u32 v16, $0x4  }
0x252: {  	v17 =	vld.idx.msk [tilespmem:v17+s8+$0x0], $0xffff;
	v18 =	vand.u32 $0xFFF0, v63  }
0x253: {  	p0 =	sne.s32 s0, $0x100;
	v18 =	vor.u32 v0, v18  }
.Ltmp26:
0x254: {  	v16 =	vshrl.u32 v16, $0x14;
	(pc) =	sbr.rel @p0 .LBB2_24-.Ltmp26, $4  }
0x255: {  	v16 =	vxor.u32 v15, v16  }
0x256: {  	vm15 =	veq.s32 v16, $0x800  }
0x257: {  	v16 =	vnsel vm15, $0x0, v17  }
0x258: {  	s0 =	sadd.s32 $0x80, s0;
	[tilespmem:v18+s9+$0x0] =	vst.idx.add.s32.msk $0xffff, v16  }
.Ltmp27:
0x259: {  	_ = 	snop;
	(pc) =	sbr.rel .LBB2_25-.Ltmp27, $1  }
0x25a: {  	_ =	sdelay $0x3  }
.LBB2_26:
0x25b: {  	p0 =	seq.s32 s28, $0x2  }
0x25c: {  	s0 =	sadd.s32 @!p0 s29, s20  }
0x25d: {  	s0 =	smul.u32 @!p0 $0x30, s0;
	_ =	sdelay $0x1  }
.Ltmp28:
0x25e: {  	s5 =	simm.s32 @!p0 $0x0;
	s0 =	sadd.s32 @!p0 s1, s0;
	(pc) =	sbr.rel .LBB2_27-.Ltmp28, $4  }
0x25f: {  	[tilespmem:s5], [sflag:$0x1] =	stream.linear.gather @!p0 [hbm4b:s0+s5], $0x6000, $0x38;
	[tilespmem:$0x1C200] =	vst v63  }
0x260: {  	_ =	swait.ge [sflag:s12], $0x6000  }
0x261: {  	s28 =	sadd.s32 $0x1, s28;
	[sflag:s12] =	ssyncset.done $0x0  }
0x262: {  	s30 =	simm.s32 $0x0;
	s29 =	simm.s32 $0x0;
	[sflag:s12] =	ssyncadd.s32 $0xFFFFA000  }
.LBB2_29:
0x263: {  	s30 =	sadd.s32 $0x1, s30  }
0x264: {  	p0 =	seq.s32 s30, $0x40  }
.Ltmp29:
0x265: {  	_ = 	snop;
	(pc) =	sbr.rel @p0 .LBB2_30-.Ltmp29, $2  }
0x266: {  	_ =	sdelay $0x2  }
0x267: {  	s29 =	sadd.s32 $0x180, s29  }
.LBB2_27:
0x268: {  	s0 =	sor.u32 s26, s30  }
0x269: {  	p0 =	sge.u32 s0, s21  }
.Ltmp30:
0x26a: {  	_ = 	snop;
	(pc) =	sbr.rel @p0 .LBB2_29-.Ltmp30, $2  }
0x26b: {  	_ =	sdelay $0x2  }
0x26c: {  	s0 =	simm.s32 $0x0  }
.LBB2_28:
0x26d: {  	s5 =	sadd.s32 s0, s29  }
0x26e: {  	v16 =	vmov s5  }
0x26f: {  	v16 =	vshrl.u32 v16, $0x7  }
0x270: {  	v16 =	vshll.u32 v16, v9  }
0x271: {  	v16 =	vbroadcast v16, $0x0;
	_ =	sdelay $0x1  }
0x272: {  	v17 =	vor.u32 v0, v16  }
0x273: {  	v18 =	vmov s0  }
0x274: {  	v18 =	vshrl.u32 v18, $0x7  }
0x275: {  	v18 =	vshll.u32 v18, v9  }
0x276: {  	v18 =	vbroadcast v18, $0x0  }
0x277: {  	v17 =	vld.idx.msk [tilespmem:v17+s10+$0x0], $0xffff  }
0x278: {  	v19 =	vor.u32 v0, v18;
	_ =	sdelay $0x3  }
0x279: {  	v20 =	vshrl.u32 v17, $0x4  }
0x27a: {  	v19 =	vld.idx.msk [tilespmem:v19+s8+$0x0], $0xffff;
	v20 =	vand.u32 $0xFFF0, v20  }
0x27b: {  	v20 =	vor.u32 v0, v20  }
0x27c: {  	v21 =	vor.u32 v2, v16;
	v17 =	vshrl.u32 v17, $0x14  }
0x27d: {  	v17 =	vxor.u32 v15, v17  }
0x27e: {  	vm0 =	veq.s32 v17, $0x800  }
0x27f: {  	v17 =	vnsel vm0, $0x0, v19  }
0x280: {  	[tilespmem:v20+s9+$0x0] =	vst.idx.add.s32.msk $0xffff, v17  }
0x281: {  	v17 =	vld.idx.msk [tilespmem:v21+s10+$0x0], $0xffff  }
0x282: {  	v46 =	vor.u32 v2, v18;
	_ =	sdelay $0x3  }
0x283: {  	v47 =	vshrl.u32 v17, $0x4  }
0x284: {  	v19 =	vld.idx.msk [tilespmem:v46+s8+$0x0], $0xffff;
	v20 =	vand.u32 $0xFFF0, v47  }
0x285: {  	v20 =	vor.u32 v0, v20  }
0x286: {  	v48 =	vor.u32 v3, v16;
	v17 =	vshrl.u32 v17, $0x14  }
0x287: {  	v17 =	vxor.u32 v15, v17  }
0x288: {  	vm9 =	veq.s32 v17, $0x800  }
0x289: {  	v17 =	vnsel vm9, $0x0, v19  }
0x28a: {  	[tilespmem:v20+s9+$0x0] =	vst.idx.add.s32.msk $0xffff, v17  }
0x28b: {  	v17 =	vld.idx.msk [tilespmem:v48+s10+$0x0], $0xffff  }
0x28c: {  	v49 =	vor.u32 v3, v18;
	_ =	sdelay $0x3  }
0x28d: {  	v50 =	vshrl.u32 v17, $0x4  }
0x28e: {  	v19 =	vld.idx.msk [tilespmem:v49+s8+$0x0], $0xffff;
	v20 =	vand.u32 $0xFFF0, v50  }
0x28f: {  	v20 =	vor.u32 v0, v20  }
0x290: {  	v51 =	vor.u32 v4, v16;
	v17 =	vshrl.u32 v17, $0x14  }
0x291: {  	v17 =	vxor.u32 v15, v17  }
0x292: {  	vm10 =	veq.s32 v17, $0x800  }
0x293: {  	v17 =	vnsel vm10, $0x0, v19  }
0x294: {  	[tilespmem:v20+s9+$0x0] =	vst.idx.add.s32.msk $0xffff, v17  }
0x295: {  	v17 =	vld.idx.msk [tilespmem:v51+s10+$0x0], $0xffff  }
0x296: {  	v52 =	vor.u32 v4, v18;
	_ =	sdelay $0x3  }
0x297: {  	v53 =	vshrl.u32 v17, $0x4  }
0x298: {  	v19 =	vld.idx.msk [tilespmem:v52+s8+$0x0], $0xffff;
	v20 =	vand.u32 $0xFFF0, v53  }
0x299: {  	v20 =	vor.u32 v0, v20  }
0x29a: {  	v54 =	vor.u32 v5, v16;
	v17 =	vshrl.u32 v17, $0x14  }
0x29b: {  	v17 =	vxor.u32 v15, v17  }
0x29c: {  	vm11 =	veq.s32 v17, $0x800  }
0x29d: {  	v17 =	vnsel vm11, $0x0, v19  }
0x29e: {  	[tilespmem:v20+s9+$0x0] =	vst.idx.add.s32.msk $0xffff, v17  }
0x29f: {  	v17 =	vld.idx.msk [tilespmem:v54+s10+$0x0], $0xffff  }
0x2a0: {  	v55 =	vor.u32 v5, v18;
	_ =	sdelay $0x3  }
0x2a1: {  	v56 =	vshrl.u32 v17, $0x4  }
0x2a2: {  	v19 =	vld.idx.msk [tilespmem:v55+s8+$0x0], $0xffff;
	v20 =	vand.u32 $0xFFF0, v56  }
0x2a3: {  	v20 =	vor.u32 v0, v20  }
0x2a4: {  	v57 =	vor.u32 v6, v16;
	v17 =	vshrl.u32 v17, $0x14  }
0x2a5: {  	v17 =	vxor.u32 v15, v17  }
0x2a6: {  	vm12 =	veq.s32 v17, $0x800  }
0x2a7: {  	v17 =	vnsel vm12, $0x0, v19  }
0x2a8: {  	[tilespmem:v20+s9+$0x0] =	vst.idx.add.s32.msk $0xffff, v17  }
0x2a9: {  	v17 =	vld.idx.msk [tilespmem:v57+s10+$0x0], $0xffff  }
0x2aa: {  	v58 =	vor.u32 v6, v18;
	_ =	sdelay $0x3  }
0x2ab: {  	v59 =	vshrl.u32 v17, $0x4  }
0x2ac: {  	v19 =	vld.idx.msk [tilespmem:v58+s8+$0x0], $0xffff;
	v20 =	vand.u32 $0xFFF0, v59  }
0x2ad: {  	v20 =	vor.u32 v0, v20  }
0x2ae: {  	v60 =	vor.u32 v7, v16;
	v17 =	vshrl.u32 v17, $0x14  }
0x2af: {  	v17 =	vxor.u32 v15, v17  }
0x2b0: {  	vm13 =	veq.s32 v17, $0x800  }
0x2b1: {  	v17 =	vnsel vm13, $0x0, v19  }
0x2b2: {  	[tilespmem:v20+s9+$0x0] =	vst.idx.add.s32.msk $0xffff, v17  }
0x2b3: {  	v17 =	vld.idx.msk [tilespmem:v60+s10+$0x0], $0xffff  }
0x2b4: {  	v61 =	vor.u32 v7, v18;
	_ =	sdelay $0x3  }
0x2b5: {  	v62 =	vshrl.u32 v17, $0x4  }
0x2b6: {  	v19 =	vld.idx.msk [tilespmem:v61+s8+$0x0], $0xffff;
	v20 =	vand.u32 $0xFFF0, v62  }
0x2b7: {  	v20 =	vor.u32 v0, v20  }
0x2b8: {  	v16 =	vor.u32 v8, v16;
	v17 =	vshrl.u32 v17, $0x14  }
0x2b9: {  	v17 =	vxor.u32 v15, v17  }
0x2ba: {  	vm14 =	veq.s32 v17, $0x800  }
0x2bb: {  	v17 =	vnsel vm14, $0x0, v19  }
0x2bc: {  	[tilespmem:v20+s9+$0x0] =	vst.idx.add.s32.msk $0xffff, v17  }
0x2bd: {  	v16 =	vld.idx.msk [tilespmem:v16+s10+$0x0], $0xffff  }
0x2be: {  	v17 =	vor.u32 v8, v18;
	_ =	sdelay $0x3  }
0x2bf: {  	v63 =	vshrl.u32 v16, $0x4  }
0x2c0: {  	v17 =	vld.idx.msk [tilespmem:v17+s8+$0x0], $0xffff;
	v18 =	vand.u32 $0xFFF0, v63  }
0x2c1: {  	p0 =	sne.s32 s0, $0x100;
	v18 =	vor.u32 v0, v18  }
.Ltmp31:
0x2c2: {  	v16 =	vshrl.u32 v16, $0x14;
	(pc) =	sbr.rel @p0 .LBB2_28-.Ltmp31, $4  }
0x2c3: {  	v16 =	vxor.u32 v15, v16  }
0x2c4: {  	vm15 =	veq.s32 v16, $0x800  }
0x2c5: {  	v16 =	vnsel vm15, $0x0, v17  }
0x2c6: {  	s0 =	sadd.s32 $0x80, s0;
	[tilespmem:v18+s9+$0x0] =	vst.idx.add.s32.msk $0xffff, v16  }
.Ltmp32:
0x2c7: {  	_ = 	snop;
	(pc) =	sbr.rel .LBB2_29-.Ltmp32, $1  }
0x2c8: {  	_ =	sdelay $0x3  }
.LBB2_31:
0x2c9: {  	s0 =	simm.s32 $0xFF0  }
0x2ca: {  	v16 =	vmov s0  }
0x2cb: {  	v16 =	vshll.u32 v16, $0x4  }
0x2cc: {  	v16 =	vor.u32 v11, v16  }
0x2cd: {  	v17 =	vor.u32 $0x1, v16  }
0x2ce: {  	v18 =	vor.u32 $0x2, v16  }
0x2cf: {  	v19 =	vor.u32 $0x3, v16  }
0x2d0: {  	v20 =	vor.u32 $0x4, v16  }
0x2d1: {  	v22 =	vor.u32 $0x5, v16;
	v21 =	vld.idx.msk [tilespmem:v16+s9+$0x0], $0xffff  }
0x2d2: {  	v23 =	vor.u32 $0x6, v16;
	v17 =	vld.idx.msk [tilespmem:v17+s9+$0x0], $0xffff  }
0x2d3: {  	v24 =	vor.u32 $0x7, v16;
	v18 =	vld.idx.msk [tilespmem:v18+s9+$0x0], $0xffff  }
0x2d4: {  	v25 =	vor.u32 $0x8, v16;
	v19 =	vld.idx.msk [tilespmem:v19+s9+$0x0], $0xffff  }
0x2d5: {  	v26 =	vor.u32 $0x9, v16;
	v20 =	vld.idx.msk [tilespmem:v20+s9+$0x0], $0xffff  }
0x2d6: {  	v27 =	vor.u32 $0xA, v16;
	v22 =	vld.idx.msk [tilespmem:v22+s9+$0x0], $0xffff  }
0x2d7: {  	v28 =	vor.u32 $0xB, v16;
	v23 =	vld.idx.msk [tilespmem:v23+s9+$0x0], $0xffff  }
0x2d8: {  	v17 =	vadd.s32 v21, v17;
	v21 =	vld.idx.msk [tilespmem:v24+s9+$0x0], $0xffff;
	v24 =	vor.u32 $0xC, v16  }
0x2d9: {  	s28 =	simm.s32 $0xFE0;
	v17 =	vadd.s32 v18, v17;
	v18 =	vld.idx.msk [tilespmem:v25+s9+$0x0], $0xffff;
	v25 =	vor.u32 $0xD, v16  }
0x2da: {  	v29 =	vmov s28;
	v17 =	vadd.s32 v19, v17;
	v19 =	vld.idx.msk [tilespmem:v26+s9+$0x0], $0xffff;
	v26 =	vor.u32 $0xE, v16  }
0x2db: {  	v29 =	vshll.u32 v29, $0x4;
	v16 =	vor.u32 $0xF, v16;
	v17 =	vadd.s32 v20, v17;
	v20 =	vld.idx.msk [tilespmem:v27+s9+$0x0], $0xffff  }
0x2dc: {  	v27 =	vor.u32 v11, v29;
	v17 =	vadd.s32 v22, v17;
	v22 =	vld.idx.msk [tilespmem:v28+s9+$0x0], $0xffff  }
0x2dd: {  	v28 =	vor.u32 $0x1, v27;
	v17 =	vadd.s32 v23, v17;
	v23 =	vld.idx.msk [tilespmem:v24+s9+$0x0], $0xffff  }
0x2de: {  	v24 =	vor.u32 $0x2, v27;
	v17 =	vadd.s32 v21, v17;
	v21 =	vld.idx.msk [tilespmem:v25+s9+$0x0], $0xffff  }
0x2df: {  	v25 =	vor.u32 $0x3, v27;
	v17 =	vadd.s32 v18, v17;
	v18 =	vld.idx.msk [tilespmem:v26+s9+$0x0], $0xffff  }
0x2e0: {  	v26 =	vor.u32 $0x4, v27;
	v16 =	vld.idx.msk [tilespmem:v16+s9+$0x0], $0xffff;
	v17 =	vadd.s32 v19, v17  }
0x2e1: {  	v29 =	vor.u32 $0x5, v27;
	v19 =	vld.idx.msk [tilespmem:v27+s9+$0x0], $0xffff;
	v17 =	vadd.s32 v20, v17  }
0x2e2: {  	v20 =	vld.idx.msk [tilespmem:v28+s9+$0x0], $0xffff;
	v28 =	vor.u32 $0x6, v27;
	v17 =	vadd.s32 v22, v17  }
0x2e3: {  	v22 =	vld.idx.msk [tilespmem:v24+s9+$0x0], $0xffff;
	v24 =	vor.u32 $0x7, v27;
	v17 =	vadd.s32 v23, v17  }
0x2e4: {  	v23 =	vor.u32 $0x8, v27;
	v25 =	vld.idx.msk [tilespmem:v25+s9+$0x0], $0xffff;
	v17 =	vadd.s32 v21, v17  }
0x2e5: {  	v21 =	vor.u32 $0x9, v27;
	v26 =	vld.idx.msk [tilespmem:v26+s9+$0x0], $0xffff;
	v17 =	vadd.s32 v18, v17  }
0x2e6: {  	v18 =	vld.idx.msk [tilespmem:v29+s9+$0x0], $0xffff;
	v29 =	vor.u32 $0xA, v27;
	v16 =	vadd.s32 v16, v17  }
0x2e7: {  	v17 =	vld.idx.msk [tilespmem:v28+s9+$0x0], $0xffff;
	v28 =	vor.u32 $0xB, v27;
	v19 =	vadd.s32 v19, v20;
	v30 =	vperm.xlane v16, v12  }
0x2e8: {  	v20 =	vld.idx.msk [tilespmem:v24+s9+$0x0], $0xffff;
	v24 =	vor.u32 $0xC, v27;
	v19 =	vadd.s32 v22, v19  }
0x2e9: {  	s29 =	simm.s32 $0xFD0;
	v22 =	vld.idx.msk [tilespmem:v23+s9+$0x0], $0xffff;
	v23 =	vor.u32 $0xD, v27;
	v19 =	vadd.s32 v25, v19;
	(xrf0) =	vadd.scan.msk.s32 $0xffff, v30  }
0x2ea: {  	v25 =	vor.u32 $0xE, v27;
	v30 =	vmov s29;
	v21 =	vld.idx.msk [tilespmem:v21+s9+$0x0], $0xffff;
	v19 =	vadd.s32 v26, v19  }
0x2eb: {  	v27 =	vor.u32 $0xF, v27;
	(xrf0) =	vadd.scan.msk.s32 $0xffff, v16;
	v30 =	vshll.u32 v30, $0x4;
	v26 =	vld.idx.msk [tilespmem:v29+s9+$0x0], $0xffff;
	v18 =	vadd.s32 v18, v19  }
0x2ec: {  	v29 =	vor.u32 v11, v30;
	v19 =	vld.idx.msk [tilespmem:v28+s9+$0x0], $0xffff;
	v17 =	vadd.s32 v17, v18  }
0x2ed: {  	v30 =	vor.u32 $0x1, v29;
	v18 =	vld.idx.msk [tilespmem:v24+s9+$0x0], $0xffff;
	v17 =	vadd.s32 v20, v17  }
0x2ee: {  	v31 =	vor.u32 $0x2, v29;
	v20 =	vld.idx.msk [tilespmem:v23+s9+$0x0], $0xffff;
	v17 =	vadd.s32 v22, v17  }
0x2ef: {  	v15 =	vmov s24;
	v23 =	vor.u32 $0x3, v29;
	v22 =	vld.idx.msk [tilespmem:v25+s9+$0x0], $0xffff;
	v17 =	vadd.s32 v21, v17;
	v25, _, _ =	vpop (xrf0)  }
0x2f0: {  	v35 =	vor.u32 $0x5, v29;
	v21 =	vld.idx.msk [tilespmem:v27+s9+$0x0], $0xffff;
	v17 =	vadd.s32 v26, v17;
	v25 =	vperm.xlane v25, v12  }
0x2f1: {  	s25 =	simm.s32 $0x0;
	v28 =	vadd.s32 s0, v14;
	v33 =	vor.u32 $0x4, v29;
	v27, _, _ =	vpop (xrf0);
	v34 =	vld.idx.msk [tilespmem:v29+s9+$0x0], $0xffff;
	v17 =	vadd.s32 v19, v17  }
0x2f2: {  	(v2sf) =	vpush v27, $0xF;
	v26 =	vld.idx.msk [tilespmem:v30+s9+$0x0], $0xffff;
	v27 =	vor.u32 $0x6, v29;
	v19 =	vadd.s32 s25, v25  }
0x2f3: {  	v32 =	vor.u32 $0x8, v29;
	v30 =	vor.u32 $0x7, v29;
	v25 =	vld.idx.msk [tilespmem:v31+s9+$0x0], $0xffff;
	v16 =	vsub.s32 v19, v16  }
0x2f4: {  	v17 =	vadd.s32 v18, v17;
	v18 =	vld.idx.msk [tilespmem:v23+s9+$0x0], $0xffff;
	vm0 =	vge.s32 v19, v15;
	vm1 =	vgt.s32 v15, v16  }
0x2f5: {  	v17 =	vadd.s32 v20, v17;
	v20 =	vld.idx.msk [tilespmem:v35+s9+$0x0], $0xffff;
	v16 =	vsub.s32 v15, v16;
	vm0 =	vmand vm0, vm1  }
0x2f6: {  	v19 =	vld.idx.msk [tilespmem:v33+s9+$0x0], $0xffff;
	v17 =	vadd.s32 v22, v17;
	v22 =	vor.u32 $0xA, v29;
	v16 =	vnsel vm0, $0x0, v16  }
0x2f7: {  	v24 =	vor.u32 $0x9, v29;
	v17 =	vadd.s32 v21, v17;
	v21 =	vld.idx.msk [tilespmem:v27+s9+$0x0], $0xffff;
	v28 =	vnsel vm0, $0x0, v28;
	(xrf0) =	vadd.scan.msk.s32 $0xffff, v16  }
0x2f8: {  	v16 =	vadd.s32 v34, v26;
	v26 =	vld.idx.msk [tilespmem:v30+s9+$0x0], $0xffff;
	v30 =	vor.u32 $0xC, v29;
	(xrf0) =	vadd.scan.msk.s32 $0xffff, v28  }
0x2f9: {  	v23 =	vor.u32 $0xB, v29;
	v16 =	vadd.s32 v25, v16  }
0x2fa: {  	v25 =	vld.idx.msk [tilespmem:v32+s9+$0x0], $0xffff;
	v16 =	vadd.s32 v18, v16  }
0x2fb: {  	v27 =	vperm.xlane v17, v12;
	v22 =	vld.idx.msk [tilespmem:v22+s9+$0x0], $0xffff;
	v19 =	vadd.s32 v19, v16  }
0x2fc: {  	v18 =	vld.idx.msk [tilespmem:v24+s9+$0x0], $0xffff;
	v19 =	vadd.s32 v20, v19  }
0x2fd: {  	s26 =	simm.s32 $0xFC0;
	v28 =	vor.u32 $0xD, v29;
	(xrf0) =	vadd.scan.msk.s32 $0xffff, v27;
	v19 =	vadd.s32 v21, v19;
	v21 =	vld.idx.msk [tilespmem:v30+s9+$0x0], $0xffff;
	v30, _, _ =	vpop (xrf0)  }
0x2fe: {  	v27 =	vmov s26;
	v24 =	vor.u32 $0xE, v29;
	v20 =	vld.idx.msk [tilespmem:v23+s9+$0x0], $0xffff;
	v60, _, _ =	vpop (xrf0);
	(xrf0) =	vadd.scan.msk.s32 $0xffff, v17  }
0x2ff: {  	v29 =	vor.u32 $0xF, v29;
	v27 =	vshll.u32 v27, $0x4;
	v19 =	vadd.s32 v26, v19  }
0x300: {  	v16 =	vor.u32 v11, v27;
	v19 =	vadd.s32 v25, v19  }
0x301: {  	v27 =	vor.u32 $0x1, v16;
	v18 =	vadd.s32 v18, v19  }
0x302: {  	v59 =	vor.u32 $0x2, v16;
	v26 =	vld.idx.msk [tilespmem:v28+s9+$0x0], $0xffff;
	(v2sf) =	vpush v30, $0xF;
	v18 =	vadd.s32 v22, v18  }
0x303: {  	v28 =	vor.u32 $0x3, v16;
	v24 =	vld.idx.msk [tilespmem:v24+s9+$0x0], $0xffff;
	v25, _, _ =	vpop (xrf0);
	v18 =	vadd.s32 v20, v18  }
0x304: {  	v30 =	vor.u32 $0x4, v16;
	v19 =	vld.idx.msk [tilespmem:v29+s9+$0x0], $0xffff;
	v25 =	vperm.xlane v25, v12;
	s15 =	spop (v2sf);
	v18 =	vadd.s32 v21, v18;
	v21, _, _ =	vpop (xrf0)  }
0x305: {  	v23 =	vadd.s32 s28, v14;
	v62 =	vor.u32 $0x5, v16;
	v61 =	vld.idx.msk [tilespmem:v16+s9+$0x0], $0xffff;
	s31 =	sadd.s32 $0x0, s15;
	(v2sf) =	vpush v21, $0xF  }
0x306: {  	v31 =	vor.u32 $0x9, v16;
	v36 =	vor.u32 $0x6, v16;
	v22 =	vld.idx.msk [tilespmem:v27+s9+$0x0], $0xffff;
	v20 =	vadd.s32 s31, v25  }
0x307: {  	v63 =	vor.u32 $0x7, v16;
	v29 =	vor.u32 $0x8, v16;
	v25 =	vld.idx.msk [tilespmem:v59+s9+$0x0], $0xffff;
	v17 =	vsub.s32 v20, v17  }
0x308: {  	v37 =	vld.idx.msk [tilespmem:v28+s9+$0x0], $0xffff;
	v18 =	vadd.s32 v26, v18;
	vm14 =	vge.s32 v20, v15;
	vm15 =	vgt.s32 v15, v17  }
0x309: {  	v20 =	vld.idx.msk [tilespmem:v30+s9+$0x0], $0xffff;
	v18 =	vadd.s32 v24, v18;
	v24 =	vsub.s32 v15, v17;
	vm0 =	vmand vm14, vm15  }
0x30a: {  	v27 =	vor.u32 $0xA, v16;
	v21 =	vld.idx.msk [tilespmem:v62+s9+$0x0], $0xffff;
	v17 =	vadd.s32 v19, v18;
	v19 =	vnsel vm0, $0x0, v24  }
0x30b: {  	v28 =	vor.u32 $0xB, v16;
	v18 =	vld.idx.msk [tilespmem:v36+s9+$0x0], $0xffff;
	v26 =	vperm.xlane v17, v12;
	v23 =	vnsel vm0, $0x0, v23;
	(xrf0) =	vadd.scan.msk.s32 $0xffff, v19  }
0x30c: {  	v24 =	vor.u32 $0xC, v16;
	(v2sf) =	vpush v60, $0xF;
	v19 =	vadd.s32 v61, v22;
	v22 =	vld.idx.msk [tilespmem:v63+s9+$0x0], $0xffff;
	(xrf0) =	vadd.scan.msk.s32 $0xffff, v23  }
0x30d: {  	s30 =	simm.s32 $0xFB0;
	v23 =	vadd.s32 v25, v19;
	v19 =	vld.idx.msk [tilespmem:v29+s9+$0x0], $0xffff;
	v25 =	vor.u32 $0xD, v16;
	(xrf0) =	vadd.scan.msk.s32 $0xffff, v26  }
0x30e: {  	s24 =	simm.s32 $0xFFFFFFFF;
	s0 =	simm.s32 $0xFA0;
	s28 =	simm.s32 $0x0;
	v29 =	vmov s30;
	v30 =	vadd.s32 v37, v23;
	v23 =	vld.idx.msk [tilespmem:v31+s9+$0x0], $0xffff;
	v26 =	vor.u32 $0xE, v16;
	(xrf0) =	vadd.scan.msk.s32 $0xffff, v17  }
.LBB2_32:
0x30f: {  	p0 =	sne.s32 s0, $0x0;
	v29 =	vshll.u32 v29, $0x4;
	v20 =	vadd.s32 v20, v30;
	v27 =	vld.idx.msk [tilespmem:v27+s9+$0x0], $0xffff;
	v30 =	vor.u32 $0xF, v16  }
0x310: {  	v16 =	vor.u32 v11, v29;
	v20 =	vadd.s32 v21, v20;
	v21 =	vld.idx.msk [tilespmem:v28+s9+$0x0], $0xffff;
	v29 =	vadd.s32 s29, v14;
	s29 =	smov.u32 s26;
	s26 =	smov.u32 s30;
	s30 =	smov.u32 s0  }
0x311: {  	v28 =	vor.u32 $0x1, v16;
	v31 =	vor.u32 $0x9, v16;
	v18 =	vadd.s32 v18, v20;
	v20 =	vld.idx.msk [tilespmem:v24+s9+$0x0], $0xffff;
	v24, _, _ =	vpop (xrf0);
	s5 =	spop (v2sf)  }
0x312: {  	v32 =	vor.u32 $0x2, v16;
	v18 =	vadd.s32 v22, v18;
	v22 =	vld.idx.msk [tilespmem:v25+s9+$0x0], $0xffff;
	v25, _, _ =	vpop (xrf0);
	(v2sf) =	vpush v24, $0xF;
	s28 =	sadd.s32 s28, s5  }
0x313: {  	v33 =	vor.u32 $0x8, v16;
	v24 =	vor.u32 $0x3, v16;
	v18 =	vadd.s32 v19, v18;
	v19 =	vld.idx.msk [tilespmem:v26+s9+$0x0], $0xffff;
	v26, _, _ =	vpop (xrf0)  }
0x314: {  	v34 =	vor.u32 $0x4, v16;
	v18 =	vadd.s32 v23, v18;
	v23 =	vld.idx.msk [tilespmem:v30+s9+$0x0], $0xffff;
	v26 =	vperm.xlane v26, v12;
	v30, _, _ =	vpop (xrf0);
	s5 =	spop (v2sf)  }
0x315: {  	v36 =	vor.u32 $0x5, v16;
	v35 =	vld.idx.msk [tilespmem:v16+s9+$0x0], $0xffff;
	v18 =	vadd.s32 v27, v18;
	(v2sf) =	vpush v30, $0xF;
	s31 =	sadd.s32 s31, s5  }
0x316: {  	v30 =	vld.idx.msk [tilespmem:v28+s9+$0x0], $0xffff;
	v28 =	vor.u32 $0x6, v16;
	v18 =	vadd.s32 v21, v18;
	v21 =	vadd.s32 s31, v26  }
0x317: {  	v26 =	vld.idx.msk [tilespmem:v32+s9+$0x0], $0xffff;
	v32 =	vor.u32 $0x7, v16;
	v18 =	vadd.s32 v20, v18;
	v17 =	vsub.s32 v21, v17  }
0x318: {  	vm0 =	vge.s32 v21, v15;
	v37 =	vld.idx.msk [tilespmem:v24+s9+$0x0], $0xffff;
	v18 =	vadd.s32 v22, v18;
	vm1 =	vgt.s32 v15, v17  }
0x319: {  	v20 =	vld.idx.msk [tilespmem:v34+s9+$0x0], $0xffff;
	v18 =	vadd.s32 v19, v18;
	vm0 =	vmand vm0, vm1;
	v19 =	vsub.s32 v15, v17  }
.Ltmp33:
0x31a: {  	v27 =	vor.u32 $0xA, v16;
	v21 =	vld.idx.msk [tilespmem:v36+s9+$0x0], $0xffff;
	v17 =	vadd.s32 v23, v18;
	v19 =	vnsel vm0, $0x0, v19;
	(pc) =	sbr.rel @p0 .LBB2_32-.Ltmp33, $4  }
0x31b: {  	v29 =	vnsel vm0, $0x0, v29;
	v18 =	vld.idx.msk [tilespmem:v28+s9+$0x0], $0xffff;
	v28 =	vor.u32 $0xB, v16;
	v23 =	vperm.xlane v17, v12;
	(xrf0) =	vadd.scan.msk.s32 $0xffff, v19;
	s5 =	spop (v2sf)  }
0x31c: {  	v24 =	vor.u32 $0xC, v16;
	v19 =	vadd.s32 v35, v30;
	v22 =	vld.idx.msk [tilespmem:v32+s9+$0x0], $0xffff;
	(xrf0) =	vadd.scan.msk.s32 $0xffff, v29;
	(v2sf) =	vpush v25, $0xF;
	s24 =	sadd.s32 s24, s5  }
0x31d: {  	v26 =	vadd.s32 v26, v19;
	v25 =	vor.u32 $0xD, v16;
	v19 =	vld.idx.msk [tilespmem:v33+s9+$0x0], $0xffff;
	(xrf0) =	vadd.scan.msk.s32 $0xffff, v23  }
0x31e: {  	s0 =	sadd.s32 $0xFFFFFFF0, s0;
	v29 =	vmov s30;
	v30 =	vadd.s32 v37, v26;
	v26 =	vor.u32 $0xE, v16;
	v23 =	vld.idx.msk [tilespmem:v31+s9+$0x0], $0xffff;
	(xrf0) =	vadd.scan.msk.s32 $0xffff, v17  }
0x31f: {  	_ =	sdelay $0x2  }
0x320: {  	v29 =	vshll.u32 v29, $0x4;
	v20 =	vadd.s32 v20, v30  }
0x321: {  	v27 =	vld.idx.msk [tilespmem:v27+s9+$0x0], $0xffff;
	v16 =	vor.u32 $0xF, v16;
	v29 =	vor.u32 v11, v29;
	v20 =	vadd.s32 v21, v20  }
0x322: {  	v21 =	vld.idx.msk [tilespmem:v28+s9+$0x0], $0xffff;
	v47 =	vor.u32 $0x1, v29;
	v18 =	vadd.s32 v18, v20  }
0x323: {  	v24 =	vld.idx.msk [tilespmem:v24+s9+$0x0], $0xffff;
	v18 =	vadd.s32 v22, v18  }
0x324: {  	v26 =	vld.idx.msk [tilespmem:v26+s9+$0x0], $0xffff;
	v31 =	vor.u32 $0x2, v29;
	v20, _, _ =	vpop (xrf0);
	v18 =	vadd.s32 v19, v18  }
0x325: {  	v48 =	vor.u32 $0x3, v29;
	v22, _, _ =	vpop (xrf0);
	(v2sf) =	vpush v20, $0xF;
	v20 =	vld.idx.msk [tilespmem:v25+s9+$0x0], $0xffff;
	v18 =	vadd.s32 v23, v18  }
0x326: {  	v46 =	vadd.s32 s29, v14;
	s29 =	spop (v2sf);
	v33 =	vor.u32 $0x4, v29;
	v16 =	vld.idx.msk [tilespmem:v16+s9+$0x0], $0xffff;
	v19, _, _ =	vpop (xrf0);
	v18 =	vadd.s32 v27, v18  }
0x327: {  	v34 =	vor.u32 $0x5, v29;
	s0 =	spop (v2sf);
	v19 =	vperm.xlane v19, v12;
	v23, _, _ =	vpop (xrf0);
	v18 =	vadd.s32 v21, v18;
	v21 =	vld.idx.msk [tilespmem:v47+s9+$0x0], $0xffff  }
0x328: {  	v32 =	vor.u32 $0x8, v29;
	v49 =	vor.u32 $0x6, v29;
	s5 =	sadd.s32 s31, s0;
	(v2sf) =	vpush v23, $0xF;
	v23 =	vld.idx.msk [tilespmem:v29+s9+$0x0], $0xffff  }
0x329: {  	v50 =	vor.u32 $0x7, v29;
	v51 =	vld.idx.msk [tilespmem:v31+s9+$0x0], $0xffff;
	v18 =	vadd.s32 v24, v18;
	v19 =	vadd.s32 s5, v19  }
0x32a: {  	v17 =	vsub.s32 v19, v17;
	v18 =	vadd.s32 v20, v18;
	vm0 =	vge.s32 v19, v15;
	v19 =	vld.idx.msk [tilespmem:v48+s9+$0x0], $0xffff  }
0x32b: {  	v53 =	vor.u32 $0xA, v29;
	v52 =	vld.idx.msk [tilespmem:v33+s9+$0x0], $0xffff;
	vm1 =	vgt.s32 v15, v17;
	v18 =	vadd.s32 v26, v18  }
0x32c: {  	v17 =	vsub.s32 v15, v17;
	vm0 =	vmand vm0, vm1;
	v16 =	vadd.s32 v16, v18;
	v18 =	vld.idx.msk [tilespmem:v34+s9+$0x0], $0xffff  }
0x32d: {  	v20 =	vor.u32 $0x9, v29;
	v17 =	vnsel vm0, $0x0, v17;
	v21 =	vadd.s32 v23, v21  }
0x32e: {  	v54 =	vperm.xlane v16, v12;
	v28 =	vnsel vm0, $0x0, v46;
	(xrf0) =	vadd.scan.msk.s32 $0xffff, v17;
	v21 =	vadd.s32 v51, v21  }
0x32f: {  	v55 =	vor.u32 $0xB, v29;
	v17 =	vld.idx.msk [tilespmem:v49+s9+$0x0], $0xffff;
	(xrf0) =	vadd.scan.msk.s32 $0xffff, v28;
	v19 =	vadd.s32 v19, v21  }
0x330: {  	v56 =	vor.u32 $0xC, v29;
	v23 =	vld.idx.msk [tilespmem:v50+s9+$0x0], $0xffff;
	(xrf0) =	vadd.scan.msk.s32 $0xffff, v54;
	v19 =	vadd.s32 v52, v19  }
0x331: {  	v58 =	vor.u32 $0xD, v29;
	v57 =	vld.idx.msk [tilespmem:v32+s9+$0x0], $0xffff;
	(xrf0) =	vadd.scan.msk.s32 $0xffff, v16;
	v18 =	vadd.s32 v18, v19  }
0x332: {  	v20 =	vld.idx.msk [tilespmem:v20+s9+$0x0], $0xffff;
	v21 =	vor.u32 $0xE, v29  }
0x333: {  	v60 =	vor.u32 $0xF, v29;
	v59 =	vld.idx.msk [tilespmem:v53+s9+$0x0], $0xffff  }
0x334: {  	v19 =	vld.idx.msk [tilespmem:v55+s9+$0x0], $0xffff;
	v17 =	vadd.s32 v17, v18;
	v18, _, _ =	vpop (xrf0)  }
0x335: {  	v61 =	vld.idx.msk [tilespmem:v56+s9+$0x0], $0xffff;
	s0 =	spop (v2sf);
	v17 =	vadd.s32 v23, v17;
	v23, _, _ =	vpop (xrf0)  }
0x336: {  	(v2sf) =	vpush v22, $0xF;
	v22 =	vld.idx.msk [tilespmem:v58+s9+$0x0], $0xffff;
	s31 =	spop (v2sf);
	v17 =	vadd.s32 v57, v17;
	v62, _, _ =	vpop (xrf0)  }
0x337: {  	(v2sf) =	vpush v18, $0xF;
	v18 =	vld.idx.msk [tilespmem:v21+s9+$0x0], $0xffff;
	v17 =	vadd.s32 v20, v17;
	v20 =	vperm.xlane v62, v12;
	v21, _, _ =	vpop (xrf0);
	s7 =	spop (v2sf)  }
0x338: {  	v63 =	vld.idx.msk [tilespmem:v60+s9+$0x0], $0xffff;
	v17 =	vadd.s32 v59, v17;
	(v2sf) =	vpush v21, $0xF;
	s5 =	sadd.s32 s5, s7  }
0x339: {  	v17 =	vadd.s32 v19, v17;
	v19 =	vadd.s32 s5, v20  }
0x33a: {  	v17 =	vadd.s32 v61, v17;
	v16 =	vsub.s32 v19, v16  }
0x33b: {  	v17 =	vadd.s32 v22, v17;
	vm12 =	vge.s32 v19, v15;
	vm13 =	vgt.s32 v15, v16  }
0x33c: {  	v17 =	vadd.s32 v18, v17;
	v16 =	vsub.s32 v15, v16;
	vm0 =	vmand vm12, vm13  }
0x33d: {  	v18 =	vadd.s32 s26, v14;
	v17 =	vadd.s32 v63, v17;
	v16 =	vnsel vm0, $0x0, v16  }
0x33e: {  	v19 =	vperm.xlane v17, v12;
	v18 =	vnsel vm0, $0x0, v18;
	(xrf0) =	vadd.scan.msk.s32 $0xffff, v16  }
0x33f: {  	(xrf0) =	vadd.scan.msk.s32 $0xffff, v18  }
0x340: {  	(xrf0) =	vadd.scan.msk.s32 $0xffff, v19;
	_ =	sdelay $0x3  }
0x341: {  	v16, _, _ =	vpop (xrf0)  }
0x342: {  	s7 =	spop (v2sf);
	v18, _, _ =	vpop (xrf0)  }
0x343: {  	s26 =	spop (v2sf);
	v19, _, _ =	vpop (xrf0)  }
0x344: {  	v19 =	vperm.xlane v19, v12;
	s15 =	spop (v2sf)  }
0x345: {  	s5 =	sadd.s32 s5, s15  }
0x346: {  	v19 =	vadd.s32 s5, v19  }
0x347: {  	v20 =	vsub.s32 v19, v17  }
0x348: {  	vm14 =	vge.s32 v19, v15;
	vm15 =	vgt.s32 v15, v20  }
0x349: {  	(xrf0) =	vadd.scan.msk.s32 $0xffff, v17;
	v15 =	vsub.s32 v15, v20;
	vm0 =	vmand vm14, vm15  }
0x34a: {  	v17 =	vadd.s32 s30, v14;
	v15 =	vnsel vm0, $0x0, v15  }
0x34b: {  	v17 =	vnsel vm0, $0x0, v17;
	(xrf0) =	vadd.scan.msk.s32 $0xffff, v15  }
0x34c: {  	(xrf0) =	vadd.scan.msk.s32 $0xffff, v17;
	_ =	sdelay $0x1  }
0x34d: {  	(v2sf) =	vpush v23, $0xF  }
0x34e: {  	(v2sf) =	vpush v16, $0xF;
	v15, _, _ =	vpop (xrf0)  }
0x34f: {  	(v2sf) =	vpush v15, $0xF  }
0x350: {  	(v2sf) =	vpush v18, $0xF;
	v15, _, _ =	vpop (xrf0)  }
0x351: {  	v16, _, _ =	vpop (xrf0);
	(v2sf) =	vpush v15, $0xF  }
0x352: {  	v15 =	vmov s25;
	(v2sf) =	vpush v16, $0xF  }
0x353: {  	v15 =	vshrl.u32 v15, $0x7  }
0x354: {  	v15 =	vshll.u32 v15, $0x7  }
0x355: {  	v16 =	vbroadcast v15, $0x0;
	_ =	sdelay $0x1  }
0x356: {  	v15 =	vor.u32 v0, v16  }
0x357: {  	v17 =	vor.u32 v2, v16  }
0x358: {  	v18 =	vor.u32 v3, v16  }
0x359: {  	s25 =	simm.s32 $0x80  }
0x35a: {  	v20 =	vmov s25;
	v19 =	vor.u32 v4, v16  }
0x35b: {  	s15 =	spop (v2sf);
	v20 =	vshrl.u32 v20, $0x7;
	v21 =	vor.u32 v5, v16;
	[tilespmem:v15+s9+$0x0] =	vst.idx.msk $0xffff, v1  }
0x35c: {  	s5 =	spop (v2sf);
	v22 =	vor.u32 v6, v16;
	v15 =	vshll.u32 v20, $0x7;
	[tilespmem:v17+s9+$0x0] =	vst.idx.msk $0xffff, v1  }
0x35d: {  	s0 =	sadd.s32 s24, s0;
	s30 =	sadd.s32 s28, s29;
	s28 =	spop (v2sf);
	v15 =	vbroadcast v15, $0x0;
	[tilespmem:v18+s9+$0x0] =	vst.idx.msk $0xffff, v1;
	v18 =	vor.u32 v7, v16  }
0x35e: {  	s0 =	sadd.s32 s0, s7;
	s24 =	sadd.s32 s30, s31;
	v17 =	vor.u32 v8, v16;
	s29 =	spop (v2sf)  }
0x35f: {  	s0 =	sadd.s32 s0, s15;
	s24 =	sadd.s32 s24, s26;
	[tilespmem:v19+s9+$0x0] =	vst.idx.msk $0xffff, v1;
	v19 =	vor.u32 v0, v15;
	s30 =	spop (v2sf)  }
0x360: {  	s5 =	sadd.s32 s24, s5;
	s0 =	sadd.s32 s0, s29;
	[tilespmem:v21+s9+$0x0] =	vst.idx.msk $0xffff, v1;
	v21 =	vor.u32 v2, v15;
	s31 =	spop (v2sf)  }
0x361: {  	v16 =	vor.u32 v4, v15;
	v20 =	vor.u32 v3, v15;
	[tilespmem:v22+s9+$0x0] =	vst.idx.msk $0xffff, v1;
	s24 =	sadd.s32 s5, s30;
	s5 =	simm.s32 $0x100;
	s0 =	sadd.s32 s0, s31  }
.LBB2_34:
0x362: {  	v22 =	vmov s5;
	p0 =	sne.s32 s5, $0xFF80;
	s5 =	sadd.s32 $0x80, s5;
	[tilespmem:v18+s9+$0x0] =	vst.idx.msk $0xffff, v1  }
0x363: {  	v18 =	vshrl.u32 v22, $0x7;
	v22 =	vor.u32 v5, v15;
	[tilespmem:v17+s9+$0x0] =	vst.idx.msk $0xffff, v1  }
0x364: {  	v23 =	vor.u32 v6, v15;
	v17 =	vshll.u32 v18, $0x7;
	[tilespmem:v19+s9+$0x0] =	vst.idx.msk $0xffff, v1  }
.Ltmp34:
0x365: {  	v18 =	vor.u32 v7, v15;
	v24 =	vbroadcast v17, $0x0;
	[tilespmem:v21+s9+$0x0] =	vst.idx.msk $0xffff, v1;
	(pc) =	sbr.rel @p0 .LBB2_34-.Ltmp34, $4  }
0x366: {  	v17 =	vor.u32 v8, v15;
	[tilespmem:v20+s9+$0x0] =	vst.idx.msk $0xffff, v1  }
0x367: {  	v19 =	vor.u32 v0, v24;
	[tilespmem:v16+s9+$0x0] =	vst.idx.msk $0xffff, v1;
	v16 =	vor.u32 v4, v24;
	v15 =	vmov v24  }
0x368: {  	v21 =	vor.u32 v2, v15;
	[tilespmem:v22+s9+$0x0] =	vst.idx.msk $0xffff, v1  }
0x369: {  	v20 =	vor.u32 v3, v15;
	[tilespmem:v23+s9+$0x0] =	vst.idx.msk $0xffff, v1  }
0x36a: {  	_ =	sdelay $0x3  }
0x36b: {  	[tilespmem:v18+s9+$0x0] =	vst.idx.msk $0xffff, v1  }
0x36c: {  	v62 =	vor.u32 v5, v15;
	[tilespmem:v17+s9+$0x0] =	vst.idx.msk $0xffff, v1  }
0x36d: {  	v17 =	vor.u32 v6, v15;
	[tilespmem:v19+s9+$0x0] =	vst.idx.msk $0xffff, v1  }
0x36e: {  	v63 =	vor.u32 v7, v15;
	[tilespmem:v21+s9+$0x0] =	vst.idx.msk $0xffff, v1  }
0x36f: {  	v15 =	vor.u32 v8, v15;
	[tilespmem:v20+s9+$0x0] =	vst.idx.msk $0xffff, v1  }
0x370: {  	[tilespmem:v16+s9+$0x0] =	vst.idx.msk $0xffff, v1  }
0x371: {  	[tilespmem:v62+s9+$0x0] =	vst.idx.msk $0xffff, v1  }
0x372: {  	[tilespmem:v17+s9+$0x0] =	vst.idx.msk $0xffff, v1  }
.Ltmp35:
0x373: {  	[tilespmem:v63+s9+$0x0] =	vst.idx.msk $0xffff, v1;
	(pc) =	sbr.rel .LBB2_36-.Ltmp35, $4  }
0x374: {  	s25 =	simm.s32 $0x0;
	s5 =	sshll.u32 s23, $0xC;
	[tilespmem:v15+s9+$0x0] =	vst.idx.msk $0xffff, v1  }
0x375: {  	[tilespmem:s25], [sflag:$0x1] =	stream.linear.gather [hbm4b:s22+s25], $0x6000, $0x38;
	[tilespmem:$0x1C200] =	vst v63  }
0x376: {  	s22 =	sor.u32 s5, s0  }
0x377: {  	s26 =	simm.s32 $0x0;
	v15 =	vmov s22  }
.LBB2_44:
0x378: {  	p0 =	sne.s32 s26, $0x3  }
.Ltmp36:
0x379: {  	_ = 	snop;
	(pc) =	sbr.rel @!p0 .LBB2_45-.Ltmp36, $1  }
0x37a: {  	_ =	sdelay $0x3  }
.LBB2_36:
0x37b: {  	s28 =	sshll.u32 s26, $0x7  }
0x37c: {  	s23 =	sor.u32 $0x40, s28  }
0x37d: {  	s0 =	sadd.s32 s18, s23  }
0x37e: {  	s0 =	smul.u32 $0x30, s0;
	_ =	sdelay $0x1  }
.Ltmp37:
0x37f: {  	s0 =	sadd.s32 s1, s0;
	(pc) =	sbr.rel .LBB2_37-.Ltmp37, $4  }
0x380: {  	[tilespmem:s10], [sflag:$0x2] =	stream.linear.gather [hbm4b:s0+s25], $0x6000, $0x38;
	[tilespmem:$0x1C200] =	vst v63  }
0x381: {  	_ =	swait.ge [sflag:s11], $0x6000  }
0x382: {  	[sflag:s11] =	ssyncset.done $0x0  }
0x383: {  	s29 =	simm.s32 $0x0;
	s30 =	simm.s32 $0x0;
	[sflag:s11] =	ssyncadd.s32 $0xFFFFA000  }
.LBB2_39:
0x384: {  	s30 =	sadd.s32 $0x1, s30  }
0x385: {  	p0 =	sne.s32 s30, $0x40  }
.Ltmp38:
0x386: {  	_ = 	snop;
	(pc) =	sbr.rel @!p0 .LBB2_40-.Ltmp38, $2  }
0x387: {  	_ =	sdelay $0x2  }
0x388: {  	s29 =	sadd.s32 $0x180, s29  }
.LBB2_37:
0x389: {  	s0 =	sor.u32 s28, s30  }
0x38a: {  	p0 =	slt.u32 s0, s19  }
.Ltmp39:
0x38b: {  	_ = 	snop;
	(pc) =	sbr.rel @p0 .LBB2_39-.Ltmp39, $2  }
0x38c: {  	_ =	sdelay $0x2  }
0x38d: {  	s0 =	simm.s32 $0x0  }
.LBB2_38:
0x38e: {  	s5 =	sadd.s32 s0, s29  }
0x38f: {  	v16 =	vmov s5  }
0x390: {  	v16 =	vshrl.u32 v16, $0x7  }
0x391: {  	v16 =	vshll.u32 v16, v9  }
0x392: {  	v16 =	vbroadcast v16, $0x0;
	_ =	sdelay $0x1  }
0x393: {  	v17 =	vor.u32 v0, v16  }
0x394: {  	v18 =	vmov s0  }
0x395: {  	v18 =	vshrl.u32 v18, $0x7  }
0x396: {  	v18 =	vshll.u32 v18, v9  }
0x397: {  	v18 =	vbroadcast v18, $0x0  }
0x398: {  	v17 =	vld.idx.msk [tilespmem:v17+s4+$0x0], $0xffff  }
0x399: {  	v19 =	vor.u32 v0, v18;
	_ =	sdelay $0x3  }
0x39a: {  	v20 =	vshll.u32 v17, $0x8  }
0x39b: {  	v19 =	vld.idx.msk [tilespmem:v19+s8+$0x0], $0xffff;
	v20 =	vand.u32 $0xFF00, v20  }
0x39c: {  	v20 =	vor.u32 v0, v20  }
0x39d: {  	v21 =	vor.u32 v2, v16;
	v17 =	vshrl.u32 v17, $0x8  }
0x39e: {  	v17 =	vxor.u32 v15, v17  }
0x39f: {  	vm0 =	veq.s32 v17, $0x800000  }
0x3a0: {  	v17 =	vnsel vm0, $0x0, v19  }
0x3a1: {  	[tilespmem:v20+s9+$0x0] =	vst.idx.add.s32.msk $0xffff, v17  }
0x3a2: {  	v17 =	vld.idx.msk [tilespmem:v21+s4+$0x0], $0xffff  }
0x3a3: {  	v46 =	vor.u32 v2, v18;
	_ =	sdelay $0x3  }
0x3a4: {  	v47 =	vshll.u32 v17, $0x8  }
0x3a5: {  	v19 =	vld.idx.msk [tilespmem:v46+s8+$0x0], $0xffff;
	v20 =	vand.u32 $0xFF00, v47  }
0x3a6: {  	v20 =	vor.u32 v0, v20  }
0x3a7: {  	v48 =	vor.u32 v3, v16;
	v17 =	vshrl.u32 v17, $0x8  }
0x3a8: {  	v17 =	vxor.u32 v15, v17  }
0x3a9: {  	vm9 =	veq.s32 v17, $0x800000  }
0x3aa: {  	v17 =	vnsel vm9, $0x0, v19  }
0x3ab: {  	[tilespmem:v20+s9+$0x0] =	vst.idx.add.s32.msk $0xffff, v17  }
0x3ac: {  	v17 =	vld.idx.msk [tilespmem:v48+s4+$0x0], $0xffff  }
0x3ad: {  	v49 =	vor.u32 v3, v18;
	_ =	sdelay $0x3  }
0x3ae: {  	v50 =	vshll.u32 v17, $0x8  }
0x3af: {  	v19 =	vld.idx.msk [tilespmem:v49+s8+$0x0], $0xffff;
	v20 =	vand.u32 $0xFF00, v50  }
0x3b0: {  	v20 =	vor.u32 v0, v20  }
0x3b1: {  	v51 =	vor.u32 v4, v16;
	v17 =	vshrl.u32 v17, $0x8  }
0x3b2: {  	v17 =	vxor.u32 v15, v17  }
0x3b3: {  	vm10 =	veq.s32 v17, $0x800000  }
0x3b4: {  	v17 =	vnsel vm10, $0x0, v19  }
0x3b5: {  	[tilespmem:v20+s9+$0x0] =	vst.idx.add.s32.msk $0xffff, v17  }
0x3b6: {  	v17 =	vld.idx.msk [tilespmem:v51+s4+$0x0], $0xffff  }
0x3b7: {  	v52 =	vor.u32 v4, v18;
	_ =	sdelay $0x3  }
0x3b8: {  	v53 =	vshll.u32 v17, $0x8  }
0x3b9: {  	v19 =	vld.idx.msk [tilespmem:v52+s8+$0x0], $0xffff;
	v20 =	vand.u32 $0xFF00, v53  }
0x3ba: {  	v20 =	vor.u32 v0, v20  }
0x3bb: {  	v54 =	vor.u32 v5, v16;
	v17 =	vshrl.u32 v17, $0x8  }
0x3bc: {  	v17 =	vxor.u32 v15, v17  }
0x3bd: {  	vm11 =	veq.s32 v17, $0x800000  }
0x3be: {  	v17 =	vnsel vm11, $0x0, v19  }
0x3bf: {  	[tilespmem:v20+s9+$0x0] =	vst.idx.add.s32.msk $0xffff, v17  }
0x3c0: {  	v17 =	vld.idx.msk [tilespmem:v54+s4+$0x0], $0xffff  }
0x3c1: {  	v55 =	vor.u32 v5, v18;
	_ =	sdelay $0x3  }
0x3c2: {  	v56 =	vshll.u32 v17, $0x8  }
0x3c3: {  	v19 =	vld.idx.msk [tilespmem:v55+s8+$0x0], $0xffff;
	v20 =	vand.u32 $0xFF00, v56  }
0x3c4: {  	v20 =	vor.u32 v0, v20  }
0x3c5: {  	v57 =	vor.u32 v6, v16;
	v17 =	vshrl.u32 v17, $0x8  }
0x3c6: {  	v17 =	vxor.u32 v15, v17  }
0x3c7: {  	vm12 =	veq.s32 v17, $0x800000  }
0x3c8: {  	v17 =	vnsel vm12, $0x0, v19  }
0x3c9: {  	[tilespmem:v20+s9+$0x0] =	vst.idx.add.s32.msk $0xffff, v17  }
0x3ca: {  	v17 =	vld.idx.msk [tilespmem:v57+s4+$0x0], $0xffff  }
0x3cb: {  	v58 =	vor.u32 v6, v18;
	_ =	sdelay $0x3  }
0x3cc: {  	v59 =	vshll.u32 v17, $0x8  }
0x3cd: {  	v19 =	vld.idx.msk [tilespmem:v58+s8+$0x0], $0xffff;
	v20 =	vand.u32 $0xFF00, v59  }
0x3ce: {  	v20 =	vor.u32 v0, v20  }
0x3cf: {  	v60 =	vor.u32 v7, v16;
	v17 =	vshrl.u32 v17, $0x8  }
0x3d0: {  	v17 =	vxor.u32 v15, v17  }
0x3d1: {  	vm13 =	veq.s32 v17, $0x800000  }
0x3d2: {  	v17 =	vnsel vm13, $0x0, v19  }
0x3d3: {  	[tilespmem:v20+s9+$0x0] =	vst.idx.add.s32.msk $0xffff, v17  }
0x3d4: {  	v17 =	vld.idx.msk [tilespmem:v60+s4+$0x0], $0xffff  }
0x3d5: {  	v61 =	vor.u32 v7, v18;
	_ =	sdelay $0x3  }
0x3d6: {  	v62 =	vshll.u32 v17, $0x8  }
0x3d7: {  	v19 =	vld.idx.msk [tilespmem:v61+s8+$0x0], $0xffff;
	v20 =	vand.u32 $0xFF00, v62  }
0x3d8: {  	v20 =	vor.u32 v0, v20  }
0x3d9: {  	v16 =	vor.u32 v8, v16;
	v17 =	vshrl.u32 v17, $0x8  }
0x3da: {  	v17 =	vxor.u32 v15, v17  }
0x3db: {  	vm14 =	veq.s32 v17, $0x800000  }
0x3dc: {  	v17 =	vnsel vm14, $0x0, v19  }
0x3dd: {  	[tilespmem:v20+s9+$0x0] =	vst.idx.add.s32.msk $0xffff, v17  }
0x3de: {  	v16 =	vld.idx.msk [tilespmem:v16+s4+$0x0], $0xffff  }
0x3df: {  	v17 =	vor.u32 v8, v18;
	_ =	sdelay $0x3  }
0x3e0: {  	v63 =	vshll.u32 v16, $0x8  }
0x3e1: {  	v17 =	vld.idx.msk [tilespmem:v17+s8+$0x0], $0xffff;
	v18 =	vand.u32 $0xFF00, v63  }
0x3e2: {  	p0 =	sne.s32 s0, $0x100;
	v18 =	vor.u32 v0, v18  }
.Ltmp40:
0x3e3: {  	v16 =	vshrl.u32 v16, $0x8;
	(pc) =	sbr.rel @p0 .LBB2_38-.Ltmp40, $4  }
0x3e4: {  	v16 =	vxor.u32 v15, v16  }
0x3e5: {  	vm15 =	veq.s32 v16, $0x800000  }
0x3e6: {  	v16 =	vnsel vm15, $0x0, v17  }
0x3e7: {  	s0 =	sadd.s32 $0x80, s0;
	[tilespmem:v18+s9+$0x0] =	vst.idx.add.s32.msk $0xffff, v16  }
.Ltmp41:
0x3e8: {  	_ = 	snop;
	(pc) =	sbr.rel .LBB2_39-.Ltmp41, $1  }
0x3e9: {  	_ =	sdelay $0x3  }
.LBB2_40:
0x3ea: {  	p0 =	seq.s32 s26, $0x2  }
0x3eb: {  	s0 =	sadd.s32 @!p0 s28, s20  }
0x3ec: {  	s0 =	smul.u32 @!p0 $0x30, s0;
	_ =	sdelay $0x1  }
.Ltmp42:
0x3ed: {  	s5 =	simm.s32 @!p0 $0x0;
	s0 =	sadd.s32 @!p0 s1, s0;
	(pc) =	sbr.rel .LBB2_41-.Ltmp42, $4  }
0x3ee: {  	[tilespmem:s5], [sflag:$0x1] =	stream.linear.gather @!p0 [hbm4b:s0+s5], $0x6000, $0x38;
	[tilespmem:$0x1C200] =	vst v63  }
0x3ef: {  	_ =	swait.ge [sflag:s12], $0x6000  }
0x3f0: {  	s26 =	sadd.s32 $0x1, s26;
	[sflag:s12] =	ssyncset.done $0x0  }
0x3f1: {  	s29 =	simm.s32 $0x0;
	s28 =	simm.s32 $0x0;
	[sflag:s12] =	ssyncadd.s32 $0xFFFFA000  }
.LBB2_43:
0x3f2: {  	s29 =	sadd.s32 $0x1, s29  }
0x3f3: {  	p0 =	seq.s32 s29, $0x40  }
.Ltmp43:
0x3f4: {  	_ = 	snop;
	(pc) =	sbr.rel @p0 .LBB2_44-.Ltmp43, $2  }
0x3f5: {  	_ =	sdelay $0x2  }
0x3f6: {  	s28 =	sadd.s32 $0x180, s28  }
.LBB2_41:
0x3f7: {  	s0 =	sor.u32 s23, s29  }
0x3f8: {  	p0 =	sge.u32 s0, s21  }
.Ltmp44:
0x3f9: {  	_ = 	snop;
	(pc) =	sbr.rel @p0 .LBB2_43-.Ltmp44, $2  }
0x3fa: {  	_ =	sdelay $0x2  }
0x3fb: {  	s0 =	simm.s32 $0x0  }
.LBB2_42:
0x3fc: {  	s5 =	sadd.s32 s0, s28  }
0x3fd: {  	v16 =	vmov s5  }
0x3fe: {  	v16 =	vshrl.u32 v16, $0x7  }
0x3ff: {  	v16 =	vshll.u32 v16, v9  }
0x400: {  	v16 =	vbroadcast v16, $0x0;
	_ =	sdelay $0x1  }
0x401: {  	v17 =	vor.u32 v0, v16  }
0x402: {  	v18 =	vmov s0  }
0x403: {  	v18 =	vshrl.u32 v18, $0x7  }
0x404: {  	v18 =	vshll.u32 v18, v9  }
0x405: {  	v18 =	vbroadcast v18, $0x0  }
0x406: {  	v17 =	vld.idx.msk [tilespmem:v17+s10+$0x0], $0xffff  }
0x407: {  	v19 =	vor.u32 v0, v18;
	_ =	sdelay $0x3  }
0x408: {  	v20 =	vshll.u32 v17, $0x8  }
0x409: {  	v19 =	vld.idx.msk [tilespmem:v19+s8+$0x0], $0xffff;
	v20 =	vand.u32 $0xFF00, v20  }
0x40a: {  	v20 =	vor.u32 v0, v20  }
0x40b: {  	v21 =	vor.u32 v2, v16;
	v17 =	vshrl.u32 v17, $0x8  }
0x40c: {  	v17 =	vxor.u32 v15, v17  }
0x40d: {  	vm0 =	veq.s32 v17, $0x800000  }
0x40e: {  	v17 =	vnsel vm0, $0x0, v19  }
0x40f: {  	[tilespmem:v20+s9+$0x0] =	vst.idx.add.s32.msk $0xffff, v17  }
0x410: {  	v17 =	vld.idx.msk [tilespmem:v21+s10+$0x0], $0xffff  }
0x411: {  	v46 =	vor.u32 v2, v18;
	_ =	sdelay $0x3  }
0x412: {  	v47 =	vshll.u32 v17, $0x8  }
0x413: {  	v19 =	vld.idx.msk [tilespmem:v46+s8+$0x0], $0xffff;
	v20 =	vand.u32 $0xFF00, v47  }
0x414: {  	v20 =	vor.u32 v0, v20  }
0x415: {  	v48 =	vor.u32 v3, v16;
	v17 =	vshrl.u32 v17, $0x8  }
0x416: {  	v17 =	vxor.u32 v15, v17  }
0x417: {  	vm9 =	veq.s32 v17, $0x800000  }
0x418: {  	v17 =	vnsel vm9, $0x0, v19  }
0x419: {  	[tilespmem:v20+s9+$0x0] =	vst.idx.add.s32.msk $0xffff, v17  }
0x41a: {  	v17 =	vld.idx.msk [tilespmem:v48+s10+$0x0], $0xffff  }
0x41b: {  	v49 =	vor.u32 v3, v18;
	_ =	sdelay $0x3  }
0x41c: {  	v50 =	vshll.u32 v17, $0x8  }
0x41d: {  	v19 =	vld.idx.msk [tilespmem:v49+s8+$0x0], $0xffff;
	v20 =	vand.u32 $0xFF00, v50  }
0x41e: {  	v20 =	vor.u32 v0, v20  }
0x41f: {  	v51 =	vor.u32 v4, v16;
	v17 =	vshrl.u32 v17, $0x8  }
0x420: {  	v17 =	vxor.u32 v15, v17  }
0x421: {  	vm10 =	veq.s32 v17, $0x800000  }
0x422: {  	v17 =	vnsel vm10, $0x0, v19  }
0x423: {  	[tilespmem:v20+s9+$0x0] =	vst.idx.add.s32.msk $0xffff, v17  }
0x424: {  	v17 =	vld.idx.msk [tilespmem:v51+s10+$0x0], $0xffff  }
0x425: {  	v52 =	vor.u32 v4, v18;
	_ =	sdelay $0x3  }
0x426: {  	v53 =	vshll.u32 v17, $0x8  }
0x427: {  	v19 =	vld.idx.msk [tilespmem:v52+s8+$0x0], $0xffff;
	v20 =	vand.u32 $0xFF00, v53  }
0x428: {  	v20 =	vor.u32 v0, v20  }
0x429: {  	v54 =	vor.u32 v5, v16;
	v17 =	vshrl.u32 v17, $0x8  }
0x42a: {  	v17 =	vxor.u32 v15, v17  }
0x42b: {  	vm11 =	veq.s32 v17, $0x800000  }
0x42c: {  	v17 =	vnsel vm11, $0x0, v19  }
0x42d: {  	[tilespmem:v20+s9+$0x0] =	vst.idx.add.s32.msk $0xffff, v17  }
0x42e: {  	v17 =	vld.idx.msk [tilespmem:v54+s10+$0x0], $0xffff  }
0x42f: {  	v55 =	vor.u32 v5, v18;
	_ =	sdelay $0x3  }
0x430: {  	v56 =	vshll.u32 v17, $0x8  }
0x431: {  	v19 =	vld.idx.msk [tilespmem:v55+s8+$0x0], $0xffff;
	v20 =	vand.u32 $0xFF00, v56  }
0x432: {  	v20 =	vor.u32 v0, v20  }
0x433: {  	v57 =	vor.u32 v6, v16;
	v17 =	vshrl.u32 v17, $0x8  }
0x434: {  	v17 =	vxor.u32 v15, v17  }
0x435: {  	vm12 =	veq.s32 v17, $0x800000  }
0x436: {  	v17 =	vnsel vm12, $0x0, v19  }
0x437: {  	[tilespmem:v20+s9+$0x0] =	vst.idx.add.s32.msk $0xffff, v17  }
0x438: {  	v17 =	vld.idx.msk [tilespmem:v57+s10+$0x0], $0xffff  }
0x439: {  	v58 =	vor.u32 v6, v18;
	_ =	sdelay $0x3  }
0x43a: {  	v59 =	vshll.u32 v17, $0x8  }
0x43b: {  	v19 =	vld.idx.msk [tilespmem:v58+s8+$0x0], $0xffff;
	v20 =	vand.u32 $0xFF00, v59  }
0x43c: {  	v20 =	vor.u32 v0, v20  }
0x43d: {  	v60 =	vor.u32 v7, v16;
	v17 =	vshrl.u32 v17, $0x8  }
0x43e: {  	v17 =	vxor.u32 v15, v17  }
0x43f: {  	vm13 =	veq.s32 v17, $0x800000  }
0x440: {  	v17 =	vnsel vm13, $0x0, v19  }
0x441: {  	[tilespmem:v20+s9+$0x0] =	vst.idx.add.s32.msk $0xffff, v17  }
0x442: {  	v17 =	vld.idx.msk [tilespmem:v60+s10+$0x0], $0xffff  }
0x443: {  	v61 =	vor.u32 v7, v18;
	_ =	sdelay $0x3  }
0x444: {  	v62 =	vshll.u32 v17, $0x8  }
0x445: {  	v19 =	vld.idx.msk [tilespmem:v61+s8+$0x0], $0xffff;
	v20 =	vand.u32 $0xFF00, v62  }
0x446: {  	v20 =	vor.u32 v0, v20  }
0x447: {  	v16 =	vor.u32 v8, v16;
	v17 =	vshrl.u32 v17, $0x8  }
0x448: {  	v17 =	vxor.u32 v15, v17  }
0x449: {  	vm14 =	veq.s32 v17, $0x800000  }
0x44a: {  	v17 =	vnsel vm14, $0x0, v19  }
0x44b: {  	[tilespmem:v20+s9+$0x0] =	vst.idx.add.s32.msk $0xffff, v17  }
0x44c: {  	v16 =	vld.idx.msk [tilespmem:v16+s10+$0x0], $0xffff  }
0x44d: {  	v17 =	vor.u32 v8, v18;
	_ =	sdelay $0x3  }
0x44e: {  	v63 =	vshll.u32 v16, $0x8  }
0x44f: {  	v17 =	vld.idx.msk [tilespmem:v17+s8+$0x0], $0xffff;
	v18 =	vand.u32 $0xFF00, v63  }
0x450: {  	p0 =	sne.s32 s0, $0x100;
	v18 =	vor.u32 v0, v18  }
.Ltmp45:
0x451: {  	v16 =	vshrl.u32 v16, $0x8;
	(pc) =	sbr.rel @p0 .LBB2_42-.Ltmp45, $4  }
0x452: {  	v16 =	vxor.u32 v15, v16  }
0x453: {  	vm15 =	veq.s32 v16, $0x800000  }
0x454: {  	v16 =	vnsel vm15, $0x0, v17  }
0x455: {  	s0 =	sadd.s32 $0x80, s0;
	[tilespmem:v18+s9+$0x0] =	vst.idx.add.s32.msk $0xffff, v16  }
.Ltmp46:
0x456: {  	_ = 	snop;
	(pc) =	sbr.rel .LBB2_43-.Ltmp46, $1  }
0x457: {  	_ =	sdelay $0x3  }
.LBB2_45:
0x458: {  	s0 =	simm.s32 $0xFF0  }
0x459: {  	v16 =	vmov s0  }
0x45a: {  	v16 =	vshll.u32 v16, $0x4  }
0x45b: {  	v16 =	vor.u32 v11, v16  }
0x45c: {  	v17 =	vor.u32 $0x1, v16  }
0x45d: {  	v18 =	vor.u32 $0x2, v16  }
0x45e: {  	v19 =	vor.u32 $0x3, v16  }
0x45f: {  	v20 =	vor.u32 $0x4, v16  }
0x460: {  	v22 =	vor.u32 $0x5, v16;
	v21 =	vld.idx.msk [tilespmem:v16+s9+$0x0], $0xffff  }
0x461: {  	v23 =	vor.u32 $0x6, v16;
	v17 =	vld.idx.msk [tilespmem:v17+s9+$0x0], $0xffff  }
0x462: {  	v24 =	vor.u32 $0x7, v16;
	v18 =	vld.idx.msk [tilespmem:v18+s9+$0x0], $0xffff  }
0x463: {  	v26 =	vor.u32 $0x9, v16;
	v19 =	vld.idx.msk [tilespmem:v19+s9+$0x0], $0xffff  }
0x464: {  	v25 =	vor.u32 $0x8, v16;
	v20 =	vld.idx.msk [tilespmem:v20+s9+$0x0], $0xffff  }
0x465: {  	v27 =	vor.u32 $0xA, v16;
	v22 =	vld.idx.msk [tilespmem:v22+s9+$0x0], $0xffff  }
0x466: {  	v29 =	vor.u32 $0xC, v16;
	v23 =	vld.idx.msk [tilespmem:v23+s9+$0x0], $0xffff  }
0x467: {  	v28 =	vor.u32 $0xB, v16;
	v24 =	vld.idx.msk [tilespmem:v24+s9+$0x0], $0xffff  }
0x468: {  	s21 =	simm.s32 $0xFE0;
	v30 =	vor.u32 $0xE, v16;
	v26 =	vld.idx.msk [tilespmem:v26+s9+$0x0], $0xffff;
	v17 =	vadd.s32 v21, v17  }
0x469: {  	v21 =	vld.idx.msk [tilespmem:v25+s9+$0x0], $0xffff;
	v25 =	vor.u32 $0xD, v16;
	v17 =	vadd.s32 v18, v17;
	v18 =	vmov s21  }
0x46a: {  	v16 =	vor.u32 $0xF, v16;
	v17 =	vadd.s32 v19, v17;
	v18 =	vshll.u32 v18, $0x4;
	v19 =	vld.idx.msk [tilespmem:v27+s9+$0x0], $0xffff  }
0x46b: {  	v27 =	vld.idx.msk [tilespmem:v29+s9+$0x0], $0xffff;
	v17 =	vadd.s32 v20, v17;
	v18 =	vor.u32 v11, v18  }
0x46c: {  	v20 =	vld.idx.msk [tilespmem:v28+s9+$0x0], $0xffff;
	v17 =	vadd.s32 v22, v17;
	v22 =	vor.u32 $0x1, v18  }
0x46d: {  	v28 =	vld.idx.msk [tilespmem:v30+s9+$0x0], $0xffff;
	v17 =	vadd.s32 v23, v17;
	v23 =	vor.u32 $0x2, v18  }
0x46e: {  	v25 =	vld.idx.msk [tilespmem:v25+s9+$0x0], $0xffff;
	v17 =	vadd.s32 v24, v17;
	v24 =	vor.u32 $0x3, v18  }
0x46f: {  	v16 =	vld.idx.msk [tilespmem:v16+s9+$0x0], $0xffff;
	v17 =	vadd.s32 v21, v17;
	v21 =	vor.u32 $0x4, v18  }
0x470: {  	v29 =	vor.u32 $0x5, v18;
	v17 =	vadd.s32 v26, v17;
	v26 =	vld.idx.msk [tilespmem:v18+s9+$0x0], $0xffff  }
0x471: {  	v17 =	vadd.s32 v19, v17;
	v19 =	vld.idx.msk [tilespmem:v22+s9+$0x0], $0xffff;
	v22 =	vor.u32 $0x6, v18  }
0x472: {  	v17 =	vadd.s32 v20, v17;
	v20 =	vld.idx.msk [tilespmem:v23+s9+$0x0], $0xffff;
	v23 =	vor.u32 $0x7, v18  }
0x473: {  	v30 =	vor.u32 $0x8, v18;
	v17 =	vadd.s32 v27, v17;
	v24 =	vld.idx.msk [tilespmem:v24+s9+$0x0], $0xffff  }
0x474: {  	v17 =	vadd.s32 v25, v17;
	v21 =	vld.idx.msk [tilespmem:v21+s9+$0x0], $0xffff;
	v25 =	vor.u32 $0x9, v18  }
0x475: {  	v27 =	vld.idx.msk [tilespmem:v29+s9+$0x0], $0xffff;
	v17 =	vadd.s32 v28, v17;
	v28 =	vor.u32 $0xA, v18  }
0x476: {  	v16 =	vadd.s32 v16, v17;
	v17 =	vld.idx.msk [tilespmem:v22+s9+$0x0], $0xffff;
	v22 =	vor.u32 $0xB, v18;
	v19 =	vadd.s32 v26, v19  }
0x477: {  	v26 =	vor.u32 $0xC, v18;
	v29 =	vperm.xlane v16, v12;
	v23 =	vld.idx.msk [tilespmem:v23+s9+$0x0], $0xffff;
	v19 =	vadd.s32 v20, v19  }
0x478: {  	s20 =	simm.s32 $0xFD0;
	v20 =	vld.idx.msk [tilespmem:v30+s9+$0x0], $0xffff;
	v30 =	vor.u32 $0xD, v18;
	v19 =	vadd.s32 v24, v19  }
0x479: {  	(xrf0) =	vadd.scan.msk.s32 $0xffff, v29;
	v29 =	vmov s20;
	v24 =	vld.idx.msk [tilespmem:v25+s9+$0x0], $0xffff;
	v25 =	vor.u32 $0xE, v18;
	v19 =	vadd.s32 v21, v19  }
0x47a: {  	v18 =	vor.u32 $0xF, v18;
	(xrf0) =	vadd.scan.msk.s32 $0xffff, v16;
	v29 =	vshll.u32 v29, $0x4;
	v21 =	vld.idx.msk [tilespmem:v28+s9+$0x0], $0xffff;
	v19 =	vadd.s32 v27, v19  }
0x47b: {  	v28 =	vor.u32 v11, v29;
	v22 =	vld.idx.msk [tilespmem:v22+s9+$0x0], $0xffff;
	v17 =	vadd.s32 v17, v19  }
0x47c: {  	v19 =	vld.idx.msk [tilespmem:v26+s9+$0x0], $0xffff;
	v27 =	vor.u32 $0x1, v28;
	v17 =	vadd.s32 v23, v17  }
0x47d: {  	v26 =	vor.u32 $0x2, v28;
	v23 =	vld.idx.msk [tilespmem:v30+s9+$0x0], $0xffff;
	v17 =	vadd.s32 v20, v17  }
0x47e: {  	v15 =	vmov s24;
	v29 =	vor.u32 $0x3, v28;
	v20 =	vld.idx.msk [tilespmem:v25+s9+$0x0], $0xffff;
	v17 =	vadd.s32 v24, v17  }
0x47f: {  	v31 =	vor.u32 $0x4, v28;
	v33 =	vor.u32 $0x5, v28;
	v18 =	vld.idx.msk [tilespmem:v18+s9+$0x0], $0xffff;
	v30, _, _ =	vpop (xrf0);
	v17 =	vadd.s32 v21, v17  }
0x480: {  	v25 =	vadd.s32 s0, v14;
	v24 =	vperm.xlane v30, v12;
	v30, _, _ =	vpop (xrf0);
	v32 =	vld.idx.msk [tilespmem:v28+s9+$0x0], $0xffff;
	v17 =	vadd.s32 v22, v17  }
0x481: {  	s19 =	simm.s32 $0x0;
	(v2sf) =	vpush v30, $0xF;
	v21 =	vld.idx.msk [tilespmem:v27+s9+$0x0], $0xffff;
	v27 =	vor.u32 $0x6, v28;
	v17 =	vadd.s32 v19, v17  }
0x482: {  	v19 =	vor.u32 $0x8, v28;
	v22 =	vadd.s32 s19, v24;
	v24 =	vld.idx.msk [tilespmem:v26+s9+$0x0], $0xffff;
	v26 =	vor.u32 $0x7, v28  }
0x483: {  	v29 =	vld.idx.msk [tilespmem:v29+s9+$0x0], $0xffff;
	v17 =	vadd.s32 v23, v17;
	v16 =	vsub.s32 v22, v16;
	vm0 =	vge.s32 v22, v15  }
0x484: {  	v22 =	vor.u32 $0x9, v28;
	v17 =	vadd.s32 v20, v17;
	vm1 =	vlt.s32 v16, v15;
	v16 =	vld.idx.msk [tilespmem:v31+s9+$0x0], $0xffff  }
0x485: {  	v23 =	vor.u32 $0xA, v28;
	v20 =	vld.idx.msk [tilespmem:v33+s9+$0x0], $0xffff;
	v17 =	vadd.s32 v18, v17;
	vm0 =	vmand vm0, vm1  }
0x486: {  	v18 =	vnsel vm0, $0x0, v25;
	v25 =	vld.idx.msk [tilespmem:v27+s9+$0x0], $0xffff;
	v27 =	vor.u32 $0xB, v28;
	v21 =	vadd.s32 v32, v21  }
0x487: {  	v31 =	vor.u32 $0xC, v28;
	v26 =	vld.idx.msk [tilespmem:v26+s9+$0x0], $0xffff;
	(xrf0) =	vadd.scan.msk.s32 $0xffff, v18;
	v18 =	vadd.s32 v24, v21  }
0x488: {  	v30 =	vperm.xlane v17, v12;
	v19 =	vld.idx.msk [tilespmem:v19+s9+$0x0], $0xffff;
	v21 =	vor.u32 $0xD, v28;
	v18 =	vadd.s32 v29, v18  }
0x489: {  	v22 =	vld.idx.msk [tilespmem:v22+s9+$0x0], $0xffff;
	v18 =	vadd.s32 v16, v18  }
0x48a: {  	v23 =	vld.idx.msk [tilespmem:v23+s9+$0x0], $0xffff;
	(xrf0) =	vadd.scan.msk.s32 $0xffff, v30;
	v18 =	vadd.s32 v20, v18  }
0x48b: {  	v29 =	vor.u32 $0xE, v28;
	v20 =	vld.idx.msk [tilespmem:v27+s9+$0x0], $0xffff;
	v18 =	vadd.s32 v25, v18  }
0x48c: {  	v25 =	vld.idx.msk [tilespmem:v31+s9+$0x0], $0xffff;
	v18 =	vadd.s32 v26, v18  }
0x48d: {  	v21 =	vld.idx.msk [tilespmem:v21+s9+$0x0], $0xffff;
	v18 =	vadd.s32 v19, v18  }
0x48e: {  	s19 =	simm.s32 $0xFC0;
	v18 =	vadd.s32 v22, v18  }
0x48f: {  	v24 =	vmov s19;
	v26, _, _ =	vpop (xrf0);
	(xrf0) =	vadd.scan.msk.s32 $0xffff, v17;
	v18 =	vadd.s32 v23, v18  }
0x490: {  	v24 =	vshll.u32 v24, $0x4;
	v28 =	vor.u32 $0xF, v28;
	v29 =	vld.idx.msk [tilespmem:v29+s9+$0x0], $0xffff;
	v19, _, _ =	vpop (xrf0);
	v18 =	vadd.s32 v20, v18  }
0x491: {  	v16 =	vor.u32 v11, v24;
	v19 =	vperm.xlane v19, v12;
	s31 =	spop (v2sf);
	v18 =	vadd.s32 v25, v18  }
0x492: {  	v24 =	vor.u32 $0x1, v16;
	s23 =	sadd.s32 $0x0, s31;
	v18 =	vadd.s32 v21, v18  }
0x493: {  	v30 =	vor.u32 $0x3, v16;
	(v2sf) =	vpush v26, $0xF;
	v19 =	vadd.s32 s23, v19  }
0x494: {  	v27 =	vor.u32 $0x2, v16;
	v17 =	vsub.s32 v19, v17  }
0x495: {  	v62 =	vor.u32 $0x5, v16;
	v22 =	vld.idx.msk [tilespmem:v28+s9+$0x0], $0xffff;
	vm15 =	vlt.s32 v17, v15;
	v17 =	vadd.s32 v29, v18;
	v18, _, _ =	vpop (xrf0)  }
0x496: {  	v61 =	vor.u32 $0x4, v16;
	v28 =	vld.idx.msk [tilespmem:v16+s9+$0x0], $0xffff;
	(v2sf) =	vpush v18, $0xF  }
0x497: {  	v24 =	vld.idx.msk [tilespmem:v24+s9+$0x0], $0xffff;
	v23 =	vor.u32 $0x6, v16  }
0x498: {  	v35 =	vor.u32 $0x7, v16;
	v30 =	vld.idx.msk [tilespmem:v30+s9+$0x0], $0xffff  }
0x499: {  	v34 =	vor.u32 $0x8, v16;
	v20 =	vld.idx.msk [tilespmem:v27+s9+$0x0], $0xffff;
	vm14 =	vge.s32 v19, v15  }
0x49a: {  	v63 =	vor.u32 $0x9, v16;
	v31 =	vadd.s32 s21, v14;
	v21 =	vld.idx.msk [tilespmem:v62+s9+$0x0], $0xffff;
	vm0 =	vmand vm14, vm15  }
0x49b: {  	v27 =	vor.u32 $0xA, v16;
	v19 =	vld.idx.msk [tilespmem:v61+s9+$0x0], $0xffff;
	v17 =	vadd.s32 v22, v17;
	v18 =	vnsel vm0, $0x0, v31  }
0x49c: {  	v26 =	vor.u32 $0xB, v16;
	v23 =	vld.idx.msk [tilespmem:v23+s9+$0x0], $0xffff;
	v29 =	vperm.xlane v17, v12;
	(xrf0) =	vadd.scan.msk.s32 $0xffff, v18  }
0x49d: {  	v22 =	vld.idx.msk [tilespmem:v35+s9+$0x0], $0xffff;
	v18 =	vadd.s32 v28, v24;
	v28 =	vor.u32 $0xC, v16  }
0x49e: {  	s21 =	simm.s32 $0xFB0;
	v25 =	vor.u32 $0xD, v16;
	v20 =	vadd.s32 v20, v18;
	v18 =	vld.idx.msk [tilespmem:v34+s9+$0x0], $0xffff;
	(xrf0) =	vadd.scan.msk.s32 $0xffff, v29  }
0x49f: {  	s18 =	simm.s32 $0xFFFFFFFF;
	s0 =	simm.s32 $0xFA0;
	v24 =	vor.u32 $0xE, v16;
	v29 =	vmov s21;
	v30 =	vadd.s32 v30, v20;
	v20 =	vld.idx.msk [tilespmem:v63+s9+$0x0], $0xffff;
	(xrf0) =	vadd.scan.msk.s32 $0xffff, v17  }
.LBB2_46:
0x4a0: {  	p0 =	sne.s32 s0, $0x0;
	v31 =	vshll.u32 v29, $0x4;
	v19 =	vadd.s32 v19, v30;
	v27 =	vld.idx.msk [tilespmem:v27+s9+$0x0], $0xffff;
	v30 =	vor.u32 $0xF, v16  }
0x4a1: {  	v16 =	vor.u32 v11, v31;
	v19 =	vadd.s32 v21, v19;
	v21 =	vld.idx.msk [tilespmem:v26+s9+$0x0], $0xffff  }
0x4a2: {  	v26 =	vor.u32 $0x1, v16;
	v33 =	vadd.s32 v23, v19;
	v23 =	vld.idx.msk [tilespmem:v28+s9+$0x0], $0xffff;
	v28 =	vadd.s32 s20, v14;
	v29, _, _ =	vpop (xrf0);
	s5 =	spop (v2sf);
	s20 =	smov.u32 s19;
	s19 =	smov.u32 s21  }
0x4a3: {  	v31 =	vor.u32 $0x2, v16;
	s21 =	smov.u32 s0;
	v32 =	vadd.s32 v22, v33;
	v22 =	vld.idx.msk [tilespmem:v25+s9+$0x0], $0xffff;
	(v2sf) =	vpush v29, $0xF;
	s18 =	sadd.s32 s18, s5  }
0x4a4: {  	v25 =	vor.u32 $0x3, v16;
	v29 =	vor.u32 $0x8, v16;
	v18 =	vadd.s32 v18, v32;
	v24 =	vld.idx.msk [tilespmem:v24+s9+$0x0], $0xffff;
	v19, _, _ =	vpop (xrf0)  }
0x4a5: {  	v32 =	vor.u32 $0x4, v16;
	v18 =	vadd.s32 v20, v18;
	v20 =	vld.idx.msk [tilespmem:v30+s9+$0x0], $0xffff;
	v19 =	vperm.xlane v19, v12;
	v30, _, _ =	vpop (xrf0);
	s5 =	spop (v2sf)  }
0x4a6: {  	v34 =	vor.u32 $0x5, v16;
	v33 =	vld.idx.msk [tilespmem:v16+s9+$0x0], $0xffff;
	v18 =	vadd.s32 v27, v18;
	(v2sf) =	vpush v30, $0xF;
	s23 =	sadd.s32 s23, s5  }
0x4a7: {  	v30 =	vld.idx.msk [tilespmem:v26+s9+$0x0], $0xffff;
	v26 =	vor.u32 $0x6, v16;
	v18 =	vadd.s32 v21, v18;
	v19 =	vadd.s32 s23, v19  }
0x4a8: {  	v35 =	vor.u32 $0x7, v16;
	v31 =	vld.idx.msk [tilespmem:v31+s9+$0x0], $0xffff;
	v18 =	vadd.s32 v23, v18;
	v17 =	vsub.s32 v19, v17  }
0x4a9: {  	vm0 =	vge.s32 v19, v15;
	v36 =	vld.idx.msk [tilespmem:v25+s9+$0x0], $0xffff;
	v18 =	vadd.s32 v22, v18;
	vm1 =	vlt.s32 v17, v15  }
0x4aa: {  	v19 =	vld.idx.msk [tilespmem:v32+s9+$0x0], $0xffff;
	v32 =	vor.u32 $0x9, v16;
	v17 =	vadd.s32 v24, v18;
	vm0 =	vmand vm0, vm1  }
.Ltmp47:
0x4ab: {  	v27 =	vor.u32 $0xA, v16;
	v21 =	vld.idx.msk [tilespmem:v34+s9+$0x0], $0xffff;
	v17 =	vadd.s32 v20, v17;
	v18 =	vnsel vm0, $0x0, v28;
	(pc) =	sbr.rel @p0 .LBB2_46-.Ltmp47, $4  }
0x4ac: {  	v23 =	vld.idx.msk [tilespmem:v26+s9+$0x0], $0xffff;
	v26 =	vor.u32 $0xB, v16;
	v20 =	vperm.xlane v17, v12;
	(xrf0) =	vadd.scan.msk.s32 $0xffff, v18  }
0x4ad: {  	v28 =	vor.u32 $0xC, v16;
	v18 =	vadd.s32 v33, v30;
	v22 =	vld.idx.msk [tilespmem:v35+s9+$0x0], $0xffff  }
0x4ae: {  	v25 =	vor.u32 $0xD, v16;
	v24 =	vadd.s32 v31, v18;
	v18 =	vld.idx.msk [tilespmem:v29+s9+$0x0], $0xffff;
	(xrf0) =	vadd.scan.msk.s32 $0xffff, v20  }
0x4af: {  	s0 =	sadd.s32 $0xFFFFFFF0, s0;
	v29 =	vmov s21;
	v30 =	vadd.s32 v36, v24;
	v24 =	vor.u32 $0xE, v16;
	v20 =	vld.idx.msk [tilespmem:v32+s9+$0x0], $0xffff;
	(xrf0) =	vadd.scan.msk.s32 $0xffff, v17  }
.Ltmp48:
0x4b0: {  	_ = 	snop;
	(pc) =	sbr.rel .LBB2_47-.Ltmp48, $1  }
0x4b1: {  	_ =	sdelay $0x3  }
.LBB2_50:
0x4b2: {  	_ =	sfence.sel $0x180000  }
0x4b3: {  	[bflag:$0x0] =	sbarrier.arrive $0xFFFF  }
0x4b4: {  	_ =	strace $0x90000047  }
0x4b5: {  	s0 =	stileid.u32;
	[bflag:$0x2] =	sbarrier.arrive $0xFFFF  }
0x4b6: {  	p0 =	sne.s32 s0, $0x0;
	s0 =	rddreg [dreg:$0x2]  }
0x4b7: {  	s0 =	sadd.s32 @!p0 $0x100000, s0  }
0x4b8: {  	[sflag:s0] =	ssyncadd.tile.s32 @!p0 $0x1;
	_ =	shalt  }
.Lfunc_end2:
_tile_overlayer_lowered:
.L_overlay_start_2:
0x4b9: {  	(tag) =	ssettag $0x2  }
0x4ba: {  	s0 =	rddreg [dreg:$0x0];
	s2 =	stileid.u32  }
0x4bb: {  	s1 =	rddreg [dreg:$0x1];
	p0 =	sne.s32 s2, $0x0  }
0x4bc: {  	s3 =	rddreg [dreg:$0x2];
	[bflag:$0x3] =	sbarrier.arrive $0xFFFF;
	s2 =	simm.s32 @!p0 $0x1C03  }
0x4bd: {  	[timem:s3], [sflag:s2] =	dma.local @!p0 [hbm:s0], s1  }
0x4be: {  	s0 =	simm.s32 @!p0 $0x3  }
0x4bf: {  	_ =	swait.ge @!p0 [sflag:s0], s1  }
0x4c0: {  	s1 =	ssub.s32 @!p0 $0x0, s1;
	[sflag:s0] =	ssyncset.done @!p0 $0x0  }
0x4c1: {  	[sflag:s0] =	ssyncadd.s32 @!p0 s1  }
0x4c2: {  	[bflag:$0x3] =	sbarrier.arrive $0xFFFF  }
0x4c3: {  	_ =	shalt  }

</sc_bundles>
